<compile_context>
chip_gen: v7x
topology: tpu7x:2x2x1
jax: 0.10.2.dev20260603
libtpu: 0.0.44.dev20260713+nightly
codegen_flags: <defaults>
</compile_context>

<pallas_src>
import functools

import jax
import jax.numpy as jnp
from jax import lax
from jax.experimental import pallas as pl
from jax.experimental.pallas import tpu as pltpu
from jax.experimental.pallas import tpu_sc as plsc

_EMB_DIM = 64
_LANES = 16
_CHUNK = 256
_B_POS = 16384
_B_NEG = 81920


def _row_dots(u_rows, v_rows, scores, s_base):
    lanes = lax.iota(jnp.int32, _LANES)
    masks = [(lanes & d) == 0 for d in (8, 4, 2, 1)]
    perms = [lanes ^ d for d in (8, 4, 2, 1)]

    def combine(a, b, lvl):
        m = masks[lvl]
        pa = jnp.take(a, perms[lvl])
        pb = jnp.take(b, perms[lvl])
        return jnp.where(m, a, pb) + jnp.where(m, pa, b)

    def group_body(g, _):
        row0 = g * _LANES
        stack = []
        for r in range(_LANES):
            acc = jnp.zeros((_LANES,), jnp.float32)
            row = row0 + r
            for a in range(4):
                u = u_rows[row, pl.ds(a * 16, 16)]
                v = v_rows[row, pl.ds(a * 16, 16)]
                acc = acc + u * v
            node, lvl = acc, 0
            while stack and stack[-1][0] == lvl:
                _, prev = stack.pop()
                node = combine(prev, node, lvl)
                lvl += 1
            stack.append((lvl, node))
        scores[pl.ds(s_base + row0, _LANES)] = stack[0][1]
        return 0

    lax.fori_loop(0, _CHUNK // _LANES, group_body, 0)


def _make_sc_dots():
    info = plsc.get_sparse_core_info()
    nc, ns = info.num_cores, info.num_subcores
    nw = nc * ns
    pos_per_w = _B_POS // nw
    neg_per_w = _B_NEG // nw
    tot_per_w = pos_per_w + neg_per_w

    mesh = plsc.VectorSubcoreMesh(core_axis_name="c", subcore_axis_name="s")

    @functools.partial(
        pl.kernel,
        out_type=jax.ShapeDtypeStruct((nw, _LANES), jnp.float32),
        mesh=mesh,
        compiler_params=pltpu.CompilerParams(
            use_tc_tiling_on_sc=False, needs_layout_passes=False),
        scratch_types=[
            pltpu.VMEM((tot_per_w,), jnp.int32),
            pltpu.VMEM((tot_per_w,), jnp.int32),
            pltpu.VMEM((_CHUNK, _EMB_DIM), jnp.float32),
            pltpu.VMEM((_CHUNK, _EMB_DIM), jnp.float32),
            pltpu.VMEM((_CHUNK, _EMB_DIM), jnp.float32),
            pltpu.VMEM((_CHUNK, _EMB_DIM), jnp.float32),
            pltpu.VMEM((_CHUNK, _EMB_DIM), jnp.float32),
            pltpu.VMEM((_CHUNK, _EMB_DIM), jnp.float32),
            pltpu.VMEM((tot_per_w,), jnp.float32),
            pltpu.VMEM((_LANES,), jnp.int32),
            pltpu.SemaphoreType.DMA,
            pltpu.SemaphoreType.DMA,
            pltpu.SemaphoreType.DMA,
        ],
    )
    def sc_dots(pos_u_hbm, pos_v_hbm, neg_u_hbm, neg_v_hbm, ord_hbm,
                u_hbm, v_hbm, part_out,
                iu_all, iv_all, u0, v0, u1, v1, u2, v2, scores, ord_v,
                sem0, sem1, sem2):
        wid = lax.axis_index("s") * nc + lax.axis_index("c")

        pltpu.sync_copy(ord_hbm, ord_v)
        is1 = jnp.max(ord_v[...]) == 1

        pltpu.sync_copy(pos_u_hbm.at[pl.ds(wid * pos_per_w, pos_per_w)],
                        iu_all.at[pl.ds(0, pos_per_w)])
        pltpu.sync_copy(pos_v_hbm.at[pl.ds(wid * pos_per_w, pos_per_w)],
                        iv_all.at[pl.ds(0, pos_per_w)])
        pltpu.sync_copy(neg_u_hbm.at[pl.ds(wid * neg_per_w, neg_per_w)],
                        iu_all.at[pl.ds(pos_per_w, neg_per_w)])
        pltpu.sync_copy(neg_v_hbm.at[pl.ds(wid * neg_per_w, neg_per_w)],
                        iv_all.at[pl.ds(pos_per_w, neg_per_w)])

        n_pos = pos_per_w // _CHUNK
        n_tot = tot_per_w // _CHUNK

        def issue(c, u_buf, v_buf, sem):
            for h in range(2):
                off = c * _CHUNK + h * 128
                iu = iu_all.at[pl.ds(off, 128)]
                iv = iv_all.at[pl.ds(off, 128)]
                dst_u = u_buf.at[pl.ds(h * 128, 128)]
                dst_v = v_buf.at[pl.ds(h * 128, 128)]
                pltpu.async_copy(u_hbm.at[iu], dst_u, sem)
                from_u = jnp.logical_and(c < n_pos, is1)

                @pl.when(from_u)
                def _():
                    pltpu.async_copy(u_hbm.at[iv], dst_v, sem)

                @pl.when(jnp.logical_not(from_u))
                def _():
                    pltpu.async_copy(v_hbm.at[iv], dst_v, sem)

        def run(c, u_buf, v_buf, sem):
            iu = iu_all.at[pl.ds(0, 128)]
            for h in range(2):
                dst_u = u_buf.at[pl.ds(h * 128, 128)]
                dst_v = v_buf.at[pl.ds(h * 128, 128)]
                pltpu.make_async_copy(u_hbm.at[iu], dst_u, sem).wait()
                pltpu.make_async_copy(u_hbm.at[iu], dst_v, sem).wait()
            _row_dots(u_buf, v_buf, scores, c * _CHUNK)

        issue(0, u0, v0, sem0)
        issue(1, u1, v1, sem1)

        def ring_body(p, _):
            c0 = 3 * p
            issue(c0 + 2, u2, v2, sem2)
            run(c0, u0, v0, sem0)

            @pl.when(c0 + 3 < n_tot)
            def _():
                issue(c0 + 3, u0, v0, sem0)

            run(c0 + 1, u1, v1, sem1)

            @pl.when(c0 + 4 < n_tot)
            def _():
                issue(c0 + 4, u1, v1, sem1)

            run(c0 + 2, u2, v2, sem2)
            return 0

        lax.fori_loop(0, n_tot // 3, ring_body, 0)

        def logsig_sum(base, count, sign):
            def vec_body(i, acc):
                x = scores[pl.ds(base + i * _LANES, _LANES)] * sign
                w = 1.0 + jnp.exp(-jnp.abs(x))
                t = (w - 1.0) / (w + 1.0)
                t2 = t * t
                ln_w = 2.0 * t * (1.0 + t2 * (1.0 / 3.0 + t2 * (
                    1.0 / 5.0 + t2 * (1.0 / 7.0 + t2 * (1.0 / 9.0)))))
                return acc + (ln_w - jnp.minimum(x, 0.0))

            return lax.fori_loop(0, count // _LANES, vec_body,
                                 jnp.zeros((_LANES,), jnp.float32), unroll=4)

        part = logsig_sum(0, pos_per_w, 1.0) + logsig_sum(
            pos_per_w, neg_per_w, -1.0)
        scores[pl.ds(0, _LANES)] = part
        pltpu.sync_copy(scores.at[pl.ds(0, _LANES)], part_out.at[wid])

    return sc_dots


def kernel(pos_u, pos_v, neg_u, neg_v, order, U, V):
    ord_vec = jnp.full((_LANES,), order, dtype=jnp.int32)
    sc_dots = _make_sc_dots()
    partials = sc_dots(
        pos_u.astype(jnp.int32), pos_v.astype(jnp.int32),
        neg_u.astype(jnp.int32), neg_v.astype(jnp.int32),
        ord_vec, U, V)
    return jnp.sum(partials)

# --- scband reference (transcript-rebuilt; emitter-appended) ---
"""Pipeline reference for scband-net-model-66623532695834 (READ-ONLY COPY).

The authoritative reference and input builder live on the scoring server;
editing this copy changes nothing except your own understanding.
"""

import jax, jax.numpy as jnp
import numpy as np

EMB_SIZE = 100000
EMB_DIM = 64
B_POS = 16384
B_NEG = 81920

def setup_inputs(seed: int = 0) -> dict:
    key = jax.random.key(seed)
    k1, k2, k3, k4, k5, k6 = jax.random.split(key, 6)
    pos_u = jax.random.randint(k1, (B_POS,), 0, EMB_SIZE)
    pos_v = jax.random.randint(k2, (B_POS,), 0, EMB_SIZE)
    neg_u = jax.random.randint(k3, (B_NEG,), 0, EMB_SIZE)
    neg_v = jax.random.randint(k4, (B_NEG,), 0, EMB_SIZE)
    initrange = 0.5 / EMB_SIZE
    U = jax.random.uniform(k5, (EMB_SIZE, EMB_DIM), dtype=jnp.float32, minval=-initrange, maxval=initrange)
    V = jax.random.uniform(k6, (EMB_SIZE, EMB_DIM), dtype=jnp.float32, minval=-initrange, maxval=initrange)
    return {"pos_u": pos_u, "pos_v": pos_v, "neg_u": neg_u, "neg_v": neg_v, "order": 2, "U": U, "V": V}

def reference(pos_u, pos_v, neg_u, neg_v, order, U, V):
    emb_u = jnp.take(U, pos_u, axis=0)
    emb_v = jnp.where(order == 1,
                      jnp.take(U, pos_v, axis=0),
                      jnp.take(V, pos_v, axis=0))
    score = jnp.sum(emb_u * emb_v, axis=1)
    score = jax.nn.log_sigmoid(score)
    neg_emb_u = jnp.take(U, neg_u, axis=0)
    neg_emb_v = jnp.take(V, neg_v, axis=0)
    neg_score = jnp.sum(neg_emb_u * neg_emb_v, axis=1)
    neg_score = jax.nn.log_sigmoid(-1.0 * neg_score)
    return -1.0 * (jnp.sum(score) + jnp.sum(neg_score))

if __name__ == "__main__":
    import jax
    _d = setup_inputs()
    print(jax.jit(kernel)(*tuple(_d.values())))

</pallas_src>

<mosaic_0001>
#map = affine_map<(d0, d1) -> (0)>
#map1 = affine_map<(d0, d1) -> (0, 0)>
module attributes {stable_mosaic.version = 14 : i64} {
  func.func @sc_dots(%arg0: i32, %arg1: i32, %arg2: memref<16384xi32, #tpu.memory_space<hbm>>, %arg3: memref<16384xi32, #tpu.memory_space<hbm>>, %arg4: memref<81920xi32, #tpu.memory_space<hbm>>, %arg5: memref<81920xi32, #tpu.memory_space<hbm>>, %arg6: memref<16xi32, #tpu.memory_space<hbm>>, %arg7: memref<100000x64xf32, #tpu.memory_space<hbm>>, %arg8: memref<100000x64xf32, #tpu.memory_space<hbm>>, %arg9: memref<32x16xf32, #tpu.memory_space<hbm>>, %arg10: memref<3072xi32, #tpu.memory_space<vmem>>, %arg11: memref<3072xi32, #tpu.memory_space<vmem>>, %arg12: memref<256x64xf32, #tpu.memory_space<vmem>>, %arg13: memref<256x64xf32, #tpu.memory_space<vmem>>, %arg14: memref<256x64xf32, #tpu.memory_space<vmem>>, %arg15: memref<256x64xf32, #tpu.memory_space<vmem>>, %arg16: memref<256x64xf32, #tpu.memory_space<vmem>>, %arg17: memref<256x64xf32, #tpu.memory_space<vmem>>, %arg18: memref<3072xf32, #tpu.memory_space<vmem>>, %arg19: memref<16xi32, #tpu.memory_space<vmem>>, %arg20: memref<!tpu.dma_semaphore, #tpu.memory_space<semaphore_mem>>, %arg21: memref<!tpu.dma_semaphore, #tpu.memory_space<semaphore_mem>>, %arg22: memref<!tpu.dma_semaphore, #tpu.memory_space<semaphore_mem>>) attributes {dimension_semantics = [#tpu.dimension_semantics<core_parallel>, #tpu.dimension_semantics<subcore_parallel>], iteration_bounds = array<i64: 2, 16>, scalar_prefetch = 0 : i64, scratch_operands = 13 : i64, tpu.core_type = #tpu.core_type<sc_vector_subcore>, window_params = [{transform_indices = #map}, {transform_indices = #map}, {transform_indices = #map}, {transform_indices = #map}, {transform_indices = #map}, {transform_indices = #map1}, {transform_indices = #map1}, {transform_indices = #map1}]} {
    %mul3A = arith.constant 2 : i32
    %mul3A_0 = arith.muli %arg1, %mul3A : i32
    %add3A = arith.addi %mul3A_0, %arg0 : i32
    "tpu.region"() ({
      %run_scoped3A = tpu.sem_alloc : memref<!tpu.dma_semaphore, #tpu.memory_space<semaphore_mem>>
      tpu.enqueue_dma source(%arg6 : memref<16xi32, #tpu.memory_space<hbm>>) target(%arg19 : memref<16xi32, #tpu.memory_space<vmem>>) target_semaphore(%run_scoped3A : memref<!tpu.dma_semaphore, #tpu.memory_space<semaphore_mem>>)
      tpu.wait_dma2 semaphore(%run_scoped3A : memref<!tpu.dma_semaphore, #tpu.memory_space<semaphore_mem>>) src(%arg6 : memref<16xi32, #tpu.memory_space<hbm>>) dst(%arg19 : memref<16xi32, #tpu.memory_space<vmem>>)
      tpu.yield
    }) : () -> ()
    %get3A = arith.constant 0 : index
    %get3A_1 = tpu.vector_load %arg19[%get3A] {strides = array<i32>} : memref<16xi32, #tpu.memory_space<vmem>>, vector<16xi32>,
    %reduce_max3A = arith.constant true
    %reduce_max3A_2 = vector.broadcast %reduce_max3A : i1 to vector<16xi1>
    %reduce_max3A_3 = arith.constant -2147483648 : i32
    %reduce_max3A_4 = vector.broadcast %reduce_max3A_3 : i32 to vector<16xi32>
    %reduce_max3A_5 = arith.xori %get3A_1, %reduce_max3A_4 : vector<16xi32>
    %reduce_max3A_6 = tpu.scan <max>, %reduce_max3A_5 masked %reduce_max3A_2 : vector<16xi32>, vector<16xi1> -> vector<16xi32>
    %reduce_max3A_7 = arith.xori %reduce_max3A_6, %reduce_max3A_4 : vector<16xi32>
    %reduce_max3A_8 = vector.extract %reduce_max3A_7[15] : i32 from vector<16xi32>
    %eq3A = arith.constant 1 : i32
    %eq3A_9 = arith.cmpi eq, %reduce_max3A_8, %eq3A : i32
    %mul3A_10 = arith.constant 512 : i32
    %mul3A_11 = arith.muli %add3A, %mul3A_10 : i32
    "tpu.region"() ({
      %run_scoped3A = tpu.sem_alloc : memref<!tpu.dma_semaphore, #tpu.memory_space<semaphore_mem>>
      %dma_start3A_108 = arith.constant 0 : i32
      %dma_start3A_109 = tpu.memref_slice %arg10[%dma_start3A_108] : memref<3072xi32, #tpu.memory_space<vmem>> -> memref<512xi32, #tpu.memory_space<vmem>>
      %dma_start3A_110 = tpu.memref_slice %arg2[%mul3A_11] : memref<16384xi32, #tpu.memory_space<hbm>> -> memref<512xi32, #tpu.memory_space<hbm>>
      %dma_start3A_111 = arith.constant 0 : i32
      %dma_start3A_112 = tpu.memref_slice %arg10[%dma_start3A_111] : memref<3072xi32, #tpu.memory_space<vmem>> -> memref<512xi32, #tpu.memory_space<vmem>>
      %dma_start3A_113 = tpu.memref_slice %arg2[%mul3A_11] : memref<16384xi32, #tpu.memory_space<hbm>> -> memref<512xi32, #tpu.memory_space<hbm>>
      tpu.enqueue_dma source(%dma_start3A_113 : memref<512xi32, #tpu.memory_space<hbm>>) target(%dma_start3A_112 : memref<512xi32, #tpu.memory_space<vmem>>) target_semaphore(%run_scoped3A : memref<!tpu.dma_semaphore, #tpu.memory_space<semaphore_mem>>)
      %dma_wait3A = arith.constant 0 : i32
      %dma_wait3A_114 = tpu.memref_slice %arg10[%dma_wait3A] : memref<3072xi32, #tpu.memory_space<vmem>> -> memref<512xi32, #tpu.memory_space<vmem>>
      %dma_wait3A_115 = tpu.memref_slice %arg2[%mul3A_11] : memref<16384xi32, #tpu.memory_space<hbm>> -> memref<512xi32, #tpu.memory_space<hbm>>
      %dma_wait3A_116 = arith.constant 0 : i32
      %dma_wait3A_117 = tpu.memref_slice %arg10[%dma_wait3A_116] : memref<3072xi32, #tpu.memory_space<vmem>> -> memref<512xi32, #tpu.memory_space<vmem>>
      %dma_wait3A_118 = tpu.memref_slice %arg2[%mul3A_11] : memref<16384xi32, #tpu.memory_space<hbm>> -> memref<512xi32, #tpu.memory_space<hbm>>
      tpu.wait_dma2 semaphore(%run_scoped3A : memref<!tpu.dma_semaphore, #tpu.memory_space<semaphore_mem>>) src(%dma_wait3A_118 : memref<512xi32, #tpu.memory_space<hbm>>) dst(%dma_wait3A_117 : memref<512xi32, #tpu.memory_space<vmem>>)
      tpu.yield
    }) : () -> ()
    %mul3A_12 = arith.constant 512 : i32
    %mul3A_13 = arith.muli %add3A, %mul3A_12 : i32
    "tpu.region"() ({
      %run_scoped3A = tpu.sem_alloc : memref<!tpu.dma_semaphore, #tpu.memory_space<semaphore_mem>>
      %dma_start3A_108 = arith.constant 0 : i32
      %dma_start3A_109 = tpu.memref_slice %arg11[%dma_start3A_108] : memref<3072xi32, #tpu.memory_space<vmem>> -> memref<512xi32, #tpu.memory_space<vmem>>
      %dma_start3A_110 = tpu.memref_slice %arg3[%mul3A_13] : memref<16384xi32, #tpu.memory_space<hbm>> -> memref<512xi32, #tpu.memory_space<hbm>>
      %dma_start3A_111 = arith.constant 0 : i32
      %dma_start3A_112 = tpu.memref_slice %arg11[%dma_start3A_111] : memref<3072xi32, #tpu.memory_space<vmem>> -> memref<512xi32, #tpu.memory_space<vmem>>
      %dma_start3A_113 = tpu.memref_slice %arg3[%mul3A_13] : memref<16384xi32, #tpu.memory_space<hbm>> -> memref<512xi32, #tpu.memory_space<hbm>>
      tpu.enqueue_dma source(%dma_start3A_113 : memref<512xi32, #tpu.memory_space<hbm>>) target(%dma_start3A_112 : memref<512xi32, #tpu.memory_space<vmem>>) target_semaphore(%run_scoped3A : memref<!tpu.dma_semaphore, #tpu.memory_space<semaphore_mem>>)
      %dma_wait3A = arith.constant 0 : i32
      %dma_wait3A_114 = tpu.memref_slice %arg11[%dma_wait3A] : memref<3072xi32, #tpu.memory_space<vmem>> -> memref<512xi32, #tpu.memory_space<vmem>>
      %dma_wait3A_115 = tpu.memref_slice %arg3[%mul3A_13] : memref<16384xi32, #tpu.memory_space<hbm>> -> memref<512xi32, #tpu.memory_space<hbm>>
      %dma_wait3A_116 = arith.constant 0 : i32
      %dma_wait3A_117 = tpu.memref_slice %arg11[%dma_wait3A_116] : memref<3072xi32, #tpu.memory_space<vmem>> -> memref<512xi32, #tpu.memory_space<vmem>>
      %dma_wait3A_118 = tpu.memref_slice %arg3[%mul3A_13] : memref<16384xi32, #tpu.memory_space<hbm>> -> memref<512xi32, #tpu.memory_space<hbm>>
      tpu.wait_dma2 semaphore(%run_scoped3A : memref<!tpu.dma_semaphore, #tpu.memory_space<semaphore_mem>>) src(%dma_wait3A_118 : memref<512xi32, #tpu.memory_space<hbm>>) dst(%dma_wait3A_117 : memref<512xi32, #tpu.memory_space<vmem>>)
      tpu.yield
    }) : () -> ()
    %mul3A_14 = arith.constant 2560 : i32
    %mul3A_15 = arith.muli %add3A, %mul3A_14 : i32
    "tpu.region"() ({
      %run_scoped3A = tpu.sem_alloc : memref<!tpu.dma_semaphore, #tpu.memory_space<semaphore_mem>>
      %dma_start3A_108 = arith.constant 512 : i32
      %dma_start3A_109 = tpu.memref_slice %arg10[%dma_start3A_108] : memref<3072xi32, #tpu.memory_space<vmem>> -> memref<2560xi32, #tpu.memory_space<vmem>>
      %dma_start3A_110 = tpu.memref_slice %arg4[%mul3A_15] : memref<81920xi32, #tpu.memory_space<hbm>> -> memref<2560xi32, #tpu.memory_space<hbm>>
      %dma_start3A_111 = arith.constant 512 : i32
      %dma_start3A_112 = tpu.memref_slice %arg10[%dma_start3A_111] : memref<3072xi32, #tpu.memory_space<vmem>> -> memref<2560xi32, #tpu.memory_space<vmem>>
      %dma_start3A_113 = tpu.memref_slice %arg4[%mul3A_15] : memref<81920xi32, #tpu.memory_space<hbm>> -> memref<2560xi32, #tpu.memory_space<hbm>>
      tpu.enqueue_dma source(%dma_start3A_113 : memref<2560xi32, #tpu.memory_space<hbm>>) target(%dma_start3A_112 : memref<2560xi32, #tpu.memory_space<vmem>>) target_semaphore(%run_scoped3A : memref<!tpu.dma_semaphore, #tpu.memory_space<semaphore_mem>>)
      %dma_wait3A = arith.constant 512 : i32
      %dma_wait3A_114 = tpu.memref_slice %arg10[%dma_wait3A] : memref<3072xi32, #tpu.memory_space<vmem>> -> memref<2560xi32, #tpu.memory_space<vmem>>
      %dma_wait3A_115 = tpu.memref_slice %arg4[%mul3A_15] : memref<81920xi32, #tpu.memory_space<hbm>> -> memref<2560xi32, #tpu.memory_space<hbm>>
      %dma_wait3A_116 = arith.constant 512 : i32
      %dma_wait3A_117 = tpu.memref_slice %arg10[%dma_wait3A_116] : memref<3072xi32, #tpu.memory_space<vmem>> -> memref<2560xi32, #tpu.memory_space<vmem>>
      %dma_wait3A_118 = tpu.memref_slice %arg4[%mul3A_15] : memref<81920xi32, #tpu.memory_space<hbm>> -> memref<2560xi32, #tpu.memory_space<hbm>>
      tpu.wait_dma2 semaphore(%run_scoped3A : memref<!tpu.dma_semaphore, #tpu.memory_space<semaphore_mem>>) src(%dma_wait3A_118 : memref<2560xi32, #tpu.memory_space<hbm>>) dst(%dma_wait3A_117 : memref<2560xi32, #tpu.memory_space<vmem>>)
      tpu.yield
    }) : () -> ()
    %mul3A_16 = arith.constant 2560 : i32
    %mul3A_17 = arith.muli %add3A, %mul3A_16 : i32
    "tpu.region"() ({
      %run_scoped3A = tpu.sem_alloc : memref<!tpu.dma_semaphore, #tpu.memory_space<semaphore_mem>>
      %dma_start3A_108 = arith.constant 512 : i32
      %dma_start3A_109 = tpu.memref_slice %arg11[%dma_start3A_108] : memref<3072xi32, #tpu.memory_space<vmem>> -> memref<2560xi32, #tpu.memory_space<vmem>>
      %dma_start3A_110 = tpu.memref_slice %arg5[%mul3A_17] : memref<81920xi32, #tpu.memory_space<hbm>> -> memref<2560xi32, #tpu.memory_space<hbm>>
      %dma_start3A_111 = arith.constant 512 : i32
      %dma_start3A_112 = tpu.memref_slice %arg11[%dma_start3A_111] : memref<3072xi32, #tpu.memory_space<vmem>> -> memref<2560xi32, #tpu.memory_space<vmem>>
      %dma_start3A_113 = tpu.memref_slice %arg5[%mul3A_17] : memref<81920xi32, #tpu.memory_space<hbm>> -> memref<2560xi32, #tpu.memory_space<hbm>>
      tpu.enqueue_dma source(%dma_start3A_113 : memref<2560xi32, #tpu.memory_space<hbm>>) target(%dma_start3A_112 : memref<2560xi32, #tpu.memory_space<vmem>>) target_semaphore(%run_scoped3A : memref<!tpu.dma_semaphore, #tpu.memory_space<semaphore_mem>>)
      %dma_wait3A = arith.constant 512 : i32
      %dma_wait3A_114 = tpu.memref_slice %arg11[%dma_wait3A] : memref<3072xi32, #tpu.memory_space<vmem>> -> memref<2560xi32, #tpu.memory_space<vmem>>
      %dma_wait3A_115 = tpu.memref_slice %arg5[%mul3A_17] : memref<81920xi32, #tpu.memory_space<hbm>> -> memref<2560xi32, #tpu.memory_space<hbm>>
      %dma_wait3A_116 = arith.constant 512 : i32
      %dma_wait3A_117 = tpu.memref_slice %arg11[%dma_wait3A_116] : memref<3072xi32, #tpu.memory_space<vmem>> -> memref<2560xi32, #tpu.memory_space<vmem>>
      %dma_wait3A_118 = tpu.memref_slice %arg5[%mul3A_17] : memref<81920xi32, #tpu.memory_space<hbm>> -> memref<2560xi32, #tpu.memory_space<hbm>>
      tpu.wait_dma2 semaphore(%run_scoped3A : memref<!tpu.dma_semaphore, #tpu.memory_space<semaphore_mem>>) src(%dma_wait3A_118 : memref<2560xi32, #tpu.memory_space<hbm>>) dst(%dma_wait3A_117 : memref<2560xi32, #tpu.memory_space<vmem>>)
      tpu.yield
    }) : () -> ()
    %dma_start3A = arith.constant 0 : i32
    %dma_start3A_18 = arith.constant 0 : i32
    %dma_start3A_19 = tpu.memref_slice %arg12[%dma_start3A, %dma_start3A_18] : memref<256x64xf32, #tpu.memory_space<vmem>> -> memref<128x64xf32, #tpu.memory_space<vmem>>
    %dma_start3A_20 = arith.constant 0 : i32
    %dma_start3A_21 = tpu.memref_slice %arg10[%dma_start3A_20] : memref<3072xi32, #tpu.memory_space<vmem>> -> memref<128xi32, #tpu.memory_space<vmem>>
    %dma_start3A_22 = arith.constant 0 : i32
    %dma_start3A_23 = arith.constant 0 : i32
    %dma_start3A_24 = tpu.memref_slice %arg7[%dma_start3A_22, %dma_start3A_23] : memref<100000x64xf32, #tpu.memory_space<hbm>> -> memref<100000x64xf32, #tpu.memory_space<hbm>>
    tpu.enqueue_indirect_dma source(%dma_start3A_24 : memref<100000x64xf32, #tpu.memory_space<hbm>>) target(%dma_start3A_19 : memref<128x64xf32, #tpu.memory_space<vmem>>) offsets(%dma_start3A_21 : memref<128xi32, #tpu.memory_space<vmem>>) semaphore(%arg20 : memref<!tpu.dma_semaphore, #tpu.memory_space<semaphore_mem>>)
    %and3A = arith.constant true
    %and3A_25 = arith.andi %and3A, %eq3A_9 : i1
    %convert_element_type3A = arith.extui %and3A_25 : i1 to i32
    %cond3A = arith.constant 0 : i32
    %cond3A_26 = arith.cmpi ne, %convert_element_type3A, %cond3A : i32
    scf.if %cond3A_26 {
      %dma_start3A_108 = arith.constant 0 : i32
      %dma_start3A_109 = arith.constant 0 : i32
      %dma_start3A_110 = tpu.memref_slice %arg13[%dma_start3A_108, %dma_start3A_109] : memref<256x64xf32, #tpu.memory_space<vmem>> -> memref<128x64xf32, #tpu.memory_space<vmem>>
      %dma_start3A_111 = arith.constant 0 : i32
      %dma_start3A_112 = tpu.memref_slice %arg11[%dma_start3A_111] : memref<3072xi32, #tpu.memory_space<vmem>> -> memref<128xi32, #tpu.memory_space<vmem>>
      %dma_start3A_113 = arith.constant 0 : i32
      %dma_start3A_114 = arith.constant 0 : i32
      %dma_start3A_115 = tpu.memref_slice %arg7[%dma_start3A_113, %dma_start3A_114] : memref<100000x64xf32, #tpu.memory_space<hbm>> -> memref<100000x64xf32, #tpu.memory_space<hbm>>
      tpu.enqueue_indirect_dma source(%dma_start3A_115 : memref<100000x64xf32, #tpu.memory_space<hbm>>) target(%dma_start3A_110 : memref<128x64xf32, #tpu.memory_space<vmem>>) offsets(%dma_start3A_112 : memref<128xi32, #tpu.memory_space<vmem>>) semaphore(%arg20 : memref<!tpu.dma_semaphore, #tpu.memory_space<semaphore_mem>>)
    } else {
    }
    %not3A = arith.constant true
    %not3A_27 = arith.xori %and3A_25, %not3A : i1
    %convert_element_type3A_28 = arith.extui %not3A_27 : i1 to i32
    %cond3A_29 = arith.constant 0 : i32
    %cond3A_30 = arith.cmpi ne, %convert_element_type3A_28, %cond3A_29 : i32
    scf.if %cond3A_30 {
      %dma_start3A_108 = arith.constant 0 : i32
      %dma_start3A_109 = arith.constant 0 : i32
      %dma_start3A_110 = tpu.memref_slice %arg13[%dma_start3A_108, %dma_start3A_109] : memref<256x64xf32, #tpu.memory_space<vmem>> -> memref<128x64xf32, #tpu.memory_space<vmem>>
      %dma_start3A_111 = arith.constant 0 : i32
      %dma_start3A_112 = tpu.memref_slice %arg11[%dma_start3A_111] : memref<3072xi32, #tpu.memory_space<vmem>> -> memref<128xi32, #tpu.memory_space<vmem>>
      %dma_start3A_113 = arith.constant 0 : i32
      %dma_start3A_114 = arith.constant 0 : i32
      %dma_start3A_115 = tpu.memref_slice %arg8[%dma_start3A_113, %dma_start3A_114] : memref<100000x64xf32, #tpu.memory_space<hbm>> -> memref<100000x64xf32, #tpu.memory_space<hbm>>
      tpu.enqueue_indirect_dma source(%dma_start3A_115 : memref<100000x64xf32, #tpu.memory_space<hbm>>) target(%dma_start3A_110 : memref<128x64xf32, #tpu.memory_space<vmem>>) offsets(%dma_start3A_112 : memref<128xi32, #tpu.memory_space<vmem>>) semaphore(%arg20 : memref<!tpu.dma_semaphore, #tpu.memory_space<semaphore_mem>>)
    } else {
    }
    %dma_start3A_31 = arith.constant 128 : i32
    %dma_start3A_32 = arith.constant 0 : i32
    %dma_start3A_33 = tpu.memref_slice %arg12[%dma_start3A_31, %dma_start3A_32] : memref<256x64xf32, #tpu.memory_space<vmem>> -> memref<128x64xf32, #tpu.memory_space<vmem>>
    %dma_start3A_34 = arith.constant 128 : i32
    %dma_start3A_35 = tpu.memref_slice %arg10[%dma_start3A_34] : memref<3072xi32, #tpu.memory_space<vmem>> -> memref<128xi32, #tpu.memory_space<vmem>>
    %dma_start3A_36 = arith.constant 0 : i32
    %dma_start3A_37 = arith.constant 0 : i32
    %dma_start3A_38 = tpu.memref_slice %arg7[%dma_start3A_36, %dma_start3A_37] : memref<100000x64xf32, #tpu.memory_space<hbm>> -> memref<100000x64xf32, #tpu.memory_space<hbm>>
    tpu.enqueue_indirect_dma source(%dma_start3A_38 : memref<100000x64xf32, #tpu.memory_space<hbm>>) target(%dma_start3A_33 : memref<128x64xf32, #tpu.memory_space<vmem>>) offsets(%dma_start3A_35 : memref<128xi32, #tpu.memory_space<vmem>>) semaphore(%arg20 : memref<!tpu.dma_semaphore, #tpu.memory_space<semaphore_mem>>)
    %and3A_39 = arith.constant true
    %and3A_40 = arith.andi %and3A_39, %eq3A_9 : i1
    %convert_element_type3A_41 = arith.extui %and3A_40 : i1 to i32
    %cond3A_42 = arith.constant 0 : i32
    %cond3A_43 = arith.cmpi ne, %convert_element_type3A_41, %cond3A_42 : i32
    scf.if %cond3A_43 {
      %dma_start3A_108 = arith.constant 128 : i32
      %dma_start3A_109 = arith.constant 0 : i32
      %dma_start3A_110 = tpu.memref_slice %arg13[%dma_start3A_108, %dma_start3A_109] : memref<256x64xf32, #tpu.memory_space<vmem>> -> memref<128x64xf32, #tpu.memory_space<vmem>>
      %dma_start3A_111 = arith.constant 128 : i32
      %dma_start3A_112 = tpu.memref_slice %arg11[%dma_start3A_111] : memref<3072xi32, #tpu.memory_space<vmem>> -> memref<128xi32, #tpu.memory_space<vmem>>
      %dma_start3A_113 = arith.constant 0 : i32
      %dma_start3A_114 = arith.constant 0 : i32
      %dma_start3A_115 = tpu.memref_slice %arg7[%dma_start3A_113, %dma_start3A_114] : memref<100000x64xf32, #tpu.memory_space<hbm>> -> memref<100000x64xf32, #tpu.memory_space<hbm>>
      tpu.enqueue_indirect_dma source(%dma_start3A_115 : memref<100000x64xf32, #tpu.memory_space<hbm>>) target(%dma_start3A_110 : memref<128x64xf32, #tpu.memory_space<vmem>>) offsets(%dma_start3A_112 : memref<128xi32, #tpu.memory_space<vmem>>) semaphore(%arg20 : memref<!tpu.dma_semaphore, #tpu.memory_space<semaphore_mem>>)
    } else {
    }
    %not3A_44 = arith.constant true
    %not3A_45 = arith.xori %and3A_40, %not3A_44 : i1
    %convert_element_type3A_46 = arith.extui %not3A_45 : i1 to i32
    %cond3A_47 = arith.constant 0 : i32
    %cond3A_48 = arith.cmpi ne, %convert_element_type3A_46, %cond3A_47 : i32
    scf.if %cond3A_48 {
      %dma_start3A_108 = arith.constant 128 : i32
      %dma_start3A_109 = arith.constant 0 : i32
      %dma_start3A_110 = tpu.memref_slice %arg13[%dma_start3A_108, %dma_start3A_109] : memref<256x64xf32, #tpu.memory_space<vmem>> -> memref<128x64xf32, #tpu.memory_space<vmem>>
      %dma_start3A_111 = arith.constant 128 : i32
      %dma_start3A_112 = tpu.memref_slice %arg11[%dma_start3A_111] : memref<3072xi32, #tpu.memory_space<vmem>> -> memref<128xi32, #tpu.memory_space<vmem>>
      %dma_start3A_113 = arith.constant 0 : i32
      %dma_start3A_114 = arith.constant 0 : i32
      %dma_start3A_115 = tpu.memref_slice %arg8[%dma_start3A_113, %dma_start3A_114] : memref<100000x64xf32, #tpu.memory_space<hbm>> -> memref<100000x64xf32, #tpu.memory_space<hbm>>
      tpu.enqueue_indirect_dma source(%dma_start3A_115 : memref<100000x64xf32, #tpu.memory_space<hbm>>) target(%dma_start3A_110 : memref<128x64xf32, #tpu.memory_space<vmem>>) offsets(%dma_start3A_112 : memref<128xi32, #tpu.memory_space<vmem>>) semaphore(%arg20 : memref<!tpu.dma_semaphore, #tpu.memory_space<semaphore_mem>>)
    } else {
    }
    %dma_start3A_49 = arith.constant 0 : i32
    %dma_start3A_50 = arith.constant 0 : i32
    %dma_start3A_51 = tpu.memref_slice %arg14[%dma_start3A_49, %dma_start3A_50] : memref<256x64xf32, #tpu.memory_space<vmem>> -> memref<128x64xf32, #tpu.memory_space<vmem>>
    %dma_start3A_52 = arith.constant 256 : i32
    %dma_start3A_53 = tpu.memref_slice %arg10[%dma_start3A_52] : memref<3072xi32, #tpu.memory_space<vmem>> -> memref<128xi32, #tpu.memory_space<vmem>>
    %dma_start3A_54 = arith.constant 0 : i32
    %dma_start3A_55 = arith.constant 0 : i32
    %dma_start3A_56 = tpu.memref_slice %arg7[%dma_start3A_54, %dma_start3A_55] : memref<100000x64xf32, #tpu.memory_space<hbm>> -> memref<100000x64xf32, #tpu.memory_space<hbm>>
    tpu.enqueue_indirect_dma source(%dma_start3A_56 : memref<100000x64xf32, #tpu.memory_space<hbm>>) target(%dma_start3A_51 : memref<128x64xf32, #tpu.memory_space<vmem>>) offsets(%dma_start3A_53 : memref<128xi32, #tpu.memory_space<vmem>>) semaphore(%arg21 : memref<!tpu.dma_semaphore, #tpu.memory_space<semaphore_mem>>)
    %and3A_57 = arith.constant true
    %and3A_58 = arith.andi %and3A_57, %eq3A_9 : i1
    %convert_element_type3A_59 = arith.extui %and3A_58 : i1 to i32
    %cond3A_60 = arith.constant 0 : i32
    %cond3A_61 = arith.cmpi ne, %convert_element_type3A_59, %cond3A_60 : i32
    scf.if %cond3A_61 {
      %dma_start3A_108 = arith.constant 0 : i32
      %dma_start3A_109 = arith.constant 0 : i32
      %dma_start3A_110 = tpu.memref_slice %arg15[%dma_start3A_108, %dma_start3A_109] : memref<256x64xf32, #tpu.memory_space<vmem>> -> memref<128x64xf32, #tpu.memory_space<vmem>>
      %dma_start3A_111 = arith.constant 256 : i32
      %dma_start3A_112 = tpu.memref_slice %arg11[%dma_start3A_111] : memref<3072xi32, #tpu.memory_space<vmem>> -> memref<128xi32, #tpu.memory_space<vmem>>
      %dma_start3A_113 = arith.constant 0 : i32
      %dma_start3A_114 = arith.constant 0 : i32
      %dma_start3A_115 = tpu.memref_slice %arg7[%dma_start3A_113, %dma_start3A_114] : memref<100000x64xf32, #tpu.memory_space<hbm>> -> memref<100000x64xf32, #tpu.memory_space<hbm>>
      tpu.enqueue_indirect_dma source(%dma_start3A_115 : memref<100000x64xf32, #tpu.memory_space<hbm>>) target(%dma_start3A_110 : memref<128x64xf32, #tpu.memory_space<vmem>>) offsets(%dma_start3A_112 : memref<128xi32, #tpu.memory_space<vmem>>) semaphore(%arg21 : memref<!tpu.dma_semaphore, #tpu.memory_space<semaphore_mem>>)
    } else {
    }
    %not3A_62 = arith.constant true
    %not3A_63 = arith.xori %and3A_58, %not3A_62 : i1
    %convert_element_type3A_64 = arith.extui %not3A_63 : i1 to i32
    %cond3A_65 = arith.constant 0 : i32
    %cond3A_66 = arith.cmpi ne, %convert_element_type3A_64, %cond3A_65 : i32
    scf.if %cond3A_66 {
      %dma_start3A_108 = arith.constant 0 : i32
      %dma_start3A_109 = arith.constant 0 : i32
      %dma_start3A_110 = tpu.memref_slice %arg15[%dma_start3A_108, %dma_start3A_109] : memref<256x64xf32, #tpu.memory_space<vmem>> -> memref<128x64xf32, #tpu.memory_space<vmem>>
      %dma_start3A_111 = arith.constant 256 : i32
      %dma_start3A_112 = tpu.memref_slice %arg11[%dma_start3A_111] : memref<3072xi32, #tpu.memory_space<vmem>> -> memref<128xi32, #tpu.memory_space<vmem>>
      %dma_start3A_113 = arith.constant 0 : i32
      %dma_start3A_114 = arith.constant 0 : i32
      %dma_start3A_115 = tpu.memref_slice %arg8[%dma_start3A_113, %dma_start3A_114] : memref<100000x64xf32, #tpu.memory_space<hbm>> -> memref<100000x64xf32, #tpu.memory_space<hbm>>
      tpu.enqueue_indirect_dma source(%dma_start3A_115 : memref<100000x64xf32, #tpu.memory_space<hbm>>) target(%dma_start3A_110 : memref<128x64xf32, #tpu.memory_space<vmem>>) offsets(%dma_start3A_112 : memref<128xi32, #tpu.memory_space<vmem>>) semaphore(%arg21 : memref<!tpu.dma_semaphore, #tpu.memory_space<semaphore_mem>>)
    } else {
    }
    %dma_start3A_67 = arith.constant 128 : i32
    %dma_start3A_68 = arith.constant 0 : i32
    %dma_start3A_69 = tpu.memref_slice %arg14[%dma_start3A_67, %dma_start3A_68] : memref<256x64xf32, #tpu.memory_space<vmem>> -> memref<128x64xf32, #tpu.memory_space<vmem>>
    %dma_start3A_70 = arith.constant 384 : i32
    %dma_start3A_71 = tpu.memref_slice %arg10[%dma_start3A_70] : memref<3072xi32, #tpu.memory_space<vmem>> -> memref<128xi32, #tpu.memory_space<vmem>>
    %dma_start3A_72 = arith.constant 0 : i32
    %dma_start3A_73 = arith.constant 0 : i32
    %dma_start3A_74 = tpu.memref_slice %arg7[%dma_start3A_72, %dma_start3A_73] : memref<100000x64xf32, #tpu.memory_space<hbm>> -> memref<100000x64xf32, #tpu.memory_space<hbm>>
    tpu.enqueue_indirect_dma source(%dma_start3A_74 : memref<100000x64xf32, #tpu.memory_space<hbm>>) target(%dma_start3A_69 : memref<128x64xf32, #tpu.memory_space<vmem>>) offsets(%dma_start3A_71 : memref<128xi32, #tpu.memory_space<vmem>>) semaphore(%arg21 : memref<!tpu.dma_semaphore, #tpu.memory_space<semaphore_mem>>)
    %and3A_75 = arith.constant true
    %and3A_76 = arith.andi %and3A_75, %eq3A_9 : i1
    %convert_element_type3A_77 = arith.extui %and3A_76 : i1 to i32
    %cond3A_78 = arith.constant 0 : i32
    %cond3A_79 = arith.cmpi ne, %convert_element_type3A_77, %cond3A_78 : i32
    scf.if %cond3A_79 {
      %dma_start3A_108 = arith.constant 128 : i32
      %dma_start3A_109 = arith.constant 0 : i32
      %dma_start3A_110 = tpu.memref_slice %arg15[%dma_start3A_108, %dma_start3A_109] : memref<256x64xf32, #tpu.memory_space<vmem>> -> memref<128x64xf32, #tpu.memory_space<vmem>>
      %dma_start3A_111 = arith.constant 384 : i32
      %dma_start3A_112 = tpu.memref_slice %arg11[%dma_start3A_111] : memref<3072xi32, #tpu.memory_space<vmem>> -> memref<128xi32, #tpu.memory_space<vmem>>
      %dma_start3A_113 = arith.constant 0 : i32
      %dma_start3A_114 = arith.constant 0 : i32
      %dma_start3A_115 = tpu.memref_slice %arg7[%dma_start3A_113, %dma_start3A_114] : memref<100000x64xf32, #tpu.memory_space<hbm>> -> memref<100000x64xf32, #tpu.memory_space<hbm>>
      tpu.enqueue_indirect_dma source(%dma_start3A_115 : memref<100000x64xf32, #tpu.memory_space<hbm>>) target(%dma_start3A_110 : memref<128x64xf32, #tpu.memory_space<vmem>>) offsets(%dma_start3A_112 : memref<128xi32, #tpu.memory_space<vmem>>) semaphore(%arg21 : memref<!tpu.dma_semaphore, #tpu.memory_space<semaphore_mem>>)
    } else {
    }
    %not3A_80 = arith.constant true
    %not3A_81 = arith.xori %and3A_76, %not3A_80 : i1
    %convert_element_type3A_82 = arith.extui %not3A_81 : i1 to i32
    %cond3A_83 = arith.constant 0 : i32
    %cond3A_84 = arith.cmpi ne, %convert_element_type3A_82, %cond3A_83 : i32
    scf.if %cond3A_84 {
      %dma_start3A_108 = arith.constant 128 : i32
      %dma_start3A_109 = arith.constant 0 : i32
      %dma_start3A_110 = tpu.memref_slice %arg15[%dma_start3A_108, %dma_start3A_109] : memref<256x64xf32, #tpu.memory_space<vmem>> -> memref<128x64xf32, #tpu.memory_space<vmem>>
      %dma_start3A_111 = arith.constant 384 : i32
      %dma_start3A_112 = tpu.memref_slice %arg11[%dma_start3A_111] : memref<3072xi32, #tpu.memory_space<vmem>> -> memref<128xi32, #tpu.memory_space<vmem>>
      %dma_start3A_113 = arith.constant 0 : i32
      %dma_start3A_114 = arith.constant 0 : i32
      %dma_start3A_115 = tpu.memref_slice %arg8[%dma_start3A_113, %dma_start3A_114] : memref<100000x64xf32, #tpu.memory_space<hbm>> -> memref<100000x64xf32, #tpu.memory_space<hbm>>
      tpu.enqueue_indirect_dma source(%dma_start3A_115 : memref<100000x64xf32, #tpu.memory_space<hbm>>) target(%dma_start3A_110 : memref<128x64xf32, #tpu.memory_space<vmem>>) offsets(%dma_start3A_112 : memref<128xi32, #tpu.memory_space<vmem>>) semaphore(%arg21 : memref<!tpu.dma_semaphore, #tpu.memory_space<semaphore_mem>>)
    } else {
    }
    %scan3A = arith.constant 0 : i32
    %scan3A_85 = arith.constant 0 : i32
    %scan3A_86 = arith.constant 4 : i32
    %scan3A_87 = arith.addi %scan3A_85, %scan3A_86 : i32
    %scan3A_88 = arith.constant 1 : i32
    %scan3A_89 = scf.for %scan3A_108 = %scan3A_85 to %scan3A_87 step %scan3A_88 iter_args(%scan3A_109 = %scan3A) -> (i32)  : i32 {
      %mul3A_110 = arith.constant 3 : i32
      %mul3A_111 = arith.muli %mul3A_110, %scan3A_108 : i32
      %add3A_112 = arith.constant 2 : i32
      %add3A_113 = arith.addi %mul3A_111, %add3A_112 : i32
      %mul3A_114 = arith.constant 256 : i32
      %mul3A_115 = arith.muli %add3A_113, %mul3A_114 : i32
      %add3A_116 = arith.constant 0 : i32
      %add3A_117 = arith.addi %mul3A_115, %add3A_116 : i32
      %dma_start3A_118 = arith.constant 0 : i32
      %dma_start3A_119 = arith.constant 0 : i32
      %dma_start3A_120 = tpu.memref_slice %arg16[%dma_start3A_118, %dma_start3A_119] : memref<256x64xf32, #tpu.memory_space<vmem>> -> memref<128x64xf32, #tpu.memory_space<vmem>>
      %dma_start3A_121 = tpu.memref_slice %arg10[%add3A_117] : memref<3072xi32, #tpu.memory_space<vmem>> -> memref<128xi32, #tpu.memory_space<vmem>>
      %dma_start3A_122 = arith.constant 0 : i32
      %dma_start3A_123 = arith.constant 0 : i32
      %dma_start3A_124 = tpu.memref_slice %arg7[%dma_start3A_122, %dma_start3A_123] : memref<100000x64xf32, #tpu.memory_space<hbm>> -> memref<100000x64xf32, #tpu.memory_space<hbm>>
      tpu.enqueue_indirect_dma source(%dma_start3A_124 : memref<100000x64xf32, #tpu.memory_space<hbm>>) target(%dma_start3A_120 : memref<128x64xf32, #tpu.memory_space<vmem>>) offsets(%dma_start3A_121 : memref<128xi32, #tpu.memory_space<vmem>>) semaphore(%arg22 : memref<!tpu.dma_semaphore, #tpu.memory_space<semaphore_mem>>)
      %lt3A = arith.constant 2 : i32
      %lt3A_125 = arith.cmpi slt, %add3A_113, %lt3A : i32
      %and3A_126 = arith.andi %lt3A_125, %eq3A_9 : i1
      %convert_element_type3A_127 = arith.extui %and3A_126 : i1 to i32
      %cond3A_128 = arith.constant 0 : i32
      %cond3A_129 = arith.cmpi ne, %convert_element_type3A_127, %cond3A_128 : i32
      scf.if %cond3A_129 {
        %dma_start3A_407 = arith.constant 0 : i32
        %dma_start3A_408 = arith.constant 0 : i32
        %dma_start3A_409 = tpu.memref_slice %arg17[%dma_start3A_407, %dma_start3A_408] : memref<256x64xf32, #tpu.memory_space<vmem>> -> memref<128x64xf32, #tpu.memory_space<vmem>>
        %dma_start3A_410 = tpu.memref_slice %arg11[%add3A_117] : memref<3072xi32, #tpu.memory_space<vmem>> -> memref<128xi32, #tpu.memory_space<vmem>>
        %dma_start3A_411 = arith.constant 0 : i32
        %dma_start3A_412 = arith.constant 0 : i32
        %dma_start3A_413 = tpu.memref_slice %arg7[%dma_start3A_411, %dma_start3A_412] : memref<100000x64xf32, #tpu.memory_space<hbm>> -> memref<100000x64xf32, #tpu.memory_space<hbm>>
        tpu.enqueue_indirect_dma source(%dma_start3A_413 : memref<100000x64xf32, #tpu.memory_space<hbm>>) target(%dma_start3A_409 : memref<128x64xf32, #tpu.memory_space<vmem>>) offsets(%dma_start3A_410 : memref<128xi32, #tpu.memory_space<vmem>>) semaphore(%arg22 : memref<!tpu.dma_semaphore, #tpu.memory_space<semaphore_mem>>)
      } else {
      }
      %not3A_130 = arith.constant true
      %not3A_131 = arith.xori %and3A_126, %not3A_130 : i1
      %convert_element_type3A_132 = arith.extui %not3A_131 : i1 to i32
      %cond3A_133 = arith.constant 0 : i32
      %cond3A_134 = arith.cmpi ne, %convert_element_type3A_132, %cond3A_133 : i32
      scf.if %cond3A_134 {
        %dma_start3A_407 = arith.constant 0 : i32
        %dma_start3A_408 = arith.constant 0 : i32
        %dma_start3A_409 = tpu.memref_slice %arg17[%dma_start3A_407, %dma_start3A_408] : memref<256x64xf32, #tpu.memory_space<vmem>> -> memref<128x64xf32, #tpu.memory_space<vmem>>
        %dma_start3A_410 = tpu.memref_slice %arg11[%add3A_117] : memref<3072xi32, #tpu.memory_space<vmem>> -> memref<128xi32, #tpu.memory_space<vmem>>
        %dma_start3A_411 = arith.constant 0 : i32
        %dma_start3A_412 = arith.constant 0 : i32
        %dma_start3A_413 = tpu.memref_slice %arg8[%dma_start3A_411, %dma_start3A_412] : memref<100000x64xf32, #tpu.memory_space<hbm>> -> memref<100000x64xf32, #tpu.memory_space<hbm>>
        tpu.enqueue_indirect_dma source(%dma_start3A_413 : memref<100000x64xf32, #tpu.memory_space<hbm>>) target(%dma_start3A_409 : memref<128x64xf32, #tpu.memory_space<vmem>>) offsets(%dma_start3A_410 : memref<128xi32, #tpu.memory_space<vmem>>) semaphore(%arg22 : memref<!tpu.dma_semaphore, #tpu.memory_space<semaphore_mem>>)
      } else {
      }
      %mul3A_135 = arith.constant 256 : i32
      %mul3A_136 = arith.muli %add3A_113, %mul3A_135 : i32
      %add3A_137 = arith.constant 128 : i32
      %add3A_138 = arith.addi %mul3A_136, %add3A_137 : i32
      %dma_start3A_139 = arith.constant 128 : i32
      %dma_start3A_140 = arith.constant 0 : i32
      %dma_start3A_141 = tpu.memref_slice %arg16[%dma_start3A_139, %dma_start3A_140] : memref<256x64xf32, #tpu.memory_space<vmem>> -> memref<128x64xf32, #tpu.memory_space<vmem>>
      %dma_start3A_142 = tpu.memref_slice %arg10[%add3A_138] : memref<3072xi32, #tpu.memory_space<vmem>> -> memref<128xi32, #tpu.memory_space<vmem>>
      %dma_start3A_143 = arith.constant 0 : i32
      %dma_start3A_144 = arith.constant 0 : i32
      %dma_start3A_145 = tpu.memref_slice %arg7[%dma_start3A_143, %dma_start3A_144] : memref<100000x64xf32, #tpu.memory_space<hbm>> -> memref<100000x64xf32, #tpu.memory_space<hbm>>
      tpu.enqueue_indirect_dma source(%dma_start3A_145 : memref<100000x64xf32, #tpu.memory_space<hbm>>) target(%dma_start3A_141 : memref<128x64xf32, #tpu.memory_space<vmem>>) offsets(%dma_start3A_142 : memref<128xi32, #tpu.memory_space<vmem>>) semaphore(%arg22 : memref<!tpu.dma_semaphore, #tpu.memory_space<semaphore_mem>>)
      %lt3A_146 = arith.constant 2 : i32
      %lt3A_147 = arith.cmpi slt, %add3A_113, %lt3A_146 : i32
      %and3A_148 = arith.andi %lt3A_147, %eq3A_9 : i1
      %convert_element_type3A_149 = arith.extui %and3A_148 : i1 to i32
      %cond3A_150 = arith.constant 0 : i32
      %cond3A_151 = arith.cmpi ne, %convert_element_type3A_149, %cond3A_150 : i32
      scf.if %cond3A_151 {
        %dma_start3A_407 = arith.constant 128 : i32
        %dma_start3A_408 = arith.constant 0 : i32
        %dma_start3A_409 = tpu.memref_slice %arg17[%dma_start3A_407, %dma_start3A_408] : memref<256x64xf32, #tpu.memory_space<vmem>> -> memref<128x64xf32, #tpu.memory_space<vmem>>
        %dma_start3A_410 = tpu.memref_slice %arg11[%add3A_138] : memref<3072xi32, #tpu.memory_space<vmem>> -> memref<128xi32, #tpu.memory_space<vmem>>
        %dma_start3A_411 = arith.constant 0 : i32
        %dma_start3A_412 = arith.constant 0 : i32
        %dma_start3A_413 = tpu.memref_slice %arg7[%dma_start3A_411, %dma_start3A_412] : memref<100000x64xf32, #tpu.memory_space<hbm>> -> memref<100000x64xf32, #tpu.memory_space<hbm>>
        tpu.enqueue_indirect_dma source(%dma_start3A_413 : memref<100000x64xf32, #tpu.memory_space<hbm>>) target(%dma_start3A_409 : memref<128x64xf32, #tpu.memory_space<vmem>>) offsets(%dma_start3A_410 : memref<128xi32, #tpu.memory_space<vmem>>) semaphore(%arg22 : memref<!tpu.dma_semaphore, #tpu.memory_space<semaphore_mem>>)
      } else {
      }
      %not3A_152 = arith.constant true
      %not3A_153 = arith.xori %and3A_148, %not3A_152 : i1
      %convert_element_type3A_154 = arith.extui %not3A_153 : i1 to i32
      %cond3A_155 = arith.constant 0 : i32
      %cond3A_156 = arith.cmpi ne, %convert_element_type3A_154, %cond3A_155 : i32
      scf.if %cond3A_156 {
        %dma_start3A_407 = arith.constant 128 : i32
        %dma_start3A_408 = arith.constant 0 : i32
        %dma_start3A_409 = tpu.memref_slice %arg17[%dma_start3A_407, %dma_start3A_408] : memref<256x64xf32, #tpu.memory_space<vmem>> -> memref<128x64xf32, #tpu.memory_space<vmem>>
        %dma_start3A_410 = tpu.memref_slice %arg11[%add3A_138] : memref<3072xi32, #tpu.memory_space<vmem>> -> memref<128xi32, #tpu.memory_space<vmem>>
        %dma_start3A_411 = arith.constant 0 : i32
        %dma_start3A_412 = arith.constant 0 : i32
        %dma_start3A_413 = tpu.memref_slice %arg8[%dma_start3A_411, %dma_start3A_412] : memref<100000x64xf32, #tpu.memory_space<hbm>> -> memref<100000x64xf32, #tpu.memory_space<hbm>>
        tpu.enqueue_indirect_dma source(%dma_start3A_413 : memref<100000x64xf32, #tpu.memory_space<hbm>>) target(%dma_start3A_409 : memref<128x64xf32, #tpu.memory_space<vmem>>) offsets(%dma_start3A_410 : memref<128xi32, #tpu.memory_space<vmem>>) semaphore(%arg22 : memref<!tpu.dma_semaphore, #tpu.memory_space<semaphore_mem>>)
      } else {
      }
      %dma_wait3A = arith.constant 0 : i32
      %dma_wait3A_157 = arith.constant 0 : i32
      %dma_wait3A_158 = tpu.memref_slice %arg12[%dma_wait3A, %dma_wait3A_157] : memref<256x64xf32, #tpu.memory_space<vmem>> -> memref<128x64xf32, #tpu.memory_space<vmem>>
      %dma_wait3A_159 = arith.constant 0 : i32
      %dma_wait3A_160 = tpu.memref_slice %arg10[%dma_wait3A_159] : memref<3072xi32, #tpu.memory_space<vmem>> -> memref<128xi32, #tpu.memory_space<vmem>>
      %dma_wait3A_161 = arith.constant 0 : i32
      %dma_wait3A_162 = arith.constant 0 : i32
      %dma_wait3A_163 = tpu.memref_slice %arg7[%dma_wait3A_161, %dma_wait3A_162] : memref<100000x64xf32, #tpu.memory_space<hbm>> -> memref<100000x64xf32, #tpu.memory_space<hbm>>
      tpu.wait_indirect_dma semaphore(%arg20 : memref<!tpu.dma_semaphore, #tpu.memory_space<semaphore_mem>>) src(%dma_wait3A_163 : memref<100000x64xf32, #tpu.memory_space<hbm>>) dst(%dma_wait3A_158 : memref<128x64xf32, #tpu.memory_space<vmem>>)
      %dma_wait3A_164 = arith.constant 0 : i32
      %dma_wait3A_165 = arith.constant 0 : i32
      %dma_wait3A_166 = tpu.memref_slice %arg13[%dma_wait3A_164, %dma_wait3A_165] : memref<256x64xf32, #tpu.memory_space<vmem>> -> memref<128x64xf32, #tpu.memory_space<vmem>>
      %dma_wait3A_167 = arith.constant 0 : i32
      %dma_wait3A_168 = tpu.memref_slice %arg10[%dma_wait3A_167] : memref<3072xi32, #tpu.memory_space<vmem>> -> memref<128xi32, #tpu.memory_space<vmem>>
      %dma_wait3A_169 = arith.constant 0 : i32
      %dma_wait3A_170 = arith.constant 0 : i32
      %dma_wait3A_171 = tpu.memref_slice %arg7[%dma_wait3A_169, %dma_wait3A_170] : memref<100000x64xf32, #tpu.memory_space<hbm>> -> memref<100000x64xf32, #tpu.memory_space<hbm>>
      tpu.wait_indirect_dma semaphore(%arg20 : memref<!tpu.dma_semaphore, #tpu.memory_space<semaphore_mem>>) src(%dma_wait3A_171 : memref<100000x64xf32, #tpu.memory_space<hbm>>) dst(%dma_wait3A_166 : memref<128x64xf32, #tpu.memory_space<vmem>>)
      %dma_wait3A_172 = arith.constant 128 : i32
      %dma_wait3A_173 = arith.constant 0 : i32
      %dma_wait3A_174 = tpu.memref_slice %arg12[%dma_wait3A_172, %dma_wait3A_173] : memref<256x64xf32, #tpu.memory_space<vmem>> -> memref<128x64xf32, #tpu.memory_space<vmem>>
      %dma_wait3A_175 = arith.constant 0 : i32
      %dma_wait3A_176 = tpu.memref_slice %arg10[%dma_wait3A_175] : memref<3072xi32, #tpu.memory_space<vmem>> -> memref<128xi32, #tpu.memory_space<vmem>>
      %dma_wait3A_177 = arith.constant 0 : i32
      %dma_wait3A_178 = arith.constant 0 : i32
      %dma_wait3A_179 = tpu.memref_slice %arg7[%dma_wait3A_177, %dma_wait3A_178] : memref<100000x64xf32, #tpu.memory_space<hbm>> -> memref<100000x64xf32, #tpu.memory_space<hbm>>
      tpu.wait_indirect_dma semaphore(%arg20 : memref<!tpu.dma_semaphore, #tpu.memory_space<semaphore_mem>>) src(%dma_wait3A_179 : memref<100000x64xf32, #tpu.memory_space<hbm>>) dst(%dma_wait3A_174 : memref<128x64xf32, #tpu.memory_space<vmem>>)
      %dma_wait3A_180 = arith.constant 128 : i32
      %dma_wait3A_181 = arith.constant 0 : i32
      %dma_wait3A_182 = tpu.memref_slice %arg13[%dma_wait3A_180, %dma_wait3A_181] : memref<256x64xf32, #tpu.memory_space<vmem>> -> memref<128x64xf32, #tpu.memory_space<vmem>>
      %dma_wait3A_183 = arith.constant 0 : i32
      %dma_wait3A_184 = tpu.memref_slice %arg10[%dma_wait3A_183] : memref<3072xi32, #tpu.memory_space<vmem>> -> memref<128xi32, #tpu.memory_space<vmem>>
      %dma_wait3A_185 = arith.constant 0 : i32
      %dma_wait3A_186 = arith.constant 0 : i32
      %dma_wait3A_187 = tpu.memref_slice %arg7[%dma_wait3A_185, %dma_wait3A_186] : memref<100000x64xf32, #tpu.memory_space<hbm>> -> memref<100000x64xf32, #tpu.memory_space<hbm>>
      tpu.wait_indirect_dma semaphore(%arg20 : memref<!tpu.dma_semaphore, #tpu.memory_space<semaphore_mem>>) src(%dma_wait3A_187 : memref<100000x64xf32, #tpu.memory_space<hbm>>) dst(%dma_wait3A_182 : memref<128x64xf32, #tpu.memory_space<vmem>>)
      %mul3A_188 = arith.constant 256 : i32
      %mul3A_189 = arith.muli %mul3A_111, %mul3A_188 : i32
      %iota3A = tpu.iota {dimensions = array<i32: 0>} : vector<16xi32>
      %and3A_190 = arith.constant 8 : i32
      %and3A_191 = vector.broadcast %and3A_190 : i32 to vector<16xi32>
      %and3A_192 = arith.andi %iota3A, %and3A_191 : vector<16xi32>
      %eq3A_193 = arith.constant 0 : i32
      %eq3A_194 = vector.broadcast %eq3A_193 : i32 to vector<16xi32>
      %eq3A_195 = arith.cmpi eq, %and3A_192, %eq3A_194 : vector<16xi32>
      %and3A_196 = arith.constant 4 : i32
      %and3A_197 = vector.broadcast %and3A_196 : i32 to vector<16xi32>
      %and3A_198 = arith.andi %iota3A, %and3A_197 : vector<16xi32>
      %eq3A_199 = arith.constant 0 : i32
      %eq3A_200 = vector.broadcast %eq3A_199 : i32 to vector<16xi32>
      %eq3A_201 = arith.cmpi eq, %and3A_198, %eq3A_200 : vector<16xi32>
      %and3A_202 = arith.constant 2 : i32
      %and3A_203 = vector.broadcast %and3A_202 : i32 to vector<16xi32>
      %and3A_204 = arith.andi %iota3A, %and3A_203 : vector<16xi32>
      %eq3A_205 = arith.constant 0 : i32
      %eq3A_206 = vector.broadcast %eq3A_205 : i32 to vector<16xi32>
      %eq3A_207 = arith.cmpi eq, %and3A_204, %eq3A_206 : vector<16xi32>
      %and3A_208 = arith.constant 1 : i32
      %and3A_209 = vector.broadcast %and3A_208 : i32 to vector<16xi32>
      %and3A_210 = arith.andi %iota3A, %and3A_209 : vector<16xi32>
      %eq3A_211 = arith.constant 0 : i32
      %eq3A_212 = vector.broadcast %eq3A_211 : i32 to vector<16xi32>
      %eq3A_213 = arith.cmpi eq, %and3A_210, %eq3A_212 : vector<16xi32>
      %xor3A = arith.constant 8 : i32
      %xor3A_214 = vector.broadcast %xor3A : i32 to vector<16xi32>
      %xor3A_215 = arith.xori %iota3A, %xor3A_214 : vector<16xi32>
      %xor3A_216 = arith.constant 4 : i32
      %xor3A_217 = vector.broadcast %xor3A_216 : i32 to vector<16xi32>
      %xor3A_218 = arith.xori %iota3A, %xor3A_217 : vector<16xi32>
      %xor3A_219 = arith.constant 2 : i32
      %xor3A_220 = vector.broadcast %xor3A_219 : i32 to vector<16xi32>
      %xor3A_221 = arith.xori %iota3A, %xor3A_220 : vector<16xi32>
      %xor3A_222 = arith.constant 1 : i32
      %xor3A_223 = vector.broadcast %xor3A_222 : i32 to vector<16xi32>
      %xor3A_224 = arith.xori %iota3A, %xor3A_223 : vector<16xi32>
      %scan3A_225 = arith.constant 0 : i32
      %scan3A_226 = arith.constant 0 : i32
      %scan3A_227 = arith.constant 16 : i32
      %scan3A_228 = arith.addi %scan3A_226, %scan3A_227 : i32
      %scan3A_229 = arith.constant 1 : i32
      %scan3A_230 = scf.for %scan3A_407 = %scan3A_226 to %scan3A_228 step %scan3A_229 iter_args(%scan3A_408 = %scan3A_225) -> (i32)  : i32 {
        %mul3A_409 = arith.constant 16 : i32
        %mul3A_410 = arith.muli %scan3A_407, %mul3A_409 : i32
        %broadcast_in_dim3A_411 = arith.constant 0.000000e+00 : f32
        %broadcast_in_dim3A_412 = vector.broadcast %broadcast_in_dim3A_411 : f32 to vector<16xf32>
        %add3A_413 = arith.constant 0 : i32
        %add3A_414 = arith.addi %mul3A_410, %add3A_413 : i32
        %get3A_415 = arith.index_cast %add3A_414 : i32 to index
        %get3A_416 = arith.constant 0 : index
        %get3A_417 = tpu.vector_load %arg12[%get3A_415, %get3A_416] {strides = array<i32>} : memref<256x64xf32, #tpu.memory_space<vmem>>, vector<16xf32>,
        %get3A_418 = arith.index_cast %add3A_414 : i32 to index
        %get3A_419 = arith.constant 0 : index
        %get3A_420 = tpu.vector_load %arg13[%get3A_418, %get3A_419] {strides = array<i32>} : memref<256x64xf32, #tpu.memory_space<vmem>>, vector<16xf32>,
        %mul3A_421 = arith.mulf %get3A_417, %get3A_420 : vector<16xf32>
        %add3A_422 = arith.addf %broadcast_in_dim3A_412, %mul3A_421 : vector<16xf32>
        %get3A_423 = arith.index_cast %add3A_414 : i32 to index
        %get3A_424 = arith.constant 16 : index
        %get3A_425 = tpu.vector_load %arg12[%get3A_423, %get3A_424] {strides = array<i32>} : memref<256x64xf32, #tpu.memory_space<vmem>>, vector<16xf32>,
        %get3A_426 = arith.index_cast %add3A_414 : i32 to index
        %get3A_427 = arith.constant 16 : index
        %get3A_428 = tpu.vector_load %arg13[%get3A_426, %get3A_427] {strides = array<i32>} : memref<256x64xf32, #tpu.memory_space<vmem>>, vector<16xf32>,
        %mul3A_429 = arith.mulf %get3A_425, %get3A_428 : vector<16xf32>
        %add3A_430 = arith.addf %add3A_422, %mul3A_429 : vector<16xf32>
        %get3A_431 = arith.index_cast %add3A_414 : i32 to index
        %get3A_432 = arith.constant 32 : index
        %get3A_433 = tpu.vector_load %arg12[%get3A_431, %get3A_432] {strides = array<i32>} : memref<256x64xf32, #tpu.memory_space<vmem>>, vector<16xf32>,
        %get3A_434 = arith.index_cast %add3A_414 : i32 to index
        %get3A_435 = arith.constant 32 : index
        %get3A_436 = tpu.vector_load %arg13[%get3A_434, %get3A_435] {strides = array<i32>} : memref<256x64xf32, #tpu.memory_space<vmem>>, vector<16xf32>,
        %mul3A_437 = arith.mulf %get3A_433, %get3A_436 : vector<16xf32>
        %add3A_438 = arith.addf %add3A_430, %mul3A_437 : vector<16xf32>
        %get3A_439 = arith.index_cast %add3A_414 : i32 to index
        %get3A_440 = arith.constant 48 : index
        %get3A_441 = tpu.vector_load %arg12[%get3A_439, %get3A_440] {strides = array<i32>} : memref<256x64xf32, #tpu.memory_space<vmem>>, vector<16xf32>,
        %get3A_442 = arith.index_cast %add3A_414 : i32 to index
        %get3A_443 = arith.constant 48 : index
        %get3A_444 = tpu.vector_load %arg13[%get3A_442, %get3A_443] {strides = array<i32>} : memref<256x64xf32, #tpu.memory_space<vmem>>, vector<16xf32>,
        %mul3A_445 = arith.mulf %get3A_441, %get3A_444 : vector<16xf32>
        %add3A_446 = arith.addf %add3A_438, %mul3A_445 : vector<16xf32>
        %broadcast_in_dim3A_447 = arith.constant 0.000000e+00 : f32
        %broadcast_in_dim3A_448 = vector.broadcast %broadcast_in_dim3A_447 : f32 to vector<16xf32>
        %add3A_449 = arith.constant 1 : i32
        %add3A_450 = arith.addi %mul3A_410, %add3A_449 : i32
        %get3A_451 = arith.index_cast %add3A_450 : i32 to index
        %get3A_452 = arith.constant 0 : index
        %get3A_453 = tpu.vector_load %arg12[%get3A_451, %get3A_452] {strides = array<i32>} : memref<256x64xf32, #tpu.memory_space<vmem>>, vector<16xf32>,
        %get3A_454 = arith.index_cast %add3A_450 : i32 to index
        %get3A_455 = arith.constant 0 : index
        %get3A_456 = tpu.vector_load %arg13[%get3A_454, %get3A_455] {strides = array<i32>} : memref<256x64xf32, #tpu.memory_space<vmem>>, vector<16xf32>,
        %mul3A_457 = arith.mulf %get3A_453, %get3A_456 : vector<16xf32>
        %add3A_458 = arith.addf %broadcast_in_dim3A_448, %mul3A_457 : vector<16xf32>
        %get3A_459 = arith.index_cast %add3A_450 : i32 to index
        %get3A_460 = arith.constant 16 : index
        %get3A_461 = tpu.vector_load %arg12[%get3A_459, %get3A_460] {strides = array<i32>} : memref<256x64xf32, #tpu.memory_space<vmem>>, vector<16xf32>,
        %get3A_462 = arith.index_cast %add3A_450 : i32 to index
        %get3A_463 = arith.constant 16 : index
        %get3A_464 = tpu.vector_load %arg13[%get3A_462, %get3A_463] {strides = array<i32>} : memref<256x64xf32, #tpu.memory_space<vmem>>, vector<16xf32>,
        %mul3A_465 = arith.mulf %get3A_461, %get3A_464 : vector<16xf32>
        %add3A_466 = arith.addf %add3A_458, %mul3A_465 : vector<16xf32>
        %get3A_467 = arith.index_cast %add3A_450 : i32 to index
        %get3A_468 = arith.constant 32 : index
        %get3A_469 = tpu.vector_load %arg12[%get3A_467, %get3A_468] {strides = array<i32>} : memref<256x64xf32, #tpu.memory_space<vmem>>, vector<16xf32>,
        %get3A_470 = arith.index_cast %add3A_450 : i32 to index
        %get3A_471 = arith.constant 32 : index
        %get3A_472 = tpu.vector_load %arg13[%get3A_470, %get3A_471] {strides = array<i32>} : memref<256x64xf32, #tpu.memory_space<vmem>>, vector<16xf32>,
        %mul3A_473 = arith.mulf %get3A_469, %get3A_472 : vector<16xf32>
        %add3A_474 = arith.addf %add3A_466, %mul3A_473 : vector<16xf32>
        %get3A_475 = arith.index_cast %add3A_450 : i32 to index
        %get3A_476 = arith.constant 48 : index
        %get3A_477 = tpu.vector_load %arg12[%get3A_475, %get3A_476] {strides = array<i32>} : memref<256x64xf32, #tpu.memory_space<vmem>>, vector<16xf32>,
        %get3A_478 = arith.index_cast %add3A_450 : i32 to index
        %get3A_479 = arith.constant 48 : index
        %get3A_480 = tpu.vector_load %arg13[%get3A_478, %get3A_479] {strides = array<i32>} : memref<256x64xf32, #tpu.memory_space<vmem>>, vector<16xf32>,
        %mul3A_481 = arith.mulf %get3A_477, %get3A_480 : vector<16xf32>
        %add3A_482 = arith.addf %add3A_474, %mul3A_481 : vector<16xf32>
        %lt3A_483 = arith.constant 0 : i32
        %lt3A_484 = vector.broadcast %lt3A_483 : i32 to vector<16xi32>
        %lt3A_485 = arith.cmpi slt, %xor3A_215, %lt3A_484 : vector<16xi32>
        %add3A_486 = arith.constant 16 : i32
        %add3A_487 = vector.broadcast %add3A_486 : i32 to vector<16xi32>
        %add3A_488 = arith.addi %xor3A_215, %add3A_487 : vector<16xi32>
        %select_n3A = arith.select %lt3A_485, %add3A_488, %xor3A_215 : vector<16xi1>, vector<16xi32>
        %broadcast_in_dim3A_489 = vector.shape_cast %select_n3A : vector<16xi32> to vector<16x1xi32>
        %gather3A = vector.shape_cast %broadcast_in_dim3A_489 : vector<16x1xi32> to vector<16xi32>
        %gather3A_490 = tpu.dynamic_gather %add3A_446[%gather3A] in [0] : vector<16xf32>, vector<16xi32> -> vector<16xf32>
        %lt3A_491 = arith.constant 0 : i32
        %lt3A_492 = vector.broadcast %lt3A_491 : i32 to vector<16xi32>
        %lt3A_493 = arith.cmpi slt, %xor3A_215, %lt3A_492 : vector<16xi32>
        %add3A_494 = arith.constant 16 : i32
        %add3A_495 = vector.broadcast %add3A_494 : i32 to vector<16xi32>
        %add3A_496 = arith.addi %xor3A_215, %add3A_495 : vector<16xi32>
        %select_n3A_497 = arith.select %lt3A_493, %add3A_496, %xor3A_215 : vector<16xi1>, vector<16xi32>
        %broadcast_in_dim3A_498 = vector.shape_cast %select_n3A_497 : vector<16xi32> to vector<16x1xi32>
        %gather3A_499 = vector.shape_cast %broadcast_in_dim3A_498 : vector<16x1xi32> to vector<16xi32>
        %gather3A_500 = tpu.dynamic_gather %add3A_482[%gather3A_499] in [0] : vector<16xf32>, vector<16xi32> -> vector<16xf32>
        %select_n3A_501 = arith.select %eq3A_195, %add3A_446, %gather3A_500 : vector<16xi1>, vector<16xf32>
        %select_n3A_502 = arith.select %eq3A_195, %gather3A_490, %add3A_482 : vector<16xi1>, vector<16xf32>
        %add3A_503 = arith.addf %select_n3A_501, %select_n3A_502 : vector<16xf32>
        %broadcast_in_dim3A_504 = arith.constant 0.000000e+00 : f32
        %broadcast_in_dim3A_505 = vector.broadcast %broadcast_in_dim3A_504 : f32 to vector<16xf32>
        %add3A_506 = arith.constant 2 : i32
        %add3A_507 = arith.addi %mul3A_410, %add3A_506 : i32
        %get3A_508 = arith.index_cast %add3A_507 : i32 to index
        %get3A_509 = arith.constant 0 : index
        %get3A_510 = tpu.vector_load %arg12[%get3A_508, %get3A_509] {strides = array<i32>} : memref<256x64xf32, #tpu.memory_space<vmem>>, vector<16xf32>,
        %get3A_511 = arith.index_cast %add3A_507 : i32 to index
        %get3A_512 = arith.constant 0 : index
        %get3A_513 = tpu.vector_load %arg13[%get3A_511, %get3A_512] {strides = array<i32>} : memref<256x64xf32, #tpu.memory_space<vmem>>, vector<16xf32>,
        %mul3A_514 = arith.mulf %get3A_510, %get3A_513 : vector<16xf32>
        %add3A_515 = arith.addf %broadcast_in_dim3A_505, %mul3A_514 : vector<16xf32>
        %get3A_516 = arith.index_cast %add3A_507 : i32 to index
        %get3A_517 = arith.constant 16 : index
        %get3A_518 = tpu.vector_load %arg12[%get3A_516, %get3A_517] {strides = array<i32>} : memref<256x64xf32, #tpu.memory_space<vmem>>, vector<16xf32>,
        %get3A_519 = arith.index_cast %add3A_507 : i32 to index
        %get3A_520 = arith.constant 16 : index
        %get3A_521 = tpu.vector_load %arg13[%get3A_519, %get3A_520] {strides = array<i32>} : memref<256x64xf32, #tpu.memory_space<vmem>>, vector<16xf32>,
        %mul3A_522 = arith.mulf %get3A_518, %get3A_521 : vector<16xf32>
        %add3A_523 = arith.addf %add3A_515, %mul3A_522 : vector<16xf32>
        %get3A_524 = arith.index_cast %add3A_507 : i32 to index
        %get3A_525 = arith.constant 32 : index
        %get3A_526 = tpu.vector_load %arg12[%get3A_524, %get3A_525] {strides = array<i32>} : memref<256x64xf32, #tpu.memory_space<vmem>>, vector<16xf32>,
        %get3A_527 = arith.index_cast %add3A_507 : i32 to index
        %get3A_528 = arith.constant 32 : index
        %get3A_529 = tpu.vector_load %arg13[%get3A_527, %get3A_528] {strides = array<i32>} : memref<256x64xf32, #tpu.memory_space<vmem>>, vector<16xf32>,
        %mul3A_530 = arith.mulf %get3A_526, %get3A_529 : vector<16xf32>
        %add3A_531 = arith.addf %add3A_523, %mul3A_530 : vector<16xf32>
        %get3A_532 = arith.index_cast %add3A_507 : i32 to index
        %get3A_533 = arith.constant 48 : index
        %get3A_534 = tpu.vector_load %arg12[%get3A_532, %get3A_533] {strides = array<i32>} : memref<256x64xf32, #tpu.memory_space<vmem>>, vector<16xf32>,
        %get3A_535 = arith.index_cast %add3A_507 : i32 to index
        %get3A_536 = arith.constant 48 : index
        %get3A_537 = tpu.vector_load %arg13[%get3A_535, %get3A_536] {strides = array<i32>} : memref<256x64xf32, #tpu.memory_space<vmem>>, vector<16xf32>,
        %mul3A_538 = arith.mulf %get3A_534, %get3A_537 : vector<16xf32>
        %add3A_539 = arith.addf %add3A_531, %mul3A_538 : vector<16xf32>
        %broadcast_in_dim3A_540 = arith.constant 0.000000e+00 : f32
        %broadcast_in_dim3A_541 = vector.broadcast %broadcast_in_dim3A_540 : f32 to vector<16xf32>
        %add3A_542 = arith.constant 3 : i32
        %add3A_543 = arith.addi %mul3A_410, %add3A_542 : i32
        %get3A_544 = arith.index_cast %add3A_543 : i32 to index
        %get3A_545 = arith.constant 0 : index
        %get3A_546 = tpu.vector_load %arg12[%get3A_544, %get3A_545] {strides = array<i32>} : memref<256x64xf32, #tpu.memory_space<vmem>>, vector<16xf32>,
        %get3A_547 = arith.index_cast %add3A_543 : i32 to index
        %get3A_548 = arith.constant 0 : index
        %get3A_549 = tpu.vector_load %arg13[%get3A_547, %get3A_548] {strides = array<i32>} : memref<256x64xf32, #tpu.memory_space<vmem>>, vector<16xf32>,
        %mul3A_550 = arith.mulf %get3A_546, %get3A_549 : vector<16xf32>
        %add3A_551 = arith.addf %broadcast_in_dim3A_541, %mul3A_550 : vector<16xf32>
        %get3A_552 = arith.index_cast %add3A_543 : i32 to index
        %get3A_553 = arith.constant 16 : index
        %get3A_554 = tpu.vector_load %arg12[%get3A_552, %get3A_553] {strides = array<i32>} : memref<256x64xf32, #tpu.memory_space<vmem>>, vector<16xf32>,
        %get3A_555 = arith.index_cast %add3A_543 : i32 to index
        %get3A_556 = arith.constant 16 : index
        %get3A_557 = tpu.vector_load %arg13[%get3A_555, %get3A_556] {strides = array<i32>} : memref<256x64xf32, #tpu.memory_space<vmem>>, vector<16xf32>,
        %mul3A_558 = arith.mulf %get3A_554, %get3A_557 : vector<16xf32>
        %add3A_559 = arith.addf %add3A_551, %mul3A_558 : vector<16xf32>
        %get3A_560 = arith.index_cast %add3A_543 : i32 to index
        %get3A_561 = arith.constant 32 : index
        %get3A_562 = tpu.vector_load %arg12[%get3A_560, %get3A_561] {strides = array<i32>} : memref<256x64xf32, #tpu.memory_space<vmem>>, vector<16xf32>,
        %get3A_563 = arith.index_cast %add3A_543 : i32 to index
        %get3A_564 = arith.constant 32 : index
        %get3A_565 = tpu.vector_load %arg13[%get3A_563, %get3A_564] {strides = array<i32>} : memref<256x64xf32, #tpu.memory_space<vmem>>, vector<16xf32>,
        %mul3A_566 = arith.mulf %get3A_562, %get3A_565 : vector<16xf32>
        %add3A_567 = arith.addf %add3A_559, %mul3A_566 : vector<16xf32>
        %get3A_568 = arith.index_cast %add3A_543 : i32 to index
        %get3A_569 = arith.constant 48 : index
        %get3A_570 = tpu.vector_load %arg12[%get3A_568, %get3A_569] {strides = array<i32>} : memref<256x64xf32, #tpu.memory_space<vmem>>, vector<16xf32>,
        %get3A_571 = arith.index_cast %add3A_543 : i32 to index
        %get3A_572 = arith.constant 48 : index
        %get3A_573 = tpu.vector_load %arg13[%get3A_571, %get3A_572] {strides = array<i32>} : memref<256x64xf32, #tpu.memory_space<vmem>>, vector<16xf32>,
        %mul3A_574 = arith.mulf %get3A_570, %get3A_573 : vector<16xf32>
        %add3A_575 = arith.addf %add3A_567, %mul3A_574 : vector<16xf32>
        %lt3A_576 = arith.constant 0 : i32
        %lt3A_577 = vector.broadcast %lt3A_576 : i32 to vector<16xi32>
        %lt3A_578 = arith.cmpi slt, %xor3A_215, %lt3A_577 : vector<16xi32>
        %add3A_579 = arith.constant 16 : i32
        %add3A_580 = vector.broadcast %add3A_579 : i32 to vector<16xi32>
        %add3A_581 = arith.addi %xor3A_215, %add3A_580 : vector<16xi32>
        %select_n3A_582 = arith.select %lt3A_578, %add3A_581, %xor3A_215 : vector<16xi1>, vector<16xi32>
        %broadcast_in_dim3A_583 = vector.shape_cast %select_n3A_582 : vector<16xi32> to vector<16x1xi32>
        %gather3A_584 = vector.shape_cast %broadcast_in_dim3A_583 : vector<16x1xi32> to vector<16xi32>
        %gather3A_585 = tpu.dynamic_gather %add3A_539[%gather3A_584] in [0] : vector<16xf32>, vector<16xi32> -> vector<16xf32>
        %lt3A_586 = arith.constant 0 : i32
        %lt3A_587 = vector.broadcast %lt3A_586 : i32 to vector<16xi32>
        %lt3A_588 = arith.cmpi slt, %xor3A_215, %lt3A_587 : vector<16xi32>
        %add3A_589 = arith.constant 16 : i32
        %add3A_590 = vector.broadcast %add3A_589 : i32 to vector<16xi32>
        %add3A_591 = arith.addi %xor3A_215, %add3A_590 : vector<16xi32>
        %select_n3A_592 = arith.select %lt3A_588, %add3A_591, %xor3A_215 : vector<16xi1>, vector<16xi32>
        %broadcast_in_dim3A_593 = vector.shape_cast %select_n3A_592 : vector<16xi32> to vector<16x1xi32>
        %gather3A_594 = vector.shape_cast %broadcast_in_dim3A_593 : vector<16x1xi32> to vector<16xi32>
        %gather3A_595 = tpu.dynamic_gather %add3A_575[%gather3A_594] in [0] : vector<16xf32>, vector<16xi32> -> vector<16xf32>
        %select_n3A_596 = arith.select %eq3A_195, %add3A_539, %gather3A_595 : vector<16xi1>, vector<16xf32>
        %select_n3A_597 = arith.select %eq3A_195, %gather3A_585, %add3A_575 : vector<16xi1>, vector<16xf32>
        %add3A_598 = arith.addf %select_n3A_596, %select_n3A_597 : vector<16xf32>
        %lt3A_599 = arith.constant 0 : i32
        %lt3A_600 = vector.broadcast %lt3A_599 : i32 to vector<16xi32>
        %lt3A_601 = arith.cmpi slt, %xor3A_218, %lt3A_600 : vector<16xi32>
        %add3A_602 = arith.constant 16 : i32
        %add3A_603 = vector.broadcast %add3A_602 : i32 to vector<16xi32>
        %add3A_604 = arith.addi %xor3A_218, %add3A_603 : vector<16xi32>
        %select_n3A_605 = arith.select %lt3A_601, %add3A_604, %xor3A_218 : vector<16xi1>, vector<16xi32>
        %broadcast_in_dim3A_606 = vector.shape_cast %select_n3A_605 : vector<16xi32> to vector<16x1xi32>
        %gather3A_607 = vector.shape_cast %broadcast_in_dim3A_606 : vector<16x1xi32> to vector<16xi32>
        %gather3A_608 = tpu.dynamic_gather %add3A_503[%gather3A_607] in [0] : vector<16xf32>, vector<16xi32> -> vector<16xf32>
        %lt3A_609 = arith.constant 0 : i32
        %lt3A_610 = vector.broadcast %lt3A_609 : i32 to vector<16xi32>
        %lt3A_611 = arith.cmpi slt, %xor3A_218, %lt3A_610 : vector<16xi32>
        %add3A_612 = arith.constant 16 : i32
        %add3A_613 = vector.broadcast %add3A_612 : i32 to vector<16xi32>
        %add3A_614 = arith.addi %xor3A_218, %add3A_613 : vector<16xi32>
        %select_n3A_615 = arith.select %lt3A_611, %add3A_614, %xor3A_218 : vector<16xi1>, vector<16xi32>
        %broadcast_in_dim3A_616 = vector.shape_cast %select_n3A_615 : vector<16xi32> to vector<16x1xi32>
        %gather3A_617 = vector.shape_cast %broadcast_in_dim3A_616 : vector<16x1xi32> to vector<16xi32>
        %gather3A_618 = tpu.dynamic_gather %add3A_598[%gather3A_617] in [0] : vector<16xf32>, vector<16xi32> -> vector<16xf32>
        %select_n3A_619 = arith.select %eq3A_201, %add3A_503, %gather3A_618 : vector<16xi1>, vector<16xf32>
        %select_n3A_620 = arith.select %eq3A_201, %gather3A_608, %add3A_598 : vector<16xi1>, vector<16xf32>
        %add3A_621 = arith.addf %select_n3A_619, %select_n3A_620 : vector<16xf32>
        %broadcast_in_dim3A_622 = arith.constant 0.000000e+00 : f32
        %broadcast_in_dim3A_623 = vector.broadcast %broadcast_in_dim3A_622 : f32 to vector<16xf32>
        %add3A_624 = arith.constant 4 : i32
        %add3A_625 = arith.addi %mul3A_410, %add3A_624 : i32
        %get3A_626 = arith.index_cast %add3A_625 : i32 to index
        %get3A_627 = arith.constant 0 : index
        %get3A_628 = tpu.vector_load %arg12[%get3A_626, %get3A_627] {strides = array<i32>} : memref<256x64xf32, #tpu.memory_space<vmem>>, vector<16xf32>,
        %get3A_629 = arith.index_cast %add3A_625 : i32 to index
        %get3A_630 = arith.constant 0 : index
        %get3A_631 = tpu.vector_load %arg13[%get3A_629, %get3A_630] {strides = array<i32>} : memref<256x64xf32, #tpu.memory_space<vmem>>, vector<16xf32>,
        %mul3A_632 = arith.mulf %get3A_628, %get3A_631 : vector<16xf32>
        %add3A_633 = arith.addf %broadcast_in_dim3A_623, %mul3A_632 : vector<16xf32>
        %get3A_634 = arith.index_cast %add3A_625 : i32 to index
        %get3A_635 = arith.constant 16 : index
        %get3A_636 = tpu.vector_load %arg12[%get3A_634, %get3A_635] {strides = array<i32>} : memref<256x64xf32, #tpu.memory_space<vmem>>, vector<16xf32>,
        %get3A_637 = arith.index_cast %add3A_625 : i32 to index
        %get3A_638 = arith.constant 16 : index
        %get3A_639 = tpu.vector_load %arg13[%get3A_637, %get3A_638] {strides = array<i32>} : memref<256x64xf32, #tpu.memory_space<vmem>>, vector<16xf32>,
        %mul3A_640 = arith.mulf %get3A_636, %get3A_639 : vector<16xf32>
        %add3A_641 = arith.addf %add3A_633, %mul3A_640 : vector<16xf32>
        %get3A_642 = arith.index_cast %add3A_625 : i32 to index
        %get3A_643 = arith.constant 32 : index
        %get3A_644 = tpu.vector_load %arg12[%get3A_642, %get3A_643] {strides = array<i32>} : memref<256x64xf32, #tpu.memory_space<vmem>>, vector<16xf32>,
        %get3A_645 = arith.index_cast %add3A_625 : i32 to index
        %get3A_646 = arith.constant 32 : index
        %get3A_647 = tpu.vector_load %arg13[%get3A_645, %get3A_646] {strides = array<i32>} : memref<256x64xf32, #tpu.memory_space<vmem>>, vector<16xf32>,
        %mul3A_648 = arith.mulf %get3A_644, %get3A_647 : vector<16xf32>
        %add3A_649 = arith.addf %add3A_641, %mul3A_648 : vector<16xf32>
        %get3A_650 = arith.index_cast %add3A_625 : i32 to index
        %get3A_651 = arith.constant 48 : index
        %get3A_652 = tpu.vector_load %arg12[%get3A_650, %get3A_651] {strides = array<i32>} : memref<256x64xf32, #tpu.memory_space<vmem>>, vector<16xf32>,
        %get3A_653 = arith.index_cast %add3A_625 : i32 to index
        %get3A_654 = arith.constant 48 : index
        %get3A_655 = tpu.vector_load %arg13[%get3A_653, %get3A_654] {strides = array<i32>} : memref<256x64xf32, #tpu.memory_space<vmem>>, vector<16xf32>,
        %mul3A_656 = arith.mulf %get3A_652, %get3A_655 : vector<16xf32>
        %add3A_657 = arith.addf %add3A_649, %mul3A_656 : vector<16xf32>
        %broadcast_in_dim3A_658 = arith.constant 0.000000e+00 : f32
        %broadcast_in_dim3A_659 = vector.broadcast %broadcast_in_dim3A_658 : f32 to vector<16xf32>
        %add3A_660 = arith.constant 5 : i32
        %add3A_661 = arith.addi %mul3A_410, %add3A_660 : i32
        %get3A_662 = arith.index_cast %add3A_661 : i32 to index
        %get3A_663 = arith.constant 0 : index
        %get3A_664 = tpu.vector_load %arg12[%get3A_662, %get3A_663] {strides = array<i32>} : memref<256x64xf32, #tpu.memory_space<vmem>>, vector<16xf32>,
        %get3A_665 = arith.index_cast %add3A_661 : i32 to index
        %get3A_666 = arith.constant 0 : index
        %get3A_667 = tpu.vector_load %arg13[%get3A_665, %get3A_666] {strides = array<i32>} : memref<256x64xf32, #tpu.memory_space<vmem>>, vector<16xf32>,
        %mul3A_668 = arith.mulf %get3A_664, %get3A_667 : vector<16xf32>
        %add3A_669 = arith.addf %broadcast_in_dim3A_659, %mul3A_668 : vector<16xf32>
        %get3A_670 = arith.index_cast %add3A_661 : i32 to index
        %get3A_671 = arith.constant 16 : index
        %get3A_672 = tpu.vector_load %arg12[%get3A_670, %get3A_671] {strides = array<i32>} : memref<256x64xf32, #tpu.memory_space<vmem>>, vector<16xf32>,
        %get3A_673 = arith.index_cast %add3A_661 : i32 to index
        %get3A_674 = arith.constant 16 : index
        %get3A_675 = tpu.vector_load %arg13[%get3A_673, %get3A_674] {strides = array<i32>} : memref<256x64xf32, #tpu.memory_space<vmem>>, vector<16xf32>,
        %mul3A_676 = arith.mulf %get3A_672, %get3A_675 : vector<16xf32>
        %add3A_677 = arith.addf %add3A_669, %mul3A_676 : vector<16xf32>
        %get3A_678 = arith.index_cast %add3A_661 : i32 to index
        %get3A_679 = arith.constant 32 : index
        %get3A_680 = tpu.vector_load %arg12[%get3A_678, %get3A_679] {strides = array<i32>} : memref<256x64xf32, #tpu.memory_space<vmem>>, vector<16xf32>,
        %get3A_681 = arith.index_cast %add3A_661 : i32 to index
        %get3A_682 = arith.constant 32 : index
        %get3A_683 = tpu.vector_load %arg13[%get3A_681, %get3A_682] {strides = array<i32>} : memref<256x64xf32, #tpu.memory_space<vmem>>, vector<16xf32>,
        %mul3A_684 = arith.mulf %get3A_680, %get3A_683 : vector<16xf32>
        %add3A_685 = arith.addf %add3A_677, %mul3A_684 : vector<16xf32>
        %get3A_686 = arith.index_cast %add3A_661 : i32 to index
        %get3A_687 = arith.constant 48 : index
        %get3A_688 = tpu.vector_load %arg12[%get3A_686, %get3A_687] {strides = array<i32>} : memref<256x64xf32, #tpu.memory_space<vmem>>, vector<16xf32>,
        %get3A_689 = arith.index_cast %add3A_661 : i32 to index
        %get3A_690 = arith.constant 48 : index
        %get3A_691 = tpu.vector_load %arg13[%get3A_689, %get3A_690] {strides = array<i32>} : memref<256x64xf32, #tpu.memory_space<vmem>>, vector<16xf32>,
        %mul3A_692 = arith.mulf %get3A_688, %get3A_691 : vector<16xf32>
        %add3A_693 = arith.addf %add3A_685, %mul3A_692 : vector<16xf32>
        %lt3A_694 = arith.constant 0 : i32
        %lt3A_695 = vector.broadcast %lt3A_694 : i32 to vector<16xi32>
        %lt3A_696 = arith.cmpi slt, %xor3A_215, %lt3A_695 : vector<16xi32>
        %add3A_697 = arith.constant 16 : i32
        %add3A_698 = vector.broadcast %add3A_697 : i32 to vector<16xi32>
        %add3A_699 = arith.addi %xor3A_215, %add3A_698 : vector<16xi32>
        %select_n3A_700 = arith.select %lt3A_696, %add3A_699, %xor3A_215 : vector<16xi1>, vector<16xi32>
        %broadcast_in_dim3A_701 = vector.shape_cast %select_n3A_700 : vector<16xi32> to vector<16x1xi32>
        %gather3A_702 = vector.shape_cast %broadcast_in_dim3A_701 : vector<16x1xi32> to vector<16xi32>
        %gather3A_703 = tpu.dynamic_gather %add3A_657[%gather3A_702] in [0] : vector<16xf32>, vector<16xi32> -> vector<16xf32>
        %lt3A_704 = arith.constant 0 : i32
        %lt3A_705 = vector.broadcast %lt3A_704 : i32 to vector<16xi32>
        %lt3A_706 = arith.cmpi slt, %xor3A_215, %lt3A_705 : vector<16xi32>
        %add3A_707 = arith.constant 16 : i32
        %add3A_708 = vector.broadcast %add3A_707 : i32 to vector<16xi32>
        %add3A_709 = arith.addi %xor3A_215, %add3A_708 : vector<16xi32>
        %select_n3A_710 = arith.select %lt3A_706, %add3A_709, %xor3A_215 : vector<16xi1>, vector<16xi32>
        %broadcast_in_dim3A_711 = vector.shape_cast %select_n3A_710 : vector<16xi32> to vector<16x1xi32>
        %gather3A_712 = vector.shape_cast %broadcast_in_dim3A_711 : vector<16x1xi32> to vector<16xi32>
        %gather3A_713 = tpu.dynamic_gather %add3A_693[%gather3A_712] in [0] : vector<16xf32>, vector<16xi32> -> vector<16xf32>
        %select_n3A_714 = arith.select %eq3A_195, %add3A_657, %gather3A_713 : vector<16xi1>, vector<16xf32>
        %select_n3A_715 = arith.select %eq3A_195, %gather3A_703, %add3A_693 : vector<16xi1>, vector<16xf32>
        %add3A_716 = arith.addf %select_n3A_714, %select_n3A_715 : vector<16xf32>
        %broadcast_in_dim3A_717 = arith.constant 0.000000e+00 : f32
        %broadcast_in_dim3A_718 = vector.broadcast %broadcast_in_dim3A_717 : f32 to vector<16xf32>
        %add3A_719 = arith.constant 6 : i32
        %add3A_720 = arith.addi %mul3A_410, %add3A_719 : i32
        %get3A_721 = arith.index_cast %add3A_720 : i32 to index
        %get3A_722 = arith.constant 0 : index
        %get3A_723 = tpu.vector_load %arg12[%get3A_721, %get3A_722] {strides = array<i32>} : memref<256x64xf32, #tpu.memory_space<vmem>>, vector<16xf32>,
        %get3A_724 = arith.index_cast %add3A_720 : i32 to index
        %get3A_725 = arith.constant 0 : index
        %get3A_726 = tpu.vector_load %arg13[%get3A_724, %get3A_725] {strides = array<i32>} : memref<256x64xf32, #tpu.memory_space<vmem>>, vector<16xf32>,
        %mul3A_727 = arith.mulf %get3A_723, %get3A_726 : vector<16xf32>
        %add3A_728 = arith.addf %broadcast_in_dim3A_718, %mul3A_727 : vector<16xf32>
        %get3A_729 = arith.index_cast %add3A_720 : i32 to index
        %get3A_730 = arith.constant 16 : index
        %get3A_731 = tpu.vector_load %arg12[%get3A_729, %get3A_730] {strides = array<i32>} : memref<256x64xf32, #tpu.memory_space<vmem>>, vector<16xf32>,
        %get3A_732 = arith.index_cast %add3A_720 : i32 to index
        %get3A_733 = arith.constant 16 : index
        %get3A_734 = tpu.vector_load %arg13[%get3A_732, %get3A_733] {strides = array<i32>} : memref<256x64xf32, #tpu.memory_space<vmem>>, vector<16xf32>,
        %mul3A_735 = arith.mulf %get3A_731, %get3A_734 : vector<16xf32>
        %add3A_736 = arith.addf %add3A_728, %mul3A_735 : vector<16xf32>
        %get3A_737 = arith.index_cast %add3A_720 : i32 to index
        %get3A_738 = arith.constant 32 : index
        %get3A_739 = tpu.vector_load %arg12[%get3A_737, %get3A_738] {strides = array<i32>} : memref<256x64xf32, #tpu.memory_space<vmem>>, vector<16xf32>,
        %get3A_740 = arith.index_cast %add3A_720 : i32 to index
        %get3A_741 = arith.constant 32 : index
        %get3A_742 = tpu.vector_load %arg13[%get3A_740, %get3A_741] {strides = array<i32>} : memref<256x64xf32, #tpu.memory_space<vmem>>, vector<16xf32>,
        %mul3A_743 = arith.mulf %get3A_739, %get3A_742 : vector<16xf32>
        %add3A_744 = arith.addf %add3A_736, %mul3A_743 : vector<16xf32>
        %get3A_745 = arith.index_cast %add3A_720 : i32 to index
        %get3A_746 = arith.constant 48 : index
        %get3A_747 = tpu.vector_load %arg12[%get3A_745, %get3A_746] {strides = array<i32>} : memref<256x64xf32, #tpu.memory_space<vmem>>, vector<16xf32>,
        %get3A_748 = arith.index_cast %add3A_720 : i32 to index
        %get3A_749 = arith.constant 48 : index
        %get3A_750 = tpu.vector_load %arg13[%get3A_748, %get3A_749] {strides = array<i32>} : memref<256x64xf32, #tpu.memory_space<vmem>>, vector<16xf32>,
        %mul3A_751 = arith.mulf %get3A_747, %get3A_750 : vector<16xf32>
        %add3A_752 = arith.addf %add3A_744, %mul3A_751 : vector<16xf32>
        %broadcast_in_dim3A_753 = arith.constant 0.000000e+00 : f32
        %broadcast_in_dim3A_754 = vector.broadcast %broadcast_in_dim3A_753 : f32 to vector<16xf32>
        %add3A_755 = arith.constant 7 : i32
        %add3A_756 = arith.addi %mul3A_410, %add3A_755 : i32
        %get3A_757 = arith.index_cast %add3A_756 : i32 to index
        %get3A_758 = arith.constant 0 : index
        %get3A_759 = tpu.vector_load %arg12[%get3A_757, %get3A_758] {strides = array<i32>} : memref<256x64xf32, #tpu.memory_space<vmem>>, vector<16xf32>,
        %get3A_760 = arith.index_cast %add3A_756 : i32 to index
        %get3A_761 = arith.constant 0 : index
        %get3A_762 = tpu.vector_load %arg13[%get3A_760, %get3A_761] {strides = array<i32>} : memref<256x64xf32, #tpu.memory_space<vmem>>, vector<16xf32>,
        %mul3A_763 = arith.mulf %get3A_759, %get3A_762 : vector<16xf32>
        %add3A_764 = arith.addf %broadcast_in_dim3A_754, %mul3A_763 : vector<16xf32>
        %get3A_765 = arith.index_cast %add3A_756 : i32 to index
        %get3A_766 = arith.constant 16 : index
        %get3A_767 = tpu.vector_load %arg12[%get3A_765, %get3A_766] {strides = array<i32>} : memref<256x64xf32, #tpu.memory_space<vmem>>, vector<16xf32>,
        %get3A_768 = arith.index_cast %add3A_756 : i32 to index
        %get3A_769 = arith.constant 16 : index
        %get3A_770 = tpu.vector_load %arg13[%get3A_768, %get3A_769] {strides = array<i32>} : memref<256x64xf32, #tpu.memory_space<vmem>>, vector<16xf32>,
        %mul3A_771 = arith.mulf %get3A_767, %get3A_770 : vector<16xf32>
        %add3A_772 = arith.addf %add3A_764, %mul3A_771 : vector<16xf32>
        %get3A_773 = arith.index_cast %add3A_756 : i32 to index
        %get3A_774 = arith.constant 32 : index
        %get3A_775 = tpu.vector_load %arg12[%get3A_773, %get3A_774] {strides = array<i32>} : memref<256x64xf32, #tpu.memory_space<vmem>>, vector<16xf32>,
        %get3A_776 = arith.index_cast %add3A_756 : i32 to index
        %get3A_777 = arith.constant 32 : index
        %get3A_778 = tpu.vector_load %arg13[%get3A_776, %get3A_777] {strides = array<i32>} : memref<256x64xf32, #tpu.memory_space<vmem>>, vector<16xf32>,
        %mul3A_779 = arith.mulf %get3A_775, %get3A_778 : vector<16xf32>
        %add3A_780 = arith.addf %add3A_772, %mul3A_779 : vector<16xf32>
        %get3A_781 = arith.index_cast %add3A_756 : i32 to index
        %get3A_782 = arith.constant 48 : index
        %get3A_783 = tpu.vector_load %arg12[%get3A_781, %get3A_782] {strides = array<i32>} : memref<256x64xf32, #tpu.memory_space<vmem>>, vector<16xf32>,
        %get3A_784 = arith.index_cast %add3A_756 : i32 to index
        %get3A_785 = arith.constant 48 : index
        %get3A_786 = tpu.vector_load %arg13[%get3A_784, %get3A_785] {strides = array<i32>} : memref<256x64xf32, #tpu.memory_space<vmem>>, vector<16xf32>,
        %mul3A_787 = arith.mulf %get3A_783, %get3A_786 : vector<16xf32>
        %add3A_788 = arith.addf %add3A_780, %mul3A_787 : vector<16xf32>
        %lt3A_789 = arith.constant 0 : i32
        %lt3A_790 = vector.broadcast %lt3A_789 : i32 to vector<16xi32>
        %lt3A_791 = arith.cmpi slt, %xor3A_215, %lt3A_790 : vector<16xi32>
        %add3A_792 = arith.constant 16 : i32
        %add3A_793 = vector.broadcast %add3A_792 : i32 to vector<16xi32>
        %add3A_794 = arith.addi %xor3A_215, %add3A_793 : vector<16xi32>
        %select_n3A_795 = arith.select %lt3A_791, %add3A_794, %xor3A_215 : vector<16xi1>, vector<16xi32>
        %broadcast_in_dim3A_796 = vector.shape_cast %select_n3A_795 : vector<16xi32> to vector<16x1xi32>
        %gather3A_797 = vector.shape_cast %broadcast_in_dim3A_796 : vector<16x1xi32> to vector<16xi32>
        %gather3A_798 = tpu.dynamic_gather %add3A_752[%gather3A_797] in [0] : vector<16xf32>, vector<16xi32> -> vector<16xf32>
        %lt3A_799 = arith.constant 0 : i32
        %lt3A_800 = vector.broadcast %lt3A_799 : i32 to vector<16xi32>
        %lt3A_801 = arith.cmpi slt, %xor3A_215, %lt3A_800 : vector<16xi32>
        %add3A_802 = arith.constant 16 : i32
        %add3A_803 = vector.broadcast %add3A_802 : i32 to vector<16xi32>
        %add3A_804 = arith.addi %xor3A_215, %add3A_803 : vector<16xi32>
        %select_n3A_805 = arith.select %lt3A_801, %add3A_804, %xor3A_215 : vector<16xi1>, vector<16xi32>
        %broadcast_in_dim3A_806 = vector.shape_cast %select_n3A_805 : vector<16xi32> to vector<16x1xi32>
        %gather3A_807 = vector.shape_cast %broadcast_in_dim3A_806 : vector<16x1xi32> to vector<16xi32>
        %gather3A_808 = tpu.dynamic_gather %add3A_788[%gather3A_807] in [0] : vector<16xf32>, vector<16xi32> -> vector<16xf32>
        %select_n3A_809 = arith.select %eq3A_195, %add3A_752, %gather3A_808 : vector<16xi1>, vector<16xf32>
        %select_n3A_810 = arith.select %eq3A_195, %gather3A_798, %add3A_788 : vector<16xi1>, vector<16xf32>
        %add3A_811 = arith.addf %select_n3A_809, %select_n3A_810 : vector<16xf32>
        %lt3A_812 = arith.constant 0 : i32
        %lt3A_813 = vector.broadcast %lt3A_812 : i32 to vector<16xi32>
        %lt3A_814 = arith.cmpi slt, %xor3A_218, %lt3A_813 : vector<16xi32>
        %add3A_815 = arith.constant 16 : i32
        %add3A_816 = vector.broadcast %add3A_815 : i32 to vector<16xi32>
        %add3A_817 = arith.addi %xor3A_218, %add3A_816 : vector<16xi32>
        %select_n3A_818 = arith.select %lt3A_814, %add3A_817, %xor3A_218 : vector<16xi1>, vector<16xi32>
        %broadcast_in_dim3A_819 = vector.shape_cast %select_n3A_818 : vector<16xi32> to vector<16x1xi32>
        %gather3A_820 = vector.shape_cast %broadcast_in_dim3A_819 : vector<16x1xi32> to vector<16xi32>
        %gather3A_821 = tpu.dynamic_gather %add3A_716[%gather3A_820] in [0] : vector<16xf32>, vector<16xi32> -> vector<16xf32>
        %lt3A_822 = arith.constant 0 : i32
        %lt3A_823 = vector.broadcast %lt3A_822 : i32 to vector<16xi32>
        %lt3A_824 = arith.cmpi slt, %xor3A_218, %lt3A_823 : vector<16xi32>
        %add3A_825 = arith.constant 16 : i32
        %add3A_826 = vector.broadcast %add3A_825 : i32 to vector<16xi32>
        %add3A_827 = arith.addi %xor3A_218, %add3A_826 : vector<16xi32>
        %select_n3A_828 = arith.select %lt3A_824, %add3A_827, %xor3A_218 : vector<16xi1>, vector<16xi32>
        %broadcast_in_dim3A_829 = vector.shape_cast %select_n3A_828 : vector<16xi32> to vector<16x1xi32>
        %gather3A_830 = vector.shape_cast %broadcast_in_dim3A_829 : vector<16x1xi32> to vector<16xi32>
        %gather3A_831 = tpu.dynamic_gather %add3A_811[%gather3A_830] in [0] : vector<16xf32>, vector<16xi32> -> vector<16xf32>
        %select_n3A_832 = arith.select %eq3A_201, %add3A_716, %gather3A_831 : vector<16xi1>, vector<16xf32>
        %select_n3A_833 = arith.select %eq3A_201, %gather3A_821, %add3A_811 : vector<16xi1>, vector<16xf32>
        %add3A_834 = arith.addf %select_n3A_832, %select_n3A_833 : vector<16xf32>
        %lt3A_835 = arith.constant 0 : i32
        %lt3A_836 = vector.broadcast %lt3A_835 : i32 to vector<16xi32>
        %lt3A_837 = arith.cmpi slt, %xor3A_221, %lt3A_836 : vector<16xi32>
        %add3A_838 = arith.constant 16 : i32
        %add3A_839 = vector.broadcast %add3A_838 : i32 to vector<16xi32>
        %add3A_840 = arith.addi %xor3A_221, %add3A_839 : vector<16xi32>
        %select_n3A_841 = arith.select %lt3A_837, %add3A_840, %xor3A_221 : vector<16xi1>, vector<16xi32>
        %broadcast_in_dim3A_842 = vector.shape_cast %select_n3A_841 : vector<16xi32> to vector<16x1xi32>
        %gather3A_843 = vector.shape_cast %broadcast_in_dim3A_842 : vector<16x1xi32> to vector<16xi32>
        %gather3A_844 = tpu.dynamic_gather %add3A_621[%gather3A_843] in [0] : vector<16xf32>, vector<16xi32> -> vector<16xf32>
        %lt3A_845 = arith.constant 0 : i32
        %lt3A_846 = vector.broadcast %lt3A_845 : i32 to vector<16xi32>
        %lt3A_847 = arith.cmpi slt, %xor3A_221, %lt3A_846 : vector<16xi32>
        %add3A_848 = arith.constant 16 : i32
        %add3A_849 = vector.broadcast %add3A_848 : i32 to vector<16xi32>
        %add3A_850 = arith.addi %xor3A_221, %add3A_849 : vector<16xi32>
        %select_n3A_851 = arith.select %lt3A_847, %add3A_850, %xor3A_221 : vector<16xi1>, vector<16xi32>
        %broadcast_in_dim3A_852 = vector.shape_cast %select_n3A_851 : vector<16xi32> to vector<16x1xi32>
        %gather3A_853 = vector.shape_cast %broadcast_in_dim3A_852 : vector<16x1xi32> to vector<16xi32>
        %gather3A_854 = tpu.dynamic_gather %add3A_834[%gather3A_853] in [0] : vector<16xf32>, vector<16xi32> -> vector<16xf32>
        %select_n3A_855 = arith.select %eq3A_207, %add3A_621, %gather3A_854 : vector<16xi1>, vector<16xf32>
        %select_n3A_856 = arith.select %eq3A_207, %gather3A_844, %add3A_834 : vector<16xi1>, vector<16xf32>
        %add3A_857 = arith.addf %select_n3A_855, %select_n3A_856 : vector<16xf32>
        %broadcast_in_dim3A_858 = arith.constant 0.000000e+00 : f32
        %broadcast_in_dim3A_859 = vector.broadcast %broadcast_in_dim3A_858 : f32 to vector<16xf32>
        %add3A_860 = arith.constant 8 : i32
        %add3A_861 = arith.addi %mul3A_410, %add3A_860 : i32
        %get3A_862 = arith.index_cast %add3A_861 : i32 to index
        %get3A_863 = arith.constant 0 : index
        %get3A_864 = tpu.vector_load %arg12[%get3A_862, %get3A_863] {strides = array<i32>} : memref<256x64xf32, #tpu.memory_space<vmem>>, vector<16xf32>,
        %get3A_865 = arith.index_cast %add3A_861 : i32 to index
        %get3A_866 = arith.constant 0 : index
        %get3A_867 = tpu.vector_load %arg13[%get3A_865, %get3A_866] {strides = array<i32>} : memref<256x64xf32, #tpu.memory_space<vmem>>, vector<16xf32>,
        %mul3A_868 = arith.mulf %get3A_864, %get3A_867 : vector<16xf32>
        %add3A_869 = arith.addf %broadcast_in_dim3A_859, %mul3A_868 : vector<16xf32>
        %get3A_870 = arith.index_cast %add3A_861 : i32 to index
        %get3A_871 = arith.constant 16 : index
        %get3A_872 = tpu.vector_load %arg12[%get3A_870, %get3A_871] {strides = array<i32>} : memref<256x64xf32, #tpu.memory_space<vmem>>, vector<16xf32>,
        %get3A_873 = arith.index_cast %add3A_861 : i32 to index
        %get3A_874 = arith.constant 16 : index
        %get3A_875 = tpu.vector_load %arg13[%get3A_873, %get3A_874] {strides = array<i32>} : memref<256x64xf32, #tpu.memory_space<vmem>>, vector<16xf32>,
        %mul3A_876 = arith.mulf %get3A_872, %get3A_875 : vector<16xf32>
        %add3A_877 = arith.addf %add3A_869, %mul3A_876 : vector<16xf32>
        %get3A_878 = arith.index_cast %add3A_861 : i32 to index
        %get3A_879 = arith.constant 32 : index
        %get3A_880 = tpu.vector_load %arg12[%get3A_878, %get3A_879] {strides = array<i32>} : memref<256x64xf32, #tpu.memory_space<vmem>>, vector<16xf32>,
        %get3A_881 = arith.index_cast %add3A_861 : i32 to index
        %get3A_882 = arith.constant 32 : index
        %get3A_883 = tpu.vector_load %arg13[%get3A_881, %get3A_882] {strides = array<i32>} : memref<256x64xf32, #tpu.memory_space<vmem>>, vector<16xf32>,
        %mul3A_884 = arith.mulf %get3A_880, %get3A_883 : vector<16xf32>
        %add3A_885 = arith.addf %add3A_877, %mul3A_884 : vector<16xf32>
        %get3A_886 = arith.index_cast %add3A_861 : i32 to index
        %get3A_887 = arith.constant 48 : index
        %get3A_888 = tpu.vector_load %arg12[%get3A_886, %get3A_887] {strides = array<i32>} : memref<256x64xf32, #tpu.memory_space<vmem>>, vector<16xf32>,
        %get3A_889 = arith.index_cast %add3A_861 : i32 to index
        %get3A_890 = arith.constant 48 : index
        %get3A_891 = tpu.vector_load %arg13[%get3A_889, %get3A_890] {strides = array<i32>} : memref<256x64xf32, #tpu.memory_space<vmem>>, vector<16xf32>,
        %mul3A_892 = arith.mulf %get3A_888, %get3A_891 : vector<16xf32>
        %add3A_893 = arith.addf %add3A_885, %mul3A_892 : vector<16xf32>
        %broadcast_in_dim3A_894 = arith.constant 0.000000e+00 : f32
        %broadcast_in_dim3A_895 = vector.broadcast %broadcast_in_dim3A_894 : f32 to vector<16xf32>
        %add3A_896 = arith.constant 9 : i32
        %add3A_897 = arith.addi %mul3A_410, %add3A_896 : i32
        %get3A_898 = arith.index_cast %add3A_897 : i32 to index
        %get3A_899 = arith.constant 0 : index
        %get3A_900 = tpu.vector_load %arg12[%get3A_898, %get3A_899] {strides = array<i32>} : memref<256x64xf32, #tpu.memory_space<vmem>>, vector<16xf32>,
        %get3A_901 = arith.index_cast %add3A_897 : i32 to index
        %get3A_902 = arith.constant 0 : index
        %get3A_903 = tpu.vector_load %arg13[%get3A_901, %get3A_902] {strides = array<i32>} : memref<256x64xf32, #tpu.memory_space<vmem>>, vector<16xf32>,
        %mul3A_904 = arith.mulf %get3A_900, %get3A_903 : vector<16xf32>
        %add3A_905 = arith.addf %broadcast_in_dim3A_895, %mul3A_904 : vector<16xf32>
        %get3A_906 = arith.index_cast %add3A_897 : i32 to index
        %get3A_907 = arith.constant 16 : index
        %get3A_908 = tpu.vector_load %arg12[%get3A_906, %get3A_907] {strides = array<i32>} : memref<256x64xf32, #tpu.memory_space<vmem>>, vector<16xf32>,
        %get3A_909 = arith.index_cast %add3A_897 : i32 to index
        %get3A_910 = arith.constant 16 : index
        %get3A_911 = tpu.vector_load %arg13[%get3A_909, %get3A_910] {strides = array<i32>} : memref<256x64xf32, #tpu.memory_space<vmem>>, vector<16xf32>,
        %mul3A_912 = arith.mulf %get3A_908, %get3A_911 : vector<16xf32>
        %add3A_913 = arith.addf %add3A_905, %mul3A_912 : vector<16xf32>
        %get3A_914 = arith.index_cast %add3A_897 : i32 to index
        %get3A_915 = arith.constant 32 : index
        %get3A_916 = tpu.vector_load %arg12[%get3A_914, %get3A_915] {strides = array<i32>} : memref<256x64xf32, #tpu.memory_space<vmem>>, vector<16xf32>,
        %get3A_917 = arith.index_cast %add3A_897 : i32 to index
        %get3A_918 = arith.constant 32 : index
        %get3A_919 = tpu.vector_load %arg13[%get3A_917, %get3A_918] {strides = array<i32>} : memref<256x64xf32, #tpu.memory_space<vmem>>, vector<16xf32>,
        %mul3A_920 = arith.mulf %get3A_916, %get3A_919 : vector<16xf32>
        %add3A_921 = arith.addf %add3A_913, %mul3A_920 : vector<16xf32>
        %get3A_922 = arith.index_cast %add3A_897 : i32 to index
        %get3A_923 = arith.constant 48 : index
        %get3A_924 = tpu.vector_load %arg12[%get3A_922, %get3A_923] {strides = array<i32>} : memref<256x64xf32, #tpu.memory_space<vmem>>, vector<16xf32>,
        %get3A_925 = arith.index_cast %add3A_897 : i32 to index
        %get3A_926 = arith.constant 48 : index
        %get3A_927 = tpu.vector_load %arg13[%get3A_925, %get3A_926] {strides = array<i32>} : memref<256x64xf32, #tpu.memory_space<vmem>>, vector<16xf32>,
        %mul3A_928 = arith.mulf %get3A_924, %get3A_927 : vector<16xf32>
        %add3A_929 = arith.addf %add3A_921, %mul3A_928 : vector<16xf32>
        %lt3A_930 = arith.constant 0 : i32
        %lt3A_931 = vector.broadcast %lt3A_930 : i32 to vector<16xi32>
        %lt3A_932 = arith.cmpi slt, %xor3A_215, %lt3A_931 : vector<16xi32>
        %add3A_933 = arith.constant 16 : i32
        %add3A_934 = vector.broadcast %add3A_933 : i32 to vector<16xi32>
        %add3A_935 = arith.addi %xor3A_215, %add3A_934 : vector<16xi32>
        %select_n3A_936 = arith.select %lt3A_932, %add3A_935, %xor3A_215 : vector<16xi1>, vector<16xi32>
        %broadcast_in_dim3A_937 = vector.shape_cast %select_n3A_936 : vector<16xi32> to vector<16x1xi32>
        %gather3A_938 = vector.shape_cast %broadcast_in_dim3A_937 : vector<16x1xi32> to vector<16xi32>
        %gather3A_939 = tpu.dynamic_gather %add3A_893[%gather3A_938] in [0] : vector<16xf32>, vector<16xi32> -> vector<16xf32>
        %lt3A_940 = arith.constant 0 : i32
        %lt3A_941 = vector.broadcast %lt3A_940 : i32 to vector<16xi32>
        %lt3A_942 = arith.cmpi slt, %xor3A_215, %lt3A_941 : vector<16xi32>
        %add3A_943 = arith.constant 16 : i32
        %add3A_944 = vector.broadcast %add3A_943 : i32 to vector<16xi32>
        %add3A_945 = arith.addi %xor3A_215, %add3A_944 : vector<16xi32>
        %select_n3A_946 = arith.select %lt3A_942, %add3A_945, %xor3A_215 : vector<16xi1>, vector<16xi32>
        %broadcast_in_dim3A_947 = vector.shape_cast %select_n3A_946 : vector<16xi32> to vector<16x1xi32>
        %gather3A_948 = vector.shape_cast %broadcast_in_dim3A_947 : vector<16x1xi32> to vector<16xi32>
        %gather3A_949 = tpu.dynamic_gather %add3A_929[%gather3A_948] in [0] : vector<16xf32>, vector<16xi32> -> vector<16xf32>
        %select_n3A_950 = arith.select %eq3A_195, %add3A_893, %gather3A_949 : vector<16xi1>, vector<16xf32>
        %select_n3A_951 = arith.select %eq3A_195, %gather3A_939, %add3A_929 : vector<16xi1>, vector<16xf32>
        %add3A_952 = arith.addf %select_n3A_950, %select_n3A_951 : vector<16xf32>
        %broadcast_in_dim3A_953 = arith.constant 0.000000e+00 : f32
        %broadcast_in_dim3A_954 = vector.broadcast %broadcast_in_dim3A_953 : f32 to vector<16xf32>
        %add3A_955 = arith.constant 10 : i32
        %add3A_956 = arith.addi %mul3A_410, %add3A_955 : i32
        %get3A_957 = arith.index_cast %add3A_956 : i32 to index
        %get3A_958 = arith.constant 0 : index
        %get3A_959 = tpu.vector_load %arg12[%get3A_957, %get3A_958] {strides = array<i32>} : memref<256x64xf32, #tpu.memory_space<vmem>>, vector<16xf32>,
        %get3A_960 = arith.index_cast %add3A_956 : i32 to index
        %get3A_961 = arith.constant 0 : index
        %get3A_962 = tpu.vector_load %arg13[%get3A_960, %get3A_961] {strides = array<i32>} : memref<256x64xf32, #tpu.memory_space<vmem>>, vector<16xf32>,
        %mul3A_963 = arith.mulf %get3A_959, %get3A_962 : vector<16xf32>
        %add3A_964 = arith.addf %broadcast_in_dim3A_954, %mul3A_963 : vector<16xf32>
        %get3A_965 = arith.index_cast %add3A_956 : i32 to index
        %get3A_966 = arith.constant 16 : index
        %get3A_967 = tpu.vector_load %arg12[%get3A_965, %get3A_966] {strides = array<i32>} : memref<256x64xf32, #tpu.memory_space<vmem>>, vector<16xf32>,
        %get3A_968 = arith.index_cast %add3A_956 : i32 to index
        %get3A_969 = arith.constant 16 : index
        %get3A_970 = tpu.vector_load %arg13[%get3A_968, %get3A_969] {strides = array<i32>} : memref<256x64xf32, #tpu.memory_space<vmem>>, vector<16xf32>,
        %mul3A_971 = arith.mulf %get3A_967, %get3A_970 : vector<16xf32>
        %add3A_972 = arith.addf %add3A_964, %mul3A_971 : vector<16xf32>
        %get3A_973 = arith.index_cast %add3A_956 : i32 to index
        %get3A_974 = arith.constant 32 : index
        %get3A_975 = tpu.vector_load %arg12[%get3A_973, %get3A_974] {strides = array<i32>} : memref<256x64xf32, #tpu.memory_space<vmem>>, vector<16xf32>,
        %get3A_976 = arith.index_cast %add3A_956 : i32 to index
        %get3A_977 = arith.constant 32 : index
        %get3A_978 = tpu.vector_load %arg13[%get3A_976, %get3A_977] {strides = array<i32>} : memref<256x64xf32, #tpu.memory_space<vmem>>, vector<16xf32>,
        %mul3A_979 = arith.mulf %get3A_975, %get3A_978 : vector<16xf32>
        %add3A_980 = arith.addf %add3A_972, %mul3A_979 : vector<16xf32>
        %get3A_981 = arith.index_cast %add3A_956 : i32 to index
        %get3A_982 = arith.constant 48 : index
        %get3A_983 = tpu.vector_load %arg12[%get3A_981, %get3A_982] {strides = array<i32>} : memref<256x64xf32, #tpu.memory_space<vmem>>, vector<16xf32>,
        %get3A_984 = arith.index_cast %add3A_956 : i32 to index
        %get3A_985 = arith.constant 48 : index
        %get3A_986 = tpu.vector_load %arg13[%get3A_984, %get3A_985] {strides = array<i32>} : memref<256x64xf32, #tpu.memory_space<vmem>>, vector<16xf32>,
        %mul3A_987 = arith.mulf %get3A_983, %get3A_986 : vector<16xf32>
        %add3A_988 = arith.addf %add3A_980, %mul3A_987 : vector<16xf32>
        %broadcast_in_dim3A_989 = arith.constant 0.000000e+00 : f32
        %broadcast_in_dim3A_990 = vector.broadcast %broadcast_in_dim3A_989 : f32 to vector<16xf32>
        %add3A_991 = arith.constant 11 : i32
        %add3A_992 = arith.addi %mul3A_410, %add3A_991 : i32
        %get3A_993 = arith.index_cast %add3A_992 : i32 to index
        %get3A_994 = arith.constant 0 : index
        %get3A_995 = tpu.vector_load %arg12[%get3A_993, %get3A_994] {strides = array<i32>} : memref<256x64xf32, #tpu.memory_space<vmem>>, vector<16xf32>,
        %get3A_996 = arith.index_cast %add3A_992 : i32 to index
        %get3A_997 = arith.constant 0 : index
        %get3A_998 = tpu.vector_load %arg13[%get3A_996, %get3A_997] {strides = array<i32>} : memref<256x64xf32, #tpu.memory_space<vmem>>, vector<16xf32>,
        %mul3A_999 = arith.mulf %get3A_995, %get3A_998 : vector<16xf32>
        %add3A_1000 = arith.addf %broadcast_in_dim3A_990, %mul3A_999 : vector<16xf32>
        %get3A_1001 = arith.index_cast %add3A_992 : i32 to index
        %get3A_1002 = arith.constant 16 : index
        %get3A_1003 = tpu.vector_load %arg12[%get3A_1001, %get3A_1002] {strides = array<i32>} : memref<256x64xf32, #tpu.memory_space<vmem>>, vector<16xf32>,
        %get3A_1004 = arith.index_cast %add3A_992 : i32 to index
        %get3A_1005 = arith.constant 16 : index
        %get3A_1006 = tpu.vector_load %arg13[%get3A_1004, %get3A_1005] {strides = array<i32>} : memref<256x64xf32, #tpu.memory_space<vmem>>, vector<16xf32>,
        %mul3A_1007 = arith.mulf %get3A_1003, %get3A_1006 : vector<16xf32>
        %add3A_1008 = arith.addf %add3A_1000, %mul3A_1007 : vector<16xf32>
        %get3A_1009 = arith.index_cast %add3A_992 : i32 to index
        %get3A_1010 = arith.constant 32 : index
        %get3A_1011 = tpu.vector_load %arg12[%get3A_1009, %get3A_1010] {strides = array<i32>} : memref<256x64xf32, #tpu.memory_space<vmem>>, vector<16xf32>,
        %get3A_1012 = arith.index_cast %add3A_992 : i32 to index
        %get3A_1013 = arith.constant 32 : index
        %get3A_1014 = tpu.vector_load %arg13[%get3A_1012, %get3A_1013] {strides = array<i32>} : memref<256x64xf32, #tpu.memory_space<vmem>>, vector<16xf32>,
        %mul3A_1015 = arith.mulf %get3A_1011, %get3A_1014 : vector<16xf32>
        %add3A_1016 = arith.addf %add3A_1008, %mul3A_1015 : vector<16xf32>
        %get3A_1017 = arith.index_cast %add3A_992 : i32 to index
        %get3A_1018 = arith.constant 48 : index
        %get3A_1019 = tpu.vector_load %arg12[%get3A_1017, %get3A_1018] {strides = array<i32>} : memref<256x64xf32, #tpu.memory_space<vmem>>, vector<16xf32>,
        %get3A_1020 = arith.index_cast %add3A_992 : i32 to index
        %get3A_1021 = arith.constant 48 : index
        %get3A_1022 = tpu.vector_load %arg13[%get3A_1020, %get3A_1021] {strides = array<i32>} : memref<256x64xf32, #tpu.memory_space<vmem>>, vector<16xf32>,
        %mul3A_1023 = arith.mulf %get3A_1019, %get3A_1022 : vector<16xf32>
        %add3A_1024 = arith.addf %add3A_1016, %mul3A_1023 : vector<16xf32>
        %lt3A_1025 = arith.constant 0 : i32
        %lt3A_1026 = vector.broadcast %lt3A_1025 : i32 to vector<16xi32>
        %lt3A_1027 = arith.cmpi slt, %xor3A_215, %lt3A_1026 : vector<16xi32>
        %add3A_1028 = arith.constant 16 : i32
        %add3A_1029 = vector.broadcast %add3A_1028 : i32 to vector<16xi32>
        %add3A_1030 = arith.addi %xor3A_215, %add3A_1029 : vector<16xi32>
        %select_n3A_1031 = arith.select %lt3A_1027, %add3A_1030, %xor3A_215 : vector<16xi1>, vector<16xi32>
        %broadcast_in_dim3A_1032 = vector.shape_cast %select_n3A_1031 : vector<16xi32> to vector<16x1xi32>
        %gather3A_1033 = vector.shape_cast %broadcast_in_dim3A_1032 : vector<16x1xi32> to vector<16xi32>
        %gather3A_1034 = tpu.dynamic_gather %add3A_988[%gather3A_1033] in [0] : vector<16xf32>, vector<16xi32> -> vector<16xf32>
        %lt3A_1035 = arith.constant 0 : i32
        %lt3A_1036 = vector.broadcast %lt3A_1035 : i32 to vector<16xi32>
        %lt3A_1037 = arith.cmpi slt, %xor3A_215, %lt3A_1036 : vector<16xi32>
        %add3A_1038 = arith.constant 16 : i32
        %add3A_1039 = vector.broadcast %add3A_1038 : i32 to vector<16xi32>
        %add3A_1040 = arith.addi %xor3A_215, %add3A_1039 : vector<16xi32>
        %select_n3A_1041 = arith.select %lt3A_1037, %add3A_1040, %xor3A_215 : vector<16xi1>, vector<16xi32>
        %broadcast_in_dim3A_1042 = vector.shape_cast %select_n3A_1041 : vector<16xi32> to vector<16x1xi32>
        %gather3A_1043 = vector.shape_cast %broadcast_in_dim3A_1042 : vector<16x1xi32> to vector<16xi32>
        %gather3A_1044 = tpu.dynamic_gather %add3A_1024[%gather3A_1043] in [0] : vector<16xf32>, vector<16xi32> -> vector<16xf32>
        %select_n3A_1045 = arith.select %eq3A_195, %add3A_988, %gather3A_1044 : vector<16xi1>, vector<16xf32>
        %select_n3A_1046 = arith.select %eq3A_195, %gather3A_1034, %add3A_1024 : vector<16xi1>, vector<16xf32>
        %add3A_1047 = arith.addf %select_n3A_1045, %select_n3A_1046 : vector<16xf32>
        %lt3A_1048 = arith.constant 0 : i32
        %lt3A_1049 = vector.broadcast %lt3A_1048 : i32 to vector<16xi32>
        %lt3A_1050 = arith.cmpi slt, %xor3A_218, %lt3A_1049 : vector<16xi32>
        %add3A_1051 = arith.constant 16 : i32
        %add3A_1052 = vector.broadcast %add3A_1051 : i32 to vector<16xi32>
        %add3A_1053 = arith.addi %xor3A_218, %add3A_1052 : vector<16xi32>
        %select_n3A_1054 = arith.select %lt3A_1050, %add3A_1053, %xor3A_218 : vector<16xi1>, vector<16xi32>
        %broadcast_in_dim3A_1055 = vector.shape_cast %select_n3A_1054 : vector<16xi32> to vector<16x1xi32>
        %gather3A_1056 = vector.shape_cast %broadcast_in_dim3A_1055 : vector<16x1xi32> to vector<16xi32>
        %gather3A_1057 = tpu.dynamic_gather %add3A_952[%gather3A_1056] in [0] : vector<16xf32>, vector<16xi32> -> vector<16xf32>
        %lt3A_1058 = arith.constant 0 : i32
        %lt3A_1059 = vector.broadcast %lt3A_1058 : i32 to vector<16xi32>
        %lt3A_1060 = arith.cmpi slt, %xor3A_218, %lt3A_1059 : vector<16xi32>
        %add3A_1061 = arith.constant 16 : i32
        %add3A_1062 = vector.broadcast %add3A_1061 : i32 to vector<16xi32>
        %add3A_1063 = arith.addi %xor3A_218, %add3A_1062 : vector<16xi32>
        %select_n3A_1064 = arith.select %lt3A_1060, %add3A_1063, %xor3A_218 : vector<16xi1>, vector<16xi32>
        %broadcast_in_dim3A_1065 = vector.shape_cast %select_n3A_1064 : vector<16xi32> to vector<16x1xi32>
        %gather3A_1066 = vector.shape_cast %broadcast_in_dim3A_1065 : vector<16x1xi32> to vector<16xi32>
        %gather3A_1067 = tpu.dynamic_gather %add3A_1047[%gather3A_1066] in [0] : vector<16xf32>, vector<16xi32> -> vector<16xf32>
        %select_n3A_1068 = arith.select %eq3A_201, %add3A_952, %gather3A_1067 : vector<16xi1>, vector<16xf32>
        %select_n3A_1069 = arith.select %eq3A_201, %gather3A_1057, %add3A_1047 : vector<16xi1>, vector<16xf32>
        %add3A_1070 = arith.addf %select_n3A_1068, %select_n3A_1069 : vector<16xf32>
        %broadcast_in_dim3A_1071 = arith.constant 0.000000e+00 : f32
        %broadcast_in_dim3A_1072 = vector.broadcast %broadcast_in_dim3A_1071 : f32 to vector<16xf32>
        %add3A_1073 = arith.constant 12 : i32
        %add3A_1074 = arith.addi %mul3A_410, %add3A_1073 : i32
        %get3A_1075 = arith.index_cast %add3A_1074 : i32 to index
        %get3A_1076 = arith.constant 0 : index
        %get3A_1077 = tpu.vector_load %arg12[%get3A_1075, %get3A_1076] {strides = array<i32>} : memref<256x64xf32, #tpu.memory_space<vmem>>, vector<16xf32>,
        %get3A_1078 = arith.index_cast %add3A_1074 : i32 to index
        %get3A_1079 = arith.constant 0 : index
        %get3A_1080 = tpu.vector_load %arg13[%get3A_1078, %get3A_1079] {strides = array<i32>} : memref<256x64xf32, #tpu.memory_space<vmem>>, vector<16xf32>,
        %mul3A_1081 = arith.mulf %get3A_1077, %get3A_1080 : vector<16xf32>
        %add3A_1082 = arith.addf %broadcast_in_dim3A_1072, %mul3A_1081 : vector<16xf32>
        %get3A_1083 = arith.index_cast %add3A_1074 : i32 to index
        %get3A_1084 = arith.constant 16 : index
        %get3A_1085 = tpu.vector_load %arg12[%get3A_1083, %get3A_1084] {strides = array<i32>} : memref<256x64xf32, #tpu.memory_space<vmem>>, vector<16xf32>,
        %get3A_1086 = arith.index_cast %add3A_1074 : i32 to index
        %get3A_1087 = arith.constant 16 : index
        %get3A_1088 = tpu.vector_load %arg13[%get3A_1086, %get3A_1087] {strides = array<i32>} : memref<256x64xf32, #tpu.memory_space<vmem>>, vector<16xf32>,
        %mul3A_1089 = arith.mulf %get3A_1085, %get3A_1088 : vector<16xf32>
        %add3A_1090 = arith.addf %add3A_1082, %mul3A_1089 : vector<16xf32>
        %get3A_1091 = arith.index_cast %add3A_1074 : i32 to index
        %get3A_1092 = arith.constant 32 : index
        %get3A_1093 = tpu.vector_load %arg12[%get3A_1091, %get3A_1092] {strides = array<i32>} : memref<256x64xf32, #tpu.memory_space<vmem>>, vector<16xf32>,
        %get3A_1094 = arith.index_cast %add3A_1074 : i32 to index
        %get3A_1095 = arith.constant 32 : index
        %get3A_1096 = tpu.vector_load %arg13[%get3A_1094, %get3A_1095] {strides = array<i32>} : memref<256x64xf32, #tpu.memory_space<vmem>>, vector<16xf32>,
        %mul3A_1097 = arith.mulf %get3A_1093, %get3A_1096 : vector<16xf32>
        %add3A_1098 = arith.addf %add3A_1090, %mul3A_1097 : vector<16xf32>
        %get3A_1099 = arith.index_cast %add3A_1074 : i32 to index
        %get3A_1100 = arith.constant 48 : index
        %get3A_1101 = tpu.vector_load %arg12[%get3A_1099, %get3A_1100] {strides = array<i32>} : memref<256x64xf32, #tpu.memory_space<vmem>>, vector<16xf32>,
        %get3A_1102 = arith.index_cast %add3A_1074 : i32 to index
        %get3A_1103 = arith.constant 48 : index
        %get3A_1104 = tpu.vector_load %arg13[%get3A_1102, %get3A_1103] {strides = array<i32>} : memref<256x64xf32, #tpu.memory_space<vmem>>, vector<16xf32>,
        %mul3A_1105 = arith.mulf %get3A_1101, %get3A_1104 : vector<16xf32>
        %add3A_1106 = arith.addf %add3A_1098, %mul3A_1105 : vector<16xf32>
        %broadcast_in_dim3A_1107 = arith.constant 0.000000e+00 : f32
        %broadcast_in_dim3A_1108 = vector.broadcast %broadcast_in_dim3A_1107 : f32 to vector<16xf32>
        %add3A_1109 = arith.constant 13 : i32
        %add3A_1110 = arith.addi %mul3A_410, %add3A_1109 : i32
        %get3A_1111 = arith.index_cast %add3A_1110 : i32 to index
        %get3A_1112 = arith.constant 0 : index
        %get3A_1113 = tpu.vector_load %arg12[%get3A_1111, %get3A_1112] {strides = array<i32>} : memref<256x64xf32, #tpu.memory_space<vmem>>, vector<16xf32>,
        %get3A_1114 = arith.index_cast %add3A_1110 : i32 to index
        %get3A_1115 = arith.constant 0 : index
        %get3A_1116 = tpu.vector_load %arg13[%get3A_1114, %get3A_1115] {strides = array<i32>} : memref<256x64xf32, #tpu.memory_space<vmem>>, vector<16xf32>,
        %mul3A_1117 = arith.mulf %get3A_1113, %get3A_1116 : vector<16xf32>
        %add3A_1118 = arith.addf %broadcast_in_dim3A_1108, %mul3A_1117 : vector<16xf32>
        %get3A_1119 = arith.index_cast %add3A_1110 : i32 to index
        %get3A_1120 = arith.constant 16 : index
        %get3A_1121 = tpu.vector_load %arg12[%get3A_1119, %get3A_1120] {strides = array<i32>} : memref<256x64xf32, #tpu.memory_space<vmem>>, vector<16xf32>,
        %get3A_1122 = arith.index_cast %add3A_1110 : i32 to index
        %get3A_1123 = arith.constant 16 : index
        %get3A_1124 = tpu.vector_load %arg13[%get3A_1122, %get3A_1123] {strides = array<i32>} : memref<256x64xf32, #tpu.memory_space<vmem>>, vector<16xf32>,
        %mul3A_1125 = arith.mulf %get3A_1121, %get3A_1124 : vector<16xf32>
        %add3A_1126 = arith.addf %add3A_1118, %mul3A_1125 : vector<16xf32>
        %get3A_1127 = arith.index_cast %add3A_1110 : i32 to index
        %get3A_1128 = arith.constant 32 : index
        %get3A_1129 = tpu.vector_load %arg12[%get3A_1127, %get3A_1128] {strides = array<i32>} : memref<256x64xf32, #tpu.memory_space<vmem>>, vector<16xf32>,
        %get3A_1130 = arith.index_cast %add3A_1110 : i32 to index
        %get3A_1131 = arith.constant 32 : index
        %get3A_1132 = tpu.vector_load %arg13[%get3A_1130, %get3A_1131] {strides = array<i32>} : memref<256x64xf32, #tpu.memory_space<vmem>>, vector<16xf32>,
        %mul3A_1133 = arith.mulf %get3A_1129, %get3A_1132 : vector<16xf32>
        %add3A_1134 = arith.addf %add3A_1126, %mul3A_1133 : vector<16xf32>
        %get3A_1135 = arith.index_cast %add3A_1110 : i32 to index
        %get3A_1136 = arith.constant 48 : index
        %get3A_1137 = tpu.vector_load %arg12[%get3A_1135, %get3A_1136] {strides = array<i32>} : memref<256x64xf32, #tpu.memory_space<vmem>>, vector<16xf32>,
        %get3A_1138 = arith.index_cast %add3A_1110 : i32 to index
        %get3A_1139 = arith.constant 48 : index
        %get3A_1140 = tpu.vector_load %arg13[%get3A_1138, %get3A_1139] {strides = array<i32>} : memref<256x64xf32, #tpu.memory_space<vmem>>, vector<16xf32>,
        %mul3A_1141 = arith.mulf %get3A_1137, %get3A_1140 : vector<16xf32>
        %add3A_1142 = arith.addf %add3A_1134, %mul3A_1141 : vector<16xf32>
        %lt3A_1143 = arith.constant 0 : i32
        %lt3A_1144 = vector.broadcast %lt3A_1143 : i32 to vector<16xi32>
        %lt3A_1145 = arith.cmpi slt, %xor3A_215, %lt3A_1144 : vector<16xi32>
        %add3A_1146 = arith.constant 16 : i32
        %add3A_1147 = vector.broadcast %add3A_1146 : i32 to vector<16xi32>
        %add3A_1148 = arith.addi %xor3A_215, %add3A_1147 : vector<16xi32>
        %select_n3A_1149 = arith.select %lt3A_1145, %add3A_1148, %xor3A_215 : vector<16xi1>, vector<16xi32>
        %broadcast_in_dim3A_1150 = vector.shape_cast %select_n3A_1149 : vector<16xi32> to vector<16x1xi32>
        %gather3A_1151 = vector.shape_cast %broadcast_in_dim3A_1150 : vector<16x1xi32> to vector<16xi32>
        %gather3A_1152 = tpu.dynamic_gather %add3A_1106[%gather3A_1151] in [0] : vector<16xf32>, vector<16xi32> -> vector<16xf32>
        %lt3A_1153 = arith.constant 0 : i32
        %lt3A_1154 = vector.broadcast %lt3A_1153 : i32 to vector<16xi32>
        %lt3A_1155 = arith.cmpi slt, %xor3A_215, %lt3A_1154 : vector<16xi32>
        %add3A_1156 = arith.constant 16 : i32
        %add3A_1157 = vector.broadcast %add3A_1156 : i32 to vector<16xi32>
        %add3A_1158 = arith.addi %xor3A_215, %add3A_1157 : vector<16xi32>
        %select_n3A_1159 = arith.select %lt3A_1155, %add3A_1158, %xor3A_215 : vector<16xi1>, vector<16xi32>
        %broadcast_in_dim3A_1160 = vector.shape_cast %select_n3A_1159 : vector<16xi32> to vector<16x1xi32>
        %gather3A_1161 = vector.shape_cast %broadcast_in_dim3A_1160 : vector<16x1xi32> to vector<16xi32>
        %gather3A_1162 = tpu.dynamic_gather %add3A_1142[%gather3A_1161] in [0] : vector<16xf32>, vector<16xi32> -> vector<16xf32>
        %select_n3A_1163 = arith.select %eq3A_195, %add3A_1106, %gather3A_1162 : vector<16xi1>, vector<16xf32>
        %select_n3A_1164 = arith.select %eq3A_195, %gather3A_1152, %add3A_1142 : vector<16xi1>, vector<16xf32>
        %add3A_1165 = arith.addf %select_n3A_1163, %select_n3A_1164 : vector<16xf32>
        %broadcast_in_dim3A_1166 = arith.constant 0.000000e+00 : f32
        %broadcast_in_dim3A_1167 = vector.broadcast %broadcast_in_dim3A_1166 : f32 to vector<16xf32>
        %add3A_1168 = arith.constant 14 : i32
        %add3A_1169 = arith.addi %mul3A_410, %add3A_1168 : i32
        %get3A_1170 = arith.index_cast %add3A_1169 : i32 to index
        %get3A_1171 = arith.constant 0 : index
        %get3A_1172 = tpu.vector_load %arg12[%get3A_1170, %get3A_1171] {strides = array<i32>} : memref<256x64xf32, #tpu.memory_space<vmem>>, vector<16xf32>,
        %get3A_1173 = arith.index_cast %add3A_1169 : i32 to index
        %get3A_1174 = arith.constant 0 : index
        %get3A_1175 = tpu.vector_load %arg13[%get3A_1173, %get3A_1174] {strides = array<i32>} : memref<256x64xf32, #tpu.memory_space<vmem>>, vector<16xf32>,
        %mul3A_1176 = arith.mulf %get3A_1172, %get3A_1175 : vector<16xf32>
        %add3A_1177 = arith.addf %broadcast_in_dim3A_1167, %mul3A_1176 : vector<16xf32>
        %get3A_1178 = arith.index_cast %add3A_1169 : i32 to index
        %get3A_1179 = arith.constant 16 : index
        %get3A_1180 = tpu.vector_load %arg12[%get3A_1178, %get3A_1179] {strides = array<i32>} : memref<256x64xf32, #tpu.memory_space<vmem>>, vector<16xf32>,
        %get3A_1181 = arith.index_cast %add3A_1169 : i32 to index
        %get3A_1182 = arith.constant 16 : index
        %get3A_1183 = tpu.vector_load %arg13[%get3A_1181, %get3A_1182] {strides = array<i32>} : memref<256x64xf32, #tpu.memory_space<vmem>>, vector<16xf32>,
        %mul3A_1184 = arith.mulf %get3A_1180, %get3A_1183 : vector<16xf32>
        %add3A_1185 = arith.addf %add3A_1177, %mul3A_1184 : vector<16xf32>
        %get3A_1186 = arith.index_cast %add3A_1169 : i32 to index
        %get3A_1187 = arith.constant 32 : index
        %get3A_1188 = tpu.vector_load %arg12[%get3A_1186, %get3A_1187] {strides = array<i32>} : memref<256x64xf32, #tpu.memory_space<vmem>>, vector<16xf32>,
        %get3A_1189 = arith.index_cast %add3A_1169 : i32 to index
        %get3A_1190 = arith.constant 32 : index
        %get3A_1191 = tpu.vector_load %arg13[%get3A_1189, %get3A_1190] {strides = array<i32>} : memref<256x64xf32, #tpu.memory_space<vmem>>, vector<16xf32>,
        %mul3A_1192 = arith.mulf %get3A_1188, %get3A_1191 : vector<16xf32>
        %add3A_1193 = arith.addf %add3A_1185, %mul3A_1192 : vector<16xf32>
        %get3A_1194 = arith.index_cast %add3A_1169 : i32 to index
        %get3A_1195 = arith.constant 48 : index
        %get3A_1196 = tpu.vector_load %arg12[%get3A_1194, %get3A_1195] {strides = array<i32>} : memref<256x64xf32, #tpu.memory_space<vmem>>, vector<16xf32>,
        %get3A_1197 = arith.index_cast %add3A_1169 : i32 to index
        %get3A_1198 = arith.constant 48 : index
        %get3A_1199 = tpu.vector_load %arg13[%get3A_1197, %get3A_1198] {strides = array<i32>} : memref<256x64xf32, #tpu.memory_space<vmem>>, vector<16xf32>,
        %mul3A_1200 = arith.mulf %get3A_1196, %get3A_1199 : vector<16xf32>
        %add3A_1201 = arith.addf %add3A_1193, %mul3A_1200 : vector<16xf32>
        %broadcast_in_dim3A_1202 = arith.constant 0.000000e+00 : f32
        %broadcast_in_dim3A_1203 = vector.broadcast %broadcast_in_dim3A_1202 : f32 to vector<16xf32>
        %add3A_1204 = arith.constant 15 : i32
        %add3A_1205 = arith.addi %mul3A_410, %add3A_1204 : i32
        %get3A_1206 = arith.index_cast %add3A_1205 : i32 to index
        %get3A_1207 = arith.constant 0 : index
        %get3A_1208 = tpu.vector_load %arg12[%get3A_1206, %get3A_1207] {strides = array<i32>} : memref<256x64xf32, #tpu.memory_space<vmem>>, vector<16xf32>,
        %get3A_1209 = arith.index_cast %add3A_1205 : i32 to index
        %get3A_1210 = arith.constant 0 : index
        %get3A_1211 = tpu.vector_load %arg13[%get3A_1209, %get3A_1210] {strides = array<i32>} : memref<256x64xf32, #tpu.memory_space<vmem>>, vector<16xf32>,
        %mul3A_1212 = arith.mulf %get3A_1208, %get3A_1211 : vector<16xf32>
        %add3A_1213 = arith.addf %broadcast_in_dim3A_1203, %mul3A_1212 : vector<16xf32>
        %get3A_1214 = arith.index_cast %add3A_1205 : i32 to index
        %get3A_1215 = arith.constant 16 : index
        %get3A_1216 = tpu.vector_load %arg12[%get3A_1214, %get3A_1215] {strides = array<i32>} : memref<256x64xf32, #tpu.memory_space<vmem>>, vector<16xf32>,
        %get3A_1217 = arith.index_cast %add3A_1205 : i32 to index
        %get3A_1218 = arith.constant 16 : index
        %get3A_1219 = tpu.vector_load %arg13[%get3A_1217, %get3A_1218] {strides = array<i32>} : memref<256x64xf32, #tpu.memory_space<vmem>>, vector<16xf32>,
        %mul3A_1220 = arith.mulf %get3A_1216, %get3A_1219 : vector<16xf32>
        %add3A_1221 = arith.addf %add3A_1213, %mul3A_1220 : vector<16xf32>
        %get3A_1222 = arith.index_cast %add3A_1205 : i32 to index
        %get3A_1223 = arith.constant 32 : index
        %get3A_1224 = tpu.vector_load %arg12[%get3A_1222, %get3A_1223] {strides = array<i32>} : memref<256x64xf32, #tpu.memory_space<vmem>>, vector<16xf32>,
        %get3A_1225 = arith.index_cast %add3A_1205 : i32 to index
        %get3A_1226 = arith.constant 32 : index
        %get3A_1227 = tpu.vector_load %arg13[%get3A_1225, %get3A_1226] {strides = array<i32>} : memref<256x64xf32, #tpu.memory_space<vmem>>, vector<16xf32>,
        %mul3A_1228 = arith.mulf %get3A_1224, %get3A_1227 : vector<16xf32>
        %add3A_1229 = arith.addf %add3A_1221, %mul3A_1228 : vector<16xf32>
        %get3A_1230 = arith.index_cast %add3A_1205 : i32 to index
        %get3A_1231 = arith.constant 48 : index
        %get3A_1232 = tpu.vector_load %arg12[%get3A_1230, %get3A_1231] {strides = array<i32>} : memref<256x64xf32, #tpu.memory_space<vmem>>, vector<16xf32>,
        %get3A_1233 = arith.index_cast %add3A_1205 : i32 to index
        %get3A_1234 = arith.constant 48 : index
        %get3A_1235 = tpu.vector_load %arg13[%get3A_1233, %get3A_1234] {strides = array<i32>} : memref<256x64xf32, #tpu.memory_space<vmem>>, vector<16xf32>,
        %mul3A_1236 = arith.mulf %get3A_1232, %get3A_1235 : vector<16xf32>
        %add3A_1237 = arith.addf %add3A_1229, %mul3A_1236 : vector<16xf32>
        %lt3A_1238 = arith.constant 0 : i32
        %lt3A_1239 = vector.broadcast %lt3A_1238 : i32 to vector<16xi32>
        %lt3A_1240 = arith.cmpi slt, %xor3A_215, %lt3A_1239 : vector<16xi32>
        %add3A_1241 = arith.constant 16 : i32
        %add3A_1242 = vector.broadcast %add3A_1241 : i32 to vector<16xi32>
        %add3A_1243 = arith.addi %xor3A_215, %add3A_1242 : vector<16xi32>
        %select_n3A_1244 = arith.select %lt3A_1240, %add3A_1243, %xor3A_215 : vector<16xi1>, vector<16xi32>
        %broadcast_in_dim3A_1245 = vector.shape_cast %select_n3A_1244 : vector<16xi32> to vector<16x1xi32>
        %gather3A_1246 = vector.shape_cast %broadcast_in_dim3A_1245 : vector<16x1xi32> to vector<16xi32>
        %gather3A_1247 = tpu.dynamic_gather %add3A_1201[%gather3A_1246] in [0] : vector<16xf32>, vector<16xi32> -> vector<16xf32>
        %lt3A_1248 = arith.constant 0 : i32
        %lt3A_1249 = vector.broadcast %lt3A_1248 : i32 to vector<16xi32>
        %lt3A_1250 = arith.cmpi slt, %xor3A_215, %lt3A_1249 : vector<16xi32>
        %add3A_1251 = arith.constant 16 : i32
        %add3A_1252 = vector.broadcast %add3A_1251 : i32 to vector<16xi32>
        %add3A_1253 = arith.addi %xor3A_215, %add3A_1252 : vector<16xi32>
        %select_n3A_1254 = arith.select %lt3A_1250, %add3A_1253, %xor3A_215 : vector<16xi1>, vector<16xi32>
        %broadcast_in_dim3A_1255 = vector.shape_cast %select_n3A_1254 : vector<16xi32> to vector<16x1xi32>
        %gather3A_1256 = vector.shape_cast %broadcast_in_dim3A_1255 : vector<16x1xi32> to vector<16xi32>
        %gather3A_1257 = tpu.dynamic_gather %add3A_1237[%gather3A_1256] in [0] : vector<16xf32>, vector<16xi32> -> vector<16xf32>
        %select_n3A_1258 = arith.select %eq3A_195, %add3A_1201, %gather3A_1257 : vector<16xi1>, vector<16xf32>
        %select_n3A_1259 = arith.select %eq3A_195, %gather3A_1247, %add3A_1237 : vector<16xi1>, vector<16xf32>
        %add3A_1260 = arith.addf %select_n3A_1258, %select_n3A_1259 : vector<16xf32>
        %lt3A_1261 = arith.constant 0 : i32
        %lt3A_1262 = vector.broadcast %lt3A_1261 : i32 to vector<16xi32>
        %lt3A_1263 = arith.cmpi slt, %xor3A_218, %lt3A_1262 : vector<16xi32>
        %add3A_1264 = arith.constant 16 : i32
        %add3A_1265 = vector.broadcast %add3A_1264 : i32 to vector<16xi32>
        %add3A_1266 = arith.addi %xor3A_218, %add3A_1265 : vector<16xi32>
        %select_n3A_1267 = arith.select %lt3A_1263, %add3A_1266, %xor3A_218 : vector<16xi1>, vector<16xi32>
        %broadcast_in_dim3A_1268 = vector.shape_cast %select_n3A_1267 : vector<16xi32> to vector<16x1xi32>
        %gather3A_1269 = vector.shape_cast %broadcast_in_dim3A_1268 : vector<16x1xi32> to vector<16xi32>
        %gather3A_1270 = tpu.dynamic_gather %add3A_1165[%gather3A_1269] in [0] : vector<16xf32>, vector<16xi32> -> vector<16xf32>
        %lt3A_1271 = arith.constant 0 : i32
        %lt3A_1272 = vector.broadcast %lt3A_1271 : i32 to vector<16xi32>
        %lt3A_1273 = arith.cmpi slt, %xor3A_218, %lt3A_1272 : vector<16xi32>
        %add3A_1274 = arith.constant 16 : i32
        %add3A_1275 = vector.broadcast %add3A_1274 : i32 to vector<16xi32>
        %add3A_1276 = arith.addi %xor3A_218, %add3A_1275 : vector<16xi32>
        %select_n3A_1277 = arith.select %lt3A_1273, %add3A_1276, %xor3A_218 : vector<16xi1>, vector<16xi32>
        %broadcast_in_dim3A_1278 = vector.shape_cast %select_n3A_1277 : vector<16xi32> to vector<16x1xi32>
        %gather3A_1279 = vector.shape_cast %broadcast_in_dim3A_1278 : vector<16x1xi32> to vector<16xi32>
        %gather3A_1280 = tpu.dynamic_gather %add3A_1260[%gather3A_1279] in [0] : vector<16xf32>, vector<16xi32> -> vector<16xf32>
        %select_n3A_1281 = arith.select %eq3A_201, %add3A_1165, %gather3A_1280 : vector<16xi1>, vector<16xf32>
        %select_n3A_1282 = arith.select %eq3A_201, %gather3A_1270, %add3A_1260 : vector<16xi1>, vector<16xf32>
        %add3A_1283 = arith.addf %select_n3A_1281, %select_n3A_1282 : vector<16xf32>
        %lt3A_1284 = arith.constant 0 : i32
        %lt3A_1285 = vector.broadcast %lt3A_1284 : i32 to vector<16xi32>
        %lt3A_1286 = arith.cmpi slt, %xor3A_221, %lt3A_1285 : vector<16xi32>
        %add3A_1287 = arith.constant 16 : i32
        %add3A_1288 = vector.broadcast %add3A_1287 : i32 to vector<16xi32>
        %add3A_1289 = arith.addi %xor3A_221, %add3A_1288 : vector<16xi32>
        %select_n3A_1290 = arith.select %lt3A_1286, %add3A_1289, %xor3A_221 : vector<16xi1>, vector<16xi32>
        %broadcast_in_dim3A_1291 = vector.shape_cast %select_n3A_1290 : vector<16xi32> to vector<16x1xi32>
        %gather3A_1292 = vector.shape_cast %broadcast_in_dim3A_1291 : vector<16x1xi32> to vector<16xi32>
        %gather3A_1293 = tpu.dynamic_gather %add3A_1070[%gather3A_1292] in [0] : vector<16xf32>, vector<16xi32> -> vector<16xf32>
        %lt3A_1294 = arith.constant 0 : i32
        %lt3A_1295 = vector.broadcast %lt3A_1294 : i32 to vector<16xi32>
        %lt3A_1296 = arith.cmpi slt, %xor3A_221, %lt3A_1295 : vector<16xi32>
        %add3A_1297 = arith.constant 16 : i32
        %add3A_1298 = vector.broadcast %add3A_1297 : i32 to vector<16xi32>
        %add3A_1299 = arith.addi %xor3A_221, %add3A_1298 : vector<16xi32>
        %select_n3A_1300 = arith.select %lt3A_1296, %add3A_1299, %xor3A_221 : vector<16xi1>, vector<16xi32>
        %broadcast_in_dim3A_1301 = vector.shape_cast %select_n3A_1300 : vector<16xi32> to vector<16x1xi32>
        %gather3A_1302 = vector.shape_cast %broadcast_in_dim3A_1301 : vector<16x1xi32> to vector<16xi32>
        %gather3A_1303 = tpu.dynamic_gather %add3A_1283[%gather3A_1302] in [0] : vector<16xf32>, vector<16xi32> -> vector<16xf32>
        %select_n3A_1304 = arith.select %eq3A_207, %add3A_1070, %gather3A_1303 : vector<16xi1>, vector<16xf32>
        %select_n3A_1305 = arith.select %eq3A_207, %gather3A_1293, %add3A_1283 : vector<16xi1>, vector<16xf32>
        %add3A_1306 = arith.addf %select_n3A_1304, %select_n3A_1305 : vector<16xf32>
        %lt3A_1307 = arith.constant 0 : i32
        %lt3A_1308 = vector.broadcast %lt3A_1307 : i32 to vector<16xi32>
        %lt3A_1309 = arith.cmpi slt, %xor3A_224, %lt3A_1308 : vector<16xi32>
        %add3A_1310 = arith.constant 16 : i32
        %add3A_1311 = vector.broadcast %add3A_1310 : i32 to vector<16xi32>
        %add3A_1312 = arith.addi %xor3A_224, %add3A_1311 : vector<16xi32>
        %select_n3A_1313 = arith.select %lt3A_1309, %add3A_1312, %xor3A_224 : vector<16xi1>, vector<16xi32>
        %broadcast_in_dim3A_1314 = vector.shape_cast %select_n3A_1313 : vector<16xi32> to vector<16x1xi32>
        %gather3A_1315 = vector.shape_cast %broadcast_in_dim3A_1314 : vector<16x1xi32> to vector<16xi32>
        %gather3A_1316 = tpu.dynamic_gather %add3A_857[%gather3A_1315] in [0] : vector<16xf32>, vector<16xi32> -> vector<16xf32>
        %lt3A_1317 = arith.constant 0 : i32
        %lt3A_1318 = vector.broadcast %lt3A_1317 : i32 to vector<16xi32>
        %lt3A_1319 = arith.cmpi slt, %xor3A_224, %lt3A_1318 : vector<16xi32>
        %add3A_1320 = arith.constant 16 : i32
        %add3A_1321 = vector.broadcast %add3A_1320 : i32 to vector<16xi32>
        %add3A_1322 = arith.addi %xor3A_224, %add3A_1321 : vector<16xi32>
        %select_n3A_1323 = arith.select %lt3A_1319, %add3A_1322, %xor3A_224 : vector<16xi1>, vector<16xi32>
        %broadcast_in_dim3A_1324 = vector.shape_cast %select_n3A_1323 : vector<16xi32> to vector<16x1xi32>
        %gather3A_1325 = vector.shape_cast %broadcast_in_dim3A_1324 : vector<16x1xi32> to vector<16xi32>
        %gather3A_1326 = tpu.dynamic_gather %add3A_1306[%gather3A_1325] in [0] : vector<16xf32>, vector<16xi32> -> vector<16xf32>
        %select_n3A_1327 = arith.select %eq3A_213, %add3A_857, %gather3A_1326 : vector<16xi1>, vector<16xf32>
        %select_n3A_1328 = arith.select %eq3A_213, %gather3A_1316, %add3A_1306 : vector<16xi1>, vector<16xf32>
        %add3A_1329 = arith.addf %select_n3A_1327, %select_n3A_1328 : vector<16xf32>
        %add3A_1330 = arith.addi %mul3A_189, %mul3A_410 : i32
        %swap3A_1331 = arith.index_cast %add3A_1330 : i32 to index
        %swap3A_1332 = tpu.vector_load %arg18[%swap3A_1331] {strides = array<i32>} : memref<3072xf32, #tpu.memory_space<vmem>>, vector<16xf32>,
        tpu.vector_store %arg18[%swap3A_1331], %add3A_1329 {strides = array<i32>} : memref<3072xf32, #tpu.memory_space<vmem>>, vector<16xf32>,
        %scan3A_1333 = arith.constant 0 : i32
        scf.yield %scan3A_1333 : i32
      }
      %scan3A_231 = arith.constant 16 : i32
      %add3A_232 = arith.constant 3 : i32
      %add3A_233 = arith.addi %mul3A_111, %add3A_232 : i32
      %lt3A_234 = arith.constant 12 : i32
      %lt3A_235 = arith.cmpi slt, %add3A_233, %lt3A_234 : i32
      %convert_element_type3A_236 = arith.extui %lt3A_235 : i1 to i32
      %cond3A_237 = arith.constant 0 : i32
      %cond3A_238 = arith.cmpi ne, %convert_element_type3A_236, %cond3A_237 : i32
      scf.if %cond3A_238 {
        %add3A_407 = arith.constant 3 : i32
        %add3A_408 = arith.addi %mul3A_111, %add3A_407 : i32
        %mul3A_409 = arith.constant 256 : i32
        %mul3A_410 = arith.muli %add3A_408, %mul3A_409 : i32
        %add3A_411 = arith.constant 0 : i32
        %add3A_412 = arith.addi %mul3A_410, %add3A_411 : i32
        %dma_start3A_413 = arith.constant 0 : i32
        %dma_start3A_414 = arith.constant 0 : i32
        %dma_start3A_415 = tpu.memref_slice %arg12[%dma_start3A_413, %dma_start3A_414] : memref<256x64xf32, #tpu.memory_space<vmem>> -> memref<128x64xf32, #tpu.memory_space<vmem>>
        %dma_start3A_416 = tpu.memref_slice %arg10[%add3A_412] : memref<3072xi32, #tpu.memory_space<vmem>> -> memref<128xi32, #tpu.memory_space<vmem>>
        %dma_start3A_417 = arith.constant 0 : i32
        %dma_start3A_418 = arith.constant 0 : i32
        %dma_start3A_419 = tpu.memref_slice %arg7[%dma_start3A_417, %dma_start3A_418] : memref<100000x64xf32, #tpu.memory_space<hbm>> -> memref<100000x64xf32, #tpu.memory_space<hbm>>
        tpu.enqueue_indirect_dma source(%dma_start3A_419 : memref<100000x64xf32, #tpu.memory_space<hbm>>) target(%dma_start3A_415 : memref<128x64xf32, #tpu.memory_space<vmem>>) offsets(%dma_start3A_416 : memref<128xi32, #tpu.memory_space<vmem>>) semaphore(%arg20 : memref<!tpu.dma_semaphore, #tpu.memory_space<semaphore_mem>>)
        %lt3A_420 = arith.constant 2 : i32
        %lt3A_421 = arith.cmpi slt, %add3A_408, %lt3A_420 : i32
        %and3A_422 = arith.andi %lt3A_421, %eq3A_9 : i1
        %convert_element_type3A_423 = arith.extui %and3A_422 : i1 to i32
        %cond3A_424 = arith.constant 0 : i32
        %cond3A_425 = arith.cmpi ne, %convert_element_type3A_423, %cond3A_424 : i32
        scf.if %cond3A_425 {
          %dma_start3A_453 = arith.constant 0 : i32
          %dma_start3A_454 = arith.constant 0 : i32
          %dma_start3A_455 = tpu.memref_slice %arg13[%dma_start3A_453, %dma_start3A_454] : memref<256x64xf32, #tpu.memory_space<vmem>> -> memref<128x64xf32, #tpu.memory_space<vmem>>
          %dma_start3A_456 = tpu.memref_slice %arg11[%add3A_412] : memref<3072xi32, #tpu.memory_space<vmem>> -> memref<128xi32, #tpu.memory_space<vmem>>
          %dma_start3A_457 = arith.constant 0 : i32
          %dma_start3A_458 = arith.constant 0 : i32
          %dma_start3A_459 = tpu.memref_slice %arg7[%dma_start3A_457, %dma_start3A_458] : memref<100000x64xf32, #tpu.memory_space<hbm>> -> memref<100000x64xf32, #tpu.memory_space<hbm>>
          tpu.enqueue_indirect_dma source(%dma_start3A_459 : memref<100000x64xf32, #tpu.memory_space<hbm>>) target(%dma_start3A_455 : memref<128x64xf32, #tpu.memory_space<vmem>>) offsets(%dma_start3A_456 : memref<128xi32, #tpu.memory_space<vmem>>) semaphore(%arg20 : memref<!tpu.dma_semaphore, #tpu.memory_space<semaphore_mem>>)
        } else {
        }
        %not3A_426 = arith.constant true
        %not3A_427 = arith.xori %and3A_422, %not3A_426 : i1
        %convert_element_type3A_428 = arith.extui %not3A_427 : i1 to i32
        %cond3A_429 = arith.constant 0 : i32
        %cond3A_430 = arith.cmpi ne, %convert_element_type3A_428, %cond3A_429 : i32
        scf.if %cond3A_430 {
          %dma_start3A_453 = arith.constant 0 : i32
          %dma_start3A_454 = arith.constant 0 : i32
          %dma_start3A_455 = tpu.memref_slice %arg13[%dma_start3A_453, %dma_start3A_454] : memref<256x64xf32, #tpu.memory_space<vmem>> -> memref<128x64xf32, #tpu.memory_space<vmem>>
          %dma_start3A_456 = tpu.memref_slice %arg11[%add3A_412] : memref<3072xi32, #tpu.memory_space<vmem>> -> memref<128xi32, #tpu.memory_space<vmem>>
          %dma_start3A_457 = arith.constant 0 : i32
          %dma_start3A_458 = arith.constant 0 : i32
          %dma_start3A_459 = tpu.memref_slice %arg8[%dma_start3A_457, %dma_start3A_458] : memref<100000x64xf32, #tpu.memory_space<hbm>> -> memref<100000x64xf32, #tpu.memory_space<hbm>>
          tpu.enqueue_indirect_dma source(%dma_start3A_459 : memref<100000x64xf32, #tpu.memory_space<hbm>>) target(%dma_start3A_455 : memref<128x64xf32, #tpu.memory_space<vmem>>) offsets(%dma_start3A_456 : memref<128xi32, #tpu.memory_space<vmem>>) semaphore(%arg20 : memref<!tpu.dma_semaphore, #tpu.memory_space<semaphore_mem>>)
        } else {
        }
        %mul3A_431 = arith.constant 256 : i32
        %mul3A_432 = arith.muli %add3A_408, %mul3A_431 : i32
        %add3A_433 = arith.constant 128 : i32
        %add3A_434 = arith.addi %mul3A_432, %add3A_433 : i32
        %dma_start3A_435 = arith.constant 128 : i32
        %dma_start3A_436 = arith.constant 0 : i32
        %dma_start3A_437 = tpu.memref_slice %arg12[%dma_start3A_435, %dma_start3A_436] : memref<256x64xf32, #tpu.memory_space<vmem>> -> memref<128x64xf32, #tpu.memory_space<vmem>>
        %dma_start3A_438 = tpu.memref_slice %arg10[%add3A_434] : memref<3072xi32, #tpu.memory_space<vmem>> -> memref<128xi32, #tpu.memory_space<vmem>>
        %dma_start3A_439 = arith.constant 0 : i32
        %dma_start3A_440 = arith.constant 0 : i32
        %dma_start3A_441 = tpu.memref_slice %arg7[%dma_start3A_439, %dma_start3A_440] : memref<100000x64xf32, #tpu.memory_space<hbm>> -> memref<100000x64xf32, #tpu.memory_space<hbm>>
        tpu.enqueue_indirect_dma source(%dma_start3A_441 : memref<100000x64xf32, #tpu.memory_space<hbm>>) target(%dma_start3A_437 : memref<128x64xf32, #tpu.memory_space<vmem>>) offsets(%dma_start3A_438 : memref<128xi32, #tpu.memory_space<vmem>>) semaphore(%arg20 : memref<!tpu.dma_semaphore, #tpu.memory_space<semaphore_mem>>)
        %lt3A_442 = arith.constant 2 : i32
        %lt3A_443 = arith.cmpi slt, %add3A_408, %lt3A_442 : i32
        %and3A_444 = arith.andi %lt3A_443, %eq3A_9 : i1
        %convert_element_type3A_445 = arith.extui %and3A_444 : i1 to i32
        %cond3A_446 = arith.constant 0 : i32
        %cond3A_447 = arith.cmpi ne, %convert_element_type3A_445, %cond3A_446 : i32
        scf.if %cond3A_447 {
          %dma_start3A_453 = arith.constant 128 : i32
          %dma_start3A_454 = arith.constant 0 : i32
          %dma_start3A_455 = tpu.memref_slice %arg13[%dma_start3A_453, %dma_start3A_454] : memref<256x64xf32, #tpu.memory_space<vmem>> -> memref<128x64xf32, #tpu.memory_space<vmem>>
          %dma_start3A_456 = tpu.memref_slice %arg11[%add3A_434] : memref<3072xi32, #tpu.memory_space<vmem>> -> memref<128xi32, #tpu.memory_space<vmem>>
          %dma_start3A_457 = arith.constant 0 : i32
          %dma_start3A_458 = arith.constant 0 : i32
          %dma_start3A_459 = tpu.memref_slice %arg7[%dma_start3A_457, %dma_start3A_458] : memref<100000x64xf32, #tpu.memory_space<hbm>> -> memref<100000x64xf32, #tpu.memory_space<hbm>>
          tpu.enqueue_indirect_dma source(%dma_start3A_459 : memref<100000x64xf32, #tpu.memory_space<hbm>>) target(%dma_start3A_455 : memref<128x64xf32, #tpu.memory_space<vmem>>) offsets(%dma_start3A_456 : memref<128xi32, #tpu.memory_space<vmem>>) semaphore(%arg20 : memref<!tpu.dma_semaphore, #tpu.memory_space<semaphore_mem>>)
        } else {
        }
        %not3A_448 = arith.constant true
        %not3A_449 = arith.xori %and3A_444, %not3A_448 : i1
        %convert_element_type3A_450 = arith.extui %not3A_449 : i1 to i32
        %cond3A_451 = arith.constant 0 : i32
        %cond3A_452 = arith.cmpi ne, %convert_element_type3A_450, %cond3A_451 : i32
        scf.if %cond3A_452 {
          %dma_start3A_453 = arith.constant 128 : i32
          %dma_start3A_454 = arith.constant 0 : i32
          %dma_start3A_455 = tpu.memref_slice %arg13[%dma_start3A_453, %dma_start3A_454] : memref<256x64xf32, #tpu.memory_space<vmem>> -> memref<128x64xf32, #tpu.memory_space<vmem>>
          %dma_start3A_456 = tpu.memref_slice %arg11[%add3A_434] : memref<3072xi32, #tpu.memory_space<vmem>> -> memref<128xi32, #tpu.memory_space<vmem>>
          %dma_start3A_457 = arith.constant 0 : i32
          %dma_start3A_458 = arith.constant 0 : i32
          %dma_start3A_459 = tpu.memref_slice %arg8[%dma_start3A_457, %dma_start3A_458] : memref<100000x64xf32, #tpu.memory_space<hbm>> -> memref<100000x64xf32, #tpu.memory_space<hbm>>
          tpu.enqueue_indirect_dma source(%dma_start3A_459 : memref<100000x64xf32, #tpu.memory_space<hbm>>) target(%dma_start3A_455 : memref<128x64xf32, #tpu.memory_space<vmem>>) offsets(%dma_start3A_456 : memref<128xi32, #tpu.memory_space<vmem>>) semaphore(%arg20 : memref<!tpu.dma_semaphore, #tpu.memory_space<semaphore_mem>>)
        } else {
        }
      } else {
      }
      %add3A_239 = arith.constant 1 : i32
      %add3A_240 = arith.addi %mul3A_111, %add3A_239 : i32
      %dma_wait3A_241 = arith.constant 0 : i32
      %dma_wait3A_242 = arith.constant 0 : i32
      %dma_wait3A_243 = tpu.memref_slice %arg14[%dma_wait3A_241, %dma_wait3A_242] : memref<256x64xf32, #tpu.memory_space<vmem>> -> memref<128x64xf32, #tpu.memory_space<vmem>>
      %dma_wait3A_244 = arith.constant 0 : i32
      %dma_wait3A_245 = tpu.memref_slice %arg10[%dma_wait3A_244] : memref<3072xi32, #tpu.memory_space<vmem>> -> memref<128xi32, #tpu.memory_space<vmem>>
      %dma_wait3A_246 = arith.constant 0 : i32
      %dma_wait3A_247 = arith.constant 0 : i32
      %dma_wait3A_248 = tpu.memref_slice %arg7[%dma_wait3A_246, %dma_wait3A_247] : memref<100000x64xf32, #tpu.memory_space<hbm>> -> memref<100000x64xf32, #tpu.memory_space<hbm>>
      tpu.wait_indirect_dma semaphore(%arg21 : memref<!tpu.dma_semaphore, #tpu.memory_space<semaphore_mem>>) src(%dma_wait3A_248 : memref<100000x64xf32, #tpu.memory_space<hbm>>) dst(%dma_wait3A_243 : memref<128x64xf32, #tpu.memory_space<vmem>>)
      %dma_wait3A_249 = arith.constant 0 : i32
      %dma_wait3A_250 = arith.constant 0 : i32
      %dma_wait3A_251 = tpu.memref_slice %arg15[%dma_wait3A_249, %dma_wait3A_250] : memref<256x64xf32, #tpu.memory_space<vmem>> -> memref<128x64xf32, #tpu.memory_space<vmem>>
      %dma_wait3A_252 = arith.constant 0 : i32
      %dma_wait3A_253 = tpu.memref_slice %arg10[%dma_wait3A_252] : memref<3072xi32, #tpu.memory_space<vmem>> -> memref<128xi32, #tpu.memory_space<vmem>>
      %dma_wait3A_254 = arith.constant 0 : i32
      %dma_wait3A_255 = arith.constant 0 : i32
      %dma_wait3A_256 = tpu.memref_slice %arg7[%dma_wait3A_254, %dma_wait3A_255] : memref<100000x64xf32, #tpu.memory_space<hbm>> -> memref<100000x64xf32, #tpu.memory_space<hbm>>
      tpu.wait_indirect_dma semaphore(%arg21 : memref<!tpu.dma_semaphore, #tpu.memory_space<semaphore_mem>>) src(%dma_wait3A_256 : memref<100000x64xf32, #tpu.memory_space<hbm>>) dst(%dma_wait3A_251 : memref<128x64xf32, #tpu.memory_space<vmem>>)
      %dma_wait3A_257 = arith.constant 128 : i32
      %dma_wait3A_258 = arith.constant 0 : i32
      %dma_wait3A_259 = tpu.memref_slice %arg14[%dma_wait3A_257, %dma_wait3A_258] : memref<256x64xf32, #tpu.memory_space<vmem>> -> memref<128x64xf32, #tpu.memory_space<vmem>>
      %dma_wait3A_260 = arith.constant 0 : i32
      %dma_wait3A_261 = tpu.memref_slice %arg10[%dma_wait3A_260] : memref<3072xi32, #tpu.memory_space<vmem>> -> memref<128xi32, #tpu.memory_space<vmem>>
      %dma_wait3A_262 = arith.constant 0 : i32
      %dma_wait3A_263 = arith.constant 0 : i32
      %dma_wait3A_264 = tpu.memref_slice %arg7[%dma_wait3A_262, %dma_wait3A_263] : memref<100000x64xf32, #tpu.memory_space<hbm>> -> memref<100000x64xf32, #tpu.memory_space<hbm>>
      tpu.wait_indirect_dma semaphore(%arg21 : memref<!tpu.dma_semaphore, #tpu.memory_space<semaphore_mem>>) src(%dma_wait3A_264 : memref<100000x64xf32, #tpu.memory_space<hbm>>) dst(%dma_wait3A_259 : memref<128x64xf32, #tpu.memory_space<vmem>>)
      %dma_wait3A_265 = arith.constant 128 : i32
      %dma_wait3A_266 = arith.constant 0 : i32
      %dma_wait3A_267 = tpu.memref_slice %arg15[%dma_wait3A_265, %dma_wait3A_266] : memref<256x64xf32, #tpu.memory_space<vmem>> -> memref<128x64xf32, #tpu.memory_space<vmem>>
      %dma_wait3A_268 = arith.constant 0 : i32
      %dma_wait3A_269 = tpu.memref_slice %arg10[%dma_wait3A_268] : memref<3072xi32, #tpu.memory_space<vmem>> -> memref<128xi32, #tpu.memory_space<vmem>>
      %dma_wait3A_270 = arith.constant 0 : i32
      %dma_wait3A_271 = arith.constant 0 : i32
      %dma_wait3A_272 = tpu.memref_slice %arg7[%dma_wait3A_270, %dma_wait3A_271] : memref<100000x64xf32, #tpu.memory_space<hbm>> -> memref<100000x64xf32, #tpu.memory_space<hbm>>
      tpu.wait_indirect_dma semaphore(%arg21 : memref<!tpu.dma_semaphore, #tpu.memory_space<semaphore_mem>>) src(%dma_wait3A_272 : memref<100000x64xf32, #tpu.memory_space<hbm>>) dst(%dma_wait3A_267 : memref<128x64xf32, #tpu.memory_space<vmem>>)
      %mul3A_273 = arith.constant 256 : i32
      %mul3A_274 = arith.muli %add3A_240, %mul3A_273 : i32
      %iota3A_275 = tpu.iota {dimensions = array<i32: 0>} : vector<16xi32>
      %and3A_276 = arith.constant 8 : i32
      %and3A_277 = vector.broadcast %and3A_276 : i32 to vector<16xi32>
      %and3A_278 = arith.andi %iota3A_275, %and3A_277 : vector<16xi32>
      %eq3A_279 = arith.constant 0 : i32
      %eq3A_280 = vector.broadcast %eq3A_279 : i32 to vector<16xi32>
      %eq3A_281 = arith.cmpi eq, %and3A_278, %eq3A_280 : vector<16xi32>
      %and3A_282 = arith.constant 4 : i32
      %and3A_283 = vector.broadcast %and3A_282 : i32 to vector<16xi32>
      %and3A_284 = arith.andi %iota3A_275, %and3A_283 : vector<16xi32>
      %eq3A_285 = arith.constant 0 : i32
      %eq3A_286 = vector.broadcast %eq3A_285 : i32 to vector<16xi32>
      %eq3A_287 = arith.cmpi eq, %and3A_284, %eq3A_286 : vector<16xi32>
      %and3A_288 = arith.constant 2 : i32
      %and3A_289 = vector.broadcast %and3A_288 : i32 to vector<16xi32>
      %and3A_290 = arith.andi %iota3A_275, %and3A_289 : vector<16xi32>
      %eq3A_291 = arith.constant 0 : i32
      %eq3A_292 = vector.broadcast %eq3A_291 : i32 to vector<16xi32>
      %eq3A_293 = arith.cmpi eq, %and3A_290, %eq3A_292 : vector<16xi32>
      %and3A_294 = arith.constant 1 : i32
      %and3A_295 = vector.broadcast %and3A_294 : i32 to vector<16xi32>
      %and3A_296 = arith.andi %iota3A_275, %and3A_295 : vector<16xi32>
      %eq3A_297 = arith.constant 0 : i32
      %eq3A_298 = vector.broadcast %eq3A_297 : i32 to vector<16xi32>
      %eq3A_299 = arith.cmpi eq, %and3A_296, %eq3A_298 : vector<16xi32>
      %xor3A_300 = arith.constant 8 : i32
      %xor3A_301 = vector.broadcast %xor3A_300 : i32 to vector<16xi32>
      %xor3A_302 = arith.xori %iota3A_275, %xor3A_301 : vector<16xi32>
      %xor3A_303 = arith.constant 4 : i32
      %xor3A_304 = vector.broadcast %xor3A_303 : i32 to vector<16xi32>
      %xor3A_305 = arith.xori %iota3A_275, %xor3A_304 : vector<16xi32>
      %xor3A_306 = arith.constant 2 : i32
      %xor3A_307 = vector.broadcast %xor3A_306 : i32 to vector<16xi32>
      %xor3A_308 = arith.xori %iota3A_275, %xor3A_307 : vector<16xi32>
      %xor3A_309 = arith.constant 1 : i32
      %xor3A_310 = vector.broadcast %xor3A_309 : i32 to vector<16xi32>
      %xor3A_311 = arith.xori %iota3A_275, %xor3A_310 : vector<16xi32>
      %scan3A_312 = arith.constant 0 : i32
      %scan3A_313 = arith.constant 0 : i32
      %scan3A_314 = arith.constant 16 : i32
      %scan3A_315 = arith.addi %scan3A_313, %scan3A_314 : i32
      %scan3A_316 = arith.constant 1 : i32
      %scan3A_317 = scf.for %scan3A_407 = %scan3A_313 to %scan3A_315 step %scan3A_316 iter_args(%scan3A_408 = %scan3A_312) -> (i32)  : i32 {
        %mul3A_409 = arith.constant 16 : i32
        %mul3A_410 = arith.muli %scan3A_407, %mul3A_409 : i32
        %broadcast_in_dim3A_411 = arith.constant 0.000000e+00 : f32
        %broadcast_in_dim3A_412 = vector.broadcast %broadcast_in_dim3A_411 : f32 to vector<16xf32>
        %add3A_413 = arith.constant 0 : i32
        %add3A_414 = arith.addi %mul3A_410, %add3A_413 : i32
        %get3A_415 = arith.index_cast %add3A_414 : i32 to index
        %get3A_416 = arith.constant 0 : index
        %get3A_417 = tpu.vector_load %arg14[%get3A_415, %get3A_416] {strides = array<i32>} : memref<256x64xf32, #tpu.memory_space<vmem>>, vector<16xf32>,
        %get3A_418 = arith.index_cast %add3A_414 : i32 to index
        %get3A_419 = arith.constant 0 : index
        %get3A_420 = tpu.vector_load %arg15[%get3A_418, %get3A_419] {strides = array<i32>} : memref<256x64xf32, #tpu.memory_space<vmem>>, vector<16xf32>,
        %mul3A_421 = arith.mulf %get3A_417, %get3A_420 : vector<16xf32>
        %add3A_422 = arith.addf %broadcast_in_dim3A_412, %mul3A_421 : vector<16xf32>
        %get3A_423 = arith.index_cast %add3A_414 : i32 to index
        %get3A_424 = arith.constant 16 : index
        %get3A_425 = tpu.vector_load %arg14[%get3A_423, %get3A_424] {strides = array<i32>} : memref<256x64xf32, #tpu.memory_space<vmem>>, vector<16xf32>,
        %get3A_426 = arith.index_cast %add3A_414 : i32 to index
        %get3A_427 = arith.constant 16 : index
        %get3A_428 = tpu.vector_load %arg15[%get3A_426, %get3A_427] {strides = array<i32>} : memref<256x64xf32, #tpu.memory_space<vmem>>, vector<16xf32>,
        %mul3A_429 = arith.mulf %get3A_425, %get3A_428 : vector<16xf32>
        %add3A_430 = arith.addf %add3A_422, %mul3A_429 : vector<16xf32>
        %get3A_431 = arith.index_cast %add3A_414 : i32 to index
        %get3A_432 = arith.constant 32 : index
        %get3A_433 = tpu.vector_load %arg14[%get3A_431, %get3A_432] {strides = array<i32>} : memref<256x64xf32, #tpu.memory_space<vmem>>, vector<16xf32>,
        %get3A_434 = arith.index_cast %add3A_414 : i32 to index
        %get3A_435 = arith.constant 32 : index
        %get3A_436 = tpu.vector_load %arg15[%get3A_434, %get3A_435] {strides = array<i32>} : memref<256x64xf32, #tpu.memory_space<vmem>>, vector<16xf32>,
        %mul3A_437 = arith.mulf %get3A_433, %get3A_436 : vector<16xf32>
        %add3A_438 = arith.addf %add3A_430, %mul3A_437 : vector<16xf32>
        %get3A_439 = arith.index_cast %add3A_414 : i32 to index
        %get3A_440 = arith.constant 48 : index
        %get3A_441 = tpu.vector_load %arg14[%get3A_439, %get3A_440] {strides = array<i32>} : memref<256x64xf32, #tpu.memory_space<vmem>>, vector<16xf32>,
        %get3A_442 = arith.index_cast %add3A_414 : i32 to index
        %get3A_443 = arith.constant 48 : index
        %get3A_444 = tpu.vector_load %arg15[%get3A_442, %get3A_443] {strides = array<i32>} : memref<256x64xf32, #tpu.memory_space<vmem>>, vector<16xf32>,
        %mul3A_445 = arith.mulf %get3A_441, %get3A_444 : vector<16xf32>
        %add3A_446 = arith.addf %add3A_438, %mul3A_445 : vector<16xf32>
        %broadcast_in_dim3A_447 = arith.constant 0.000000e+00 : f32
        %broadcast_in_dim3A_448 = vector.broadcast %broadcast_in_dim3A_447 : f32 to vector<16xf32>
        %add3A_449 = arith.constant 1 : i32
        %add3A_450 = arith.addi %mul3A_410, %add3A_449 : i32
        %get3A_451 = arith.index_cast %add3A_450 : i32 to index
        %get3A_452 = arith.constant 0 : index
        %get3A_453 = tpu.vector_load %arg14[%get3A_451, %get3A_452] {strides = array<i32>} : memref<256x64xf32, #tpu.memory_space<vmem>>, vector<16xf32>,
        %get3A_454 = arith.index_cast %add3A_450 : i32 to index
        %get3A_455 = arith.constant 0 : index
        %get3A_456 = tpu.vector_load %arg15[%get3A_454, %get3A_455] {strides = array<i32>} : memref<256x64xf32, #tpu.memory_space<vmem>>, vector<16xf32>,
        %mul3A_457 = arith.mulf %get3A_453, %get3A_456 : vector<16xf32>
        %add3A_458 = arith.addf %broadcast_in_dim3A_448, %mul3A_457 : vector<16xf32>
        %get3A_459 = arith.index_cast %add3A_450 : i32 to index
        %get3A_460 = arith.constant 16 : index
        %get3A_461 = tpu.vector_load %arg14[%get3A_459, %get3A_460] {strides = array<i32>} : memref<256x64xf32, #tpu.memory_space<vmem>>, vector<16xf32>,
        %get3A_462 = arith.index_cast %add3A_450 : i32 to index
        %get3A_463 = arith.constant 16 : index
        %get3A_464 = tpu.vector_load %arg15[%get3A_462, %get3A_463] {strides = array<i32>} : memref<256x64xf32, #tpu.memory_space<vmem>>, vector<16xf32>,
        %mul3A_465 = arith.mulf %get3A_461, %get3A_464 : vector<16xf32>
        %add3A_466 = arith.addf %add3A_458, %mul3A_465 : vector<16xf32>
        %get3A_467 = arith.index_cast %add3A_450 : i32 to index
        %get3A_468 = arith.constant 32 : index
        %get3A_469 = tpu.vector_load %arg14[%get3A_467, %get3A_468] {strides = array<i32>} : memref<256x64xf32, #tpu.memory_space<vmem>>, vector<16xf32>,
        %get3A_470 = arith.index_cast %add3A_450 : i32 to index
        %get3A_471 = arith.constant 32 : index
        %get3A_472 = tpu.vector_load %arg15[%get3A_470, %get3A_471] {strides = array<i32>} : memref<256x64xf32, #tpu.memory_space<vmem>>, vector<16xf32>,
        %mul3A_473 = arith.mulf %get3A_469, %get3A_472 : vector<16xf32>
        %add3A_474 = arith.addf %add3A_466, %mul3A_473 : vector<16xf32>
        %get3A_475 = arith.index_cast %add3A_450 : i32 to index
        %get3A_476 = arith.constant 48 : index
        %get3A_477 = tpu.vector_load %arg14[%get3A_475, %get3A_476] {strides = array<i32>} : memref<256x64xf32, #tpu.memory_space<vmem>>, vector<16xf32>,
        %get3A_478 = arith.index_cast %add3A_450 : i32 to index
        %get3A_479 = arith.constant 48 : index
        %get3A_480 = tpu.vector_load %arg15[%get3A_478, %get3A_479] {strides = array<i32>} : memref<256x64xf32, #tpu.memory_space<vmem>>, vector<16xf32>,
        %mul3A_481 = arith.mulf %get3A_477, %get3A_480 : vector<16xf32>
        %add3A_482 = arith.addf %add3A_474, %mul3A_481 : vector<16xf32>
        %lt3A_483 = arith.constant 0 : i32
        %lt3A_484 = vector.broadcast %lt3A_483 : i32 to vector<16xi32>
        %lt3A_485 = arith.cmpi slt, %xor3A_302, %lt3A_484 : vector<16xi32>
        %add3A_486 = arith.constant 16 : i32
        %add3A_487 = vector.broadcast %add3A_486 : i32 to vector<16xi32>
        %add3A_488 = arith.addi %xor3A_302, %add3A_487 : vector<16xi32>
        %select_n3A = arith.select %lt3A_485, %add3A_488, %xor3A_302 : vector<16xi1>, vector<16xi32>
        %broadcast_in_dim3A_489 = vector.shape_cast %select_n3A : vector<16xi32> to vector<16x1xi32>
        %gather3A = vector.shape_cast %broadcast_in_dim3A_489 : vector<16x1xi32> to vector<16xi32>
        %gather3A_490 = tpu.dynamic_gather %add3A_446[%gather3A] in [0] : vector<16xf32>, vector<16xi32> -> vector<16xf32>
        %lt3A_491 = arith.constant 0 : i32
        %lt3A_492 = vector.broadcast %lt3A_491 : i32 to vector<16xi32>
        %lt3A_493 = arith.cmpi slt, %xor3A_302, %lt3A_492 : vector<16xi32>
        %add3A_494 = arith.constant 16 : i32
        %add3A_495 = vector.broadcast %add3A_494 : i32 to vector<16xi32>
        %add3A_496 = arith.addi %xor3A_302, %add3A_495 : vector<16xi32>
        %select_n3A_497 = arith.select %lt3A_493, %add3A_496, %xor3A_302 : vector<16xi1>, vector<16xi32>
        %broadcast_in_dim3A_498 = vector.shape_cast %select_n3A_497 : vector<16xi32> to vector<16x1xi32>
        %gather3A_499 = vector.shape_cast %broadcast_in_dim3A_498 : vector<16x1xi32> to vector<16xi32>
        %gather3A_500 = tpu.dynamic_gather %add3A_482[%gather3A_499] in [0] : vector<16xf32>, vector<16xi32> -> vector<16xf32>
        %select_n3A_501 = arith.select %eq3A_281, %add3A_446, %gather3A_500 : vector<16xi1>, vector<16xf32>
        %select_n3A_502 = arith.select %eq3A_281, %gather3A_490, %add3A_482 : vector<16xi1>, vector<16xf32>
        %add3A_503 = arith.addf %select_n3A_501, %select_n3A_502 : vector<16xf32>
        %broadcast_in_dim3A_504 = arith.constant 0.000000e+00 : f32
        %broadcast_in_dim3A_505 = vector.broadcast %broadcast_in_dim3A_504 : f32 to vector<16xf32>
        %add3A_506 = arith.constant 2 : i32
        %add3A_507 = arith.addi %mul3A_410, %add3A_506 : i32
        %get3A_508 = arith.index_cast %add3A_507 : i32 to index
        %get3A_509 = arith.constant 0 : index
        %get3A_510 = tpu.vector_load %arg14[%get3A_508, %get3A_509] {strides = array<i32>} : memref<256x64xf32, #tpu.memory_space<vmem>>, vector<16xf32>,
        %get3A_511 = arith.index_cast %add3A_507 : i32 to index
        %get3A_512 = arith.constant 0 : index
        %get3A_513 = tpu.vector_load %arg15[%get3A_511, %get3A_512] {strides = array<i32>} : memref<256x64xf32, #tpu.memory_space<vmem>>, vector<16xf32>,
        %mul3A_514 = arith.mulf %get3A_510, %get3A_513 : vector<16xf32>
        %add3A_515 = arith.addf %broadcast_in_dim3A_505, %mul3A_514 : vector<16xf32>
        %get3A_516 = arith.index_cast %add3A_507 : i32 to index
        %get3A_517 = arith.constant 16 : index
        %get3A_518 = tpu.vector_load %arg14[%get3A_516, %get3A_517] {strides = array<i32>} : memref<256x64xf32, #tpu.memory_space<vmem>>, vector<16xf32>,
        %get3A_519 = arith.index_cast %add3A_507 : i32 to index
        %get3A_520 = arith.constant 16 : index
        %get3A_521 = tpu.vector_load %arg15[%get3A_519, %get3A_520] {strides = array<i32>} : memref<256x64xf32, #tpu.memory_space<vmem>>, vector<16xf32>,
        %mul3A_522 = arith.mulf %get3A_518, %get3A_521 : vector<16xf32>
        %add3A_523 = arith.addf %add3A_515, %mul3A_522 : vector<16xf32>
        %get3A_524 = arith.index_cast %add3A_507 : i32 to index
        %get3A_525 = arith.constant 32 : index
        %get3A_526 = tpu.vector_load %arg14[%get3A_524, %get3A_525] {strides = array<i32>} : memref<256x64xf32, #tpu.memory_space<vmem>>, vector<16xf32>,
        %get3A_527 = arith.index_cast %add3A_507 : i32 to index
        %get3A_528 = arith.constant 32 : index
        %get3A_529 = tpu.vector_load %arg15[%get3A_527, %get3A_528] {strides = array<i32>} : memref<256x64xf32, #tpu.memory_space<vmem>>, vector<16xf32>,
        %mul3A_530 = arith.mulf %get3A_526, %get3A_529 : vector<16xf32>
        %add3A_531 = arith.addf %add3A_523, %mul3A_530 : vector<16xf32>
        %get3A_532 = arith.index_cast %add3A_507 : i32 to index
        %get3A_533 = arith.constant 48 : index
        %get3A_534 = tpu.vector_load %arg14[%get3A_532, %get3A_533] {strides = array<i32>} : memref<256x64xf32, #tpu.memory_space<vmem>>, vector<16xf32>,
        %get3A_535 = arith.index_cast %add3A_507 : i32 to index
        %get3A_536 = arith.constant 48 : index
        %get3A_537 = tpu.vector_load %arg15[%get3A_535, %get3A_536] {strides = array<i32>} : memref<256x64xf32, #tpu.memory_space<vmem>>, vector<16xf32>,
        %mul3A_538 = arith.mulf %get3A_534, %get3A_537 : vector<16xf32>
        %add3A_539 = arith.addf %add3A_531, %mul3A_538 : vector<16xf32>
        %broadcast_in_dim3A_540 = arith.constant 0.000000e+00 : f32
        %broadcast_in_dim3A_541 = vector.broadcast %broadcast_in_dim3A_540 : f32 to vector<16xf32>
        %add3A_542 = arith.constant 3 : i32
        %add3A_543 = arith.addi %mul3A_410, %add3A_542 : i32
        %get3A_544 = arith.index_cast %add3A_543 : i32 to index
        %get3A_545 = arith.constant 0 : index
        %get3A_546 = tpu.vector_load %arg14[%get3A_544, %get3A_545] {strides = array<i32>} : memref<256x64xf32, #tpu.memory_space<vmem>>, vector<16xf32>,
        %get3A_547 = arith.index_cast %add3A_543 : i32 to index
        %get3A_548 = arith.constant 0 : index
        %get3A_549 = tpu.vector_load %arg15[%get3A_547, %get3A_548] {strides = array<i32>} : memref<256x64xf32, #tpu.memory_space<vmem>>, vector<16xf32>,
        %mul3A_550 = arith.mulf %get3A_546, %get3A_549 : vector<16xf32>
        %add3A_551 = arith.addf %broadcast_in_dim3A_541, %mul3A_550 : vector<16xf32>
        %get3A_552 = arith.index_cast %add3A_543 : i32 to index
        %get3A_553 = arith.constant 16 : index
        %get3A_554 = tpu.vector_load %arg14[%get3A_552, %get3A_553] {strides = array<i32>} : memref<256x64xf32, #tpu.memory_space<vmem>>, vector<16xf32>,
        %get3A_555 = arith.index_cast %add3A_543 : i32 to index
        %get3A_556 = arith.constant 16 : index
        %get3A_557 = tpu.vector_load %arg15[%get3A_555, %get3A_556] {strides = array<i32>} : memref<256x64xf32, #tpu.memory_space<vmem>>, vector<16xf32>,
        %mul3A_558 = arith.mulf %get3A_554, %get3A_557 : vector<16xf32>
        %add3A_559 = arith.addf %add3A_551, %mul3A_558 : vector<16xf32>
        %get3A_560 = arith.index_cast %add3A_543 : i32 to index
        %get3A_561 = arith.constant 32 : index
        %get3A_562 = tpu.vector_load %arg14[%get3A_560, %get3A_561] {strides = array<i32>} : memref<256x64xf32, #tpu.memory_space<vmem>>, vector<16xf32>,
        %get3A_563 = arith.index_cast %add3A_543 : i32 to index
        %get3A_564 = arith.constant 32 : index
        %get3A_565 = tpu.vector_load %arg15[%get3A_563, %get3A_564] {strides = array<i32>} : memref<256x64xf32, #tpu.memory_space<vmem>>, vector<16xf32>,
        %mul3A_566 = arith.mulf %get3A_562, %get3A_565 : vector<16xf32>
        %add3A_567 = arith.addf %add3A_559, %mul3A_566 : vector<16xf32>
        %get3A_568 = arith.index_cast %add3A_543 : i32 to index
        %get3A_569 = arith.constant 48 : index
        %get3A_570 = tpu.vector_load %arg14[%get3A_568, %get3A_569] {strides = array<i32>} : memref<256x64xf32, #tpu.memory_space<vmem>>, vector<16xf32>,
        %get3A_571 = arith.index_cast %add3A_543 : i32 to index
        %get3A_572 = arith.constant 48 : index
        %get3A_573 = tpu.vector_load %arg15[%get3A_571, %get3A_572] {strides = array<i32>} : memref<256x64xf32, #tpu.memory_space<vmem>>, vector<16xf32>,
        %mul3A_574 = arith.mulf %get3A_570, %get3A_573 : vector<16xf32>
        %add3A_575 = arith.addf %add3A_567, %mul3A_574 : vector<16xf32>
        %lt3A_576 = arith.constant 0 : i32
        %lt3A_577 = vector.broadcast %lt3A_576 : i32 to vector<16xi32>
        %lt3A_578 = arith.cmpi slt, %xor3A_302, %lt3A_577 : vector<16xi32>
        %add3A_579 = arith.constant 16 : i32
        %add3A_580 = vector.broadcast %add3A_579 : i32 to vector<16xi32>
        %add3A_581 = arith.addi %xor3A_302, %add3A_580 : vector<16xi32>
        %select_n3A_582 = arith.select %lt3A_578, %add3A_581, %xor3A_302 : vector<16xi1>, vector<16xi32>
        %broadcast_in_dim3A_583 = vector.shape_cast %select_n3A_582 : vector<16xi32> to vector<16x1xi32>
        %gather3A_584 = vector.shape_cast %broadcast_in_dim3A_583 : vector<16x1xi32> to vector<16xi32>
        %gather3A_585 = tpu.dynamic_gather %add3A_539[%gather3A_584] in [0] : vector<16xf32>, vector<16xi32> -> vector<16xf32>
        %lt3A_586 = arith.constant 0 : i32
        %lt3A_587 = vector.broadcast %lt3A_586 : i32 to vector<16xi32>
        %lt3A_588 = arith.cmpi slt, %xor3A_302, %lt3A_587 : vector<16xi32>
        %add3A_589 = arith.constant 16 : i32
        %add3A_590 = vector.broadcast %add3A_589 : i32 to vector<16xi32>
        %add3A_591 = arith.addi %xor3A_302, %add3A_590 : vector<16xi32>
        %select_n3A_592 = arith.select %lt3A_588, %add3A_591, %xor3A_302 : vector<16xi1>, vector<16xi32>
        %broadcast_in_dim3A_593 = vector.shape_cast %select_n3A_592 : vector<16xi32> to vector<16x1xi32>
        %gather3A_594 = vector.shape_cast %broadcast_in_dim3A_593 : vector<16x1xi32> to vector<16xi32>
        %gather3A_595 = tpu.dynamic_gather %add3A_575[%gather3A_594] in [0] : vector<16xf32>, vector<16xi32> -> vector<16xf32>
        %select_n3A_596 = arith.select %eq3A_281, %add3A_539, %gather3A_595 : vector<16xi1>, vector<16xf32>
        %select_n3A_597 = arith.select %eq3A_281, %gather3A_585, %add3A_575 : vector<16xi1>, vector<16xf32>
        %add3A_598 = arith.addf %select_n3A_596, %select_n3A_597 : vector<16xf32>
        %lt3A_599 = arith.constant 0 : i32
        %lt3A_600 = vector.broadcast %lt3A_599 : i32 to vector<16xi32>
        %lt3A_601 = arith.cmpi slt, %xor3A_305, %lt3A_600 : vector<16xi32>
        %add3A_602 = arith.constant 16 : i32
        %add3A_603 = vector.broadcast %add3A_602 : i32 to vector<16xi32>
        %add3A_604 = arith.addi %xor3A_305, %add3A_603 : vector<16xi32>
        %select_n3A_605 = arith.select %lt3A_601, %add3A_604, %xor3A_305 : vector<16xi1>, vector<16xi32>
        %broadcast_in_dim3A_606 = vector.shape_cast %select_n3A_605 : vector<16xi32> to vector<16x1xi32>
        %gather3A_607 = vector.shape_cast %broadcast_in_dim3A_606 : vector<16x1xi32> to vector<16xi32>
        %gather3A_608 = tpu.dynamic_gather %add3A_503[%gather3A_607] in [0] : vector<16xf32>, vector<16xi32> -> vector<16xf32>
        %lt3A_609 = arith.constant 0 : i32
        %lt3A_610 = vector.broadcast %lt3A_609 : i32 to vector<16xi32>
        %lt3A_611 = arith.cmpi slt, %xor3A_305, %lt3A_610 : vector<16xi32>
        %add3A_612 = arith.constant 16 : i32
        %add3A_613 = vector.broadcast %add3A_612 : i32 to vector<16xi32>
        %add3A_614 = arith.addi %xor3A_305, %add3A_613 : vector<16xi32>
        %select_n3A_615 = arith.select %lt3A_611, %add3A_614, %xor3A_305 : vector<16xi1>, vector<16xi32>
        %broadcast_in_dim3A_616 = vector.shape_cast %select_n3A_615 : vector<16xi32> to vector<16x1xi32>
        %gather3A_617 = vector.shape_cast %broadcast_in_dim3A_616 : vector<16x1xi32> to vector<16xi32>
        %gather3A_618 = tpu.dynamic_gather %add3A_598[%gather3A_617] in [0] : vector<16xf32>, vector<16xi32> -> vector<16xf32>
        %select_n3A_619 = arith.select %eq3A_287, %add3A_503, %gather3A_618 : vector<16xi1>, vector<16xf32>
        %select_n3A_620 = arith.select %eq3A_287, %gather3A_608, %add3A_598 : vector<16xi1>, vector<16xf32>
        %add3A_621 = arith.addf %select_n3A_619, %select_n3A_620 : vector<16xf32>
        %broadcast_in_dim3A_622 = arith.constant 0.000000e+00 : f32
        %broadcast_in_dim3A_623 = vector.broadcast %broadcast_in_dim3A_622 : f32 to vector<16xf32>
        %add3A_624 = arith.constant 4 : i32
        %add3A_625 = arith.addi %mul3A_410, %add3A_624 : i32
        %get3A_626 = arith.index_cast %add3A_625 : i32 to index
        %get3A_627 = arith.constant 0 : index
        %get3A_628 = tpu.vector_load %arg14[%get3A_626, %get3A_627] {strides = array<i32>} : memref<256x64xf32, #tpu.memory_space<vmem>>, vector<16xf32>,
        %get3A_629 = arith.index_cast %add3A_625 : i32 to index
        %get3A_630 = arith.constant 0 : index
        %get3A_631 = tpu.vector_load %arg15[%get3A_629, %get3A_630] {strides = array<i32>} : memref<256x64xf32, #tpu.memory_space<vmem>>, vector<16xf32>,
        %mul3A_632 = arith.mulf %get3A_628, %get3A_631 : vector<16xf32>
        %add3A_633 = arith.addf %broadcast_in_dim3A_623, %mul3A_632 : vector<16xf32>
        %get3A_634 = arith.index_cast %add3A_625 : i32 to index
        %get3A_635 = arith.constant 16 : index
        %get3A_636 = tpu.vector_load %arg14[%get3A_634, %get3A_635] {strides = array<i32>} : memref<256x64xf32, #tpu.memory_space<vmem>>, vector<16xf32>,
        %get3A_637 = arith.index_cast %add3A_625 : i32 to index
        %get3A_638 = arith.constant 16 : index
        %get3A_639 = tpu.vector_load %arg15[%get3A_637, %get3A_638] {strides = array<i32>} : memref<256x64xf32, #tpu.memory_space<vmem>>, vector<16xf32>,
        %mul3A_640 = arith.mulf %get3A_636, %get3A_639 : vector<16xf32>
        %add3A_641 = arith.addf %add3A_633, %mul3A_640 : vector<16xf32>
        %get3A_642 = arith.index_cast %add3A_625 : i32 to index
        %get3A_643 = arith.constant 32 : index
        %get3A_644 = tpu.vector_load %arg14[%get3A_642, %get3A_643] {strides = array<i32>} : memref<256x64xf32, #tpu.memory_space<vmem>>, vector<16xf32>,
        %get3A_645 = arith.index_cast %add3A_625 : i32 to index
        %get3A_646 = arith.constant 32 : index
        %get3A_647 = tpu.vector_load %arg15[%get3A_645, %get3A_646] {strides = array<i32>} : memref<256x64xf32, #tpu.memory_space<vmem>>, vector<16xf32>,
        %mul3A_648 = arith.mulf %get3A_644, %get3A_647 : vector<16xf32>
        %add3A_649 = arith.addf %add3A_641, %mul3A_648 : vector<16xf32>
        %get3A_650 = arith.index_cast %add3A_625 : i32 to index
        %get3A_651 = arith.constant 48 : index
        %get3A_652 = tpu.vector_load %arg14[%get3A_650, %get3A_651] {strides = array<i32>} : memref<256x64xf32, #tpu.memory_space<vmem>>, vector<16xf32>,
        %get3A_653 = arith.index_cast %add3A_625 : i32 to index
        %get3A_654 = arith.constant 48 : index
        %get3A_655 = tpu.vector_load %arg15[%get3A_653, %get3A_654] {strides = array<i32>} : memref<256x64xf32, #tpu.memory_space<vmem>>, vector<16xf32>,
        %mul3A_656 = arith.mulf %get3A_652, %get3A_655 : vector<16xf32>
        %add3A_657 = arith.addf %add3A_649, %mul3A_656 : vector<16xf32>
        %broadcast_in_dim3A_658 = arith.constant 0.000000e+00 : f32
        %broadcast_in_dim3A_659 = vector.broadcast %broadcast_in_dim3A_658 : f32 to vector<16xf32>
        %add3A_660 = arith.constant 5 : i32
        %add3A_661 = arith.addi %mul3A_410, %add3A_660 : i32
        %get3A_662 = arith.index_cast %add3A_661 : i32 to index
        %get3A_663 = arith.constant 0 : index
        %get3A_664 = tpu.vector_load %arg14[%get3A_662, %get3A_663] {strides = array<i32>} : memref<256x64xf32, #tpu.memory_space<vmem>>, vector<16xf32>,
        %get3A_665 = arith.index_cast %add3A_661 : i32 to index
        %get3A_666 = arith.constant 0 : index
        %get3A_667 = tpu.vector_load %arg15[%get3A_665, %get3A_666] {strides = array<i32>} : memref<256x64xf32, #tpu.memory_space<vmem>>, vector<16xf32>,
        %mul3A_668 = arith.mulf %get3A_664, %get3A_667 : vector<16xf32>
        %add3A_669 = arith.addf %broadcast_in_dim3A_659, %mul3A_668 : vector<16xf32>
        %get3A_670 = arith.index_cast %add3A_661 : i32 to index
        %get3A_671 = arith.constant 16 : index
        %get3A_672 = tpu.vector_load %arg14[%get3A_670, %get3A_671] {strides = array<i32>} : memref<256x64xf32, #tpu.memory_space<vmem>>, vector<16xf32>,
        %get3A_673 = arith.index_cast %add3A_661 : i32 to index
        %get3A_674 = arith.constant 16 : index
        %get3A_675 = tpu.vector_load %arg15[%get3A_673, %get3A_674] {strides = array<i32>} : memref<256x64xf32, #tpu.memory_space<vmem>>, vector<16xf32>,
        %mul3A_676 = arith.mulf %get3A_672, %get3A_675 : vector<16xf32>
        %add3A_677 = arith.addf %add3A_669, %mul3A_676 : vector<16xf32>
        %get3A_678 = arith.index_cast %add3A_661 : i32 to index
        %get3A_679 = arith.constant 32 : index
        %get3A_680 = tpu.vector_load %arg14[%get3A_678, %get3A_679] {strides = array<i32>} : memref<256x64xf32, #tpu.memory_space<vmem>>, vector<16xf32>,
        %get3A_681 = arith.index_cast %add3A_661 : i32 to index
        %get3A_682 = arith.constant 32 : index
        %get3A_683 = tpu.vector_load %arg15[%get3A_681, %get3A_682] {strides = array<i32>} : memref<256x64xf32, #tpu.memory_space<vmem>>, vector<16xf32>,
        %mul3A_684 = arith.mulf %get3A_680, %get3A_683 : vector<16xf32>
        %add3A_685 = arith.addf %add3A_677, %mul3A_684 : vector<16xf32>
        %get3A_686 = arith.index_cast %add3A_661 : i32 to index
        %get3A_687 = arith.constant 48 : index
        %get3A_688 = tpu.vector_load %arg14[%get3A_686, %get3A_687] {strides = array<i32>} : memref<256x64xf32, #tpu.memory_space<vmem>>, vector<16xf32>,
        %get3A_689 = arith.index_cast %add3A_661 : i32 to index
        %get3A_690 = arith.constant 48 : index
        %get3A_691 = tpu.vector_load %arg15[%get3A_689, %get3A_690] {strides = array<i32>} : memref<256x64xf32, #tpu.memory_space<vmem>>, vector<16xf32>,
        %mul3A_692 = arith.mulf %get3A_688, %get3A_691 : vector<16xf32>
        %add3A_693 = arith.addf %add3A_685, %mul3A_692 : vector<16xf32>
        %lt3A_694 = arith.constant 0 : i32
        %lt3A_695 = vector.broadcast %lt3A_694 : i32 to vector<16xi32>
        %lt3A_696 = arith.cmpi slt, %xor3A_302, %lt3A_695 : vector<16xi32>
        %add3A_697 = arith.constant 16 : i32
        %add3A_698 = vector.broadcast %add3A_697 : i32 to vector<16xi32>
        %add3A_699 = arith.addi %xor3A_302, %add3A_698 : vector<16xi32>
        %select_n3A_700 = arith.select %lt3A_696, %add3A_699, %xor3A_302 : vector<16xi1>, vector<16xi32>
        %broadcast_in_dim3A_701 = vector.shape_cast %select_n3A_700 : vector<16xi32> to vector<16x1xi32>
        %gather3A_702 = vector.shape_cast %broadcast_in_dim3A_701 : vector<16x1xi32> to vector<16xi32>
        %gather3A_703 = tpu.dynamic_gather %add3A_657[%gather3A_702] in [0] : vector<16xf32>, vector<16xi32> -> vector<16xf32>
        %lt3A_704 = arith.constant 0 : i32
        %lt3A_705 = vector.broadcast %lt3A_704 : i32 to vector<16xi32>
        %lt3A_706 = arith.cmpi slt, %xor3A_302, %lt3A_705 : vector<16xi32>
        %add3A_707 = arith.constant 16 : i32
        %add3A_708 = vector.broadcast %add3A_707 : i32 to vector<16xi32>
        %add3A_709 = arith.addi %xor3A_302, %add3A_708 : vector<16xi32>
        %select_n3A_710 = arith.select %lt3A_706, %add3A_709, %xor3A_302 : vector<16xi1>, vector<16xi32>
        %broadcast_in_dim3A_711 = vector.shape_cast %select_n3A_710 : vector<16xi32> to vector<16x1xi32>
        %gather3A_712 = vector.shape_cast %broadcast_in_dim3A_711 : vector<16x1xi32> to vector<16xi32>
        %gather3A_713 = tpu.dynamic_gather %add3A_693[%gather3A_712] in [0] : vector<16xf32>, vector<16xi32> -> vector<16xf32>
        %select_n3A_714 = arith.select %eq3A_281, %add3A_657, %gather3A_713 : vector<16xi1>, vector<16xf32>
        %select_n3A_715 = arith.select %eq3A_281, %gather3A_703, %add3A_693 : vector<16xi1>, vector<16xf32>
        %add3A_716 = arith.addf %select_n3A_714, %select_n3A_715 : vector<16xf32>
        %broadcast_in_dim3A_717 = arith.constant 0.000000e+00 : f32
        %broadcast_in_dim3A_718 = vector.broadcast %broadcast_in_dim3A_717 : f32 to vector<16xf32>
        %add3A_719 = arith.constant 6 : i32
        %add3A_720 = arith.addi %mul3A_410, %add3A_719 : i32
        %get3A_721 = arith.index_cast %add3A_720 : i32 to index
        %get3A_722 = arith.constant 0 : index
        %get3A_723 = tpu.vector_load %arg14[%get3A_721, %get3A_722] {strides = array<i32>} : memref<256x64xf32, #tpu.memory_space<vmem>>, vector<16xf32>,
        %get3A_724 = arith.index_cast %add3A_720 : i32 to index
        %get3A_725 = arith.constant 0 : index
        %get3A_726 = tpu.vector_load %arg15[%get3A_724, %get3A_725] {strides = array<i32>} : memref<256x64xf32, #tpu.memory_space<vmem>>, vector<16xf32>,
        %mul3A_727 = arith.mulf %get3A_723, %get3A_726 : vector<16xf32>
        %add3A_728 = arith.addf %broadcast_in_dim3A_718, %mul3A_727 : vector<16xf32>
        %get3A_729 = arith.index_cast %add3A_720 : i32 to index
        %get3A_730 = arith.constant 16 : index
        %get3A_731 = tpu.vector_load %arg14[%get3A_729, %get3A_730] {strides = array<i32>} : memref<256x64xf32, #tpu.memory_space<vmem>>, vector<16xf32>,
        %get3A_732 = arith.index_cast %add3A_720 : i32 to index
        %get3A_733 = arith.constant 16 : index
        %get3A_734 = tpu.vector_load %arg15[%get3A_732, %get3A_733] {strides = array<i32>} : memref<256x64xf32, #tpu.memory_space<vmem>>, vector<16xf32>,
        %mul3A_735 = arith.mulf %get3A_731, %get3A_734 : vector<16xf32>
        %add3A_736 = arith.addf %add3A_728, %mul3A_735 : vector<16xf32>
        %get3A_737 = arith.index_cast %add3A_720 : i32 to index
        %get3A_738 = arith.constant 32 : index
        %get3A_739 = tpu.vector_load %arg14[%get3A_737, %get3A_738] {strides = array<i32>} : memref<256x64xf32, #tpu.memory_space<vmem>>, vector<16xf32>,
        %get3A_740 = arith.index_cast %add3A_720 : i32 to index
        %get3A_741 = arith.constant 32 : index
        %get3A_742 = tpu.vector_load %arg15[%get3A_740, %get3A_741] {strides = array<i32>} : memref<256x64xf32, #tpu.memory_space<vmem>>, vector<16xf32>,
        %mul3A_743 = arith.mulf %get3A_739, %get3A_742 : vector<16xf32>
        %add3A_744 = arith.addf %add3A_736, %mul3A_743 : vector<16xf32>
        %get3A_745 = arith.index_cast %add3A_720 : i32 to index
        %get3A_746 = arith.constant 48 : index
        %get3A_747 = tpu.vector_load %arg14[%get3A_745, %get3A_746] {strides = array<i32>} : memref<256x64xf32, #tpu.memory_space<vmem>>, vector<16xf32>,
        %get3A_748 = arith.index_cast %add3A_720 : i32 to index
        %get3A_749 = arith.constant 48 : index
        %get3A_750 = tpu.vector_load %arg15[%get3A_748, %get3A_749] {strides = array<i32>} : memref<256x64xf32, #tpu.memory_space<vmem>>, vector<16xf32>,
        %mul3A_751 = arith.mulf %get3A_747, %get3A_750 : vector<16xf32>
        %add3A_752 = arith.addf %add3A_744, %mul3A_751 : vector<16xf32>
        %broadcast_in_dim3A_753 = arith.constant 0.000000e+00 : f32
        %broadcast_in_dim3A_754 = vector.broadcast %broadcast_in_dim3A_753 : f32 to vector<16xf32>
        %add3A_755 = arith.constant 7 : i32
        %add3A_756 = arith.addi %mul3A_410, %add3A_755 : i32
        %get3A_757 = arith.index_cast %add3A_756 : i32 to index
        %get3A_758 = arith.constant 0 : index
        %get3A_759 = tpu.vector_load %arg14[%get3A_757, %get3A_758] {strides = array<i32>} : memref<256x64xf32, #tpu.memory_space<vmem>>, vector<16xf32>,
        %get3A_760 = arith.index_cast %add3A_756 : i32 to index
        %get3A_761 = arith.constant 0 : index
        %get3A_762 = tpu.vector_load %arg15[%get3A_760, %get3A_761] {strides = array<i32>} : memref<256x64xf32, #tpu.memory_space<vmem>>, vector<16xf32>,
        %mul3A_763 = arith.mulf %get3A_759, %get3A_762 : vector<16xf32>
        %add3A_764 = arith.addf %broadcast_in_dim3A_754, %mul3A_763 : vector<16xf32>
        %get3A_765 = arith.index_cast %add3A_756 : i32 to index
        %get3A_766 = arith.constant 16 : index
        %get3A_767 = tpu.vector_load %arg14[%get3A_765, %get3A_766] {strides = array<i32>} : memref<256x64xf32, #tpu.memory_space<vmem>>, vector<16xf32>,
        %get3A_768 = arith.index_cast %add3A_756 : i32 to index
        %get3A_769 = arith.constant 16 : index
        %get3A_770 = tpu.vector_load %arg15[%get3A_768, %get3A_769] {strides = array<i32>} : memref<256x64xf32, #tpu.memory_space<vmem>>, vector<16xf32>,
        %mul3A_771 = arith.mulf %get3A_767, %get3A_770 : vector<16xf32>
        %add3A_772 = arith.addf %add3A_764, %mul3A_771 : vector<16xf32>
        %get3A_773 = arith.index_cast %add3A_756 : i32 to index
        %get3A_774 = arith.constant 32 : index
        %get3A_775 = tpu.vector_load %arg14[%get3A_773, %get3A_774] {strides = array<i32>} : memref<256x64xf32, #tpu.memory_space<vmem>>, vector<16xf32>,
        %get3A_776 = arith.index_cast %add3A_756 : i32 to index
        %get3A_777 = arith.constant 32 : index
        %get3A_778 = tpu.vector_load %arg15[%get3A_776, %get3A_777] {strides = array<i32>} : memref<256x64xf32, #tpu.memory_space<vmem>>, vector<16xf32>,
        %mul3A_779 = arith.mulf %get3A_775, %get3A_778 : vector<16xf32>
        %add3A_780 = arith.addf %add3A_772, %mul3A_779 : vector<16xf32>
        %get3A_781 = arith.index_cast %add3A_756 : i32 to index
        %get3A_782 = arith.constant 48 : index
        %get3A_783 = tpu.vector_load %arg14[%get3A_781, %get3A_782] {strides = array<i32>} : memref<256x64xf32, #tpu.memory_space<vmem>>, vector<16xf32>,
        %get3A_784 = arith.index_cast %add3A_756 : i32 to index
        %get3A_785 = arith.constant 48 : index
        %get3A_786 = tpu.vector_load %arg15[%get3A_784, %get3A_785] {strides = array<i32>} : memref<256x64xf32, #tpu.memory_space<vmem>>, vector<16xf32>,
        %mul3A_787 = arith.mulf %get3A_783, %get3A_786 : vector<16xf32>
        %add3A_788 = arith.addf %add3A_780, %mul3A_787 : vector<16xf32>
        %lt3A_789 = arith.constant 0 : i32
        %lt3A_790 = vector.broadcast %lt3A_789 : i32 to vector<16xi32>
        %lt3A_791 = arith.cmpi slt, %xor3A_302, %lt3A_790 : vector<16xi32>
        %add3A_792 = arith.constant 16 : i32
        %add3A_793 = vector.broadcast %add3A_792 : i32 to vector<16xi32>
        %add3A_794 = arith.addi %xor3A_302, %add3A_793 : vector<16xi32>
        %select_n3A_795 = arith.select %lt3A_791, %add3A_794, %xor3A_302 : vector<16xi1>, vector<16xi32>
        %broadcast_in_dim3A_796 = vector.shape_cast %select_n3A_795 : vector<16xi32> to vector<16x1xi32>
        %gather3A_797 = vector.shape_cast %broadcast_in_dim3A_796 : vector<16x1xi32> to vector<16xi32>
        %gather3A_798 = tpu.dynamic_gather %add3A_752[%gather3A_797] in [0] : vector<16xf32>, vector<16xi32> -> vector<16xf32>
        %lt3A_799 = arith.constant 0 : i32
        %lt3A_800 = vector.broadcast %lt3A_799 : i32 to vector<16xi32>
        %lt3A_801 = arith.cmpi slt, %xor3A_302, %lt3A_800 : vector<16xi32>
        %add3A_802 = arith.constant 16 : i32
        %add3A_803 = vector.broadcast %add3A_802 : i32 to vector<16xi32>
        %add3A_804 = arith.addi %xor3A_302, %add3A_803 : vector<16xi32>
        %select_n3A_805 = arith.select %lt3A_801, %add3A_804, %xor3A_302 : vector<16xi1>, vector<16xi32>
        %broadcast_in_dim3A_806 = vector.shape_cast %select_n3A_805 : vector<16xi32> to vector<16x1xi32>
        %gather3A_807 = vector.shape_cast %broadcast_in_dim3A_806 : vector<16x1xi32> to vector<16xi32>
        %gather3A_808 = tpu.dynamic_gather %add3A_788[%gather3A_807] in [0] : vector<16xf32>, vector<16xi32> -> vector<16xf32>
        %select_n3A_809 = arith.select %eq3A_281, %add3A_752, %gather3A_808 : vector<16xi1>, vector<16xf32>
        %select_n3A_810 = arith.select %eq3A_281, %gather3A_798, %add3A_788 : vector<16xi1>, vector<16xf32>
        %add3A_811 = arith.addf %select_n3A_809, %select_n3A_810 : vector<16xf32>
        %lt3A_812 = arith.constant 0 : i32
        %lt3A_813 = vector.broadcast %lt3A_812 : i32 to vector<16xi32>
        %lt3A_814 = arith.cmpi slt, %xor3A_305, %lt3A_813 : vector<16xi32>
        %add3A_815 = arith.constant 16 : i32
        %add3A_816 = vector.broadcast %add3A_815 : i32 to vector<16xi32>
        %add3A_817 = arith.addi %xor3A_305, %add3A_816 : vector<16xi32>
        %select_n3A_818 = arith.select %lt3A_814, %add3A_817, %xor3A_305 : vector<16xi1>, vector<16xi32>
        %broadcast_in_dim3A_819 = vector.shape_cast %select_n3A_818 : vector<16xi32> to vector<16x1xi32>
        %gather3A_820 = vector.shape_cast %broadcast_in_dim3A_819 : vector<16x1xi32> to vector<16xi32>
        %gather3A_821 = tpu.dynamic_gather %add3A_716[%gather3A_820] in [0] : vector<16xf32>, vector<16xi32> -> vector<16xf32>
        %lt3A_822 = arith.constant 0 : i32
        %lt3A_823 = vector.broadcast %lt3A_822 : i32 to vector<16xi32>
        %lt3A_824 = arith.cmpi slt, %xor3A_305, %lt3A_823 : vector<16xi32>
        %add3A_825 = arith.constant 16 : i32
        %add3A_826 = vector.broadcast %add3A_825 : i32 to vector<16xi32>
        %add3A_827 = arith.addi %xor3A_305, %add3A_826 : vector<16xi32>
        %select_n3A_828 = arith.select %lt3A_824, %add3A_827, %xor3A_305 : vector<16xi1>, vector<16xi32>
        %broadcast_in_dim3A_829 = vector.shape_cast %select_n3A_828 : vector<16xi32> to vector<16x1xi32>
        %gather3A_830 = vector.shape_cast %broadcast_in_dim3A_829 : vector<16x1xi32> to vector<16xi32>
        %gather3A_831 = tpu.dynamic_gather %add3A_811[%gather3A_830] in [0] : vector<16xf32>, vector<16xi32> -> vector<16xf32>
        %select_n3A_832 = arith.select %eq3A_287, %add3A_716, %gather3A_831 : vector<16xi1>, vector<16xf32>
        %select_n3A_833 = arith.select %eq3A_287, %gather3A_821, %add3A_811 : vector<16xi1>, vector<16xf32>
        %add3A_834 = arith.addf %select_n3A_832, %select_n3A_833 : vector<16xf32>
        %lt3A_835 = arith.constant 0 : i32
        %lt3A_836 = vector.broadcast %lt3A_835 : i32 to vector<16xi32>
        %lt3A_837 = arith.cmpi slt, %xor3A_308, %lt3A_836 : vector<16xi32>
        %add3A_838 = arith.constant 16 : i32
        %add3A_839 = vector.broadcast %add3A_838 : i32 to vector<16xi32>
        %add3A_840 = arith.addi %xor3A_308, %add3A_839 : vector<16xi32>
        %select_n3A_841 = arith.select %lt3A_837, %add3A_840, %xor3A_308 : vector<16xi1>, vector<16xi32>
        %broadcast_in_dim3A_842 = vector.shape_cast %select_n3A_841 : vector<16xi32> to vector<16x1xi32>
        %gather3A_843 = vector.shape_cast %broadcast_in_dim3A_842 : vector<16x1xi32> to vector<16xi32>
        %gather3A_844 = tpu.dynamic_gather %add3A_621[%gather3A_843] in [0] : vector<16xf32>, vector<16xi32> -> vector<16xf32>
        %lt3A_845 = arith.constant 0 : i32
        %lt3A_846 = vector.broadcast %lt3A_845 : i32 to vector<16xi32>
        %lt3A_847 = arith.cmpi slt, %xor3A_308, %lt3A_846 : vector<16xi32>
        %add3A_848 = arith.constant 16 : i32
        %add3A_849 = vector.broadcast %add3A_848 : i32 to vector<16xi32>
        %add3A_850 = arith.addi %xor3A_308, %add3A_849 : vector<16xi32>
        %select_n3A_851 = arith.select %lt3A_847, %add3A_850, %xor3A_308 : vector<16xi1>, vector<16xi32>
        %broadcast_in_dim3A_852 = vector.shape_cast %select_n3A_851 : vector<16xi32> to vector<16x1xi32>
        %gather3A_853 = vector.shape_cast %broadcast_in_dim3A_852 : vector<16x1xi32> to vector<16xi32>
        %gather3A_854 = tpu.dynamic_gather %add3A_834[%gather3A_853] in [0] : vector<16xf32>, vector<16xi32> -> vector<16xf32>
        %select_n3A_855 = arith.select %eq3A_293, %add3A_621, %gather3A_854 : vector<16xi1>, vector<16xf32>
        %select_n3A_856 = arith.select %eq3A_293, %gather3A_844, %add3A_834 : vector<16xi1>, vector<16xf32>
        %add3A_857 = arith.addf %select_n3A_855, %select_n3A_856 : vector<16xf32>
        %broadcast_in_dim3A_858 = arith.constant 0.000000e+00 : f32
        %broadcast_in_dim3A_859 = vector.broadcast %broadcast_in_dim3A_858 : f32 to vector<16xf32>
        %add3A_860 = arith.constant 8 : i32
        %add3A_861 = arith.addi %mul3A_410, %add3A_860 : i32
        %get3A_862 = arith.index_cast %add3A_861 : i32 to index
        %get3A_863 = arith.constant 0 : index
        %get3A_864 = tpu.vector_load %arg14[%get3A_862, %get3A_863] {strides = array<i32>} : memref<256x64xf32, #tpu.memory_space<vmem>>, vector<16xf32>,
        %get3A_865 = arith.index_cast %add3A_861 : i32 to index
        %get3A_866 = arith.constant 0 : index
        %get3A_867 = tpu.vector_load %arg15[%get3A_865, %get3A_866] {strides = array<i32>} : memref<256x64xf32, #tpu.memory_space<vmem>>, vector<16xf32>,
        %mul3A_868 = arith.mulf %get3A_864, %get3A_867 : vector<16xf32>
        %add3A_869 = arith.addf %broadcast_in_dim3A_859, %mul3A_868 : vector<16xf32>
        %get3A_870 = arith.index_cast %add3A_861 : i32 to index
        %get3A_871 = arith.constant 16 : index
        %get3A_872 = tpu.vector_load %arg14[%get3A_870, %get3A_871] {strides = array<i32>} : memref<256x64xf32, #tpu.memory_space<vmem>>, vector<16xf32>,
        %get3A_873 = arith.index_cast %add3A_861 : i32 to index
        %get3A_874 = arith.constant 16 : index
        %get3A_875 = tpu.vector_load %arg15[%get3A_873, %get3A_874] {strides = array<i32>} : memref<256x64xf32, #tpu.memory_space<vmem>>, vector<16xf32>,
        %mul3A_876 = arith.mulf %get3A_872, %get3A_875 : vector<16xf32>
        %add3A_877 = arith.addf %add3A_869, %mul3A_876 : vector<16xf32>
        %get3A_878 = arith.index_cast %add3A_861 : i32 to index
        %get3A_879 = arith.constant 32 : index
        %get3A_880 = tpu.vector_load %arg14[%get3A_878, %get3A_879] {strides = array<i32>} : memref<256x64xf32, #tpu.memory_space<vmem>>, vector<16xf32>,
        %get3A_881 = arith.index_cast %add3A_861 : i32 to index
        %get3A_882 = arith.constant 32 : index
        %get3A_883 = tpu.vector_load %arg15[%get3A_881, %get3A_882] {strides = array<i32>} : memref<256x64xf32, #tpu.memory_space<vmem>>, vector<16xf32>,
        %mul3A_884 = arith.mulf %get3A_880, %get3A_883 : vector<16xf32>
        %add3A_885 = arith.addf %add3A_877, %mul3A_884 : vector<16xf32>
        %get3A_886 = arith.index_cast %add3A_861 : i32 to index
        %get3A_887 = arith.constant 48 : index
        %get3A_888 = tpu.vector_load %arg14[%get3A_886, %get3A_887] {strides = array<i32>} : memref<256x64xf32, #tpu.memory_space<vmem>>, vector<16xf32>,
        %get3A_889 = arith.index_cast %add3A_861 : i32 to index
        %get3A_890 = arith.constant 48 : index
        %get3A_891 = tpu.vector_load %arg15[%get3A_889, %get3A_890] {strides = array<i32>} : memref<256x64xf32, #tpu.memory_space<vmem>>, vector<16xf32>,
        %mul3A_892 = arith.mulf %get3A_888, %get3A_891 : vector<16xf32>
        %add3A_893 = arith.addf %add3A_885, %mul3A_892 : vector<16xf32>
        %broadcast_in_dim3A_894 = arith.constant 0.000000e+00 : f32
        %broadcast_in_dim3A_895 = vector.broadcast %broadcast_in_dim3A_894 : f32 to vector<16xf32>
        %add3A_896 = arith.constant 9 : i32
        %add3A_897 = arith.addi %mul3A_410, %add3A_896 : i32
        %get3A_898 = arith.index_cast %add3A_897 : i32 to index
        %get3A_899 = arith.constant 0 : index
        %get3A_900 = tpu.vector_load %arg14[%get3A_898, %get3A_899] {strides = array<i32>} : memref<256x64xf32, #tpu.memory_space<vmem>>, vector<16xf32>,
        %get3A_901 = arith.index_cast %add3A_897 : i32 to index
        %get3A_902 = arith.constant 0 : index
        %get3A_903 = tpu.vector_load %arg15[%get3A_901, %get3A_902] {strides = array<i32>} : memref<256x64xf32, #tpu.memory_space<vmem>>, vector<16xf32>,
        %mul3A_904 = arith.mulf %get3A_900, %get3A_903 : vector<16xf32>
        %add3A_905 = arith.addf %broadcast_in_dim3A_895, %mul3A_904 : vector<16xf32>
        %get3A_906 = arith.index_cast %add3A_897 : i32 to index
        %get3A_907 = arith.constant 16 : index
        %get3A_908 = tpu.vector_load %arg14[%get3A_906, %get3A_907] {strides = array<i32>} : memref<256x64xf32, #tpu.memory_space<vmem>>, vector<16xf32>,
        %get3A_909 = arith.index_cast %add3A_897 : i32 to index
        %get3A_910 = arith.constant 16 : index
        %get3A_911 = tpu.vector_load %arg15[%get3A_909, %get3A_910] {strides = array<i32>} : memref<256x64xf32, #tpu.memory_space<vmem>>, vector<16xf32>,
        %mul3A_912 = arith.mulf %get3A_908, %get3A_911 : vector<16xf32>
        %add3A_913 = arith.addf %add3A_905, %mul3A_912 : vector<16xf32>
        %get3A_914 = arith.index_cast %add3A_897 : i32 to index
        %get3A_915 = arith.constant 32 : index
        %get3A_916 = tpu.vector_load %arg14[%get3A_914, %get3A_915] {strides = array<i32>} : memref<256x64xf32, #tpu.memory_space<vmem>>, vector<16xf32>,
        %get3A_917 = arith.index_cast %add3A_897 : i32 to index
        %get3A_918 = arith.constant 32 : index
        %get3A_919 = tpu.vector_load %arg15[%get3A_917, %get3A_918] {strides = array<i32>} : memref<256x64xf32, #tpu.memory_space<vmem>>, vector<16xf32>,
        %mul3A_920 = arith.mulf %get3A_916, %get3A_919 : vector<16xf32>
        %add3A_921 = arith.addf %add3A_913, %mul3A_920 : vector<16xf32>
        %get3A_922 = arith.index_cast %add3A_897 : i32 to index
        %get3A_923 = arith.constant 48 : index
        %get3A_924 = tpu.vector_load %arg14[%get3A_922, %get3A_923] {strides = array<i32>} : memref<256x64xf32, #tpu.memory_space<vmem>>, vector<16xf32>,
        %get3A_925 = arith.index_cast %add3A_897 : i32 to index
        %get3A_926 = arith.constant 48 : index
        %get3A_927 = tpu.vector_load %arg15[%get3A_925, %get3A_926] {strides = array<i32>} : memref<256x64xf32, #tpu.memory_space<vmem>>, vector<16xf32>,
        %mul3A_928 = arith.mulf %get3A_924, %get3A_927 : vector<16xf32>
        %add3A_929 = arith.addf %add3A_921, %mul3A_928 : vector<16xf32>
        %lt3A_930 = arith.constant 0 : i32
        %lt3A_931 = vector.broadcast %lt3A_930 : i32 to vector<16xi32>
        %lt3A_932 = arith.cmpi slt, %xor3A_302, %lt3A_931 : vector<16xi32>
        %add3A_933 = arith.constant 16 : i32
        %add3A_934 = vector.broadcast %add3A_933 : i32 to vector<16xi32>
        %add3A_935 = arith.addi %xor3A_302, %add3A_934 : vector<16xi32>
        %select_n3A_936 = arith.select %lt3A_932, %add3A_935, %xor3A_302 : vector<16xi1>, vector<16xi32>
        %broadcast_in_dim3A_937 = vector.shape_cast %select_n3A_936 : vector<16xi32> to vector<16x1xi32>
        %gather3A_938 = vector.shape_cast %broadcast_in_dim3A_937 : vector<16x1xi32> to vector<16xi32>
        %gather3A_939 = tpu.dynamic_gather %add3A_893[%gather3A_938] in [0] : vector<16xf32>, vector<16xi32> -> vector<16xf32>
        %lt3A_940 = arith.constant 0 : i32
        %lt3A_941 = vector.broadcast %lt3A_940 : i32 to vector<16xi32>
        %lt3A_942 = arith.cmpi slt, %xor3A_302, %lt3A_941 : vector<16xi32>
        %add3A_943 = arith.constant 16 : i32
        %add3A_944 = vector.broadcast %add3A_943 : i32 to vector<16xi32>
        %add3A_945 = arith.addi %xor3A_302, %add3A_944 : vector<16xi32>
        %select_n3A_946 = arith.select %lt3A_942, %add3A_945, %xor3A_302 : vector<16xi1>, vector<16xi32>
        %broadcast_in_dim3A_947 = vector.shape_cast %select_n3A_946 : vector<16xi32> to vector<16x1xi32>
        %gather3A_948 = vector.shape_cast %broadcast_in_dim3A_947 : vector<16x1xi32> to vector<16xi32>
        %gather3A_949 = tpu.dynamic_gather %add3A_929[%gather3A_948] in [0] : vector<16xf32>, vector<16xi32> -> vector<16xf32>
        %select_n3A_950 = arith.select %eq3A_281, %add3A_893, %gather3A_949 : vector<16xi1>, vector<16xf32>
        %select_n3A_951 = arith.select %eq3A_281, %gather3A_939, %add3A_929 : vector<16xi1>, vector<16xf32>
        %add3A_952 = arith.addf %select_n3A_950, %select_n3A_951 : vector<16xf32>
        %broadcast_in_dim3A_953 = arith.constant 0.000000e+00 : f32
        %broadcast_in_dim3A_954 = vector.broadcast %broadcast_in_dim3A_953 : f32 to vector<16xf32>
        %add3A_955 = arith.constant 10 : i32
        %add3A_956 = arith.addi %mul3A_410, %add3A_955 : i32
        %get3A_957 = arith.index_cast %add3A_956 : i32 to index
        %get3A_958 = arith.constant 0 : index
        %get3A_959 = tpu.vector_load %arg14[%get3A_957, %get3A_958] {strides = array<i32>} : memref<256x64xf32, #tpu.memory_space<vmem>>, vector<16xf32>,
        %get3A_960 = arith.index_cast %add3A_956 : i32 to index
        %get3A_961 = arith.constant 0 : index
        %get3A_962 = tpu.vector_load %arg15[%get3A_960, %get3A_961] {strides = array<i32>} : memref<256x64xf32, #tpu.memory_space<vmem>>, vector<16xf32>,
        %mul3A_963 = arith.mulf %get3A_959, %get3A_962 : vector<16xf32>
        %add3A_964 = arith.addf %broadcast_in_dim3A_954, %mul3A_963 : vector<16xf32>
        %get3A_965 = arith.index_cast %add3A_956 : i32 to index
        %get3A_966 = arith.constant 16 : index
        %get3A_967 = tpu.vector_load %arg14[%get3A_965, %get3A_966] {strides = array<i32>} : memref<256x64xf32, #tpu.memory_space<vmem>>, vector<16xf32>,
        %get3A_968 = arith.index_cast %add3A_956 : i32 to index
        %get3A_969 = arith.constant 16 : index
        %get3A_970 = tpu.vector_load %arg15[%get3A_968, %get3A_969] {strides = array<i32>} : memref<256x64xf32, #tpu.memory_space<vmem>>, vector<16xf32>,
        %mul3A_971 = arith.mulf %get3A_967, %get3A_970 : vector<16xf32>
        %add3A_972 = arith.addf %add3A_964, %mul3A_971 : vector<16xf32>
        %get3A_973 = arith.index_cast %add3A_956 : i32 to index
        %get3A_974 = arith.constant 32 : index
        %get3A_975 = tpu.vector_load %arg14[%get3A_973, %get3A_974] {strides = array<i32>} : memref<256x64xf32, #tpu.memory_space<vmem>>, vector<16xf32>,
        %get3A_976 = arith.index_cast %add3A_956 : i32 to index
        %get3A_977 = arith.constant 32 : index
        %get3A_978 = tpu.vector_load %arg15[%get3A_976, %get3A_977] {strides = array<i32>} : memref<256x64xf32, #tpu.memory_space<vmem>>, vector<16xf32>,
        %mul3A_979 = arith.mulf %get3A_975, %get3A_978 : vector<16xf32>
        %add3A_980 = arith.addf %add3A_972, %mul3A_979 : vector<16xf32>
        %get3A_981 = arith.index_cast %add3A_956 : i32 to index
        %get3A_982 = arith.constant 48 : index
        %get3A_983 = tpu.vector_load %arg14[%get3A_981, %get3A_982] {strides = array<i32>} : memref<256x64xf32, #tpu.memory_space<vmem>>, vector<16xf32>,
        %get3A_984 = arith.index_cast %add3A_956 : i32 to index
        %get3A_985 = arith.constant 48 : index
        %get3A_986 = tpu.vector_load %arg15[%get3A_984, %get3A_985] {strides = array<i32>} : memref<256x64xf32, #tpu.memory_space<vmem>>, vector<16xf32>,
        %mul3A_987 = arith.mulf %get3A_983, %get3A_986 : vector<16xf32>
        %add3A_988 = arith.addf %add3A_980, %mul3A_987 : vector<16xf32>
        %broadcast_in_dim3A_989 = arith.constant 0.000000e+00 : f32
        %broadcast_in_dim3A_990 = vector.broadcast %broadcast_in_dim3A_989 : f32 to vector<16xf32>
        %add3A_991 = arith.constant 11 : i32
        %add3A_992 = arith.addi %mul3A_410, %add3A_991 : i32
        %get3A_993 = arith.index_cast %add3A_992 : i32 to index
        %get3A_994 = arith.constant 0 : index
        %get3A_995 = tpu.vector_load %arg14[%get3A_993, %get3A_994] {strides = array<i32>} : memref<256x64xf32, #tpu.memory_space<vmem>>, vector<16xf32>,
        %get3A_996 = arith.index_cast %add3A_992 : i32 to index
        %get3A_997 = arith.constant 0 : index
        %get3A_998 = tpu.vector_load %arg15[%get3A_996, %get3A_997] {strides = array<i32>} : memref<256x64xf32, #tpu.memory_space<vmem>>, vector<16xf32>,
        %mul3A_999 = arith.mulf %get3A_995, %get3A_998 : vector<16xf32>
        %add3A_1000 = arith.addf %broadcast_in_dim3A_990, %mul3A_999 : vector<16xf32>
        %get3A_1001 = arith.index_cast %add3A_992 : i32 to index
        %get3A_1002 = arith.constant 16 : index
        %get3A_1003 = tpu.vector_load %arg14[%get3A_1001, %get3A_1002] {strides = array<i32>} : memref<256x64xf32, #tpu.memory_space<vmem>>, vector<16xf32>,
        %get3A_1004 = arith.index_cast %add3A_992 : i32 to index
        %get3A_1005 = arith.constant 16 : index
        %get3A_1006 = tpu.vector_load %arg15[%get3A_1004, %get3A_1005] {strides = array<i32>} : memref<256x64xf32, #tpu.memory_space<vmem>>, vector<16xf32>,
        %mul3A_1007 = arith.mulf %get3A_1003, %get3A_1006 : vector<16xf32>
        %add3A_1008 = arith.addf %add3A_1000, %mul3A_1007 : vector<16xf32>
        %get3A_1009 = arith.index_cast %add3A_992 : i32 to index
        %get3A_1010 = arith.constant 32 : index
        %get3A_1011 = tpu.vector_load %arg14[%get3A_1009, %get3A_1010] {strides = array<i32>} : memref<256x64xf32, #tpu.memory_space<vmem>>, vector<16xf32>,
        %get3A_1012 = arith.index_cast %add3A_992 : i32 to index
        %get3A_1013 = arith.constant 32 : index
        %get3A_1014 = tpu.vector_load %arg15[%get3A_1012, %get3A_1013] {strides = array<i32>} : memref<256x64xf32, #tpu.memory_space<vmem>>, vector<16xf32>,
        %mul3A_1015 = arith.mulf %get3A_1011, %get3A_1014 : vector<16xf32>
        %add3A_1016 = arith.addf %add3A_1008, %mul3A_1015 : vector<16xf32>
        %get3A_1017 = arith.index_cast %add3A_992 : i32 to index
        %get3A_1018 = arith.constant 48 : index
        %get3A_1019 = tpu.vector_load %arg14[%get3A_1017, %get3A_1018] {strides = array<i32>} : memref<256x64xf32, #tpu.memory_space<vmem>>, vector<16xf32>,
        %get3A_1020 = arith.index_cast %add3A_992 : i32 to index
        %get3A_1021 = arith.constant 48 : index
        %get3A_1022 = tpu.vector_load %arg15[%get3A_1020, %get3A_1021] {strides = array<i32>} : memref<256x64xf32, #tpu.memory_space<vmem>>, vector<16xf32>,
        %mul3A_1023 = arith.mulf %get3A_1019, %get3A_1022 : vector<16xf32>
        %add3A_1024 = arith.addf %add3A_1016, %mul3A_1023 : vector<16xf32>
        %lt3A_1025 = arith.constant 0 : i32
        %lt3A_1026 = vector.broadcast %lt3A_1025 : i32 to vector<16xi32>
        %lt3A_1027 = arith.cmpi slt, %xor3A_302, %lt3A_1026 : vector<16xi32>
        %add3A_1028 = arith.constant 16 : i32
        %add3A_1029 = vector.broadcast %add3A_1028 : i32 to vector<16xi32>
        %add3A_1030 = arith.addi %xor3A_302, %add3A_1029 : vector<16xi32>
        %select_n3A_1031 = arith.select %lt3A_1027, %add3A_1030, %xor3A_302 : vector<16xi1>, vector<16xi32>
        %broadcast_in_dim3A_1032 = vector.shape_cast %select_n3A_1031 : vector<16xi32> to vector<16x1xi32>
        %gather3A_1033 = vector.shape_cast %broadcast_in_dim3A_1032 : vector<16x1xi32> to vector<16xi32>
        %gather3A_1034 = tpu.dynamic_gather %add3A_988[%gather3A_1033] in [0] : vector<16xf32>, vector<16xi32> -> vector<16xf32>
        %lt3A_1035 = arith.constant 0 : i32
        %lt3A_1036 = vector.broadcast %lt3A_1035 : i32 to vector<16xi32>
        %lt3A_1037 = arith.cmpi slt, %xor3A_302, %lt3A_1036 : vector<16xi32>
        %add3A_1038 = arith.constant 16 : i32
        %add3A_1039 = vector.broadcast %add3A_1038 : i32 to vector<16xi32>
        %add3A_1040 = arith.addi %xor3A_302, %add3A_1039 : vector<16xi32>
        %select_n3A_1041 = arith.select %lt3A_1037, %add3A_1040, %xor3A_302 : vector<16xi1>, vector<16xi32>
        %broadcast_in_dim3A_1042 = vector.shape_cast %select_n3A_1041 : vector<16xi32> to vector<16x1xi32>
        %gather3A_1043 = vector.shape_cast %broadcast_in_dim3A_1042 : vector<16x1xi32> to vector<16xi32>
        %gather3A_1044 = tpu.dynamic_gather %add3A_1024[%gather3A_1043] in [0] : vector<16xf32>, vector<16xi32> -> vector<16xf32>
        %select_n3A_1045 = arith.select %eq3A_281, %add3A_988, %gather3A_1044 : vector<16xi1>, vector<16xf32>
        %select_n3A_1046 = arith.select %eq3A_281, %gather3A_1034, %add3A_1024 : vector<16xi1>, vector<16xf32>
        %add3A_1047 = arith.addf %select_n3A_1045, %select_n3A_1046 : vector<16xf32>
        %lt3A_1048 = arith.constant 0 : i32
        %lt3A_1049 = vector.broadcast %lt3A_1048 : i32 to vector<16xi32>
        %lt3A_1050 = arith.cmpi slt, %xor3A_305, %lt3A_1049 : vector<16xi32>
        %add3A_1051 = arith.constant 16 : i32
        %add3A_1052 = vector.broadcast %add3A_1051 : i32 to vector<16xi32>
        %add3A_1053 = arith.addi %xor3A_305, %add3A_1052 : vector<16xi32>
        %select_n3A_1054 = arith.select %lt3A_1050, %add3A_1053, %xor3A_305 : vector<16xi1>, vector<16xi32>
        %broadcast_in_dim3A_1055 = vector.shape_cast %select_n3A_1054 : vector<16xi32> to vector<16x1xi32>
        %gather3A_1056 = vector.shape_cast %broadcast_in_dim3A_1055 : vector<16x1xi32> to vector<16xi32>
        %gather3A_1057 = tpu.dynamic_gather %add3A_952[%gather3A_1056] in [0] : vector<16xf32>, vector<16xi32> -> vector<16xf32>
        %lt3A_1058 = arith.constant 0 : i32
        %lt3A_1059 = vector.broadcast %lt3A_1058 : i32 to vector<16xi32>
        %lt3A_1060 = arith.cmpi slt, %xor3A_305, %lt3A_1059 : vector<16xi32>
        %add3A_1061 = arith.constant 16 : i32
        %add3A_1062 = vector.broadcast %add3A_1061 : i32 to vector<16xi32>
        %add3A_1063 = arith.addi %xor3A_305, %add3A_1062 : vector<16xi32>
        %select_n3A_1064 = arith.select %lt3A_1060, %add3A_1063, %xor3A_305 : vector<16xi1>, vector<16xi32>
        %broadcast_in_dim3A_1065 = vector.shape_cast %select_n3A_1064 : vector<16xi32> to vector<16x1xi32>
        %gather3A_1066 = vector.shape_cast %broadcast_in_dim3A_1065 : vector<16x1xi32> to vector<16xi32>
        %gather3A_1067 = tpu.dynamic_gather %add3A_1047[%gather3A_1066] in [0] : vector<16xf32>, vector<16xi32> -> vector<16xf32>
        %select_n3A_1068 = arith.select %eq3A_287, %add3A_952, %gather3A_1067 : vector<16xi1>, vector<16xf32>
        %select_n3A_1069 = arith.select %eq3A_287, %gather3A_1057, %add3A_1047 : vector<16xi1>, vector<16xf32>
        %add3A_1070 = arith.addf %select_n3A_1068, %select_n3A_1069 : vector<16xf32>
        %broadcast_in_dim3A_1071 = arith.constant 0.000000e+00 : f32
        %broadcast_in_dim3A_1072 = vector.broadcast %broadcast_in_dim3A_1071 : f32 to vector<16xf32>
        %add3A_1073 = arith.constant 12 : i32
        %add3A_1074 = arith.addi %mul3A_410, %add3A_1073 : i32
        %get3A_1075 = arith.index_cast %add3A_1074 : i32 to index
        %get3A_1076 = arith.constant 0 : index
        %get3A_1077 = tpu.vector_load %arg14[%get3A_1075, %get3A_1076] {strides = array<i32>} : memref<256x64xf32, #tpu.memory_space<vmem>>, vector<16xf32>,
        %get3A_1078 = arith.index_cast %add3A_1074 : i32 to index
        %get3A_1079 = arith.constant 0 : index
        %get3A_1080 = tpu.vector_load %arg15[%get3A_1078, %get3A_1079] {strides = array<i32>} : memref<256x64xf32, #tpu.memory_space<vmem>>, vector<16xf32>,
        %mul3A_1081 = arith.mulf %get3A_1077, %get3A_1080 : vector<16xf32>
        %add3A_1082 = arith.addf %broadcast_in_dim3A_1072, %mul3A_1081 : vector<16xf32>
        %get3A_1083 = arith.index_cast %add3A_1074 : i32 to index
        %get3A_1084 = arith.constant 16 : index
        %get3A_1085 = tpu.vector_load %arg14[%get3A_1083, %get3A_1084] {strides = array<i32>} : memref<256x64xf32, #tpu.memory_space<vmem>>, vector<16xf32>,
        %get3A_1086 = arith.index_cast %add3A_1074 : i32 to index
        %get3A_1087 = arith.constant 16 : index
        %get3A_1088 = tpu.vector_load %arg15[%get3A_1086, %get3A_1087] {strides = array<i32>} : memref<256x64xf32, #tpu.memory_space<vmem>>, vector<16xf32>,
        %mul3A_1089 = arith.mulf %get3A_1085, %get3A_1088 : vector<16xf32>
        %add3A_1090 = arith.addf %add3A_1082, %mul3A_1089 : vector<16xf32>
        %get3A_1091 = arith.index_cast %add3A_1074 : i32 to index
        %get3A_1092 = arith.constant 32 : index
        %get3A_1093 = tpu.vector_load %arg14[%get3A_1091, %get3A_1092] {strides = array<i32>} : memref<256x64xf32, #tpu.memory_space<vmem>>, vector<16xf32>,
        %get3A_1094 = arith.index_cast %add3A_1074 : i32 to index
        %get3A_1095 = arith.constant 32 : index
        %get3A_1096 = tpu.vector_load %arg15[%get3A_1094, %get3A_1095] {strides = array<i32>} : memref<256x64xf32, #tpu.memory_space<vmem>>, vector<16xf32>,
        %mul3A_1097 = arith.mulf %get3A_1093, %get3A_1096 : vector<16xf32>
        %add3A_1098 = arith.addf %add3A_1090, %mul3A_1097 : vector<16xf32>
        %get3A_1099 = arith.index_cast %add3A_1074 : i32 to index
        %get3A_1100 = arith.constant 48 : index
        %get3A_1101 = tpu.vector_load %arg14[%get3A_1099, %get3A_1100] {strides = array<i32>} : memref<256x64xf32, #tpu.memory_space<vmem>>, vector<16xf32>,
        %get3A_1102 = arith.index_cast %add3A_1074 : i32 to index
        %get3A_1103 = arith.constant 48 : index
        %get3A_1104 = tpu.vector_load %arg15[%get3A_1102, %get3A_1103] {strides = array<i32>} : memref<256x64xf32, #tpu.memory_space<vmem>>, vector<16xf32>,
        %mul3A_1105 = arith.mulf %get3A_1101, %get3A_1104 : vector<16xf32>
        %add3A_1106 = arith.addf %add3A_1098, %mul3A_1105 : vector<16xf32>
        %broadcast_in_dim3A_1107 = arith.constant 0.000000e+00 : f32
        %broadcast_in_dim3A_1108 = vector.broadcast %broadcast_in_dim3A_1107 : f32 to vector<16xf32>
        %add3A_1109 = arith.constant 13 : i32
        %add3A_1110 = arith.addi %mul3A_410, %add3A_1109 : i32
        %get3A_1111 = arith.index_cast %add3A_1110 : i32 to index
        %get3A_1112 = arith.constant 0 : index
        %get3A_1113 = tpu.vector_load %arg14[%get3A_1111, %get3A_1112] {strides = array<i32>} : memref<256x64xf32, #tpu.memory_space<vmem>>, vector<16xf32>,
        %get3A_1114 = arith.index_cast %add3A_1110 : i32 to index
        %get3A_1115 = arith.constant 0 : index
        %get3A_1116 = tpu.vector_load %arg15[%get3A_1114, %get3A_1115] {strides = array<i32>} : memref<256x64xf32, #tpu.memory_space<vmem>>, vector<16xf32>,
        %mul3A_1117 = arith.mulf %get3A_1113, %get3A_1116 : vector<16xf32>
        %add3A_1118 = arith.addf %broadcast_in_dim3A_1108, %mul3A_1117 : vector<16xf32>
        %get3A_1119 = arith.index_cast %add3A_1110 : i32 to index
        %get3A_1120 = arith.constant 16 : index
        %get3A_1121 = tpu.vector_load %arg14[%get3A_1119, %get3A_1120] {strides = array<i32>} : memref<256x64xf32, #tpu.memory_space<vmem>>, vector<16xf32>,
        %get3A_1122 = arith.index_cast %add3A_1110 : i32 to index
        %get3A_1123 = arith.constant 16 : index
        %get3A_1124 = tpu.vector_load %arg15[%get3A_1122, %get3A_1123] {strides = array<i32>} : memref<256x64xf32, #tpu.memory_space<vmem>>, vector<16xf32>,
        %mul3A_1125 = arith.mulf %get3A_1121, %get3A_1124 : vector<16xf32>
        %add3A_1126 = arith.addf %add3A_1118, %mul3A_1125 : vector<16xf32>
        %get3A_1127 = arith.index_cast %add3A_1110 : i32 to index
        %get3A_1128 = arith.constant 32 : index
        %get3A_1129 = tpu.vector_load %arg14[%get3A_1127, %get3A_1128] {strides = array<i32>} : memref<256x64xf32, #tpu.memory_space<vmem>>, vector<16xf32>,
        %get3A_1130 = arith.index_cast %add3A_1110 : i32 to index
        %get3A_1131 = arith.constant 32 : index
        %get3A_1132 = tpu.vector_load %arg15[%get3A_1130, %get3A_1131] {strides = array<i32>} : memref<256x64xf32, #tpu.memory_space<vmem>>, vector<16xf32>,
        %mul3A_1133 = arith.mulf %get3A_1129, %get3A_1132 : vector<16xf32>
        %add3A_1134 = arith.addf %add3A_1126, %mul3A_1133 : vector<16xf32>
        %get3A_1135 = arith.index_cast %add3A_1110 : i32 to index
        %get3A_1136 = arith.constant 48 : index
        %get3A_1137 = tpu.vector_load %arg14[%get3A_1135, %get3A_1136] {strides = array<i32>} : memref<256x64xf32, #tpu.memory_space<vmem>>, vector<16xf32>,
        %get3A_1138 = arith.index_cast %add3A_1110 : i32 to index
        %get3A_1139 = arith.constant 48 : index
        %get3A_1140 = tpu.vector_load %arg15[%get3A_1138, %get3A_1139] {strides = array<i32>} : memref<256x64xf32, #tpu.memory_space<vmem>>, vector<16xf32>,
        %mul3A_1141 = arith.mulf %get3A_1137, %get3A_1140 : vector<16xf32>
        %add3A_1142 = arith.addf %add3A_1134, %mul3A_1141 : vector<16xf32>
        %lt3A_1143 = arith.constant 0 : i32
        %lt3A_1144 = vector.broadcast %lt3A_1143 : i32 to vector<16xi32>
        %lt3A_1145 = arith.cmpi slt, %xor3A_302, %lt3A_1144 : vector<16xi32>
        %add3A_1146 = arith.constant 16 : i32
        %add3A_1147 = vector.broadcast %add3A_1146 : i32 to vector<16xi32>
        %add3A_1148 = arith.addi %xor3A_302, %add3A_1147 : vector<16xi32>
        %select_n3A_1149 = arith.select %lt3A_1145, %add3A_1148, %xor3A_302 : vector<16xi1>, vector<16xi32>
        %broadcast_in_dim3A_1150 = vector.shape_cast %select_n3A_1149 : vector<16xi32> to vector<16x1xi32>
        %gather3A_1151 = vector.shape_cast %broadcast_in_dim3A_1150 : vector<16x1xi32> to vector<16xi32>
        %gather3A_1152 = tpu.dynamic_gather %add3A_1106[%gather3A_1151] in [0] : vector<16xf32>, vector<16xi32> -> vector<16xf32>
        %lt3A_1153 = arith.constant 0 : i32
        %lt3A_1154 = vector.broadcast %lt3A_1153 : i32 to vector<16xi32>
        %lt3A_1155 = arith.cmpi slt, %xor3A_302, %lt3A_1154 : vector<16xi32>
        %add3A_1156 = arith.constant 16 : i32
        %add3A_1157 = vector.broadcast %add3A_1156 : i32 to vector<16xi32>
        %add3A_1158 = arith.addi %xor3A_302, %add3A_1157 : vector<16xi32>
        %select_n3A_1159 = arith.select %lt3A_1155, %add3A_1158, %xor3A_302 : vector<16xi1>, vector<16xi32>
        %broadcast_in_dim3A_1160 = vector.shape_cast %select_n3A_1159 : vector<16xi32> to vector<16x1xi32>
        %gather3A_1161 = vector.shape_cast %broadcast_in_dim3A_1160 : vector<16x1xi32> to vector<16xi32>
        %gather3A_1162 = tpu.dynamic_gather %add3A_1142[%gather3A_1161] in [0] : vector<16xf32>, vector<16xi32> -> vector<16xf32>
        %select_n3A_1163 = arith.select %eq3A_281, %add3A_1106, %gather3A_1162 : vector<16xi1>, vector<16xf32>
        %select_n3A_1164 = arith.select %eq3A_281, %gather3A_1152, %add3A_1142 : vector<16xi1>, vector<16xf32>
        %add3A_1165 = arith.addf %select_n3A_1163, %select_n3A_1164 : vector<16xf32>
        %broadcast_in_dim3A_1166 = arith.constant 0.000000e+00 : f32
        %broadcast_in_dim3A_1167 = vector.broadcast %broadcast_in_dim3A_1166 : f32 to vector<16xf32>
        %add3A_1168 = arith.constant 14 : i32
        %add3A_1169 = arith.addi %mul3A_410, %add3A_1168 : i32
        %get3A_1170 = arith.index_cast %add3A_1169 : i32 to index
        %get3A_1171 = arith.constant 0 : index
        %get3A_1172 = tpu.vector_load %arg14[%get3A_1170, %get3A_1171] {strides = array<i32>} : memref<256x64xf32, #tpu.memory_space<vmem>>, vector<16xf32>,
        %get3A_1173 = arith.index_cast %add3A_1169 : i32 to index
        %get3A_1174 = arith.constant 0 : index
        %get3A_1175 = tpu.vector_load %arg15[%get3A_1173, %get3A_1174] {strides = array<i32>} : memref<256x64xf32, #tpu.memory_space<vmem>>, vector<16xf32>,
        %mul3A_1176 = arith.mulf %get3A_1172, %get3A_1175 : vector<16xf32>
        %add3A_1177 = arith.addf %broadcast_in_dim3A_1167, %mul3A_1176 : vector<16xf32>
        %get3A_1178 = arith.index_cast %add3A_1169 : i32 to index
        %get3A_1179 = arith.constant 16 : index
        %get3A_1180 = tpu.vector_load %arg14[%get3A_1178, %get3A_1179] {strides = array<i32>} : memref<256x64xf32, #tpu.memory_space<vmem>>, vector<16xf32>,
        %get3A_1181 = arith.index_cast %add3A_1169 : i32 to index
        %get3A_1182 = arith.constant 16 : index
        %get3A_1183 = tpu.vector_load %arg15[%get3A_1181, %get3A_1182] {strides = array<i32>} : memref<256x64xf32, #tpu.memory_space<vmem>>, vector<16xf32>,
        %mul3A_1184 = arith.mulf %get3A_1180, %get3A_1183 : vector<16xf32>
        %add3A_1185 = arith.addf %add3A_1177, %mul3A_1184 : vector<16xf32>
        %get3A_1186 = arith.index_cast %add3A_1169 : i32 to index
        %get3A_1187 = arith.constant 32 : index
        %get3A_1188 = tpu.vector_load %arg14[%get3A_1186, %get3A_1187] {strides = array<i32>} : memref<256x64xf32, #tpu.memory_space<vmem>>, vector<16xf32>,
        %get3A_1189 = arith.index_cast %add3A_1169 : i32 to index
        %get3A_1190 = arith.constant 32 : index
        %get3A_1191 = tpu.vector_load %arg15[%get3A_1189, %get3A_1190] {strides = array<i32>} : memref<256x64xf32, #tpu.memory_space<vmem>>, vector<16xf32>,
        %mul3A_1192 = arith.mulf %get3A_1188, %get3A_1191 : vector<16xf32>
        %add3A_1193 = arith.addf %add3A_1185, %mul3A_1192 : vector<16xf32>
        %get3A_1194 = arith.index_cast %add3A_1169 : i32 to index
        %get3A_1195 = arith.constant 48 : index
        %get3A_1196 = tpu.vector_load %arg14[%get3A_1194, %get3A_1195] {strides = array<i32>} : memref<256x64xf32, #tpu.memory_space<vmem>>, vector<16xf32>,
        %get3A_1197 = arith.index_cast %add3A_1169 : i32 to index
        %get3A_1198 = arith.constant 48 : index
        %get3A_1199 = tpu.vector_load %arg15[%get3A_1197, %get3A_1198] {strides = array<i32>} : memref<256x64xf32, #tpu.memory_space<vmem>>, vector<16xf32>,
        %mul3A_1200 = arith.mulf %get3A_1196, %get3A_1199 : vector<16xf32>
        %add3A_1201 = arith.addf %add3A_1193, %mul3A_1200 : vector<16xf32>
        %broadcast_in_dim3A_1202 = arith.constant 0.000000e+00 : f32
        %broadcast_in_dim3A_1203 = vector.broadcast %broadcast_in_dim3A_1202 : f32 to vector<16xf32>
        %add3A_1204 = arith.constant 15 : i32
        %add3A_1205 = arith.addi %mul3A_410, %add3A_1204 : i32
        %get3A_1206 = arith.index_cast %add3A_1205 : i32 to index
        %get3A_1207 = arith.constant 0 : index
        %get3A_1208 = tpu.vector_load %arg14[%get3A_1206, %get3A_1207] {strides = array<i32>} : memref<256x64xf32, #tpu.memory_space<vmem>>, vector<16xf32>,
        %get3A_1209 = arith.index_cast %add3A_1205 : i32 to index
        %get3A_1210 = arith.constant 0 : index
        %get3A_1211 = tpu.vector_load %arg15[%get3A_1209, %get3A_1210] {strides = array<i32>} : memref<256x64xf32, #tpu.memory_space<vmem>>, vector<16xf32>,
        %mul3A_1212 = arith.mulf %get3A_1208, %get3A_1211 : vector<16xf32>
        %add3A_1213 = arith.addf %broadcast_in_dim3A_1203, %mul3A_1212 : vector<16xf32>
        %get3A_1214 = arith.index_cast %add3A_1205 : i32 to index
        %get3A_1215 = arith.constant 16 : index
        %get3A_1216 = tpu.vector_load %arg14[%get3A_1214, %get3A_1215] {strides = array<i32>} : memref<256x64xf32, #tpu.memory_space<vmem>>, vector<16xf32>,
        %get3A_1217 = arith.index_cast %add3A_1205 : i32 to index
        %get3A_1218 = arith.constant 16 : index
        %get3A_1219 = tpu.vector_load %arg15[%get3A_1217, %get3A_1218] {strides = array<i32>} : memref<256x64xf32, #tpu.memory_space<vmem>>, vector<16xf32>,
        %mul3A_1220 = arith.mulf %get3A_1216, %get3A_1219 : vector<16xf32>
        %add3A_1221 = arith.addf %add3A_1213, %mul3A_1220 : vector<16xf32>
        %get3A_1222 = arith.index_cast %add3A_1205 : i32 to index
        %get3A_1223 = arith.constant 32 : index
        %get3A_1224 = tpu.vector_load %arg14[%get3A_1222, %get3A_1223] {strides = array<i32>} : memref<256x64xf32, #tpu.memory_space<vmem>>, vector<16xf32>,
        %get3A_1225 = arith.index_cast %add3A_1205 : i32 to index
        %get3A_1226 = arith.constant 32 : index
        %get3A_1227 = tpu.vector_load %arg15[%get3A_1225, %get3A_1226] {strides = array<i32>} : memref<256x64xf32, #tpu.memory_space<vmem>>, vector<16xf32>,
        %mul3A_1228 = arith.mulf %get3A_1224, %get3A_1227 : vector<16xf32>
        %add3A_1229 = arith.addf %add3A_1221, %mul3A_1228 : vector<16xf32>
        %get3A_1230 = arith.index_cast %add3A_1205 : i32 to index
        %get3A_1231 = arith.constant 48 : index
        %get3A_1232 = tpu.vector_load %arg14[%get3A_1230, %get3A_1231] {strides = array<i32>} : memref<256x64xf32, #tpu.memory_space<vmem>>, vector<16xf32>,
        %get3A_1233 = arith.index_cast %add3A_1205 : i32 to index
        %get3A_1234 = arith.constant 48 : index
        %get3A_1235 = tpu.vector_load %arg15[%get3A_1233, %get3A_1234] {strides = array<i32>} : memref<256x64xf32, #tpu.memory_space<vmem>>, vector<16xf32>,
        %mul3A_1236 = arith.mulf %get3A_1232, %get3A_1235 : vector<16xf32>
        %add3A_1237 = arith.addf %add3A_1229, %mul3A_1236 : vector<16xf32>
        %lt3A_1238 = arith.constant 0 : i32
        %lt3A_1239 = vector.broadcast %lt3A_1238 : i32 to vector<16xi32>
        %lt3A_1240 = arith.cmpi slt, %xor3A_302, %lt3A_1239 : vector<16xi32>
        %add3A_1241 = arith.constant 16 : i32
        %add3A_1242 = vector.broadcast %add3A_1241 : i32 to vector<16xi32>
        %add3A_1243 = arith.addi %xor3A_302, %add3A_1242 : vector<16xi32>
        %select_n3A_1244 = arith.select %lt3A_1240, %add3A_1243, %xor3A_302 : vector<16xi1>, vector<16xi32>
        %broadcast_in_dim3A_1245 = vector.shape_cast %select_n3A_1244 : vector<16xi32> to vector<16x1xi32>
        %gather3A_1246 = vector.shape_cast %broadcast_in_dim3A_1245 : vector<16x1xi32> to vector<16xi32>
        %gather3A_1247 = tpu.dynamic_gather %add3A_1201[%gather3A_1246] in [0] : vector<16xf32>, vector<16xi32> -> vector<16xf32>
        %lt3A_1248 = arith.constant 0 : i32
        %lt3A_1249 = vector.broadcast %lt3A_1248 : i32 to vector<16xi32>
        %lt3A_1250 = arith.cmpi slt, %xor3A_302, %lt3A_1249 : vector<16xi32>
        %add3A_1251 = arith.constant 16 : i32
        %add3A_1252 = vector.broadcast %add3A_1251 : i32 to vector<16xi32>
        %add3A_1253 = arith.addi %xor3A_302, %add3A_1252 : vector<16xi32>
        %select_n3A_1254 = arith.select %lt3A_1250, %add3A_1253, %xor3A_302 : vector<16xi1>, vector<16xi32>
        %broadcast_in_dim3A_1255 = vector.shape_cast %select_n3A_1254 : vector<16xi32> to vector<16x1xi32>
        %gather3A_1256 = vector.shape_cast %broadcast_in_dim3A_1255 : vector<16x1xi32> to vector<16xi32>
        %gather3A_1257 = tpu.dynamic_gather %add3A_1237[%gather3A_1256] in [0] : vector<16xf32>, vector<16xi32> -> vector<16xf32>
        %select_n3A_1258 = arith.select %eq3A_281, %add3A_1201, %gather3A_1257 : vector<16xi1>, vector<16xf32>
        %select_n3A_1259 = arith.select %eq3A_281, %gather3A_1247, %add3A_1237 : vector<16xi1>, vector<16xf32>
        %add3A_1260 = arith.addf %select_n3A_1258, %select_n3A_1259 : vector<16xf32>
        %lt3A_1261 = arith.constant 0 : i32
        %lt3A_1262 = vector.broadcast %lt3A_1261 : i32 to vector<16xi32>
        %lt3A_1263 = arith.cmpi slt, %xor3A_305, %lt3A_1262 : vector<16xi32>
        %add3A_1264 = arith.constant 16 : i32
        %add3A_1265 = vector.broadcast %add3A_1264 : i32 to vector<16xi32>
        %add3A_1266 = arith.addi %xor3A_305, %add3A_1265 : vector<16xi32>
        %select_n3A_1267 = arith.select %lt3A_1263, %add3A_1266, %xor3A_305 : vector<16xi1>, vector<16xi32>
        %broadcast_in_dim3A_1268 = vector.shape_cast %select_n3A_1267 : vector<16xi32> to vector<16x1xi32>
        %gather3A_1269 = vector.shape_cast %broadcast_in_dim3A_1268 : vector<16x1xi32> to vector<16xi32>
        %gather3A_1270 = tpu.dynamic_gather %add3A_1165[%gather3A_1269] in [0] : vector<16xf32>, vector<16xi32> -> vector<16xf32>
        %lt3A_1271 = arith.constant 0 : i32
        %lt3A_1272 = vector.broadcast %lt3A_1271 : i32 to vector<16xi32>
        %lt3A_1273 = arith.cmpi slt, %xor3A_305, %lt3A_1272 : vector<16xi32>
        %add3A_1274 = arith.constant 16 : i32
        %add3A_1275 = vector.broadcast %add3A_1274 : i32 to vector<16xi32>
        %add3A_1276 = arith.addi %xor3A_305, %add3A_1275 : vector<16xi32>
        %select_n3A_1277 = arith.select %lt3A_1273, %add3A_1276, %xor3A_305 : vector<16xi1>, vector<16xi32>
        %broadcast_in_dim3A_1278 = vector.shape_cast %select_n3A_1277 : vector<16xi32> to vector<16x1xi32>
        %gather3A_1279 = vector.shape_cast %broadcast_in_dim3A_1278 : vector<16x1xi32> to vector<16xi32>
        %gather3A_1280 = tpu.dynamic_gather %add3A_1260[%gather3A_1279] in [0] : vector<16xf32>, vector<16xi32> -> vector<16xf32>
        %select_n3A_1281 = arith.select %eq3A_287, %add3A_1165, %gather3A_1280 : vector<16xi1>, vector<16xf32>
        %select_n3A_1282 = arith.select %eq3A_287, %gather3A_1270, %add3A_1260 : vector<16xi1>, vector<16xf32>
        %add3A_1283 = arith.addf %select_n3A_1281, %select_n3A_1282 : vector<16xf32>
        %lt3A_1284 = arith.constant 0 : i32
        %lt3A_1285 = vector.broadcast %lt3A_1284 : i32 to vector<16xi32>
        %lt3A_1286 = arith.cmpi slt, %xor3A_308, %lt3A_1285 : vector<16xi32>
        %add3A_1287 = arith.constant 16 : i32
        %add3A_1288 = vector.broadcast %add3A_1287 : i32 to vector<16xi32>
        %add3A_1289 = arith.addi %xor3A_308, %add3A_1288 : vector<16xi32>
        %select_n3A_1290 = arith.select %lt3A_1286, %add3A_1289, %xor3A_308 : vector<16xi1>, vector<16xi32>
        %broadcast_in_dim3A_1291 = vector.shape_cast %select_n3A_1290 : vector<16xi32> to vector<16x1xi32>
        %gather3A_1292 = vector.shape_cast %broadcast_in_dim3A_1291 : vector<16x1xi32> to vector<16xi32>
        %gather3A_1293 = tpu.dynamic_gather %add3A_1070[%gather3A_1292] in [0] : vector<16xf32>, vector<16xi32> -> vector<16xf32>
        %lt3A_1294 = arith.constant 0 : i32
        %lt3A_1295 = vector.broadcast %lt3A_1294 : i32 to vector<16xi32>
        %lt3A_1296 = arith.cmpi slt, %xor3A_308, %lt3A_1295 : vector<16xi32>
        %add3A_1297 = arith.constant 16 : i32
        %add3A_1298 = vector.broadcast %add3A_1297 : i32 to vector<16xi32>
        %add3A_1299 = arith.addi %xor3A_308, %add3A_1298 : vector<16xi32>
        %select_n3A_1300 = arith.select %lt3A_1296, %add3A_1299, %xor3A_308 : vector<16xi1>, vector<16xi32>
        %broadcast_in_dim3A_1301 = vector.shape_cast %select_n3A_1300 : vector<16xi32> to vector<16x1xi32>
        %gather3A_1302 = vector.shape_cast %broadcast_in_dim3A_1301 : vector<16x1xi32> to vector<16xi32>
        %gather3A_1303 = tpu.dynamic_gather %add3A_1283[%gather3A_1302] in [0] : vector<16xf32>, vector<16xi32> -> vector<16xf32>
        %select_n3A_1304 = arith.select %eq3A_293, %add3A_1070, %gather3A_1303 : vector<16xi1>, vector<16xf32>
        %select_n3A_1305 = arith.select %eq3A_293, %gather3A_1293, %add3A_1283 : vector<16xi1>, vector<16xf32>
        %add3A_1306 = arith.addf %select_n3A_1304, %select_n3A_1305 : vector<16xf32>
        %lt3A_1307 = arith.constant 0 : i32
        %lt3A_1308 = vector.broadcast %lt3A_1307 : i32 to vector<16xi32>
        %lt3A_1309 = arith.cmpi slt, %xor3A_311, %lt3A_1308 : vector<16xi32>
        %add3A_1310 = arith.constant 16 : i32
        %add3A_1311 = vector.broadcast %add3A_1310 : i32 to vector<16xi32>
        %add3A_1312 = arith.addi %xor3A_311, %add3A_1311 : vector<16xi32>
        %select_n3A_1313 = arith.select %lt3A_1309, %add3A_1312, %xor3A_311 : vector<16xi1>, vector<16xi32>
        %broadcast_in_dim3A_1314 = vector.shape_cast %select_n3A_1313 : vector<16xi32> to vector<16x1xi32>
        %gather3A_1315 = vector.shape_cast %broadcast_in_dim3A_1314 : vector<16x1xi32> to vector<16xi32>
        %gather3A_1316 = tpu.dynamic_gather %add3A_857[%gather3A_1315] in [0] : vector<16xf32>, vector<16xi32> -> vector<16xf32>
        %lt3A_1317 = arith.constant 0 : i32
        %lt3A_1318 = vector.broadcast %lt3A_1317 : i32 to vector<16xi32>
        %lt3A_1319 = arith.cmpi slt, %xor3A_311, %lt3A_1318 : vector<16xi32>
        %add3A_1320 = arith.constant 16 : i32
        %add3A_1321 = vector.broadcast %add3A_1320 : i32 to vector<16xi32>
        %add3A_1322 = arith.addi %xor3A_311, %add3A_1321 : vector<16xi32>
        %select_n3A_1323 = arith.select %lt3A_1319, %add3A_1322, %xor3A_311 : vector<16xi1>, vector<16xi32>
        %broadcast_in_dim3A_1324 = vector.shape_cast %select_n3A_1323 : vector<16xi32> to vector<16x1xi32>
        %gather3A_1325 = vector.shape_cast %broadcast_in_dim3A_1324 : vector<16x1xi32> to vector<16xi32>
        %gather3A_1326 = tpu.dynamic_gather %add3A_1306[%gather3A_1325] in [0] : vector<16xf32>, vector<16xi32> -> vector<16xf32>
        %select_n3A_1327 = arith.select %eq3A_299, %add3A_857, %gather3A_1326 : vector<16xi1>, vector<16xf32>
        %select_n3A_1328 = arith.select %eq3A_299, %gather3A_1316, %add3A_1306 : vector<16xi1>, vector<16xf32>
        %add3A_1329 = arith.addf %select_n3A_1327, %select_n3A_1328 : vector<16xf32>
        %add3A_1330 = arith.addi %mul3A_274, %mul3A_410 : i32
        %swap3A_1331 = arith.index_cast %add3A_1330 : i32 to index
        %swap3A_1332 = tpu.vector_load %arg18[%swap3A_1331] {strides = array<i32>} : memref<3072xf32, #tpu.memory_space<vmem>>, vector<16xf32>,
        tpu.vector_store %arg18[%swap3A_1331], %add3A_1329 {strides = array<i32>} : memref<3072xf32, #tpu.memory_space<vmem>>, vector<16xf32>,
        %scan3A_1333 = arith.constant 0 : i32
        scf.yield %scan3A_1333 : i32
      }
      %scan3A_318 = arith.constant 16 : i32
      %add3A_319 = arith.constant 4 : i32
      %add3A_320 = arith.addi %mul3A_111, %add3A_319 : i32
      %lt3A_321 = arith.constant 12 : i32
      %lt3A_322 = arith.cmpi slt, %add3A_320, %lt3A_321 : i32
      %convert_element_type3A_323 = arith.extui %lt3A_322 : i1 to i32
      %cond3A_324 = arith.constant 0 : i32
      %cond3A_325 = arith.cmpi ne, %convert_element_type3A_323, %cond3A_324 : i32
      scf.if %cond3A_325 {
        %add3A_407 = arith.constant 4 : i32
        %add3A_408 = arith.addi %mul3A_111, %add3A_407 : i32
        %mul3A_409 = arith.constant 256 : i32
        %mul3A_410 = arith.muli %add3A_408, %mul3A_409 : i32
        %add3A_411 = arith.constant 0 : i32
        %add3A_412 = arith.addi %mul3A_410, %add3A_411 : i32
        %dma_start3A_413 = arith.constant 0 : i32
        %dma_start3A_414 = arith.constant 0 : i32
        %dma_start3A_415 = tpu.memref_slice %arg14[%dma_start3A_413, %dma_start3A_414] : memref<256x64xf32, #tpu.memory_space<vmem>> -> memref<128x64xf32, #tpu.memory_space<vmem>>
        %dma_start3A_416 = tpu.memref_slice %arg10[%add3A_412] : memref<3072xi32, #tpu.memory_space<vmem>> -> memref<128xi32, #tpu.memory_space<vmem>>
        %dma_start3A_417 = arith.constant 0 : i32
        %dma_start3A_418 = arith.constant 0 : i32
        %dma_start3A_419 = tpu.memref_slice %arg7[%dma_start3A_417, %dma_start3A_418] : memref<100000x64xf32, #tpu.memory_space<hbm>> -> memref<100000x64xf32, #tpu.memory_space<hbm>>
        tpu.enqueue_indirect_dma source(%dma_start3A_419 : memref<100000x64xf32, #tpu.memory_space<hbm>>) target(%dma_start3A_415 : memref<128x64xf32, #tpu.memory_space<vmem>>) offsets(%dma_start3A_416 : memref<128xi32, #tpu.memory_space<vmem>>) semaphore(%arg21 : memref<!tpu.dma_semaphore, #tpu.memory_space<semaphore_mem>>)
        %lt3A_420 = arith.constant 2 : i32
        %lt3A_421 = arith.cmpi slt, %add3A_408, %lt3A_420 : i32
        %and3A_422 = arith.andi %lt3A_421, %eq3A_9 : i1
        %convert_element_type3A_423 = arith.extui %and3A_422 : i1 to i32
        %cond3A_424 = arith.constant 0 : i32
        %cond3A_425 = arith.cmpi ne, %convert_element_type3A_423, %cond3A_424 : i32
        scf.if %cond3A_425 {
          %dma_start3A_453 = arith.constant 0 : i32
          %dma_start3A_454 = arith.constant 0 : i32
          %dma_start3A_455 = tpu.memref_slice %arg15[%dma_start3A_453, %dma_start3A_454] : memref<256x64xf32, #tpu.memory_space<vmem>> -> memref<128x64xf32, #tpu.memory_space<vmem>>
          %dma_start3A_456 = tpu.memref_slice %arg11[%add3A_412] : memref<3072xi32, #tpu.memory_space<vmem>> -> memref<128xi32, #tpu.memory_space<vmem>>
          %dma_start3A_457 = arith.constant 0 : i32
          %dma_start3A_458 = arith.constant 0 : i32
          %dma_start3A_459 = tpu.memref_slice %arg7[%dma_start3A_457, %dma_start3A_458] : memref<100000x64xf32, #tpu.memory_space<hbm>> -> memref<100000x64xf32, #tpu.memory_space<hbm>>
          tpu.enqueue_indirect_dma source(%dma_start3A_459 : memref<100000x64xf32, #tpu.memory_space<hbm>>) target(%dma_start3A_455 : memref<128x64xf32, #tpu.memory_space<vmem>>) offsets(%dma_start3A_456 : memref<128xi32, #tpu.memory_space<vmem>>) semaphore(%arg21 : memref<!tpu.dma_semaphore, #tpu.memory_space<semaphore_mem>>)
        } else {
        }
        %not3A_426 = arith.constant true
        %not3A_427 = arith.xori %and3A_422, %not3A_426 : i1
        %convert_element_type3A_428 = arith.extui %not3A_427 : i1 to i32
        %cond3A_429 = arith.constant 0 : i32
        %cond3A_430 = arith.cmpi ne, %convert_element_type3A_428, %cond3A_429 : i32
        scf.if %cond3A_430 {
          %dma_start3A_453 = arith.constant 0 : i32
          %dma_start3A_454 = arith.constant 0 : i32
          %dma_start3A_455 = tpu.memref_slice %arg15[%dma_start3A_453, %dma_start3A_454] : memref<256x64xf32, #tpu.memory_space<vmem>> -> memref<128x64xf32, #tpu.memory_space<vmem>>
          %dma_start3A_456 = tpu.memref_slice %arg11[%add3A_412] : memref<3072xi32, #tpu.memory_space<vmem>> -> memref<128xi32, #tpu.memory_space<vmem>>
          %dma_start3A_457 = arith.constant 0 : i32
          %dma_start3A_458 = arith.constant 0 : i32
          %dma_start3A_459 = tpu.memref_slice %arg8[%dma_start3A_457, %dma_start3A_458] : memref<100000x64xf32, #tpu.memory_space<hbm>> -> memref<100000x64xf32, #tpu.memory_space<hbm>>
          tpu.enqueue_indirect_dma source(%dma_start3A_459 : memref<100000x64xf32, #tpu.memory_space<hbm>>) target(%dma_start3A_455 : memref<128x64xf32, #tpu.memory_space<vmem>>) offsets(%dma_start3A_456 : memref<128xi32, #tpu.memory_space<vmem>>) semaphore(%arg21 : memref<!tpu.dma_semaphore, #tpu.memory_space<semaphore_mem>>)
        } else {
        }
        %mul3A_431 = arith.constant 256 : i32
        %mul3A_432 = arith.muli %add3A_408, %mul3A_431 : i32
        %add3A_433 = arith.constant 128 : i32
        %add3A_434 = arith.addi %mul3A_432, %add3A_433 : i32
        %dma_start3A_435 = arith.constant 128 : i32
        %dma_start3A_436 = arith.constant 0 : i32
        %dma_start3A_437 = tpu.memref_slice %arg14[%dma_start3A_435, %dma_start3A_436] : memref<256x64xf32, #tpu.memory_space<vmem>> -> memref<128x64xf32, #tpu.memory_space<vmem>>
        %dma_start3A_438 = tpu.memref_slice %arg10[%add3A_434] : memref<3072xi32, #tpu.memory_space<vmem>> -> memref<128xi32, #tpu.memory_space<vmem>>
        %dma_start3A_439 = arith.constant 0 : i32
        %dma_start3A_440 = arith.constant 0 : i32
        %dma_start3A_441 = tpu.memref_slice %arg7[%dma_start3A_439, %dma_start3A_440] : memref<100000x64xf32, #tpu.memory_space<hbm>> -> memref<100000x64xf32, #tpu.memory_space<hbm>>
        tpu.enqueue_indirect_dma source(%dma_start3A_441 : memref<100000x64xf32, #tpu.memory_space<hbm>>) target(%dma_start3A_437 : memref<128x64xf32, #tpu.memory_space<vmem>>) offsets(%dma_start3A_438 : memref<128xi32, #tpu.memory_space<vmem>>) semaphore(%arg21 : memref<!tpu.dma_semaphore, #tpu.memory_space<semaphore_mem>>)
        %lt3A_442 = arith.constant 2 : i32
        %lt3A_443 = arith.cmpi slt, %add3A_408, %lt3A_442 : i32
        %and3A_444 = arith.andi %lt3A_443, %eq3A_9 : i1
        %convert_element_type3A_445 = arith.extui %and3A_444 : i1 to i32
        %cond3A_446 = arith.constant 0 : i32
        %cond3A_447 = arith.cmpi ne, %convert_element_type3A_445, %cond3A_446 : i32
        scf.if %cond3A_447 {
          %dma_start3A_453 = arith.constant 128 : i32
          %dma_start3A_454 = arith.constant 0 : i32
          %dma_start3A_455 = tpu.memref_slice %arg15[%dma_start3A_453, %dma_start3A_454] : memref<256x64xf32, #tpu.memory_space<vmem>> -> memref<128x64xf32, #tpu.memory_space<vmem>>
          %dma_start3A_456 = tpu.memref_slice %arg11[%add3A_434] : memref<3072xi32, #tpu.memory_space<vmem>> -> memref<128xi32, #tpu.memory_space<vmem>>
          %dma_start3A_457 = arith.constant 0 : i32
          %dma_start3A_458 = arith.constant 0 : i32
          %dma_start3A_459 = tpu.memref_slice %arg7[%dma_start3A_457, %dma_start3A_458] : memref<100000x64xf32, #tpu.memory_space<hbm>> -> memref<100000x64xf32, #tpu.memory_space<hbm>>
          tpu.enqueue_indirect_dma source(%dma_start3A_459 : memref<100000x64xf32, #tpu.memory_space<hbm>>) target(%dma_start3A_455 : memref<128x64xf32, #tpu.memory_space<vmem>>) offsets(%dma_start3A_456 : memref<128xi32, #tpu.memory_space<vmem>>) semaphore(%arg21 : memref<!tpu.dma_semaphore, #tpu.memory_space<semaphore_mem>>)
        } else {
        }
        %not3A_448 = arith.constant true
        %not3A_449 = arith.xori %and3A_444, %not3A_448 : i1
        %convert_element_type3A_450 = arith.extui %not3A_449 : i1 to i32
        %cond3A_451 = arith.constant 0 : i32
        %cond3A_452 = arith.cmpi ne, %convert_element_type3A_450, %cond3A_451 : i32
        scf.if %cond3A_452 {
          %dma_start3A_453 = arith.constant 128 : i32
          %dma_start3A_454 = arith.constant 0 : i32
          %dma_start3A_455 = tpu.memref_slice %arg15[%dma_start3A_453, %dma_start3A_454] : memref<256x64xf32, #tpu.memory_space<vmem>> -> memref<128x64xf32, #tpu.memory_space<vmem>>
          %dma_start3A_456 = tpu.memref_slice %arg11[%add3A_434] : memref<3072xi32, #tpu.memory_space<vmem>> -> memref<128xi32, #tpu.memory_space<vmem>>
          %dma_start3A_457 = arith.constant 0 : i32
          %dma_start3A_458 = arith.constant 0 : i32
          %dma_start3A_459 = tpu.memref_slice %arg8[%dma_start3A_457, %dma_start3A_458] : memref<100000x64xf32, #tpu.memory_space<hbm>> -> memref<100000x64xf32, #tpu.memory_space<hbm>>
          tpu.enqueue_indirect_dma source(%dma_start3A_459 : memref<100000x64xf32, #tpu.memory_space<hbm>>) target(%dma_start3A_455 : memref<128x64xf32, #tpu.memory_space<vmem>>) offsets(%dma_start3A_456 : memref<128xi32, #tpu.memory_space<vmem>>) semaphore(%arg21 : memref<!tpu.dma_semaphore, #tpu.memory_space<semaphore_mem>>)
        } else {
        }
      } else {
      }
      %add3A_326 = arith.constant 2 : i32
      %add3A_327 = arith.addi %mul3A_111, %add3A_326 : i32
      %dma_wait3A_328 = arith.constant 0 : i32
      %dma_wait3A_329 = arith.constant 0 : i32
      %dma_wait3A_330 = tpu.memref_slice %arg16[%dma_wait3A_328, %dma_wait3A_329] : memref<256x64xf32, #tpu.memory_space<vmem>> -> memref<128x64xf32, #tpu.memory_space<vmem>>
      %dma_wait3A_331 = arith.constant 0 : i32
      %dma_wait3A_332 = tpu.memref_slice %arg10[%dma_wait3A_331] : memref<3072xi32, #tpu.memory_space<vmem>> -> memref<128xi32, #tpu.memory_space<vmem>>
      %dma_wait3A_333 = arith.constant 0 : i32
      %dma_wait3A_334 = arith.constant 0 : i32
      %dma_wait3A_335 = tpu.memref_slice %arg7[%dma_wait3A_333, %dma_wait3A_334] : memref<100000x64xf32, #tpu.memory_space<hbm>> -> memref<100000x64xf32, #tpu.memory_space<hbm>>
      tpu.wait_indirect_dma semaphore(%arg22 : memref<!tpu.dma_semaphore, #tpu.memory_space<semaphore_mem>>) src(%dma_wait3A_335 : memref<100000x64xf32, #tpu.memory_space<hbm>>) dst(%dma_wait3A_330 : memref<128x64xf32, #tpu.memory_space<vmem>>)
      %dma_wait3A_336 = arith.constant 0 : i32
      %dma_wait3A_337 = arith.constant 0 : i32
      %dma_wait3A_338 = tpu.memref_slice %arg17[%dma_wait3A_336, %dma_wait3A_337] : memref<256x64xf32, #tpu.memory_space<vmem>> -> memref<128x64xf32, #tpu.memory_space<vmem>>
      %dma_wait3A_339 = arith.constant 0 : i32
      %dma_wait3A_340 = tpu.memref_slice %arg10[%dma_wait3A_339] : memref<3072xi32, #tpu.memory_space<vmem>> -> memref<128xi32, #tpu.memory_space<vmem>>
      %dma_wait3A_341 = arith.constant 0 : i32
      %dma_wait3A_342 = arith.constant 0 : i32
      %dma_wait3A_343 = tpu.memref_slice %arg7[%dma_wait3A_341, %dma_wait3A_342] : memref<100000x64xf32, #tpu.memory_space<hbm>> -> memref<100000x64xf32, #tpu.memory_space<hbm>>
      tpu.wait_indirect_dma semaphore(%arg22 : memref<!tpu.dma_semaphore, #tpu.memory_space<semaphore_mem>>) src(%dma_wait3A_343 : memref<100000x64xf32, #tpu.memory_space<hbm>>) dst(%dma_wait3A_338 : memref<128x64xf32, #tpu.memory_space<vmem>>)
      %dma_wait3A_344 = arith.constant 128 : i32
      %dma_wait3A_345 = arith.constant 0 : i32
      %dma_wait3A_346 = tpu.memref_slice %arg16[%dma_wait3A_344, %dma_wait3A_345] : memref<256x64xf32, #tpu.memory_space<vmem>> -> memref<128x64xf32, #tpu.memory_space<vmem>>
      %dma_wait3A_347 = arith.constant 0 : i32
      %dma_wait3A_348 = tpu.memref_slice %arg10[%dma_wait3A_347] : memref<3072xi32, #tpu.memory_space<vmem>> -> memref<128xi32, #tpu.memory_space<vmem>>
      %dma_wait3A_349 = arith.constant 0 : i32
      %dma_wait3A_350 = arith.constant 0 : i32
      %dma_wait3A_351 = tpu.memref_slice %arg7[%dma_wait3A_349, %dma_wait3A_350] : memref<100000x64xf32, #tpu.memory_space<hbm>> -> memref<100000x64xf32, #tpu.memory_space<hbm>>
      tpu.wait_indirect_dma semaphore(%arg22 : memref<!tpu.dma_semaphore, #tpu.memory_space<semaphore_mem>>) src(%dma_wait3A_351 : memref<100000x64xf32, #tpu.memory_space<hbm>>) dst(%dma_wait3A_346 : memref<128x64xf32, #tpu.memory_space<vmem>>)
      %dma_wait3A_352 = arith.constant 128 : i32
      %dma_wait3A_353 = arith.constant 0 : i32
      %dma_wait3A_354 = tpu.memref_slice %arg17[%dma_wait3A_352, %dma_wait3A_353] : memref<256x64xf32, #tpu.memory_space<vmem>> -> memref<128x64xf32, #tpu.memory_space<vmem>>
      %dma_wait3A_355 = arith.constant 0 : i32
      %dma_wait3A_356 = tpu.memref_slice %arg10[%dma_wait3A_355] : memref<3072xi32, #tpu.memory_space<vmem>> -> memref<128xi32, #tpu.memory_space<vmem>>
      %dma_wait3A_357 = arith.constant 0 : i32
      %dma_wait3A_358 = arith.constant 0 : i32
      %dma_wait3A_359 = tpu.memref_slice %arg7[%dma_wait3A_357, %dma_wait3A_358] : memref<100000x64xf32, #tpu.memory_space<hbm>> -> memref<100000x64xf32, #tpu.memory_space<hbm>>
      tpu.wait_indirect_dma semaphore(%arg22 : memref<!tpu.dma_semaphore, #tpu.memory_space<semaphore_mem>>) src(%dma_wait3A_359 : memref<100000x64xf32, #tpu.memory_space<hbm>>) dst(%dma_wait3A_354 : memref<128x64xf32, #tpu.memory_space<vmem>>)
      %mul3A_360 = arith.constant 256 : i32
      %mul3A_361 = arith.muli %add3A_327, %mul3A_360 : i32
      %iota3A_362 = tpu.iota {dimensions = array<i32: 0>} : vector<16xi32>
      %and3A_363 = arith.constant 8 : i32
      %and3A_364 = vector.broadcast %and3A_363 : i32 to vector<16xi32>
      %and3A_365 = arith.andi %iota3A_362, %and3A_364 : vector<16xi32>
      %eq3A_366 = arith.constant 0 : i32
      %eq3A_367 = vector.broadcast %eq3A_366 : i32 to vector<16xi32>
      %eq3A_368 = arith.cmpi eq, %and3A_365, %eq3A_367 : vector<16xi32>
      %and3A_369 = arith.constant 4 : i32
      %and3A_370 = vector.broadcast %and3A_369 : i32 to vector<16xi32>
      %and3A_371 = arith.andi %iota3A_362, %and3A_370 : vector<16xi32>
      %eq3A_372 = arith.constant 0 : i32
      %eq3A_373 = vector.broadcast %eq3A_372 : i32 to vector<16xi32>
      %eq3A_374 = arith.cmpi eq, %and3A_371, %eq3A_373 : vector<16xi32>
      %and3A_375 = arith.constant 2 : i32
      %and3A_376 = vector.broadcast %and3A_375 : i32 to vector<16xi32>
      %and3A_377 = arith.andi %iota3A_362, %and3A_376 : vector<16xi32>
      %eq3A_378 = arith.constant 0 : i32
      %eq3A_379 = vector.broadcast %eq3A_378 : i32 to vector<16xi32>
      %eq3A_380 = arith.cmpi eq, %and3A_377, %eq3A_379 : vector<16xi32>
      %and3A_381 = arith.constant 1 : i32
      %and3A_382 = vector.broadcast %and3A_381 : i32 to vector<16xi32>
      %and3A_383 = arith.andi %iota3A_362, %and3A_382 : vector<16xi32>
      %eq3A_384 = arith.constant 0 : i32
      %eq3A_385 = vector.broadcast %eq3A_384 : i32 to vector<16xi32>
      %eq3A_386 = arith.cmpi eq, %and3A_383, %eq3A_385 : vector<16xi32>
      %xor3A_387 = arith.constant 8 : i32
      %xor3A_388 = vector.broadcast %xor3A_387 : i32 to vector<16xi32>
      %xor3A_389 = arith.xori %iota3A_362, %xor3A_388 : vector<16xi32>
      %xor3A_390 = arith.constant 4 : i32
      %xor3A_391 = vector.broadcast %xor3A_390 : i32 to vector<16xi32>
      %xor3A_392 = arith.xori %iota3A_362, %xor3A_391 : vector<16xi32>
      %xor3A_393 = arith.constant 2 : i32
      %xor3A_394 = vector.broadcast %xor3A_393 : i32 to vector<16xi32>
      %xor3A_395 = arith.xori %iota3A_362, %xor3A_394 : vector<16xi32>
      %xor3A_396 = arith.constant 1 : i32
      %xor3A_397 = vector.broadcast %xor3A_396 : i32 to vector<16xi32>
      %xor3A_398 = arith.xori %iota3A_362, %xor3A_397 : vector<16xi32>
      %scan3A_399 = arith.constant 0 : i32
      %scan3A_400 = arith.constant 0 : i32
      %scan3A_401 = arith.constant 16 : i32
      %scan3A_402 = arith.addi %scan3A_400, %scan3A_401 : i32
      %scan3A_403 = arith.constant 1 : i32
      %scan3A_404 = scf.for %scan3A_407 = %scan3A_400 to %scan3A_402 step %scan3A_403 iter_args(%scan3A_408 = %scan3A_399) -> (i32)  : i32 {
        %mul3A_409 = arith.constant 16 : i32
        %mul3A_410 = arith.muli %scan3A_407, %mul3A_409 : i32
        %broadcast_in_dim3A_411 = arith.constant 0.000000e+00 : f32
        %broadcast_in_dim3A_412 = vector.broadcast %broadcast_in_dim3A_411 : f32 to vector<16xf32>
        %add3A_413 = arith.constant 0 : i32
        %add3A_414 = arith.addi %mul3A_410, %add3A_413 : i32
        %get3A_415 = arith.index_cast %add3A_414 : i32 to index
        %get3A_416 = arith.constant 0 : index
        %get3A_417 = tpu.vector_load %arg16[%get3A_415, %get3A_416] {strides = array<i32>} : memref<256x64xf32, #tpu.memory_space<vmem>>, vector<16xf32>,
        %get3A_418 = arith.index_cast %add3A_414 : i32 to index
        %get3A_419 = arith.constant 0 : index
        %get3A_420 = tpu.vector_load %arg17[%get3A_418, %get3A_419] {strides = array<i32>} : memref<256x64xf32, #tpu.memory_space<vmem>>, vector<16xf32>,
        %mul3A_421 = arith.mulf %get3A_417, %get3A_420 : vector<16xf32>
        %add3A_422 = arith.addf %broadcast_in_dim3A_412, %mul3A_421 : vector<16xf32>
        %get3A_423 = arith.index_cast %add3A_414 : i32 to index
        %get3A_424 = arith.constant 16 : index
        %get3A_425 = tpu.vector_load %arg16[%get3A_423, %get3A_424] {strides = array<i32>} : memref<256x64xf32, #tpu.memory_space<vmem>>, vector<16xf32>,
        %get3A_426 = arith.index_cast %add3A_414 : i32 to index
        %get3A_427 = arith.constant 16 : index
        %get3A_428 = tpu.vector_load %arg17[%get3A_426, %get3A_427] {strides = array<i32>} : memref<256x64xf32, #tpu.memory_space<vmem>>, vector<16xf32>,
        %mul3A_429 = arith.mulf %get3A_425, %get3A_428 : vector<16xf32>
        %add3A_430 = arith.addf %add3A_422, %mul3A_429 : vector<16xf32>
        %get3A_431 = arith.index_cast %add3A_414 : i32 to index
        %get3A_432 = arith.constant 32 : index
        %get3A_433 = tpu.vector_load %arg16[%get3A_431, %get3A_432] {strides = array<i32>} : memref<256x64xf32, #tpu.memory_space<vmem>>, vector<16xf32>,
        %get3A_434 = arith.index_cast %add3A_414 : i32 to index
        %get3A_435 = arith.constant 32 : index
        %get3A_436 = tpu.vector_load %arg17[%get3A_434, %get3A_435] {strides = array<i32>} : memref<256x64xf32, #tpu.memory_space<vmem>>, vector<16xf32>,
        %mul3A_437 = arith.mulf %get3A_433, %get3A_436 : vector<16xf32>
        %add3A_438 = arith.addf %add3A_430, %mul3A_437 : vector<16xf32>
        %get3A_439 = arith.index_cast %add3A_414 : i32 to index
        %get3A_440 = arith.constant 48 : index
        %get3A_441 = tpu.vector_load %arg16[%get3A_439, %get3A_440] {strides = array<i32>} : memref<256x64xf32, #tpu.memory_space<vmem>>, vector<16xf32>,
        %get3A_442 = arith.index_cast %add3A_414 : i32 to index
        %get3A_443 = arith.constant 48 : index
        %get3A_444 = tpu.vector_load %arg17[%get3A_442, %get3A_443] {strides = array<i32>} : memref<256x64xf32, #tpu.memory_space<vmem>>, vector<16xf32>,
        %mul3A_445 = arith.mulf %get3A_441, %get3A_444 : vector<16xf32>
        %add3A_446 = arith.addf %add3A_438, %mul3A_445 : vector<16xf32>
        %broadcast_in_dim3A_447 = arith.constant 0.000000e+00 : f32
        %broadcast_in_dim3A_448 = vector.broadcast %broadcast_in_dim3A_447 : f32 to vector<16xf32>
        %add3A_449 = arith.constant 1 : i32
        %add3A_450 = arith.addi %mul3A_410, %add3A_449 : i32
        %get3A_451 = arith.index_cast %add3A_450 : i32 to index
        %get3A_452 = arith.constant 0 : index
        %get3A_453 = tpu.vector_load %arg16[%get3A_451, %get3A_452] {strides = array<i32>} : memref<256x64xf32, #tpu.memory_space<vmem>>, vector<16xf32>,
        %get3A_454 = arith.index_cast %add3A_450 : i32 to index
        %get3A_455 = arith.constant 0 : index
        %get3A_456 = tpu.vector_load %arg17[%get3A_454, %get3A_455] {strides = array<i32>} : memref<256x64xf32, #tpu.memory_space<vmem>>, vector<16xf32>,
        %mul3A_457 = arith.mulf %get3A_453, %get3A_456 : vector<16xf32>
        %add3A_458 = arith.addf %broadcast_in_dim3A_448, %mul3A_457 : vector<16xf32>
        %get3A_459 = arith.index_cast %add3A_450 : i32 to index
        %get3A_460 = arith.constant 16 : index
        %get3A_461 = tpu.vector_load %arg16[%get3A_459, %get3A_460] {strides = array<i32>} : memref<256x64xf32, #tpu.memory_space<vmem>>, vector<16xf32>,
        %get3A_462 = arith.index_cast %add3A_450 : i32 to index
        %get3A_463 = arith.constant 16 : index
        %get3A_464 = tpu.vector_load %arg17[%get3A_462, %get3A_463] {strides = array<i32>} : memref<256x64xf32, #tpu.memory_space<vmem>>, vector<16xf32>,
        %mul3A_465 = arith.mulf %get3A_461, %get3A_464 : vector<16xf32>
        %add3A_466 = arith.addf %add3A_458, %mul3A_465 : vector<16xf32>
        %get3A_467 = arith.index_cast %add3A_450 : i32 to index
        %get3A_468 = arith.constant 32 : index
        %get3A_469 = tpu.vector_load %arg16[%get3A_467, %get3A_468] {strides = array<i32>} : memref<256x64xf32, #tpu.memory_space<vmem>>, vector<16xf32>,
        %get3A_470 = arith.index_cast %add3A_450 : i32 to index
        %get3A_471 = arith.constant 32 : index
        %get3A_472 = tpu.vector_load %arg17[%get3A_470, %get3A_471] {strides = array<i32>} : memref<256x64xf32, #tpu.memory_space<vmem>>, vector<16xf32>,
        %mul3A_473 = arith.mulf %get3A_469, %get3A_472 : vector<16xf32>
        %add3A_474 = arith.addf %add3A_466, %mul3A_473 : vector<16xf32>
        %get3A_475 = arith.index_cast %add3A_450 : i32 to index
        %get3A_476 = arith.constant 48 : index
        %get3A_477 = tpu.vector_load %arg16[%get3A_475, %get3A_476] {strides = array<i32>} : memref<256x64xf32, #tpu.memory_space<vmem>>, vector<16xf32>,
        %get3A_478 = arith.index_cast %add3A_450 : i32 to index
        %get3A_479 = arith.constant 48 : index
        %get3A_480 = tpu.vector_load %arg17[%get3A_478, %get3A_479] {strides = array<i32>} : memref<256x64xf32, #tpu.memory_space<vmem>>, vector<16xf32>,
        %mul3A_481 = arith.mulf %get3A_477, %get3A_480 : vector<16xf32>
        %add3A_482 = arith.addf %add3A_474, %mul3A_481 : vector<16xf32>
        %lt3A_483 = arith.constant 0 : i32
        %lt3A_484 = vector.broadcast %lt3A_483 : i32 to vector<16xi32>
        %lt3A_485 = arith.cmpi slt, %xor3A_389, %lt3A_484 : vector<16xi32>
        %add3A_486 = arith.constant 16 : i32
        %add3A_487 = vector.broadcast %add3A_486 : i32 to vector<16xi32>
        %add3A_488 = arith.addi %xor3A_389, %add3A_487 : vector<16xi32>
        %select_n3A = arith.select %lt3A_485, %add3A_488, %xor3A_389 : vector<16xi1>, vector<16xi32>
        %broadcast_in_dim3A_489 = vector.shape_cast %select_n3A : vector<16xi32> to vector<16x1xi32>
        %gather3A = vector.shape_cast %broadcast_in_dim3A_489 : vector<16x1xi32> to vector<16xi32>
        %gather3A_490 = tpu.dynamic_gather %add3A_446[%gather3A] in [0] : vector<16xf32>, vector<16xi32> -> vector<16xf32>
        %lt3A_491 = arith.constant 0 : i32
        %lt3A_492 = vector.broadcast %lt3A_491 : i32 to vector<16xi32>
        %lt3A_493 = arith.cmpi slt, %xor3A_389, %lt3A_492 : vector<16xi32>
        %add3A_494 = arith.constant 16 : i32
        %add3A_495 = vector.broadcast %add3A_494 : i32 to vector<16xi32>
        %add3A_496 = arith.addi %xor3A_389, %add3A_495 : vector<16xi32>
        %select_n3A_497 = arith.select %lt3A_493, %add3A_496, %xor3A_389 : vector<16xi1>, vector<16xi32>
        %broadcast_in_dim3A_498 = vector.shape_cast %select_n3A_497 : vector<16xi32> to vector<16x1xi32>
        %gather3A_499 = vector.shape_cast %broadcast_in_dim3A_498 : vector<16x1xi32> to vector<16xi32>
        %gather3A_500 = tpu.dynamic_gather %add3A_482[%gather3A_499] in [0] : vector<16xf32>, vector<16xi32> -> vector<16xf32>
        %select_n3A_501 = arith.select %eq3A_368, %add3A_446, %gather3A_500 : vector<16xi1>, vector<16xf32>
        %select_n3A_502 = arith.select %eq3A_368, %gather3A_490, %add3A_482 : vector<16xi1>, vector<16xf32>
        %add3A_503 = arith.addf %select_n3A_501, %select_n3A_502 : vector<16xf32>
        %broadcast_in_dim3A_504 = arith.constant 0.000000e+00 : f32
        %broadcast_in_dim3A_505 = vector.broadcast %broadcast_in_dim3A_504 : f32 to vector<16xf32>
        %add3A_506 = arith.constant 2 : i32
        %add3A_507 = arith.addi %mul3A_410, %add3A_506 : i32
        %get3A_508 = arith.index_cast %add3A_507 : i32 to index
        %get3A_509 = arith.constant 0 : index
        %get3A_510 = tpu.vector_load %arg16[%get3A_508, %get3A_509] {strides = array<i32>} : memref<256x64xf32, #tpu.memory_space<vmem>>, vector<16xf32>,
        %get3A_511 = arith.index_cast %add3A_507 : i32 to index
        %get3A_512 = arith.constant 0 : index
        %get3A_513 = tpu.vector_load %arg17[%get3A_511, %get3A_512] {strides = array<i32>} : memref<256x64xf32, #tpu.memory_space<vmem>>, vector<16xf32>,
        %mul3A_514 = arith.mulf %get3A_510, %get3A_513 : vector<16xf32>
        %add3A_515 = arith.addf %broadcast_in_dim3A_505, %mul3A_514 : vector<16xf32>
        %get3A_516 = arith.index_cast %add3A_507 : i32 to index
        %get3A_517 = arith.constant 16 : index
        %get3A_518 = tpu.vector_load %arg16[%get3A_516, %get3A_517] {strides = array<i32>} : memref<256x64xf32, #tpu.memory_space<vmem>>, vector<16xf32>,
        %get3A_519 = arith.index_cast %add3A_507 : i32 to index
        %get3A_520 = arith.constant 16 : index
        %get3A_521 = tpu.vector_load %arg17[%get3A_519, %get3A_520] {strides = array<i32>} : memref<256x64xf32, #tpu.memory_space<vmem>>, vector<16xf32>,
        %mul3A_522 = arith.mulf %get3A_518, %get3A_521 : vector<16xf32>
        %add3A_523 = arith.addf %add3A_515, %mul3A_522 : vector<16xf32>
        %get3A_524 = arith.index_cast %add3A_507 : i32 to index
        %get3A_525 = arith.constant 32 : index
        %get3A_526 = tpu.vector_load %arg16[%get3A_524, %get3A_525] {strides = array<i32>} : memref<256x64xf32, #tpu.memory_space<vmem>>, vector<16xf32>,
        %get3A_527 = arith.index_cast %add3A_507 : i32 to index
        %get3A_528 = arith.constant 32 : index
        %get3A_529 = tpu.vector_load %arg17[%get3A_527, %get3A_528] {strides = array<i32>} : memref<256x64xf32, #tpu.memory_space<vmem>>, vector<16xf32>,
        %mul3A_530 = arith.mulf %get3A_526, %get3A_529 : vector<16xf32>
        %add3A_531 = arith.addf %add3A_523, %mul3A_530 : vector<16xf32>
        %get3A_532 = arith.index_cast %add3A_507 : i32 to index
        %get3A_533 = arith.constant 48 : index
        %get3A_534 = tpu.vector_load %arg16[%get3A_532, %get3A_533] {strides = array<i32>} : memref<256x64xf32, #tpu.memory_space<vmem>>, vector<16xf32>,
        %get3A_535 = arith.index_cast %add3A_507 : i32 to index
        %get3A_536 = arith.constant 48 : index
        %get3A_537 = tpu.vector_load %arg17[%get3A_535, %get3A_536] {strides = array<i32>} : memref<256x64xf32, #tpu.memory_space<vmem>>, vector<16xf32>,
        %mul3A_538 = arith.mulf %get3A_534, %get3A_537 : vector<16xf32>
        %add3A_539 = arith.addf %add3A_531, %mul3A_538 : vector<16xf32>
        %broadcast_in_dim3A_540 = arith.constant 0.000000e+00 : f32
        %broadcast_in_dim3A_541 = vector.broadcast %broadcast_in_dim3A_540 : f32 to vector<16xf32>
        %add3A_542 = arith.constant 3 : i32
        %add3A_543 = arith.addi %mul3A_410, %add3A_542 : i32
        %get3A_544 = arith.index_cast %add3A_543 : i32 to index
        %get3A_545 = arith.constant 0 : index
        %get3A_546 = tpu.vector_load %arg16[%get3A_544, %get3A_545] {strides = array<i32>} : memref<256x64xf32, #tpu.memory_space<vmem>>, vector<16xf32>,
        %get3A_547 = arith.index_cast %add3A_543 : i32 to index
        %get3A_548 = arith.constant 0 : index
        %get3A_549 = tpu.vector_load %arg17[%get3A_547, %get3A_548] {strides = array<i32>} : memref<256x64xf32, #tpu.memory_space<vmem>>, vector<16xf32>,
        %mul3A_550 = arith.mulf %get3A_546, %get3A_549 : vector<16xf32>
        %add3A_551 = arith.addf %broadcast_in_dim3A_541, %mul3A_550 : vector<16xf32>
        %get3A_552 = arith.index_cast %add3A_543 : i32 to index
        %get3A_553 = arith.constant 16 : index
        %get3A_554 = tpu.vector_load %arg16[%get3A_552, %get3A_553] {strides = array<i32>} : memref<256x64xf32, #tpu.memory_space<vmem>>, vector<16xf32>,
        %get3A_555 = arith.index_cast %add3A_543 : i32 to index
        %get3A_556 = arith.constant 16 : index
        %get3A_557 = tpu.vector_load %arg17[%get3A_555, %get3A_556] {strides = array<i32>} : memref<256x64xf32, #tpu.memory_space<vmem>>, vector<16xf32>,
        %mul3A_558 = arith.mulf %get3A_554, %get3A_557 : vector<16xf32>
        %add3A_559 = arith.addf %add3A_551, %mul3A_558 : vector<16xf32>
        %get3A_560 = arith.index_cast %add3A_543 : i32 to index
        %get3A_561 = arith.constant 32 : index
        %get3A_562 = tpu.vector_load %arg16[%get3A_560, %get3A_561] {strides = array<i32>} : memref<256x64xf32, #tpu.memory_space<vmem>>, vector<16xf32>,
        %get3A_563 = arith.index_cast %add3A_543 : i32 to index
        %get3A_564 = arith.constant 32 : index
        %get3A_565 = tpu.vector_load %arg17[%get3A_563, %get3A_564] {strides = array<i32>} : memref<256x64xf32, #tpu.memory_space<vmem>>, vector<16xf32>,
        %mul3A_566 = arith.mulf %get3A_562, %get3A_565 : vector<16xf32>
        %add3A_567 = arith.addf %add3A_559, %mul3A_566 : vector<16xf32>
        %get3A_568 = arith.index_cast %add3A_543 : i32 to index
        %get3A_569 = arith.constant 48 : index
        %get3A_570 = tpu.vector_load %arg16[%get3A_568, %get3A_569] {strides = array<i32>} : memref<256x64xf32, #tpu.memory_space<vmem>>, vector<16xf32>,
        %get3A_571 = arith.index_cast %add3A_543 : i32 to index
        %get3A_572 = arith.constant 48 : index
        %get3A_573 = tpu.vector_load %arg17[%get3A_571, %get3A_572] {strides = array<i32>} : memref<256x64xf32, #tpu.memory_space<vmem>>, vector<16xf32>,
        %mul3A_574 = arith.mulf %get3A_570, %get3A_573 : vector<16xf32>
        %add3A_575 = arith.addf %add3A_567, %mul3A_574 : vector<16xf32>
        %lt3A_576 = arith.constant 0 : i32
        %lt3A_577 = vector.broadcast %lt3A_576 : i32 to vector<16xi32>
        %lt3A_578 = arith.cmpi slt, %xor3A_389, %lt3A_577 : vector<16xi32>
        %add3A_579 = arith.constant 16 : i32
        %add3A_580 = vector.broadcast %add3A_579 : i32 to vector<16xi32>
        %add3A_581 = arith.addi %xor3A_389, %add3A_580 : vector<16xi32>
        %select_n3A_582 = arith.select %lt3A_578, %add3A_581, %xor3A_389 : vector<16xi1>, vector<16xi32>
        %broadcast_in_dim3A_583 = vector.shape_cast %select_n3A_582 : vector<16xi32> to vector<16x1xi32>
        %gather3A_584 = vector.shape_cast %broadcast_in_dim3A_583 : vector<16x1xi32> to vector<16xi32>
        %gather3A_585 = tpu.dynamic_gather %add3A_539[%gather3A_584] in [0] : vector<16xf32>, vector<16xi32> -> vector<16xf32>
        %lt3A_586 = arith.constant 0 : i32
        %lt3A_587 = vector.broadcast %lt3A_586 : i32 to vector<16xi32>
        %lt3A_588 = arith.cmpi slt, %xor3A_389, %lt3A_587 : vector<16xi32>
        %add3A_589 = arith.constant 16 : i32
        %add3A_590 = vector.broadcast %add3A_589 : i32 to vector<16xi32>
        %add3A_591 = arith.addi %xor3A_389, %add3A_590 : vector<16xi32>
        %select_n3A_592 = arith.select %lt3A_588, %add3A_591, %xor3A_389 : vector<16xi1>, vector<16xi32>
        %broadcast_in_dim3A_593 = vector.shape_cast %select_n3A_592 : vector<16xi32> to vector<16x1xi32>
        %gather3A_594 = vector.shape_cast %broadcast_in_dim3A_593 : vector<16x1xi32> to vector<16xi32>
        %gather3A_595 = tpu.dynamic_gather %add3A_575[%gather3A_594] in [0] : vector<16xf32>, vector<16xi32> -> vector<16xf32>
        %select_n3A_596 = arith.select %eq3A_368, %add3A_539, %gather3A_595 : vector<16xi1>, vector<16xf32>
        %select_n3A_597 = arith.select %eq3A_368, %gather3A_585, %add3A_575 : vector<16xi1>, vector<16xf32>
        %add3A_598 = arith.addf %select_n3A_596, %select_n3A_597 : vector<16xf32>
        %lt3A_599 = arith.constant 0 : i32
        %lt3A_600 = vector.broadcast %lt3A_599 : i32 to vector<16xi32>
        %lt3A_601 = arith.cmpi slt, %xor3A_392, %lt3A_600 : vector<16xi32>
        %add3A_602 = arith.constant 16 : i32
        %add3A_603 = vector.broadcast %add3A_602 : i32 to vector<16xi32>
        %add3A_604 = arith.addi %xor3A_392, %add3A_603 : vector<16xi32>
        %select_n3A_605 = arith.select %lt3A_601, %add3A_604, %xor3A_392 : vector<16xi1>, vector<16xi32>
        %broadcast_in_dim3A_606 = vector.shape_cast %select_n3A_605 : vector<16xi32> to vector<16x1xi32>
        %gather3A_607 = vector.shape_cast %broadcast_in_dim3A_606 : vector<16x1xi32> to vector<16xi32>
        %gather3A_608 = tpu.dynamic_gather %add3A_503[%gather3A_607] in [0] : vector<16xf32>, vector<16xi32> -> vector<16xf32>
        %lt3A_609 = arith.constant 0 : i32
        %lt3A_610 = vector.broadcast %lt3A_609 : i32 to vector<16xi32>
        %lt3A_611 = arith.cmpi slt, %xor3A_392, %lt3A_610 : vector<16xi32>
        %add3A_612 = arith.constant 16 : i32
        %add3A_613 = vector.broadcast %add3A_612 : i32 to vector<16xi32>
        %add3A_614 = arith.addi %xor3A_392, %add3A_613 : vector<16xi32>
        %select_n3A_615 = arith.select %lt3A_611, %add3A_614, %xor3A_392 : vector<16xi1>, vector<16xi32>
        %broadcast_in_dim3A_616 = vector.shape_cast %select_n3A_615 : vector<16xi32> to vector<16x1xi32>
        %gather3A_617 = vector.shape_cast %broadcast_in_dim3A_616 : vector<16x1xi32> to vector<16xi32>
        %gather3A_618 = tpu.dynamic_gather %add3A_598[%gather3A_617] in [0] : vector<16xf32>, vector<16xi32> -> vector<16xf32>
        %select_n3A_619 = arith.select %eq3A_374, %add3A_503, %gather3A_618 : vector<16xi1>, vector<16xf32>
        %select_n3A_620 = arith.select %eq3A_374, %gather3A_608, %add3A_598 : vector<16xi1>, vector<16xf32>
        %add3A_621 = arith.addf %select_n3A_619, %select_n3A_620 : vector<16xf32>
        %broadcast_in_dim3A_622 = arith.constant 0.000000e+00 : f32
        %broadcast_in_dim3A_623 = vector.broadcast %broadcast_in_dim3A_622 : f32 to vector<16xf32>
        %add3A_624 = arith.constant 4 : i32
        %add3A_625 = arith.addi %mul3A_410, %add3A_624 : i32
        %get3A_626 = arith.index_cast %add3A_625 : i32 to index
        %get3A_627 = arith.constant 0 : index
        %get3A_628 = tpu.vector_load %arg16[%get3A_626, %get3A_627] {strides = array<i32>} : memref<256x64xf32, #tpu.memory_space<vmem>>, vector<16xf32>,
        %get3A_629 = arith.index_cast %add3A_625 : i32 to index
        %get3A_630 = arith.constant 0 : index
        %get3A_631 = tpu.vector_load %arg17[%get3A_629, %get3A_630] {strides = array<i32>} : memref<256x64xf32, #tpu.memory_space<vmem>>, vector<16xf32>,
        %mul3A_632 = arith.mulf %get3A_628, %get3A_631 : vector<16xf32>
        %add3A_633 = arith.addf %broadcast_in_dim3A_623, %mul3A_632 : vector<16xf32>
        %get3A_634 = arith.index_cast %add3A_625 : i32 to index
        %get3A_635 = arith.constant 16 : index
        %get3A_636 = tpu.vector_load %arg16[%get3A_634, %get3A_635] {strides = array<i32>} : memref<256x64xf32, #tpu.memory_space<vmem>>, vector<16xf32>,
        %get3A_637 = arith.index_cast %add3A_625 : i32 to index
        %get3A_638 = arith.constant 16 : index
        %get3A_639 = tpu.vector_load %arg17[%get3A_637, %get3A_638] {strides = array<i32>} : memref<256x64xf32, #tpu.memory_space<vmem>>, vector<16xf32>,
        %mul3A_640 = arith.mulf %get3A_636, %get3A_639 : vector<16xf32>
        %add3A_641 = arith.addf %add3A_633, %mul3A_640 : vector<16xf32>
        %get3A_642 = arith.index_cast %add3A_625 : i32 to index
        %get3A_643 = arith.constant 32 : index
        %get3A_644 = tpu.vector_load %arg16[%get3A_642, %get3A_643] {strides = array<i32>} : memref<256x64xf32, #tpu.memory_space<vmem>>, vector<16xf32>,
        %get3A_645 = arith.index_cast %add3A_625 : i32 to index
        %get3A_646 = arith.constant 32 : index
        %get3A_647 = tpu.vector_load %arg17[%get3A_645, %get3A_646] {strides = array<i32>} : memref<256x64xf32, #tpu.memory_space<vmem>>, vector<16xf32>,
        %mul3A_648 = arith.mulf %get3A_644, %get3A_647 : vector<16xf32>
        %add3A_649 = arith.addf %add3A_641, %mul3A_648 : vector<16xf32>
        %get3A_650 = arith.index_cast %add3A_625 : i32 to index
        %get3A_651 = arith.constant 48 : index
        %get3A_652 = tpu.vector_load %arg16[%get3A_650, %get3A_651] {strides = array<i32>} : memref<256x64xf32, #tpu.memory_space<vmem>>, vector<16xf32>,
        %get3A_653 = arith.index_cast %add3A_625 : i32 to index
        %get3A_654 = arith.constant 48 : index
        %get3A_655 = tpu.vector_load %arg17[%get3A_653, %get3A_654] {strides = array<i32>} : memref<256x64xf32, #tpu.memory_space<vmem>>, vector<16xf32>,
        %mul3A_656 = arith.mulf %get3A_652, %get3A_655 : vector<16xf32>
        %add3A_657 = arith.addf %add3A_649, %mul3A_656 : vector<16xf32>
        %broadcast_in_dim3A_658 = arith.constant 0.000000e+00 : f32
        %broadcast_in_dim3A_659 = vector.broadcast %broadcast_in_dim3A_658 : f32 to vector<16xf32>
        %add3A_660 = arith.constant 5 : i32
        %add3A_661 = arith.addi %mul3A_410, %add3A_660 : i32
        %get3A_662 = arith.index_cast %add3A_661 : i32 to index
        %get3A_663 = arith.constant 0 : index
        %get3A_664 = tpu.vector_load %arg16[%get3A_662, %get3A_663] {strides = array<i32>} : memref<256x64xf32, #tpu.memory_space<vmem>>, vector<16xf32>,
        %get3A_665 = arith.index_cast %add3A_661 : i32 to index
        %get3A_666 = arith.constant 0 : index
        %get3A_667 = tpu.vector_load %arg17[%get3A_665, %get3A_666] {strides = array<i32>} : memref<256x64xf32, #tpu.memory_space<vmem>>, vector<16xf32>,
        %mul3A_668 = arith.mulf %get3A_664, %get3A_667 : vector<16xf32>
        %add3A_669 = arith.addf %broadcast_in_dim3A_659, %mul3A_668 : vector<16xf32>
        %get3A_670 = arith.index_cast %add3A_661 : i32 to index
        %get3A_671 = arith.constant 16 : index
        %get3A_672 = tpu.vector_load %arg16[%get3A_670, %get3A_671] {strides = array<i32>} : memref<256x64xf32, #tpu.memory_space<vmem>>, vector<16xf32>,
        %get3A_673 = arith.index_cast %add3A_661 : i32 to index
        %get3A_674 = arith.constant 16 : index
        %get3A_675 = tpu.vector_load %arg17[%get3A_673, %get3A_674] {strides = array<i32>} : memref<256x64xf32, #tpu.memory_space<vmem>>, vector<16xf32>,
        %mul3A_676 = arith.mulf %get3A_672, %get3A_675 : vector<16xf32>
        %add3A_677 = arith.addf %add3A_669, %mul3A_676 : vector<16xf32>
        %get3A_678 = arith.index_cast %add3A_661 : i32 to index
        %get3A_679 = arith.constant 32 : index
        %get3A_680 = tpu.vector_load %arg16[%get3A_678, %get3A_679] {strides = array<i32>} : memref<256x64xf32, #tpu.memory_space<vmem>>, vector<16xf32>,
        %get3A_681 = arith.index_cast %add3A_661 : i32 to index
        %get3A_682 = arith.constant 32 : index
        %get3A_683 = tpu.vector_load %arg17[%get3A_681, %get3A_682] {strides = array<i32>} : memref<256x64xf32, #tpu.memory_space<vmem>>, vector<16xf32>,
        %mul3A_684 = arith.mulf %get3A_680, %get3A_683 : vector<16xf32>
        %add3A_685 = arith.addf %add3A_677, %mul3A_684 : vector<16xf32>
        %get3A_686 = arith.index_cast %add3A_661 : i32 to index
        %get3A_687 = arith.constant 48 : index
        %get3A_688 = tpu.vector_load %arg16[%get3A_686, %get3A_687] {strides = array<i32>} : memref<256x64xf32, #tpu.memory_space<vmem>>, vector<16xf32>,
        %get3A_689 = arith.index_cast %add3A_661 : i32 to index
        %get3A_690 = arith.constant 48 : index
        %get3A_691 = tpu.vector_load %arg17[%get3A_689, %get3A_690] {strides = array<i32>} : memref<256x64xf32, #tpu.memory_space<vmem>>, vector<16xf32>,
        %mul3A_692 = arith.mulf %get3A_688, %get3A_691 : vector<16xf32>
        %add3A_693 = arith.addf %add3A_685, %mul3A_692 : vector<16xf32>
        %lt3A_694 = arith.constant 0 : i32
        %lt3A_695 = vector.broadcast %lt3A_694 : i32 to vector<16xi32>
        %lt3A_696 = arith.cmpi slt, %xor3A_389, %lt3A_695 : vector<16xi32>
        %add3A_697 = arith.constant 16 : i32
        %add3A_698 = vector.broadcast %add3A_697 : i32 to vector<16xi32>
        %add3A_699 = arith.addi %xor3A_389, %add3A_698 : vector<16xi32>
        %select_n3A_700 = arith.select %lt3A_696, %add3A_699, %xor3A_389 : vector<16xi1>, vector<16xi32>
        %broadcast_in_dim3A_701 = vector.shape_cast %select_n3A_700 : vector<16xi32> to vector<16x1xi32>
        %gather3A_702 = vector.shape_cast %broadcast_in_dim3A_701 : vector<16x1xi32> to vector<16xi32>
        %gather3A_703 = tpu.dynamic_gather %add3A_657[%gather3A_702] in [0] : vector<16xf32>, vector<16xi32> -> vector<16xf32>
        %lt3A_704 = arith.constant 0 : i32
        %lt3A_705 = vector.broadcast %lt3A_704 : i32 to vector<16xi32>
        %lt3A_706 = arith.cmpi slt, %xor3A_389, %lt3A_705 : vector<16xi32>
        %add3A_707 = arith.constant 16 : i32
        %add3A_708 = vector.broadcast %add3A_707 : i32 to vector<16xi32>
        %add3A_709 = arith.addi %xor3A_389, %add3A_708 : vector<16xi32>
        %select_n3A_710 = arith.select %lt3A_706, %add3A_709, %xor3A_389 : vector<16xi1>, vector<16xi32>
        %broadcast_in_dim3A_711 = vector.shape_cast %select_n3A_710 : vector<16xi32> to vector<16x1xi32>
        %gather3A_712 = vector.shape_cast %broadcast_in_dim3A_711 : vector<16x1xi32> to vector<16xi32>
        %gather3A_713 = tpu.dynamic_gather %add3A_693[%gather3A_712] in [0] : vector<16xf32>, vector<16xi32> -> vector<16xf32>
        %select_n3A_714 = arith.select %eq3A_368, %add3A_657, %gather3A_713 : vector<16xi1>, vector<16xf32>
        %select_n3A_715 = arith.select %eq3A_368, %gather3A_703, %add3A_693 : vector<16xi1>, vector<16xf32>
        %add3A_716 = arith.addf %select_n3A_714, %select_n3A_715 : vector<16xf32>
        %broadcast_in_dim3A_717 = arith.constant 0.000000e+00 : f32
        %broadcast_in_dim3A_718 = vector.broadcast %broadcast_in_dim3A_717 : f32 to vector<16xf32>
        %add3A_719 = arith.constant 6 : i32
        %add3A_720 = arith.addi %mul3A_410, %add3A_719 : i32
        %get3A_721 = arith.index_cast %add3A_720 : i32 to index
        %get3A_722 = arith.constant 0 : index
        %get3A_723 = tpu.vector_load %arg16[%get3A_721, %get3A_722] {strides = array<i32>} : memref<256x64xf32, #tpu.memory_space<vmem>>, vector<16xf32>,
        %get3A_724 = arith.index_cast %add3A_720 : i32 to index
        %get3A_725 = arith.constant 0 : index
        %get3A_726 = tpu.vector_load %arg17[%get3A_724, %get3A_725] {strides = array<i32>} : memref<256x64xf32, #tpu.memory_space<vmem>>, vector<16xf32>,
        %mul3A_727 = arith.mulf %get3A_723, %get3A_726 : vector<16xf32>
        %add3A_728 = arith.addf %broadcast_in_dim3A_718, %mul3A_727 : vector<16xf32>
        %get3A_729 = arith.index_cast %add3A_720 : i32 to index
        %get3A_730 = arith.constant 16 : index
        %get3A_731 = tpu.vector_load %arg16[%get3A_729, %get3A_730] {strides = array<i32>} : memref<256x64xf32, #tpu.memory_space<vmem>>, vector<16xf32>,
        %get3A_732 = arith.index_cast %add3A_720 : i32 to index
        %get3A_733 = arith.constant 16 : index
        %get3A_734 = tpu.vector_load %arg17[%get3A_732, %get3A_733] {strides = array<i32>} : memref<256x64xf32, #tpu.memory_space<vmem>>, vector<16xf32>,
        %mul3A_735 = arith.mulf %get3A_731, %get3A_734 : vector<16xf32>
        %add3A_736 = arith.addf %add3A_728, %mul3A_735 : vector<16xf32>
        %get3A_737 = arith.index_cast %add3A_720 : i32 to index
        %get3A_738 = arith.constant 32 : index
        %get3A_739 = tpu.vector_load %arg16[%get3A_737, %get3A_738] {strides = array<i32>} : memref<256x64xf32, #tpu.memory_space<vmem>>, vector<16xf32>,
        %get3A_740 = arith.index_cast %add3A_720 : i32 to index
        %get3A_741 = arith.constant 32 : index
        %get3A_742 = tpu.vector_load %arg17[%get3A_740, %get3A_741] {strides = array<i32>} : memref<256x64xf32, #tpu.memory_space<vmem>>, vector<16xf32>,
        %mul3A_743 = arith.mulf %get3A_739, %get3A_742 : vector<16xf32>
        %add3A_744 = arith.addf %add3A_736, %mul3A_743 : vector<16xf32>
        %get3A_745 = arith.index_cast %add3A_720 : i32 to index
        %get3A_746 = arith.constant 48 : index
        %get3A_747 = tpu.vector_load %arg16[%get3A_745, %get3A_746] {strides = array<i32>} : memref<256x64xf32, #tpu.memory_space<vmem>>, vector<16xf32>,
        %get3A_748 = arith.index_cast %add3A_720 : i32 to index
        %get3A_749 = arith.constant 48 : index
        %get3A_750 = tpu.vector_load %arg17[%get3A_748, %get3A_749] {strides = array<i32>} : memref<256x64xf32, #tpu.memory_space<vmem>>, vector<16xf32>,
        %mul3A_751 = arith.mulf %get3A_747, %get3A_750 : vector<16xf32>
        %add3A_752 = arith.addf %add3A_744, %mul3A_751 : vector<16xf32>
        %broadcast_in_dim3A_753 = arith.constant 0.000000e+00 : f32
        %broadcast_in_dim3A_754 = vector.broadcast %broadcast_in_dim3A_753 : f32 to vector<16xf32>
        %add3A_755 = arith.constant 7 : i32
        %add3A_756 = arith.addi %mul3A_410, %add3A_755 : i32
        %get3A_757 = arith.index_cast %add3A_756 : i32 to index
        %get3A_758 = arith.constant 0 : index
        %get3A_759 = tpu.vector_load %arg16[%get3A_757, %get3A_758] {strides = array<i32>} : memref<256x64xf32, #tpu.memory_space<vmem>>, vector<16xf32>,
        %get3A_760 = arith.index_cast %add3A_756 : i32 to index
        %get3A_761 = arith.constant 0 : index
        %get3A_762 = tpu.vector_load %arg17[%get3A_760, %get3A_761] {strides = array<i32>} : memref<256x64xf32, #tpu.memory_space<vmem>>, vector<16xf32>,
        %mul3A_763 = arith.mulf %get3A_759, %get3A_762 : vector<16xf32>
        %add3A_764 = arith.addf %broadcast_in_dim3A_754, %mul3A_763 : vector<16xf32>
        %get3A_765 = arith.index_cast %add3A_756 : i32 to index
        %get3A_766 = arith.constant 16 : index
        %get3A_767 = tpu.vector_load %arg16[%get3A_765, %get3A_766] {strides = array<i32>} : memref<256x64xf32, #tpu.memory_space<vmem>>, vector<16xf32>,
        %get3A_768 = arith.index_cast %add3A_756 : i32 to index
        %get3A_769 = arith.constant 16 : index
        %get3A_770 = tpu.vector_load %arg17[%get3A_768, %get3A_769] {strides = array<i32>} : memref<256x64xf32, #tpu.memory_space<vmem>>, vector<16xf32>,
        %mul3A_771 = arith.mulf %get3A_767, %get3A_770 : vector<16xf32>
        %add3A_772 = arith.addf %add3A_764, %mul3A_771 : vector<16xf32>
        %get3A_773 = arith.index_cast %add3A_756 : i32 to index
        %get3A_774 = arith.constant 32 : index
        %get3A_775 = tpu.vector_load %arg16[%get3A_773, %get3A_774] {strides = array<i32>} : memref<256x64xf32, #tpu.memory_space<vmem>>, vector<16xf32>,
        %get3A_776 = arith.index_cast %add3A_756 : i32 to index
        %get3A_777 = arith.constant 32 : index
        %get3A_778 = tpu.vector_load %arg17[%get3A_776, %get3A_777] {strides = array<i32>} : memref<256x64xf32, #tpu.memory_space<vmem>>, vector<16xf32>,
        %mul3A_779 = arith.mulf %get3A_775, %get3A_778 : vector<16xf32>
        %add3A_780 = arith.addf %add3A_772, %mul3A_779 : vector<16xf32>
        %get3A_781 = arith.index_cast %add3A_756 : i32 to index
        %get3A_782 = arith.constant 48 : index
        %get3A_783 = tpu.vector_load %arg16[%get3A_781, %get3A_782] {strides = array<i32>} : memref<256x64xf32, #tpu.memory_space<vmem>>, vector<16xf32>,
        %get3A_784 = arith.index_cast %add3A_756 : i32 to index
        %get3A_785 = arith.constant 48 : index
        %get3A_786 = tpu.vector_load %arg17[%get3A_784, %get3A_785] {strides = array<i32>} : memref<256x64xf32, #tpu.memory_space<vmem>>, vector<16xf32>,
        %mul3A_787 = arith.mulf %get3A_783, %get3A_786 : vector<16xf32>
        %add3A_788 = arith.addf %add3A_780, %mul3A_787 : vector<16xf32>
        %lt3A_789 = arith.constant 0 : i32
        %lt3A_790 = vector.broadcast %lt3A_789 : i32 to vector<16xi32>
        %lt3A_791 = arith.cmpi slt, %xor3A_389, %lt3A_790 : vector<16xi32>
        %add3A_792 = arith.constant 16 : i32
        %add3A_793 = vector.broadcast %add3A_792 : i32 to vector<16xi32>
        %add3A_794 = arith.addi %xor3A_389, %add3A_793 : vector<16xi32>
        %select_n3A_795 = arith.select %lt3A_791, %add3A_794, %xor3A_389 : vector<16xi1>, vector<16xi32>
        %broadcast_in_dim3A_796 = vector.shape_cast %select_n3A_795 : vector<16xi32> to vector<16x1xi32>
        %gather3A_797 = vector.shape_cast %broadcast_in_dim3A_796 : vector<16x1xi32> to vector<16xi32>
        %gather3A_798 = tpu.dynamic_gather %add3A_752[%gather3A_797] in [0] : vector<16xf32>, vector<16xi32> -> vector<16xf32>
        %lt3A_799 = arith.constant 0 : i32
        %lt3A_800 = vector.broadcast %lt3A_799 : i32 to vector<16xi32>
        %lt3A_801 = arith.cmpi slt, %xor3A_389, %lt3A_800 : vector<16xi32>
        %add3A_802 = arith.constant 16 : i32
        %add3A_803 = vector.broadcast %add3A_802 : i32 to vector<16xi32>
        %add3A_804 = arith.addi %xor3A_389, %add3A_803 : vector<16xi32>
        %select_n3A_805 = arith.select %lt3A_801, %add3A_804, %xor3A_389 : vector<16xi1>, vector<16xi32>
        %broadcast_in_dim3A_806 = vector.shape_cast %select_n3A_805 : vector<16xi32> to vector<16x1xi32>
        %gather3A_807 = vector.shape_cast %broadcast_in_dim3A_806 : vector<16x1xi32> to vector<16xi32>
        %gather3A_808 = tpu.dynamic_gather %add3A_788[%gather3A_807] in [0] : vector<16xf32>, vector<16xi32> -> vector<16xf32>
        %select_n3A_809 = arith.select %eq3A_368, %add3A_752, %gather3A_808 : vector<16xi1>, vector<16xf32>
        %select_n3A_810 = arith.select %eq3A_368, %gather3A_798, %add3A_788 : vector<16xi1>, vector<16xf32>
        %add3A_811 = arith.addf %select_n3A_809, %select_n3A_810 : vector<16xf32>
        %lt3A_812 = arith.constant 0 : i32
        %lt3A_813 = vector.broadcast %lt3A_812 : i32 to vector<16xi32>
        %lt3A_814 = arith.cmpi slt, %xor3A_392, %lt3A_813 : vector<16xi32>
        %add3A_815 = arith.constant 16 : i32
        %add3A_816 = vector.broadcast %add3A_815 : i32 to vector<16xi32>
        %add3A_817 = arith.addi %xor3A_392, %add3A_816 : vector<16xi32>
        %select_n3A_818 = arith.select %lt3A_814, %add3A_817, %xor3A_392 : vector<16xi1>, vector<16xi32>
        %broadcast_in_dim3A_819 = vector.shape_cast %select_n3A_818 : vector<16xi32> to vector<16x1xi32>
        %gather3A_820 = vector.shape_cast %broadcast_in_dim3A_819 : vector<16x1xi32> to vector<16xi32>
        %gather3A_821 = tpu.dynamic_gather %add3A_716[%gather3A_820] in [0] : vector<16xf32>, vector<16xi32> -> vector<16xf32>
        %lt3A_822 = arith.constant 0 : i32
        %lt3A_823 = vector.broadcast %lt3A_822 : i32 to vector<16xi32>
        %lt3A_824 = arith.cmpi slt, %xor3A_392, %lt3A_823 : vector<16xi32>
        %add3A_825 = arith.constant 16 : i32
        %add3A_826 = vector.broadcast %add3A_825 : i32 to vector<16xi32>
        %add3A_827 = arith.addi %xor3A_392, %add3A_826 : vector<16xi32>
        %select_n3A_828 = arith.select %lt3A_824, %add3A_827, %xor3A_392 : vector<16xi1>, vector<16xi32>
        %broadcast_in_dim3A_829 = vector.shape_cast %select_n3A_828 : vector<16xi32> to vector<16x1xi32>
        %gather3A_830 = vector.shape_cast %broadcast_in_dim3A_829 : vector<16x1xi32> to vector<16xi32>
        %gather3A_831 = tpu.dynamic_gather %add3A_811[%gather3A_830] in [0] : vector<16xf32>, vector<16xi32> -> vector<16xf32>
        %select_n3A_832 = arith.select %eq3A_374, %add3A_716, %gather3A_831 : vector<16xi1>, vector<16xf32>
        %select_n3A_833 = arith.select %eq3A_374, %gather3A_821, %add3A_811 : vector<16xi1>, vector<16xf32>
        %add3A_834 = arith.addf %select_n3A_832, %select_n3A_833 : vector<16xf32>
        %lt3A_835 = arith.constant 0 : i32
        %lt3A_836 = vector.broadcast %lt3A_835 : i32 to vector<16xi32>
        %lt3A_837 = arith.cmpi slt, %xor3A_395, %lt3A_836 : vector<16xi32>
        %add3A_838 = arith.constant 16 : i32
        %add3A_839 = vector.broadcast %add3A_838 : i32 to vector<16xi32>
        %add3A_840 = arith.addi %xor3A_395, %add3A_839 : vector<16xi32>
        %select_n3A_841 = arith.select %lt3A_837, %add3A_840, %xor3A_395 : vector<16xi1>, vector<16xi32>
        %broadcast_in_dim3A_842 = vector.shape_cast %select_n3A_841 : vector<16xi32> to vector<16x1xi32>
        %gather3A_843 = vector.shape_cast %broadcast_in_dim3A_842 : vector<16x1xi32> to vector<16xi32>
        %gather3A_844 = tpu.dynamic_gather %add3A_621[%gather3A_843] in [0] : vector<16xf32>, vector<16xi32> -> vector<16xf32>
        %lt3A_845 = arith.constant 0 : i32
        %lt3A_846 = vector.broadcast %lt3A_845 : i32 to vector<16xi32>
        %lt3A_847 = arith.cmpi slt, %xor3A_395, %lt3A_846 : vector<16xi32>
        %add3A_848 = arith.constant 16 : i32
        %add3A_849 = vector.broadcast %add3A_848 : i32 to vector<16xi32>
        %add3A_850 = arith.addi %xor3A_395, %add3A_849 : vector<16xi32>
        %select_n3A_851 = arith.select %lt3A_847, %add3A_850, %xor3A_395 : vector<16xi1>, vector<16xi32>
        %broadcast_in_dim3A_852 = vector.shape_cast %select_n3A_851 : vector<16xi32> to vector<16x1xi32>
        %gather3A_853 = vector.shape_cast %broadcast_in_dim3A_852 : vector<16x1xi32> to vector<16xi32>
        %gather3A_854 = tpu.dynamic_gather %add3A_834[%gather3A_853] in [0] : vector<16xf32>, vector<16xi32> -> vector<16xf32>
        %select_n3A_855 = arith.select %eq3A_380, %add3A_621, %gather3A_854 : vector<16xi1>, vector<16xf32>
        %select_n3A_856 = arith.select %eq3A_380, %gather3A_844, %add3A_834 : vector<16xi1>, vector<16xf32>
        %add3A_857 = arith.addf %select_n3A_855, %select_n3A_856 : vector<16xf32>
        %broadcast_in_dim3A_858 = arith.constant 0.000000e+00 : f32
        %broadcast_in_dim3A_859 = vector.broadcast %broadcast_in_dim3A_858 : f32 to vector<16xf32>
        %add3A_860 = arith.constant 8 : i32
        %add3A_861 = arith.addi %mul3A_410, %add3A_860 : i32
        %get3A_862 = arith.index_cast %add3A_861 : i32 to index
        %get3A_863 = arith.constant 0 : index
        %get3A_864 = tpu.vector_load %arg16[%get3A_862, %get3A_863] {strides = array<i32>} : memref<256x64xf32, #tpu.memory_space<vmem>>, vector<16xf32>,
        %get3A_865 = arith.index_cast %add3A_861 : i32 to index
        %get3A_866 = arith.constant 0 : index
        %get3A_867 = tpu.vector_load %arg17[%get3A_865, %get3A_866] {strides = array<i32>} : memref<256x64xf32, #tpu.memory_space<vmem>>, vector<16xf32>,
        %mul3A_868 = arith.mulf %get3A_864, %get3A_867 : vector<16xf32>
        %add3A_869 = arith.addf %broadcast_in_dim3A_859, %mul3A_868 : vector<16xf32>
        %get3A_870 = arith.index_cast %add3A_861 : i32 to index
        %get3A_871 = arith.constant 16 : index
        %get3A_872 = tpu.vector_load %arg16[%get3A_870, %get3A_871] {strides = array<i32>} : memref<256x64xf32, #tpu.memory_space<vmem>>, vector<16xf32>,
        %get3A_873 = arith.index_cast %add3A_861 : i32 to index
        %get3A_874 = arith.constant 16 : index
        %get3A_875 = tpu.vector_load %arg17[%get3A_873, %get3A_874] {strides = array<i32>} : memref<256x64xf32, #tpu.memory_space<vmem>>, vector<16xf32>,
        %mul3A_876 = arith.mulf %get3A_872, %get3A_875 : vector<16xf32>
        %add3A_877 = arith.addf %add3A_869, %mul3A_876 : vector<16xf32>
        %get3A_878 = arith.index_cast %add3A_861 : i32 to index
        %get3A_879 = arith.constant 32 : index
        %get3A_880 = tpu.vector_load %arg16[%get3A_878, %get3A_879] {strides = array<i32>} : memref<256x64xf32, #tpu.memory_space<vmem>>, vector<16xf32>,
        %get3A_881 = arith.index_cast %add3A_861 : i32 to index
        %get3A_882 = arith.constant 32 : index
        %get3A_883 = tpu.vector_load %arg17[%get3A_881, %get3A_882] {strides = array<i32>} : memref<256x64xf32, #tpu.memory_space<vmem>>, vector<16xf32>,
        %mul3A_884 = arith.mulf %get3A_880, %get3A_883 : vector<16xf32>
        %add3A_885 = arith.addf %add3A_877, %mul3A_884 : vector<16xf32>
        %get3A_886 = arith.index_cast %add3A_861 : i32 to index
        %get3A_887 = arith.constant 48 : index
        %get3A_888 = tpu.vector_load %arg16[%get3A_886, %get3A_887] {strides = array<i32>} : memref<256x64xf32, #tpu.memory_space<vmem>>, vector<16xf32>,
        %get3A_889 = arith.index_cast %add3A_861 : i32 to index
        %get3A_890 = arith.constant 48 : index
        %get3A_891 = tpu.vector_load %arg17[%get3A_889, %get3A_890] {strides = array<i32>} : memref<256x64xf32, #tpu.memory_space<vmem>>, vector<16xf32>,
        %mul3A_892 = arith.mulf %get3A_888, %get3A_891 : vector<16xf32>
        %add3A_893 = arith.addf %add3A_885, %mul3A_892 : vector<16xf32>
        %broadcast_in_dim3A_894 = arith.constant 0.000000e+00 : f32
        %broadcast_in_dim3A_895 = vector.broadcast %broadcast_in_dim3A_894 : f32 to vector<16xf32>
        %add3A_896 = arith.constant 9 : i32
        %add3A_897 = arith.addi %mul3A_410, %add3A_896 : i32
        %get3A_898 = arith.index_cast %add3A_897 : i32 to index
        %get3A_899 = arith.constant 0 : index
        %get3A_900 = tpu.vector_load %arg16[%get3A_898, %get3A_899] {strides = array<i32>} : memref<256x64xf32, #tpu.memory_space<vmem>>, vector<16xf32>,
        %get3A_901 = arith.index_cast %add3A_897 : i32 to index
        %get3A_902 = arith.constant 0 : index
        %get3A_903 = tpu.vector_load %arg17[%get3A_901, %get3A_902] {strides = array<i32>} : memref<256x64xf32, #tpu.memory_space<vmem>>, vector<16xf32>,
        %mul3A_904 = arith.mulf %get3A_900, %get3A_903 : vector<16xf32>
        %add3A_905 = arith.addf %broadcast_in_dim3A_895, %mul3A_904 : vector<16xf32>
        %get3A_906 = arith.index_cast %add3A_897 : i32 to index
        %get3A_907 = arith.constant 16 : index
        %get3A_908 = tpu.vector_load %arg16[%get3A_906, %get3A_907] {strides = array<i32>} : memref<256x64xf32, #tpu.memory_space<vmem>>, vector<16xf32>,
        %get3A_909 = arith.index_cast %add3A_897 : i32 to index
        %get3A_910 = arith.constant 16 : index
        %get3A_911 = tpu.vector_load %arg17[%get3A_909, %get3A_910] {strides = array<i32>} : memref<256x64xf32, #tpu.memory_space<vmem>>, vector<16xf32>,
        %mul3A_912 = arith.mulf %get3A_908, %get3A_911 : vector<16xf32>
        %add3A_913 = arith.addf %add3A_905, %mul3A_912 : vector<16xf32>
        %get3A_914 = arith.index_cast %add3A_897 : i32 to index
        %get3A_915 = arith.constant 32 : index
        %get3A_916 = tpu.vector_load %arg16[%get3A_914, %get3A_915] {strides = array<i32>} : memref<256x64xf32, #tpu.memory_space<vmem>>, vector<16xf32>,
        %get3A_917 = arith.index_cast %add3A_897 : i32 to index
        %get3A_918 = arith.constant 32 : index
        %get3A_919 = tpu.vector_load %arg17[%get3A_917, %get3A_918] {strides = array<i32>} : memref<256x64xf32, #tpu.memory_space<vmem>>, vector<16xf32>,
        %mul3A_920 = arith.mulf %get3A_916, %get3A_919 : vector<16xf32>
        %add3A_921 = arith.addf %add3A_913, %mul3A_920 : vector<16xf32>
        %get3A_922 = arith.index_cast %add3A_897 : i32 to index
        %get3A_923 = arith.constant 48 : index
        %get3A_924 = tpu.vector_load %arg16[%get3A_922, %get3A_923] {strides = array<i32>} : memref<256x64xf32, #tpu.memory_space<vmem>>, vector<16xf32>,
        %get3A_925 = arith.index_cast %add3A_897 : i32 to index
        %get3A_926 = arith.constant 48 : index
        %get3A_927 = tpu.vector_load %arg17[%get3A_925, %get3A_926] {strides = array<i32>} : memref<256x64xf32, #tpu.memory_space<vmem>>, vector<16xf32>,
        %mul3A_928 = arith.mulf %get3A_924, %get3A_927 : vector<16xf32>
        %add3A_929 = arith.addf %add3A_921, %mul3A_928 : vector<16xf32>
        %lt3A_930 = arith.constant 0 : i32
        %lt3A_931 = vector.broadcast %lt3A_930 : i32 to vector<16xi32>
        %lt3A_932 = arith.cmpi slt, %xor3A_389, %lt3A_931 : vector<16xi32>
        %add3A_933 = arith.constant 16 : i32
        %add3A_934 = vector.broadcast %add3A_933 : i32 to vector<16xi32>
        %add3A_935 = arith.addi %xor3A_389, %add3A_934 : vector<16xi32>
        %select_n3A_936 = arith.select %lt3A_932, %add3A_935, %xor3A_389 : vector<16xi1>, vector<16xi32>
        %broadcast_in_dim3A_937 = vector.shape_cast %select_n3A_936 : vector<16xi32> to vector<16x1xi32>
        %gather3A_938 = vector.shape_cast %broadcast_in_dim3A_937 : vector<16x1xi32> to vector<16xi32>
        %gather3A_939 = tpu.dynamic_gather %add3A_893[%gather3A_938] in [0] : vector<16xf32>, vector<16xi32> -> vector<16xf32>
        %lt3A_940 = arith.constant 0 : i32
        %lt3A_941 = vector.broadcast %lt3A_940 : i32 to vector<16xi32>
        %lt3A_942 = arith.cmpi slt, %xor3A_389, %lt3A_941 : vector<16xi32>
        %add3A_943 = arith.constant 16 : i32
        %add3A_944 = vector.broadcast %add3A_943 : i32 to vector<16xi32>
        %add3A_945 = arith.addi %xor3A_389, %add3A_944 : vector<16xi32>
        %select_n3A_946 = arith.select %lt3A_942, %add3A_945, %xor3A_389 : vector<16xi1>, vector<16xi32>
        %broadcast_in_dim3A_947 = vector.shape_cast %select_n3A_946 : vector<16xi32> to vector<16x1xi32>
        %gather3A_948 = vector.shape_cast %broadcast_in_dim3A_947 : vector<16x1xi32> to vector<16xi32>
        %gather3A_949 = tpu.dynamic_gather %add3A_929[%gather3A_948] in [0] : vector<16xf32>, vector<16xi32> -> vector<16xf32>
        %select_n3A_950 = arith.select %eq3A_368, %add3A_893, %gather3A_949 : vector<16xi1>, vector<16xf32>
        %select_n3A_951 = arith.select %eq3A_368, %gather3A_939, %add3A_929 : vector<16xi1>, vector<16xf32>
        %add3A_952 = arith.addf %select_n3A_950, %select_n3A_951 : vector<16xf32>
        %broadcast_in_dim3A_953 = arith.constant 0.000000e+00 : f32
        %broadcast_in_dim3A_954 = vector.broadcast %broadcast_in_dim3A_953 : f32 to vector<16xf32>
        %add3A_955 = arith.constant 10 : i32
        %add3A_956 = arith.addi %mul3A_410, %add3A_955 : i32
        %get3A_957 = arith.index_cast %add3A_956 : i32 to index
        %get3A_958 = arith.constant 0 : index
        %get3A_959 = tpu.vector_load %arg16[%get3A_957, %get3A_958] {strides = array<i32>} : memref<256x64xf32, #tpu.memory_space<vmem>>, vector<16xf32>,
        %get3A_960 = arith.index_cast %add3A_956 : i32 to index
        %get3A_961 = arith.constant 0 : index
        %get3A_962 = tpu.vector_load %arg17[%get3A_960, %get3A_961] {strides = array<i32>} : memref<256x64xf32, #tpu.memory_space<vmem>>, vector<16xf32>,
        %mul3A_963 = arith.mulf %get3A_959, %get3A_962 : vector<16xf32>
        %add3A_964 = arith.addf %broadcast_in_dim3A_954, %mul3A_963 : vector<16xf32>
        %get3A_965 = arith.index_cast %add3A_956 : i32 to index
        %get3A_966 = arith.constant 16 : index
        %get3A_967 = tpu.vector_load %arg16[%get3A_965, %get3A_966] {strides = array<i32>} : memref<256x64xf32, #tpu.memory_space<vmem>>, vector<16xf32>,
        %get3A_968 = arith.index_cast %add3A_956 : i32 to index
        %get3A_969 = arith.constant 16 : index
        %get3A_970 = tpu.vector_load %arg17[%get3A_968, %get3A_969] {strides = array<i32>} : memref<256x64xf32, #tpu.memory_space<vmem>>, vector<16xf32>,
        %mul3A_971 = arith.mulf %get3A_967, %get3A_970 : vector<16xf32>
        %add3A_972 = arith.addf %add3A_964, %mul3A_971 : vector<16xf32>
        %get3A_973 = arith.index_cast %add3A_956 : i32 to index
        %get3A_974 = arith.constant 32 : index
        %get3A_975 = tpu.vector_load %arg16[%get3A_973, %get3A_974] {strides = array<i32>} : memref<256x64xf32, #tpu.memory_space<vmem>>, vector<16xf32>,
        %get3A_976 = arith.index_cast %add3A_956 : i32 to index
        %get3A_977 = arith.constant 32 : index
        %get3A_978 = tpu.vector_load %arg17[%get3A_976, %get3A_977] {strides = array<i32>} : memref<256x64xf32, #tpu.memory_space<vmem>>, vector<16xf32>,
        %mul3A_979 = arith.mulf %get3A_975, %get3A_978 : vector<16xf32>
        %add3A_980 = arith.addf %add3A_972, %mul3A_979 : vector<16xf32>
        %get3A_981 = arith.index_cast %add3A_956 : i32 to index
        %get3A_982 = arith.constant 48 : index
        %get3A_983 = tpu.vector_load %arg16[%get3A_981, %get3A_982] {strides = array<i32>} : memref<256x64xf32, #tpu.memory_space<vmem>>, vector<16xf32>,
        %get3A_984 = arith.index_cast %add3A_956 : i32 to index
        %get3A_985 = arith.constant 48 : index
        %get3A_986 = tpu.vector_load %arg17[%get3A_984, %get3A_985] {strides = array<i32>} : memref<256x64xf32, #tpu.memory_space<vmem>>, vector<16xf32>,
        %mul3A_987 = arith.mulf %get3A_983, %get3A_986 : vector<16xf32>
        %add3A_988 = arith.addf %add3A_980, %mul3A_987 : vector<16xf32>
        %broadcast_in_dim3A_989 = arith.constant 0.000000e+00 : f32
        %broadcast_in_dim3A_990 = vector.broadcast %broadcast_in_dim3A_989 : f32 to vector<16xf32>
        %add3A_991 = arith.constant 11 : i32
        %add3A_992 = arith.addi %mul3A_410, %add3A_991 : i32
        %get3A_993 = arith.index_cast %add3A_992 : i32 to index
        %get3A_994 = arith.constant 0 : index
        %get3A_995 = tpu.vector_load %arg16[%get3A_993, %get3A_994] {strides = array<i32>} : memref<256x64xf32, #tpu.memory_space<vmem>>, vector<16xf32>,
        %get3A_996 = arith.index_cast %add3A_992 : i32 to index
        %get3A_997 = arith.constant 0 : index
        %get3A_998 = tpu.vector_load %arg17[%get3A_996, %get3A_997] {strides = array<i32>} : memref<256x64xf32, #tpu.memory_space<vmem>>, vector<16xf32>,
        %mul3A_999 = arith.mulf %get3A_995, %get3A_998 : vector<16xf32>
        %add3A_1000 = arith.addf %broadcast_in_dim3A_990, %mul3A_999 : vector<16xf32>
        %get3A_1001 = arith.index_cast %add3A_992 : i32 to index
        %get3A_1002 = arith.constant 16 : index
        %get3A_1003 = tpu.vector_load %arg16[%get3A_1001, %get3A_1002] {strides = array<i32>} : memref<256x64xf32, #tpu.memory_space<vmem>>, vector<16xf32>,
        %get3A_1004 = arith.index_cast %add3A_992 : i32 to index
        %get3A_1005 = arith.constant 16 : index
        %get3A_1006 = tpu.vector_load %arg17[%get3A_1004, %get3A_1005] {strides = array<i32>} : memref<256x64xf32, #tpu.memory_space<vmem>>, vector<16xf32>,
        %mul3A_1007 = arith.mulf %get3A_1003, %get3A_1006 : vector<16xf32>
        %add3A_1008 = arith.addf %add3A_1000, %mul3A_1007 : vector<16xf32>
        %get3A_1009 = arith.index_cast %add3A_992 : i32 to index
        %get3A_1010 = arith.constant 32 : index
        %get3A_1011 = tpu.vector_load %arg16[%get3A_1009, %get3A_1010] {strides = array<i32>} : memref<256x64xf32, #tpu.memory_space<vmem>>, vector<16xf32>,
        %get3A_1012 = arith.index_cast %add3A_992 : i32 to index
        %get3A_1013 = arith.constant 32 : index
        %get3A_1014 = tpu.vector_load %arg17[%get3A_1012, %get3A_1013] {strides = array<i32>} : memref<256x64xf32, #tpu.memory_space<vmem>>, vector<16xf32>,
        %mul3A_1015 = arith.mulf %get3A_1011, %get3A_1014 : vector<16xf32>
        %add3A_1016 = arith.addf %add3A_1008, %mul3A_1015 : vector<16xf32>
        %get3A_1017 = arith.index_cast %add3A_992 : i32 to index
        %get3A_1018 = arith.constant 48 : index
        %get3A_1019 = tpu.vector_load %arg16[%get3A_1017, %get3A_1018] {strides = array<i32>} : memref<256x64xf32, #tpu.memory_space<vmem>>, vector<16xf32>,
        %get3A_1020 = arith.index_cast %add3A_992 : i32 to index
        %get3A_1021 = arith.constant 48 : index
        %get3A_1022 = tpu.vector_load %arg17[%get3A_1020, %get3A_1021] {strides = array<i32>} : memref<256x64xf32, #tpu.memory_space<vmem>>, vector<16xf32>,
        %mul3A_1023 = arith.mulf %get3A_1019, %get3A_1022 : vector<16xf32>
        %add3A_1024 = arith.addf %add3A_1016, %mul3A_1023 : vector<16xf32>
        %lt3A_1025 = arith.constant 0 : i32
        %lt3A_1026 = vector.broadcast %lt3A_1025 : i32 to vector<16xi32>
        %lt3A_1027 = arith.cmpi slt, %xor3A_389, %lt3A_1026 : vector<16xi32>
        %add3A_1028 = arith.constant 16 : i32
        %add3A_1029 = vector.broadcast %add3A_1028 : i32 to vector<16xi32>
        %add3A_1030 = arith.addi %xor3A_389, %add3A_1029 : vector<16xi32>
        %select_n3A_1031 = arith.select %lt3A_1027, %add3A_1030, %xor3A_389 : vector<16xi1>, vector<16xi32>
        %broadcast_in_dim3A_1032 = vector.shape_cast %select_n3A_1031 : vector<16xi32> to vector<16x1xi32>
        %gather3A_1033 = vector.shape_cast %broadcast_in_dim3A_1032 : vector<16x1xi32> to vector<16xi32>
        %gather3A_1034 = tpu.dynamic_gather %add3A_988[%gather3A_1033] in [0] : vector<16xf32>, vector<16xi32> -> vector<16xf32>
        %lt3A_1035 = arith.constant 0 : i32
        %lt3A_1036 = vector.broadcast %lt3A_1035 : i32 to vector<16xi32>
        %lt3A_1037 = arith.cmpi slt, %xor3A_389, %lt3A_1036 : vector<16xi32>
        %add3A_1038 = arith.constant 16 : i32
        %add3A_1039 = vector.broadcast %add3A_1038 : i32 to vector<16xi32>
        %add3A_1040 = arith.addi %xor3A_389, %add3A_1039 : vector<16xi32>
        %select_n3A_1041 = arith.select %lt3A_1037, %add3A_1040, %xor3A_389 : vector<16xi1>, vector<16xi32>
        %broadcast_in_dim3A_1042 = vector.shape_cast %select_n3A_1041 : vector<16xi32> to vector<16x1xi32>
        %gather3A_1043 = vector.shape_cast %broadcast_in_dim3A_1042 : vector<16x1xi32> to vector<16xi32>
        %gather3A_1044 = tpu.dynamic_gather %add3A_1024[%gather3A_1043] in [0] : vector<16xf32>, vector<16xi32> -> vector<16xf32>
        %select_n3A_1045 = arith.select %eq3A_368, %add3A_988, %gather3A_1044 : vector<16xi1>, vector<16xf32>
        %select_n3A_1046 = arith.select %eq3A_368, %gather3A_1034, %add3A_1024 : vector<16xi1>, vector<16xf32>
        %add3A_1047 = arith.addf %select_n3A_1045, %select_n3A_1046 : vector<16xf32>
        %lt3A_1048 = arith.constant 0 : i32
        %lt3A_1049 = vector.broadcast %lt3A_1048 : i32 to vector<16xi32>
        %lt3A_1050 = arith.cmpi slt, %xor3A_392, %lt3A_1049 : vector<16xi32>
        %add3A_1051 = arith.constant 16 : i32
        %add3A_1052 = vector.broadcast %add3A_1051 : i32 to vector<16xi32>
        %add3A_1053 = arith.addi %xor3A_392, %add3A_1052 : vector<16xi32>
        %select_n3A_1054 = arith.select %lt3A_1050, %add3A_1053, %xor3A_392 : vector<16xi1>, vector<16xi32>
        %broadcast_in_dim3A_1055 = vector.shape_cast %select_n3A_1054 : vector<16xi32> to vector<16x1xi32>
        %gather3A_1056 = vector.shape_cast %broadcast_in_dim3A_1055 : vector<16x1xi32> to vector<16xi32>
        %gather3A_1057 = tpu.dynamic_gather %add3A_952[%gather3A_1056] in [0] : vector<16xf32>, vector<16xi32> -> vector<16xf32>
        %lt3A_1058 = arith.constant 0 : i32
        %lt3A_1059 = vector.broadcast %lt3A_1058 : i32 to vector<16xi32>
        %lt3A_1060 = arith.cmpi slt, %xor3A_392, %lt3A_1059 : vector<16xi32>
        %add3A_1061 = arith.constant 16 : i32
        %add3A_1062 = vector.broadcast %add3A_1061 : i32 to vector<16xi32>
        %add3A_1063 = arith.addi %xor3A_392, %add3A_1062 : vector<16xi32>
        %select_n3A_1064 = arith.select %lt3A_1060, %add3A_1063, %xor3A_392 : vector<16xi1>, vector<16xi32>
        %broadcast_in_dim3A_1065 = vector.shape_cast %select_n3A_1064 : vector<16xi32> to vector<16x1xi32>
        %gather3A_1066 = vector.shape_cast %broadcast_in_dim3A_1065 : vector<16x1xi32> to vector<16xi32>
        %gather3A_1067 = tpu.dynamic_gather %add3A_1047[%gather3A_1066] in [0] : vector<16xf32>, vector<16xi32> -> vector<16xf32>
        %select_n3A_1068 = arith.select %eq3A_374, %add3A_952, %gather3A_1067 : vector<16xi1>, vector<16xf32>
        %select_n3A_1069 = arith.select %eq3A_374, %gather3A_1057, %add3A_1047 : vector<16xi1>, vector<16xf32>
        %add3A_1070 = arith.addf %select_n3A_1068, %select_n3A_1069 : vector<16xf32>
        %broadcast_in_dim3A_1071 = arith.constant 0.000000e+00 : f32
        %broadcast_in_dim3A_1072 = vector.broadcast %broadcast_in_dim3A_1071 : f32 to vector<16xf32>
        %add3A_1073 = arith.constant 12 : i32
        %add3A_1074 = arith.addi %mul3A_410, %add3A_1073 : i32
        %get3A_1075 = arith.index_cast %add3A_1074 : i32 to index
        %get3A_1076 = arith.constant 0 : index
        %get3A_1077 = tpu.vector_load %arg16[%get3A_1075, %get3A_1076] {strides = array<i32>} : memref<256x64xf32, #tpu.memory_space<vmem>>, vector<16xf32>,
        %get3A_1078 = arith.index_cast %add3A_1074 : i32 to index
        %get3A_1079 = arith.constant 0 : index
        %get3A_1080 = tpu.vector_load %arg17[%get3A_1078, %get3A_1079] {strides = array<i32>} : memref<256x64xf32, #tpu.memory_space<vmem>>, vector<16xf32>,
        %mul3A_1081 = arith.mulf %get3A_1077, %get3A_1080 : vector<16xf32>
        %add3A_1082 = arith.addf %broadcast_in_dim3A_1072, %mul3A_1081 : vector<16xf32>
        %get3A_1083 = arith.index_cast %add3A_1074 : i32 to index
        %get3A_1084 = arith.constant 16 : index
        %get3A_1085 = tpu.vector_load %arg16[%get3A_1083, %get3A_1084] {strides = array<i32>} : memref<256x64xf32, #tpu.memory_space<vmem>>, vector<16xf32>,
        %get3A_1086 = arith.index_cast %add3A_1074 : i32 to index
        %get3A_1087 = arith.constant 16 : index
        %get3A_1088 = tpu.vector_load %arg17[%get3A_1086, %get3A_1087] {strides = array<i32>} : memref<256x64xf32, #tpu.memory_space<vmem>>, vector<16xf32>,
        %mul3A_1089 = arith.mulf %get3A_1085, %get3A_1088 : vector<16xf32>
        %add3A_1090 = arith.addf %add3A_1082, %mul3A_1089 : vector<16xf32>
        %get3A_1091 = arith.index_cast %add3A_1074 : i32 to index
        %get3A_1092 = arith.constant 32 : index
        %get3A_1093 = tpu.vector_load %arg16[%get3A_1091, %get3A_1092] {strides = array<i32>} : memref<256x64xf32, #tpu.memory_space<vmem>>, vector<16xf32>,
        %get3A_1094 = arith.index_cast %add3A_1074 : i32 to index
        %get3A_1095 = arith.constant 32 : index
        %get3A_1096 = tpu.vector_load %arg17[%get3A_1094, %get3A_1095] {strides = array<i32>} : memref<256x64xf32, #tpu.memory_space<vmem>>, vector<16xf32>,
        %mul3A_1097 = arith.mulf %get3A_1093, %get3A_1096 : vector<16xf32>
        %add3A_1098 = arith.addf %add3A_1090, %mul3A_1097 : vector<16xf32>
        %get3A_1099 = arith.index_cast %add3A_1074 : i32 to index
        %get3A_1100 = arith.constant 48 : index
        %get3A_1101 = tpu.vector_load %arg16[%get3A_1099, %get3A_1100] {strides = array<i32>} : memref<256x64xf32, #tpu.memory_space<vmem>>, vector<16xf32>,
        %get3A_1102 = arith.index_cast %add3A_1074 : i32 to index
        %get3A_1103 = arith.constant 48 : index
        %get3A_1104 = tpu.vector_load %arg17[%get3A_1102, %get3A_1103] {strides = array<i32>} : memref<256x64xf32, #tpu.memory_space<vmem>>, vector<16xf32>,
        %mul3A_1105 = arith.mulf %get3A_1101, %get3A_1104 : vector<16xf32>
        %add3A_1106 = arith.addf %add3A_1098, %mul3A_1105 : vector<16xf32>
        %broadcast_in_dim3A_1107 = arith.constant 0.000000e+00 : f32
        %broadcast_in_dim3A_1108 = vector.broadcast %broadcast_in_dim3A_1107 : f32 to vector<16xf32>
        %add3A_1109 = arith.constant 13 : i32
        %add3A_1110 = arith.addi %mul3A_410, %add3A_1109 : i32
        %get3A_1111 = arith.index_cast %add3A_1110 : i32 to index
        %get3A_1112 = arith.constant 0 : index
        %get3A_1113 = tpu.vector_load %arg16[%get3A_1111, %get3A_1112] {strides = array<i32>} : memref<256x64xf32, #tpu.memory_space<vmem>>, vector<16xf32>,
        %get3A_1114 = arith.index_cast %add3A_1110 : i32 to index
        %get3A_1115 = arith.constant 0 : index
        %get3A_1116 = tpu.vector_load %arg17[%get3A_1114, %get3A_1115] {strides = array<i32>} : memref<256x64xf32, #tpu.memory_space<vmem>>, vector<16xf32>,
        %mul3A_1117 = arith.mulf %get3A_1113, %get3A_1116 : vector<16xf32>
        %add3A_1118 = arith.addf %broadcast_in_dim3A_1108, %mul3A_1117 : vector<16xf32>
        %get3A_1119 = arith.index_cast %add3A_1110 : i32 to index
        %get3A_1120 = arith.constant 16 : index
        %get3A_1121 = tpu.vector_load %arg16[%get3A_1119, %get3A_1120] {strides = array<i32>} : memref<256x64xf32, #tpu.memory_space<vmem>>, vector<16xf32>,
        %get3A_1122 = arith.index_cast %add3A_1110 : i32 to index
        %get3A_1123 = arith.constant 16 : index
        %get3A_1124 = tpu.vector_load %arg17[%get3A_1122, %get3A_1123] {strides = array<i32>} : memref<256x64xf32, #tpu.memory_space<vmem>>, vector<16xf32>,
        %mul3A_1125 = arith.mulf %get3A_1121, %get3A_1124 : vector<16xf32>
        %add3A_1126 = arith.addf %add3A_1118, %mul3A_1125 : vector<16xf32>
        %get3A_1127 = arith.index_cast %add3A_1110 : i32 to index
        %get3A_1128 = arith.constant 32 : index
        %get3A_1129 = tpu.vector_load %arg16[%get3A_1127, %get3A_1128] {strides = array<i32>} : memref<256x64xf32, #tpu.memory_space<vmem>>, vector<16xf32>,
        %get3A_1130 = arith.index_cast %add3A_1110 : i32 to index
        %get3A_1131 = arith.constant 32 : index
        %get3A_1132 = tpu.vector_load %arg17[%get3A_1130, %get3A_1131] {strides = array<i32>} : memref<256x64xf32, #tpu.memory_space<vmem>>, vector<16xf32>,
        %mul3A_1133 = arith.mulf %get3A_1129, %get3A_1132 : vector<16xf32>
        %add3A_1134 = arith.addf %add3A_1126, %mul3A_1133 : vector<16xf32>
        %get3A_1135 = arith.index_cast %add3A_1110 : i32 to index
        %get3A_1136 = arith.constant 48 : index
        %get3A_1137 = tpu.vector_load %arg16[%get3A_1135, %get3A_1136] {strides = array<i32>} : memref<256x64xf32, #tpu.memory_space<vmem>>, vector<16xf32>,
        %get3A_1138 = arith.index_cast %add3A_1110 : i32 to index
        %get3A_1139 = arith.constant 48 : index
        %get3A_1140 = tpu.vector_load %arg17[%get3A_1138, %get3A_1139] {strides = array<i32>} : memref<256x64xf32, #tpu.memory_space<vmem>>, vector<16xf32>,
        %mul3A_1141 = arith.mulf %get3A_1137, %get3A_1140 : vector<16xf32>
        %add3A_1142 = arith.addf %add3A_1134, %mul3A_1141 : vector<16xf32>
        %lt3A_1143 = arith.constant 0 : i32
        %lt3A_1144 = vector.broadcast %lt3A_1143 : i32 to vector<16xi32>
        %lt3A_1145 = arith.cmpi slt, %xor3A_389, %lt3A_1144 : vector<16xi32>
        %add3A_1146 = arith.constant 16 : i32
        %add3A_1147 = vector.broadcast %add3A_1146 : i32 to vector<16xi32>
        %add3A_1148 = arith.addi %xor3A_389, %add3A_1147 : vector<16xi32>
        %select_n3A_1149 = arith.select %lt3A_1145, %add3A_1148, %xor3A_389 : vector<16xi1>, vector<16xi32>
        %broadcast_in_dim3A_1150 = vector.shape_cast %select_n3A_1149 : vector<16xi32> to vector<16x1xi32>
        %gather3A_1151 = vector.shape_cast %broadcast_in_dim3A_1150 : vector<16x1xi32> to vector<16xi32>
        %gather3A_1152 = tpu.dynamic_gather %add3A_1106[%gather3A_1151] in [0] : vector<16xf32>, vector<16xi32> -> vector<16xf32>
        %lt3A_1153 = arith.constant 0 : i32
        %lt3A_1154 = vector.broadcast %lt3A_1153 : i32 to vector<16xi32>
        %lt3A_1155 = arith.cmpi slt, %xor3A_389, %lt3A_1154 : vector<16xi32>
        %add3A_1156 = arith.constant 16 : i32
        %add3A_1157 = vector.broadcast %add3A_1156 : i32 to vector<16xi32>
        %add3A_1158 = arith.addi %xor3A_389, %add3A_1157 : vector<16xi32>
        %select_n3A_1159 = arith.select %lt3A_1155, %add3A_1158, %xor3A_389 : vector<16xi1>, vector<16xi32>
        %broadcast_in_dim3A_1160 = vector.shape_cast %select_n3A_1159 : vector<16xi32> to vector<16x1xi32>
        %gather3A_1161 = vector.shape_cast %broadcast_in_dim3A_1160 : vector<16x1xi32> to vector<16xi32>
        %gather3A_1162 = tpu.dynamic_gather %add3A_1142[%gather3A_1161] in [0] : vector<16xf32>, vector<16xi32> -> vector<16xf32>
        %select_n3A_1163 = arith.select %eq3A_368, %add3A_1106, %gather3A_1162 : vector<16xi1>, vector<16xf32>
        %select_n3A_1164 = arith.select %eq3A_368, %gather3A_1152, %add3A_1142 : vector<16xi1>, vector<16xf32>
        %add3A_1165 = arith.addf %select_n3A_1163, %select_n3A_1164 : vector<16xf32>
        %broadcast_in_dim3A_1166 = arith.constant 0.000000e+00 : f32
        %broadcast_in_dim3A_1167 = vector.broadcast %broadcast_in_dim3A_1166 : f32 to vector<16xf32>
        %add3A_1168 = arith.constant 14 : i32
        %add3A_1169 = arith.addi %mul3A_410, %add3A_1168 : i32
        %get3A_1170 = arith.index_cast %add3A_1169 : i32 to index
        %get3A_1171 = arith.constant 0 : index
        %get3A_1172 = tpu.vector_load %arg16[%get3A_1170, %get3A_1171] {strides = array<i32>} : memref<256x64xf32, #tpu.memory_space<vmem>>, vector<16xf32>,
        %get3A_1173 = arith.index_cast %add3A_1169 : i32 to index
        %get3A_1174 = arith.constant 0 : index
        %get3A_1175 = tpu.vector_load %arg17[%get3A_1173, %get3A_1174] {strides = array<i32>} : memref<256x64xf32, #tpu.memory_space<vmem>>, vector<16xf32>,
        %mul3A_1176 = arith.mulf %get3A_1172, %get3A_1175 : vector<16xf32>
        %add3A_1177 = arith.addf %broadcast_in_dim3A_1167, %mul3A_1176 : vector<16xf32>
        %get3A_1178 = arith.index_cast %add3A_1169 : i32 to index
        %get3A_1179 = arith.constant 16 : index
        %get3A_1180 = tpu.vector_load %arg16[%get3A_1178, %get3A_1179] {strides = array<i32>} : memref<256x64xf32, #tpu.memory_space<vmem>>, vector<16xf32>,
        %get3A_1181 = arith.index_cast %add3A_1169 : i32 to index
        %get3A_1182 = arith.constant 16 : index
        %get3A_1183 = tpu.vector_load %arg17[%get3A_1181, %get3A_1182] {strides = array<i32>} : memref<256x64xf32, #tpu.memory_space<vmem>>, vector<16xf32>,
        %mul3A_1184 = arith.mulf %get3A_1180, %get3A_1183 : vector<16xf32>
        %add3A_1185 = arith.addf %add3A_1177, %mul3A_1184 : vector<16xf32>
        %get3A_1186 = arith.index_cast %add3A_1169 : i32 to index
        %get3A_1187 = arith.constant 32 : index
        %get3A_1188 = tpu.vector_load %arg16[%get3A_1186, %get3A_1187] {strides = array<i32>} : memref<256x64xf32, #tpu.memory_space<vmem>>, vector<16xf32>,
        %get3A_1189 = arith.index_cast %add3A_1169 : i32 to index
        %get3A_1190 = arith.constant 32 : index
        %get3A_1191 = tpu.vector_load %arg17[%get3A_1189, %get3A_1190] {strides = array<i32>} : memref<256x64xf32, #tpu.memory_space<vmem>>, vector<16xf32>,
        %mul3A_1192 = arith.mulf %get3A_1188, %get3A_1191 : vector<16xf32>
        %add3A_1193 = arith.addf %add3A_1185, %mul3A_1192 : vector<16xf32>
        %get3A_1194 = arith.index_cast %add3A_1169 : i32 to index
        %get3A_1195 = arith.constant 48 : index
        %get3A_1196 = tpu.vector_load %arg16[%get3A_1194, %get3A_1195] {strides = array<i32>} : memref<256x64xf32, #tpu.memory_space<vmem>>, vector<16xf32>,
        %get3A_1197 = arith.index_cast %add3A_1169 : i32 to index
        %get3A_1198 = arith.constant 48 : index
        %get3A_1199 = tpu.vector_load %arg17[%get3A_1197, %get3A_1198] {strides = array<i32>} : memref<256x64xf32, #tpu.memory_space<vmem>>, vector<16xf32>,
        %mul3A_1200 = arith.mulf %get3A_1196, %get3A_1199 : vector<16xf32>
        %add3A_1201 = arith.addf %add3A_1193, %mul3A_1200 : vector<16xf32>
        %broadcast_in_dim3A_1202 = arith.constant 0.000000e+00 : f32
        %broadcast_in_dim3A_1203 = vector.broadcast %broadcast_in_dim3A_1202 : f32 to vector<16xf32>
        %add3A_1204 = arith.constant 15 : i32
        %add3A_1205 = arith.addi %mul3A_410, %add3A_1204 : i32
        %get3A_1206 = arith.index_cast %add3A_1205 : i32 to index
        %get3A_1207 = arith.constant 0 : index
        %get3A_1208 = tpu.vector_load %arg16[%get3A_1206, %get3A_1207] {strides = array<i32>} : memref<256x64xf32, #tpu.memory_space<vmem>>, vector<16xf32>,
        %get3A_1209 = arith.index_cast %add3A_1205 : i32 to index
        %get3A_1210 = arith.constant 0 : index
        %get3A_1211 = tpu.vector_load %arg17[%get3A_1209, %get3A_1210] {strides = array<i32>} : memref<256x64xf32, #tpu.memory_space<vmem>>, vector<16xf32>,
        %mul3A_1212 = arith.mulf %get3A_1208, %get3A_1211 : vector<16xf32>
        %add3A_1213 = arith.addf %broadcast_in_dim3A_1203, %mul3A_1212 : vector<16xf32>
        %get3A_1214 = arith.index_cast %add3A_1205 : i32 to index
        %get3A_1215 = arith.constant 16 : index
        %get3A_1216 = tpu.vector_load %arg16[%get3A_1214, %get3A_1215] {strides = array<i32>} : memref<256x64xf32, #tpu.memory_space<vmem>>, vector<16xf32>,
        %get3A_1217 = arith.index_cast %add3A_1205 : i32 to index
        %get3A_1218 = arith.constant 16 : index
        %get3A_1219 = tpu.vector_load %arg17[%get3A_1217, %get3A_1218] {strides = array<i32>} : memref<256x64xf32, #tpu.memory_space<vmem>>, vector<16xf32>,
        %mul3A_1220 = arith.mulf %get3A_1216, %get3A_1219 : vector<16xf32>
        %add3A_1221 = arith.addf %add3A_1213, %mul3A_1220 : vector<16xf32>
        %get3A_1222 = arith.index_cast %add3A_1205 : i32 to index
        %get3A_1223 = arith.constant 32 : index
        %get3A_1224 = tpu.vector_load %arg16[%get3A_1222, %get3A_1223] {strides = array<i32>} : memref<256x64xf32, #tpu.memory_space<vmem>>, vector<16xf32>,
        %get3A_1225 = arith.index_cast %add3A_1205 : i32 to index
        %get3A_1226 = arith.constant 32 : index
        %get3A_1227 = tpu.vector_load %arg17[%get3A_1225, %get3A_1226] {strides = array<i32>} : memref<256x64xf32, #tpu.memory_space<vmem>>, vector<16xf32>,
        %mul3A_1228 = arith.mulf %get3A_1224, %get3A_1227 : vector<16xf32>
        %add3A_1229 = arith.addf %add3A_1221, %mul3A_1228 : vector<16xf32>
        %get3A_1230 = arith.index_cast %add3A_1205 : i32 to index
        %get3A_1231 = arith.constant 48 : index
        %get3A_1232 = tpu.vector_load %arg16[%get3A_1230, %get3A_1231] {strides = array<i32>} : memref<256x64xf32, #tpu.memory_space<vmem>>, vector<16xf32>,
        %get3A_1233 = arith.index_cast %add3A_1205 : i32 to index
        %get3A_1234 = arith.constant 48 : index
        %get3A_1235 = tpu.vector_load %arg17[%get3A_1233, %get3A_1234] {strides = array<i32>} : memref<256x64xf32, #tpu.memory_space<vmem>>, vector<16xf32>,
        %mul3A_1236 = arith.mulf %get3A_1232, %get3A_1235 : vector<16xf32>
        %add3A_1237 = arith.addf %add3A_1229, %mul3A_1236 : vector<16xf32>
        %lt3A_1238 = arith.constant 0 : i32
        %lt3A_1239 = vector.broadcast %lt3A_1238 : i32 to vector<16xi32>
        %lt3A_1240 = arith.cmpi slt, %xor3A_389, %lt3A_1239 : vector<16xi32>
        %add3A_1241 = arith.constant 16 : i32
        %add3A_1242 = vector.broadcast %add3A_1241 : i32 to vector<16xi32>
        %add3A_1243 = arith.addi %xor3A_389, %add3A_1242 : vector<16xi32>
        %select_n3A_1244 = arith.select %lt3A_1240, %add3A_1243, %xor3A_389 : vector<16xi1>, vector<16xi32>
        %broadcast_in_dim3A_1245 = vector.shape_cast %select_n3A_1244 : vector<16xi32> to vector<16x1xi32>
        %gather3A_1246 = vector.shape_cast %broadcast_in_dim3A_1245 : vector<16x1xi32> to vector<16xi32>
        %gather3A_1247 = tpu.dynamic_gather %add3A_1201[%gather3A_1246] in [0] : vector<16xf32>, vector<16xi32> -> vector<16xf32>
        %lt3A_1248 = arith.constant 0 : i32
        %lt3A_1249 = vector.broadcast %lt3A_1248 : i32 to vector<16xi32>
        %lt3A_1250 = arith.cmpi slt, %xor3A_389, %lt3A_1249 : vector<16xi32>
        %add3A_1251 = arith.constant 16 : i32
        %add3A_1252 = vector.broadcast %add3A_1251 : i32 to vector<16xi32>
        %add3A_1253 = arith.addi %xor3A_389, %add3A_1252 : vector<16xi32>
        %select_n3A_1254 = arith.select %lt3A_1250, %add3A_1253, %xor3A_389 : vector<16xi1>, vector<16xi32>
        %broadcast_in_dim3A_1255 = vector.shape_cast %select_n3A_1254 : vector<16xi32> to vector<16x1xi32>
        %gather3A_1256 = vector.shape_cast %broadcast_in_dim3A_1255 : vector<16x1xi32> to vector<16xi32>
        %gather3A_1257 = tpu.dynamic_gather %add3A_1237[%gather3A_1256] in [0] : vector<16xf32>, vector<16xi32> -> vector<16xf32>
        %select_n3A_1258 = arith.select %eq3A_368, %add3A_1201, %gather3A_1257 : vector<16xi1>, vector<16xf32>
        %select_n3A_1259 = arith.select %eq3A_368, %gather3A_1247, %add3A_1237 : vector<16xi1>, vector<16xf32>
        %add3A_1260 = arith.addf %select_n3A_1258, %select_n3A_1259 : vector<16xf32>
        %lt3A_1261 = arith.constant 0 : i32
        %lt3A_1262 = vector.broadcast %lt3A_1261 : i32 to vector<16xi32>
        %lt3A_1263 = arith.cmpi slt, %xor3A_392, %lt3A_1262 : vector<16xi32>
        %add3A_1264 = arith.constant 16 : i32
        %add3A_1265 = vector.broadcast %add3A_1264 : i32 to vector<16xi32>
        %add3A_1266 = arith.addi %xor3A_392, %add3A_1265 : vector<16xi32>
        %select_n3A_1267 = arith.select %lt3A_1263, %add3A_1266, %xor3A_392 : vector<16xi1>, vector<16xi32>
        %broadcast_in_dim3A_1268 = vector.shape_cast %select_n3A_1267 : vector<16xi32> to vector<16x1xi32>
        %gather3A_1269 = vector.shape_cast %broadcast_in_dim3A_1268 : vector<16x1xi32> to vector<16xi32>
        %gather3A_1270 = tpu.dynamic_gather %add3A_1165[%gather3A_1269] in [0] : vector<16xf32>, vector<16xi32> -> vector<16xf32>
        %lt3A_1271 = arith.constant 0 : i32
        %lt3A_1272 = vector.broadcast %lt3A_1271 : i32 to vector<16xi32>
        %lt3A_1273 = arith.cmpi slt, %xor3A_392, %lt3A_1272 : vector<16xi32>
        %add3A_1274 = arith.constant 16 : i32
        %add3A_1275 = vector.broadcast %add3A_1274 : i32 to vector<16xi32>
        %add3A_1276 = arith.addi %xor3A_392, %add3A_1275 : vector<16xi32>
        %select_n3A_1277 = arith.select %lt3A_1273, %add3A_1276, %xor3A_392 : vector<16xi1>, vector<16xi32>
        %broadcast_in_dim3A_1278 = vector.shape_cast %select_n3A_1277 : vector<16xi32> to vector<16x1xi32>
        %gather3A_1279 = vector.shape_cast %broadcast_in_dim3A_1278 : vector<16x1xi32> to vector<16xi32>
        %gather3A_1280 = tpu.dynamic_gather %add3A_1260[%gather3A_1279] in [0] : vector<16xf32>, vector<16xi32> -> vector<16xf32>
        %select_n3A_1281 = arith.select %eq3A_374, %add3A_1165, %gather3A_1280 : vector<16xi1>, vector<16xf32>
        %select_n3A_1282 = arith.select %eq3A_374, %gather3A_1270, %add3A_1260 : vector<16xi1>, vector<16xf32>
        %add3A_1283 = arith.addf %select_n3A_1281, %select_n3A_1282 : vector<16xf32>
        %lt3A_1284 = arith.constant 0 : i32
        %lt3A_1285 = vector.broadcast %lt3A_1284 : i32 to vector<16xi32>
        %lt3A_1286 = arith.cmpi slt, %xor3A_395, %lt3A_1285 : vector<16xi32>
        %add3A_1287 = arith.constant 16 : i32
        %add3A_1288 = vector.broadcast %add3A_1287 : i32 to vector<16xi32>
        %add3A_1289 = arith.addi %xor3A_395, %add3A_1288 : vector<16xi32>
        %select_n3A_1290 = arith.select %lt3A_1286, %add3A_1289, %xor3A_395 : vector<16xi1>, vector<16xi32>
        %broadcast_in_dim3A_1291 = vector.shape_cast %select_n3A_1290 : vector<16xi32> to vector<16x1xi32>
        %gather3A_1292 = vector.shape_cast %broadcast_in_dim3A_1291 : vector<16x1xi32> to vector<16xi32>
        %gather3A_1293 = tpu.dynamic_gather %add3A_1070[%gather3A_1292] in [0] : vector<16xf32>, vector<16xi32> -> vector<16xf32>
        %lt3A_1294 = arith.constant 0 : i32
        %lt3A_1295 = vector.broadcast %lt3A_1294 : i32 to vector<16xi32>
        %lt3A_1296 = arith.cmpi slt, %xor3A_395, %lt3A_1295 : vector<16xi32>
        %add3A_1297 = arith.constant 16 : i32
        %add3A_1298 = vector.broadcast %add3A_1297 : i32 to vector<16xi32>
        %add3A_1299 = arith.addi %xor3A_395, %add3A_1298 : vector<16xi32>
        %select_n3A_1300 = arith.select %lt3A_1296, %add3A_1299, %xor3A_395 : vector<16xi1>, vector<16xi32>
        %broadcast_in_dim3A_1301 = vector.shape_cast %select_n3A_1300 : vector<16xi32> to vector<16x1xi32>
        %gather3A_1302 = vector.shape_cast %broadcast_in_dim3A_1301 : vector<16x1xi32> to vector<16xi32>
        %gather3A_1303 = tpu.dynamic_gather %add3A_1283[%gather3A_1302] in [0] : vector<16xf32>, vector<16xi32> -> vector<16xf32>
        %select_n3A_1304 = arith.select %eq3A_380, %add3A_1070, %gather3A_1303 : vector<16xi1>, vector<16xf32>
        %select_n3A_1305 = arith.select %eq3A_380, %gather3A_1293, %add3A_1283 : vector<16xi1>, vector<16xf32>
        %add3A_1306 = arith.addf %select_n3A_1304, %select_n3A_1305 : vector<16xf32>
        %lt3A_1307 = arith.constant 0 : i32
        %lt3A_1308 = vector.broadcast %lt3A_1307 : i32 to vector<16xi32>
        %lt3A_1309 = arith.cmpi slt, %xor3A_398, %lt3A_1308 : vector<16xi32>
        %add3A_1310 = arith.constant 16 : i32
        %add3A_1311 = vector.broadcast %add3A_1310 : i32 to vector<16xi32>
        %add3A_1312 = arith.addi %xor3A_398, %add3A_1311 : vector<16xi32>
        %select_n3A_1313 = arith.select %lt3A_1309, %add3A_1312, %xor3A_398 : vector<16xi1>, vector<16xi32>
        %broadcast_in_dim3A_1314 = vector.shape_cast %select_n3A_1313 : vector<16xi32> to vector<16x1xi32>
        %gather3A_1315 = vector.shape_cast %broadcast_in_dim3A_1314 : vector<16x1xi32> to vector<16xi32>
        %gather3A_1316 = tpu.dynamic_gather %add3A_857[%gather3A_1315] in [0] : vector<16xf32>, vector<16xi32> -> vector<16xf32>
        %lt3A_1317 = arith.constant 0 : i32
        %lt3A_1318 = vector.broadcast %lt3A_1317 : i32 to vector<16xi32>
        %lt3A_1319 = arith.cmpi slt, %xor3A_398, %lt3A_1318 : vector<16xi32>
        %add3A_1320 = arith.constant 16 : i32
        %add3A_1321 = vector.broadcast %add3A_1320 : i32 to vector<16xi32>
        %add3A_1322 = arith.addi %xor3A_398, %add3A_1321 : vector<16xi32>
        %select_n3A_1323 = arith.select %lt3A_1319, %add3A_1322, %xor3A_398 : vector<16xi1>, vector<16xi32>
        %broadcast_in_dim3A_1324 = vector.shape_cast %select_n3A_1323 : vector<16xi32> to vector<16x1xi32>
        %gather3A_1325 = vector.shape_cast %broadcast_in_dim3A_1324 : vector<16x1xi32> to vector<16xi32>
        %gather3A_1326 = tpu.dynamic_gather %add3A_1306[%gather3A_1325] in [0] : vector<16xf32>, vector<16xi32> -> vector<16xf32>
        %select_n3A_1327 = arith.select %eq3A_386, %add3A_857, %gather3A_1326 : vector<16xi1>, vector<16xf32>
        %select_n3A_1328 = arith.select %eq3A_386, %gather3A_1316, %add3A_1306 : vector<16xi1>, vector<16xf32>
        %add3A_1329 = arith.addf %select_n3A_1327, %select_n3A_1328 : vector<16xf32>
        %add3A_1330 = arith.addi %mul3A_361, %mul3A_410 : i32
        %swap3A_1331 = arith.index_cast %add3A_1330 : i32 to index
        %swap3A_1332 = tpu.vector_load %arg18[%swap3A_1331] {strides = array<i32>} : memref<3072xf32, #tpu.memory_space<vmem>>, vector<16xf32>,
        tpu.vector_store %arg18[%swap3A_1331], %add3A_1329 {strides = array<i32>} : memref<3072xf32, #tpu.memory_space<vmem>>, vector<16xf32>,
        %scan3A_1333 = arith.constant 0 : i32
        scf.yield %scan3A_1333 : i32
      }
      %scan3A_405 = arith.constant 16 : i32
      %scan3A_406 = arith.constant 0 : i32
      scf.yield %scan3A_406 : i32
    }
    %scan3A_90 = arith.constant 4 : i32
    %broadcast_in_dim3A = arith.constant 0.000000e+00 : f32
    %broadcast_in_dim3A_91 = vector.broadcast %broadcast_in_dim3A : f32 to vector<16xf32>
    %scan3A_92 = arith.constant 0 : i32
    %scan3A_93 = arith.constant 32 : i32
    %scan3A_94 = arith.addi %scan3A_92, %scan3A_93 : i32
    %scan3A_95 = arith.constant 4 : i32
    %scan3A_96 = scf.for %scan3A_108 = %scan3A_92 to %scan3A_94 step %scan3A_95 iter_args(%scan3A_109 = %broadcast_in_dim3A_91) -> (vector<16xf32>)  : i32 {
      %mul3A_110 = arith.constant 16 : i32
      %mul3A_111 = arith.muli %scan3A_108, %mul3A_110 : i32
      %add3A_112 = arith.constant 0 : i32
      %add3A_113 = arith.addi %add3A_112, %mul3A_111 : i32
      %get3A_114 = arith.index_cast %add3A_113 : i32 to index
      %get3A_115 = tpu.vector_load %arg18[%get3A_114] {strides = array<i32>} : memref<3072xf32, #tpu.memory_space<vmem>>, vector<16xf32>,
      %mul3A_116 = arith.constant 1.000000e+00 : f32
      %mul3A_117 = vector.broadcast %mul3A_116 : f32 to vector<16xf32>
      %mul3A_118 = arith.mulf %get3A_115, %mul3A_117 : vector<16xf32>
      %abs3A = math.absf %mul3A_118 : vector<16xf32>
      %neg3A = arith.constant 0.000000e+00 : f32
      %neg3A_119 = vector.broadcast %neg3A : f32 to vector<16xf32>
      %neg3A_120 = arith.subf %neg3A_119, %abs3A : vector<16xf32>
      %exp3A = math.exp %neg3A_120 : vector<16xf32>
      %add3A_121 = arith.constant 1.000000e+00 : f32
      %add3A_122 = vector.broadcast %add3A_121 : f32 to vector<16xf32>
      %add3A_123 = arith.addf %add3A_122, %exp3A : vector<16xf32>
      %sub3A = arith.constant 1.000000e+00 : f32
      %sub3A_124 = vector.broadcast %sub3A : f32 to vector<16xf32>
      %sub3A_125 = arith.subf %add3A_123, %sub3A_124 : vector<16xf32>
      %add3A_126 = arith.constant 1.000000e+00 : f32
      %add3A_127 = vector.broadcast %add3A_126 : f32 to vector<16xf32>
      %add3A_128 = arith.addf %add3A_123, %add3A_127 : vector<16xf32>
      %div3A = arith.divf %sub3A_125, %add3A_128 : vector<16xf32>
      %mul3A_129 = arith.mulf %div3A, %div3A : vector<16xf32>
      %mul3A_130 = arith.constant 2.000000e+00 : f32
      %mul3A_131 = vector.broadcast %mul3A_130 : f32 to vector<16xf32>
      %mul3A_132 = arith.mulf %mul3A_131, %div3A : vector<16xf32>
      %mul3A_133 = arith.constant 0.111111112 : f32
      %mul3A_134 = vector.broadcast %mul3A_133 : f32 to vector<16xf32>
      %mul3A_135 = arith.mulf %mul3A_129, %mul3A_134 : vector<16xf32>
      %add3A_136 = arith.constant 0.142857149 : f32
      %add3A_137 = vector.broadcast %add3A_136 : f32 to vector<16xf32>
      %add3A_138 = arith.addf %add3A_137, %mul3A_135 : vector<16xf32>
      %mul3A_139 = arith.mulf %mul3A_129, %add3A_138 : vector<16xf32>
      %add3A_140 = arith.constant 2.000000e-01 : f32
      %add3A_141 = vector.broadcast %add3A_140 : f32 to vector<16xf32>
      %add3A_142 = arith.addf %add3A_141, %mul3A_139 : vector<16xf32>
      %mul3A_143 = arith.mulf %mul3A_129, %add3A_142 : vector<16xf32>
      %add3A_144 = arith.constant 0.333333343 : f32
      %add3A_145 = vector.broadcast %add3A_144 : f32 to vector<16xf32>
      %add3A_146 = arith.addf %add3A_145, %mul3A_143 : vector<16xf32>
      %mul3A_147 = arith.mulf %mul3A_129, %add3A_146 : vector<16xf32>
      %add3A_148 = arith.constant 1.000000e+00 : f32
      %add3A_149 = vector.broadcast %add3A_148 : f32 to vector<16xf32>
      %add3A_150 = arith.addf %add3A_149, %mul3A_147 : vector<16xf32>
      %mul3A_151 = arith.mulf %mul3A_132, %add3A_150 : vector<16xf32>
      %min3A = arith.constant 0.000000e+00 : f32
      %min3A_152 = vector.broadcast %min3A : f32 to vector<16xf32>
      %min3A_153 = arith.minimumf %mul3A_118, %min3A_152 : vector<16xf32>
      %sub3A_154 = arith.subf %mul3A_151, %min3A_153 : vector<16xf32>
      %add3A_155 = arith.addf %scan3A_109, %sub3A_154 : vector<16xf32>
      %scan3A_156 = arith.constant 1 : i32
      %scan3A_157 = arith.addi %scan3A_108, %scan3A_156 : i32
      %mul3A_158 = arith.constant 16 : i32
      %mul3A_159 = arith.muli %scan3A_157, %mul3A_158 : i32
      %add3A_160 = arith.constant 0 : i32
      %add3A_161 = arith.addi %add3A_160, %mul3A_159 : i32
      %get3A_162 = arith.index_cast %add3A_161 : i32 to index
      %get3A_163 = tpu.vector_load %arg18[%get3A_162] {strides = array<i32>} : memref<3072xf32, #tpu.memory_space<vmem>>, vector<16xf32>,
      %mul3A_164 = arith.constant 1.000000e+00 : f32
      %mul3A_165 = vector.broadcast %mul3A_164 : f32 to vector<16xf32>
      %mul3A_166 = arith.mulf %get3A_163, %mul3A_165 : vector<16xf32>
      %abs3A_167 = math.absf %mul3A_166 : vector<16xf32>
      %neg3A_168 = arith.constant 0.000000e+00 : f32
      %neg3A_169 = vector.broadcast %neg3A_168 : f32 to vector<16xf32>
      %neg3A_170 = arith.subf %neg3A_169, %abs3A_167 : vector<16xf32>
      %exp3A_171 = math.exp %neg3A_170 : vector<16xf32>
      %add3A_172 = arith.constant 1.000000e+00 : f32
      %add3A_173 = vector.broadcast %add3A_172 : f32 to vector<16xf32>
      %add3A_174 = arith.addf %add3A_173, %exp3A_171 : vector<16xf32>
      %sub3A_175 = arith.constant 1.000000e+00 : f32
      %sub3A_176 = vector.broadcast %sub3A_175 : f32 to vector<16xf32>
      %sub3A_177 = arith.subf %add3A_174, %sub3A_176 : vector<16xf32>
      %add3A_178 = arith.constant 1.000000e+00 : f32
      %add3A_179 = vector.broadcast %add3A_178 : f32 to vector<16xf32>
      %add3A_180 = arith.addf %add3A_174, %add3A_179 : vector<16xf32>
      %div3A_181 = arith.divf %sub3A_177, %add3A_180 : vector<16xf32>
      %mul3A_182 = arith.mulf %div3A_181, %div3A_181 : vector<16xf32>
      %mul3A_183 = arith.constant 2.000000e+00 : f32
      %mul3A_184 = vector.broadcast %mul3A_183 : f32 to vector<16xf32>
      %mul3A_185 = arith.mulf %mul3A_184, %div3A_181 : vector<16xf32>
      %mul3A_186 = arith.constant 0.111111112 : f32
      %mul3A_187 = vector.broadcast %mul3A_186 : f32 to vector<16xf32>
      %mul3A_188 = arith.mulf %mul3A_182, %mul3A_187 : vector<16xf32>
      %add3A_189 = arith.constant 0.142857149 : f32
      %add3A_190 = vector.broadcast %add3A_189 : f32 to vector<16xf32>
      %add3A_191 = arith.addf %add3A_190, %mul3A_188 : vector<16xf32>
      %mul3A_192 = arith.mulf %mul3A_182, %add3A_191 : vector<16xf32>
      %add3A_193 = arith.constant 2.000000e-01 : f32
      %add3A_194 = vector.broadcast %add3A_193 : f32 to vector<16xf32>
      %add3A_195 = arith.addf %add3A_194, %mul3A_192 : vector<16xf32>
      %mul3A_196 = arith.mulf %mul3A_182, %add3A_195 : vector<16xf32>
      %add3A_197 = arith.constant 0.333333343 : f32
      %add3A_198 = vector.broadcast %add3A_197 : f32 to vector<16xf32>
      %add3A_199 = arith.addf %add3A_198, %mul3A_196 : vector<16xf32>
      %mul3A_200 = arith.mulf %mul3A_182, %add3A_199 : vector<16xf32>
      %add3A_201 = arith.constant 1.000000e+00 : f32
      %add3A_202 = vector.broadcast %add3A_201 : f32 to vector<16xf32>
      %add3A_203 = arith.addf %add3A_202, %mul3A_200 : vector<16xf32>
      %mul3A_204 = arith.mulf %mul3A_185, %add3A_203 : vector<16xf32>
      %min3A_205 = arith.constant 0.000000e+00 : f32
      %min3A_206 = vector.broadcast %min3A_205 : f32 to vector<16xf32>
      %min3A_207 = arith.minimumf %mul3A_166, %min3A_206 : vector<16xf32>
      %sub3A_208 = arith.subf %mul3A_204, %min3A_207 : vector<16xf32>
      %add3A_209 = arith.addf %add3A_155, %sub3A_208 : vector<16xf32>
      %scan3A_210 = arith.constant 2 : i32
      %scan3A_211 = arith.addi %scan3A_108, %scan3A_210 : i32
      %mul3A_212 = arith.constant 16 : i32
      %mul3A_213 = arith.muli %scan3A_211, %mul3A_212 : i32
      %add3A_214 = arith.constant 0 : i32
      %add3A_215 = arith.addi %add3A_214, %mul3A_213 : i32
      %get3A_216 = arith.index_cast %add3A_215 : i32 to index
      %get3A_217 = tpu.vector_load %arg18[%get3A_216] {strides = array<i32>} : memref<3072xf32, #tpu.memory_space<vmem>>, vector<16xf32>,
      %mul3A_218 = arith.constant 1.000000e+00 : f32
      %mul3A_219 = vector.broadcast %mul3A_218 : f32 to vector<16xf32>
      %mul3A_220 = arith.mulf %get3A_217, %mul3A_219 : vector<16xf32>
      %abs3A_221 = math.absf %mul3A_220 : vector<16xf32>
      %neg3A_222 = arith.constant 0.000000e+00 : f32
      %neg3A_223 = vector.broadcast %neg3A_222 : f32 to vector<16xf32>
      %neg3A_224 = arith.subf %neg3A_223, %abs3A_221 : vector<16xf32>
      %exp3A_225 = math.exp %neg3A_224 : vector<16xf32>
      %add3A_226 = arith.constant 1.000000e+00 : f32
      %add3A_227 = vector.broadcast %add3A_226 : f32 to vector<16xf32>
      %add3A_228 = arith.addf %add3A_227, %exp3A_225 : vector<16xf32>
      %sub3A_229 = arith.constant 1.000000e+00 : f32
      %sub3A_230 = vector.broadcast %sub3A_229 : f32 to vector<16xf32>
      %sub3A_231 = arith.subf %add3A_228, %sub3A_230 : vector<16xf32>
      %add3A_232 = arith.constant 1.000000e+00 : f32
      %add3A_233 = vector.broadcast %add3A_232 : f32 to vector<16xf32>
      %add3A_234 = arith.addf %add3A_228, %add3A_233 : vector<16xf32>
      %div3A_235 = arith.divf %sub3A_231, %add3A_234 : vector<16xf32>
      %mul3A_236 = arith.mulf %div3A_235, %div3A_235 : vector<16xf32>
      %mul3A_237 = arith.constant 2.000000e+00 : f32
      %mul3A_238 = vector.broadcast %mul3A_237 : f32 to vector<16xf32>
      %mul3A_239 = arith.mulf %mul3A_238, %div3A_235 : vector<16xf32>
      %mul3A_240 = arith.constant 0.111111112 : f32
      %mul3A_241 = vector.broadcast %mul3A_240 : f32 to vector<16xf32>
      %mul3A_242 = arith.mulf %mul3A_236, %mul3A_241 : vector<16xf32>
      %add3A_243 = arith.constant 0.142857149 : f32
      %add3A_244 = vector.broadcast %add3A_243 : f32 to vector<16xf32>
      %add3A_245 = arith.addf %add3A_244, %mul3A_242 : vector<16xf32>
      %mul3A_246 = arith.mulf %mul3A_236, %add3A_245 : vector<16xf32>
      %add3A_247 = arith.constant 2.000000e-01 : f32
      %add3A_248 = vector.broadcast %add3A_247 : f32 to vector<16xf32>
      %add3A_249 = arith.addf %add3A_248, %mul3A_246 : vector<16xf32>
      %mul3A_250 = arith.mulf %mul3A_236, %add3A_249 : vector<16xf32>
      %add3A_251 = arith.constant 0.333333343 : f32
      %add3A_252 = vector.broadcast %add3A_251 : f32 to vector<16xf32>
      %add3A_253 = arith.addf %add3A_252, %mul3A_250 : vector<16xf32>
      %mul3A_254 = arith.mulf %mul3A_236, %add3A_253 : vector<16xf32>
      %add3A_255 = arith.constant 1.000000e+00 : f32
      %add3A_256 = vector.broadcast %add3A_255 : f32 to vector<16xf32>
      %add3A_257 = arith.addf %add3A_256, %mul3A_254 : vector<16xf32>
      %mul3A_258 = arith.mulf %mul3A_239, %add3A_257 : vector<16xf32>
      %min3A_259 = arith.constant 0.000000e+00 : f32
      %min3A_260 = vector.broadcast %min3A_259 : f32 to vector<16xf32>
      %min3A_261 = arith.minimumf %mul3A_220, %min3A_260 : vector<16xf32>
      %sub3A_262 = arith.subf %mul3A_258, %min3A_261 : vector<16xf32>
      %add3A_263 = arith.addf %add3A_209, %sub3A_262 : vector<16xf32>
      %scan3A_264 = arith.constant 3 : i32
      %scan3A_265 = arith.addi %scan3A_108, %scan3A_264 : i32
      %mul3A_266 = arith.constant 16 : i32
      %mul3A_267 = arith.muli %scan3A_265, %mul3A_266 : i32
      %add3A_268 = arith.constant 0 : i32
      %add3A_269 = arith.addi %add3A_268, %mul3A_267 : i32
      %get3A_270 = arith.index_cast %add3A_269 : i32 to index
      %get3A_271 = tpu.vector_load %arg18[%get3A_270] {strides = array<i32>} : memref<3072xf32, #tpu.memory_space<vmem>>, vector<16xf32>,
      %mul3A_272 = arith.constant 1.000000e+00 : f32
      %mul3A_273 = vector.broadcast %mul3A_272 : f32 to vector<16xf32>
      %mul3A_274 = arith.mulf %get3A_271, %mul3A_273 : vector<16xf32>
      %abs3A_275 = math.absf %mul3A_274 : vector<16xf32>
      %neg3A_276 = arith.constant 0.000000e+00 : f32
      %neg3A_277 = vector.broadcast %neg3A_276 : f32 to vector<16xf32>
      %neg3A_278 = arith.subf %neg3A_277, %abs3A_275 : vector<16xf32>
      %exp3A_279 = math.exp %neg3A_278 : vector<16xf32>
      %add3A_280 = arith.constant 1.000000e+00 : f32
      %add3A_281 = vector.broadcast %add3A_280 : f32 to vector<16xf32>
      %add3A_282 = arith.addf %add3A_281, %exp3A_279 : vector<16xf32>
      %sub3A_283 = arith.constant 1.000000e+00 : f32
      %sub3A_284 = vector.broadcast %sub3A_283 : f32 to vector<16xf32>
      %sub3A_285 = arith.subf %add3A_282, %sub3A_284 : vector<16xf32>
      %add3A_286 = arith.constant 1.000000e+00 : f32
      %add3A_287 = vector.broadcast %add3A_286 : f32 to vector<16xf32>
      %add3A_288 = arith.addf %add3A_282, %add3A_287 : vector<16xf32>
      %div3A_289 = arith.divf %sub3A_285, %add3A_288 : vector<16xf32>
      %mul3A_290 = arith.mulf %div3A_289, %div3A_289 : vector<16xf32>
      %mul3A_291 = arith.constant 2.000000e+00 : f32
      %mul3A_292 = vector.broadcast %mul3A_291 : f32 to vector<16xf32>
      %mul3A_293 = arith.mulf %mul3A_292, %div3A_289 : vector<16xf32>
      %mul3A_294 = arith.constant 0.111111112 : f32
      %mul3A_295 = vector.broadcast %mul3A_294 : f32 to vector<16xf32>
      %mul3A_296 = arith.mulf %mul3A_290, %mul3A_295 : vector<16xf32>
      %add3A_297 = arith.constant 0.142857149 : f32
      %add3A_298 = vector.broadcast %add3A_297 : f32 to vector<16xf32>
      %add3A_299 = arith.addf %add3A_298, %mul3A_296 : vector<16xf32>
      %mul3A_300 = arith.mulf %mul3A_290, %add3A_299 : vector<16xf32>
      %add3A_301 = arith.constant 2.000000e-01 : f32
      %add3A_302 = vector.broadcast %add3A_301 : f32 to vector<16xf32>
      %add3A_303 = arith.addf %add3A_302, %mul3A_300 : vector<16xf32>
      %mul3A_304 = arith.mulf %mul3A_290, %add3A_303 : vector<16xf32>
      %add3A_305 = arith.constant 0.333333343 : f32
      %add3A_306 = vector.broadcast %add3A_305 : f32 to vector<16xf32>
      %add3A_307 = arith.addf %add3A_306, %mul3A_304 : vector<16xf32>
      %mul3A_308 = arith.mulf %mul3A_290, %add3A_307 : vector<16xf32>
      %add3A_309 = arith.constant 1.000000e+00 : f32
      %add3A_310 = vector.broadcast %add3A_309 : f32 to vector<16xf32>
      %add3A_311 = arith.addf %add3A_310, %mul3A_308 : vector<16xf32>
      %mul3A_312 = arith.mulf %mul3A_293, %add3A_311 : vector<16xf32>
      %min3A_313 = arith.constant 0.000000e+00 : f32
      %min3A_314 = vector.broadcast %min3A_313 : f32 to vector<16xf32>
      %min3A_315 = arith.minimumf %mul3A_274, %min3A_314 : vector<16xf32>
      %sub3A_316 = arith.subf %mul3A_312, %min3A_315 : vector<16xf32>
      %add3A_317 = arith.addf %add3A_263, %sub3A_316 : vector<16xf32>
      scf.yield %add3A_317 : vector<16xf32>
    }
    %scan3A_97 = arith.constant 32 : i32
    %broadcast_in_dim3A_98 = arith.constant 0.000000e+00 : f32
    %broadcast_in_dim3A_99 = vector.broadcast %broadcast_in_dim3A_98 : f32 to vector<16xf32>
    %scan3A_100 = arith.constant 0 : i32
    %scan3A_101 = arith.constant 160 : i32
    %scan3A_102 = arith.addi %scan3A_100, %scan3A_101 : i32
    %scan3A_103 = arith.constant 4 : i32
    %scan3A_104 = scf.for %scan3A_108 = %scan3A_100 to %scan3A_102 step %scan3A_103 iter_args(%scan3A_109 = %broadcast_in_dim3A_99) -> (vector<16xf32>)  : i32 {
      %mul3A_110 = arith.constant 16 : i32
      %mul3A_111 = arith.muli %scan3A_108, %mul3A_110 : i32
      %add3A_112 = arith.constant 512 : i32
      %add3A_113 = arith.addi %add3A_112, %mul3A_111 : i32
      %get3A_114 = arith.index_cast %add3A_113 : i32 to index
      %get3A_115 = tpu.vector_load %arg18[%get3A_114] {strides = array<i32>} : memref<3072xf32, #tpu.memory_space<vmem>>, vector<16xf32>,
      %mul3A_116 = arith.constant -1.000000e+00 : f32
      %mul3A_117 = vector.broadcast %mul3A_116 : f32 to vector<16xf32>
      %mul3A_118 = arith.mulf %get3A_115, %mul3A_117 : vector<16xf32>
      %abs3A = math.absf %mul3A_118 : vector<16xf32>
      %neg3A = arith.constant 0.000000e+00 : f32
      %neg3A_119 = vector.broadcast %neg3A : f32 to vector<16xf32>
      %neg3A_120 = arith.subf %neg3A_119, %abs3A : vector<16xf32>
      %exp3A = math.exp %neg3A_120 : vector<16xf32>
      %add3A_121 = arith.constant 1.000000e+00 : f32
      %add3A_122 = vector.broadcast %add3A_121 : f32 to vector<16xf32>
      %add3A_123 = arith.addf %add3A_122, %exp3A : vector<16xf32>
      %sub3A = arith.constant 1.000000e+00 : f32
      %sub3A_124 = vector.broadcast %sub3A : f32 to vector<16xf32>
      %sub3A_125 = arith.subf %add3A_123, %sub3A_124 : vector<16xf32>
      %add3A_126 = arith.constant 1.000000e+00 : f32
      %add3A_127 = vector.broadcast %add3A_126 : f32 to vector<16xf32>
      %add3A_128 = arith.addf %add3A_123, %add3A_127 : vector<16xf32>
      %div3A = arith.divf %sub3A_125, %add3A_128 : vector<16xf32>
      %mul3A_129 = arith.mulf %div3A, %div3A : vector<16xf32>
      %mul3A_130 = arith.constant 2.000000e+00 : f32
      %mul3A_131 = vector.broadcast %mul3A_130 : f32 to vector<16xf32>
      %mul3A_132 = arith.mulf %mul3A_131, %div3A : vector<16xf32>
      %mul3A_133 = arith.constant 0.111111112 : f32
      %mul3A_134 = vector.broadcast %mul3A_133 : f32 to vector<16xf32>
      %mul3A_135 = arith.mulf %mul3A_129, %mul3A_134 : vector<16xf32>
      %add3A_136 = arith.constant 0.142857149 : f32
      %add3A_137 = vector.broadcast %add3A_136 : f32 to vector<16xf32>
      %add3A_138 = arith.addf %add3A_137, %mul3A_135 : vector<16xf32>
      %mul3A_139 = arith.mulf %mul3A_129, %add3A_138 : vector<16xf32>
      %add3A_140 = arith.constant 2.000000e-01 : f32
      %add3A_141 = vector.broadcast %add3A_140 : f32 to vector<16xf32>
      %add3A_142 = arith.addf %add3A_141, %mul3A_139 : vector<16xf32>
      %mul3A_143 = arith.mulf %mul3A_129, %add3A_142 : vector<16xf32>
      %add3A_144 = arith.constant 0.333333343 : f32
      %add3A_145 = vector.broadcast %add3A_144 : f32 to vector<16xf32>
      %add3A_146 = arith.addf %add3A_145, %mul3A_143 : vector<16xf32>
      %mul3A_147 = arith.mulf %mul3A_129, %add3A_146 : vector<16xf32>
      %add3A_148 = arith.constant 1.000000e+00 : f32
      %add3A_149 = vector.broadcast %add3A_148 : f32 to vector<16xf32>
      %add3A_150 = arith.addf %add3A_149, %mul3A_147 : vector<16xf32>
      %mul3A_151 = arith.mulf %mul3A_132, %add3A_150 : vector<16xf32>
      %min3A = arith.constant 0.000000e+00 : f32
      %min3A_152 = vector.broadcast %min3A : f32 to vector<16xf32>
      %min3A_153 = arith.minimumf %mul3A_118, %min3A_152 : vector<16xf32>
      %sub3A_154 = arith.subf %mul3A_151, %min3A_153 : vector<16xf32>
      %add3A_155 = arith.addf %scan3A_109, %sub3A_154 : vector<16xf32>
      %scan3A_156 = arith.constant 1 : i32
      %scan3A_157 = arith.addi %scan3A_108, %scan3A_156 : i32
      %mul3A_158 = arith.constant 16 : i32
      %mul3A_159 = arith.muli %scan3A_157, %mul3A_158 : i32
      %add3A_160 = arith.constant 512 : i32
      %add3A_161 = arith.addi %add3A_160, %mul3A_159 : i32
      %get3A_162 = arith.index_cast %add3A_161 : i32 to index
      %get3A_163 = tpu.vector_load %arg18[%get3A_162] {strides = array<i32>} : memref<3072xf32, #tpu.memory_space<vmem>>, vector<16xf32>,
      %mul3A_164 = arith.constant -1.000000e+00 : f32
      %mul3A_165 = vector.broadcast %mul3A_164 : f32 to vector<16xf32>
      %mul3A_166 = arith.mulf %get3A_163, %mul3A_165 : vector<16xf32>
      %abs3A_167 = math.absf %mul3A_166 : vector<16xf32>
      %neg3A_168 = arith.constant 0.000000e+00 : f32
      %neg3A_169 = vector.broadcast %neg3A_168 : f32 to vector<16xf32>
      %neg3A_170 = arith.subf %neg3A_169, %abs3A_167 : vector<16xf32>
      %exp3A_171 = math.exp %neg3A_170 : vector<16xf32>
      %add3A_172 = arith.constant 1.000000e+00 : f32
      %add3A_173 = vector.broadcast %add3A_172 : f32 to vector<16xf32>
      %add3A_174 = arith.addf %add3A_173, %exp3A_171 : vector<16xf32>
      %sub3A_175 = arith.constant 1.000000e+00 : f32
      %sub3A_176 = vector.broadcast %sub3A_175 : f32 to vector<16xf32>
      %sub3A_177 = arith.subf %add3A_174, %sub3A_176 : vector<16xf32>
      %add3A_178 = arith.constant 1.000000e+00 : f32
      %add3A_179 = vector.broadcast %add3A_178 : f32 to vector<16xf32>
      %add3A_180 = arith.addf %add3A_174, %add3A_179 : vector<16xf32>
      %div3A_181 = arith.divf %sub3A_177, %add3A_180 : vector<16xf32>
      %mul3A_182 = arith.mulf %div3A_181, %div3A_181 : vector<16xf32>
      %mul3A_183 = arith.constant 2.000000e+00 : f32
      %mul3A_184 = vector.broadcast %mul3A_183 : f32 to vector<16xf32>
      %mul3A_185 = arith.mulf %mul3A_184, %div3A_181 : vector<16xf32>
      %mul3A_186 = arith.constant 0.111111112 : f32
      %mul3A_187 = vector.broadcast %mul3A_186 : f32 to vector<16xf32>
      %mul3A_188 = arith.mulf %mul3A_182, %mul3A_187 : vector<16xf32>
      %add3A_189 = arith.constant 0.142857149 : f32
      %add3A_190 = vector.broadcast %add3A_189 : f32 to vector<16xf32>
      %add3A_191 = arith.addf %add3A_190, %mul3A_188 : vector<16xf32>
      %mul3A_192 = arith.mulf %mul3A_182, %add3A_191 : vector<16xf32>
      %add3A_193 = arith.constant 2.000000e-01 : f32
      %add3A_194 = vector.broadcast %add3A_193 : f32 to vector<16xf32>
      %add3A_195 = arith.addf %add3A_194, %mul3A_192 : vector<16xf32>
      %mul3A_196 = arith.mulf %mul3A_182, %add3A_195 : vector<16xf32>
      %add3A_197 = arith.constant 0.333333343 : f32
      %add3A_198 = vector.broadcast %add3A_197 : f32 to vector<16xf32>
      %add3A_199 = arith.addf %add3A_198, %mul3A_196 : vector<16xf32>
      %mul3A_200 = arith.mulf %mul3A_182, %add3A_199 : vector<16xf32>
      %add3A_201 = arith.constant 1.000000e+00 : f32
      %add3A_202 = vector.broadcast %add3A_201 : f32 to vector<16xf32>
      %add3A_203 = arith.addf %add3A_202, %mul3A_200 : vector<16xf32>
      %mul3A_204 = arith.mulf %mul3A_185, %add3A_203 : vector<16xf32>
      %min3A_205 = arith.constant 0.000000e+00 : f32
      %min3A_206 = vector.broadcast %min3A_205 : f32 to vector<16xf32>
      %min3A_207 = arith.minimumf %mul3A_166, %min3A_206 : vector<16xf32>
      %sub3A_208 = arith.subf %mul3A_204, %min3A_207 : vector<16xf32>
      %add3A_209 = arith.addf %add3A_155, %sub3A_208 : vector<16xf32>
      %scan3A_210 = arith.constant 2 : i32
      %scan3A_211 = arith.addi %scan3A_108, %scan3A_210 : i32
      %mul3A_212 = arith.constant 16 : i32
      %mul3A_213 = arith.muli %scan3A_211, %mul3A_212 : i32
      %add3A_214 = arith.constant 512 : i32
      %add3A_215 = arith.addi %add3A_214, %mul3A_213 : i32
      %get3A_216 = arith.index_cast %add3A_215 : i32 to index
      %get3A_217 = tpu.vector_load %arg18[%get3A_216] {strides = array<i32>} : memref<3072xf32, #tpu.memory_space<vmem>>, vector<16xf32>,
      %mul3A_218 = arith.constant -1.000000e+00 : f32
      %mul3A_219 = vector.broadcast %mul3A_218 : f32 to vector<16xf32>
      %mul3A_220 = arith.mulf %get3A_217, %mul3A_219 : vector<16xf32>
      %abs3A_221 = math.absf %mul3A_220 : vector<16xf32>
      %neg3A_222 = arith.constant 0.000000e+00 : f32
      %neg3A_223 = vector.broadcast %neg3A_222 : f32 to vector<16xf32>
      %neg3A_224 = arith.subf %neg3A_223, %abs3A_221 : vector<16xf32>
      %exp3A_225 = math.exp %neg3A_224 : vector<16xf32>
      %add3A_226 = arith.constant 1.000000e+00 : f32
      %add3A_227 = vector.broadcast %add3A_226 : f32 to vector<16xf32>
      %add3A_228 = arith.addf %add3A_227, %exp3A_225 : vector<16xf32>
      %sub3A_229 = arith.constant 1.000000e+00 : f32
      %sub3A_230 = vector.broadcast %sub3A_229 : f32 to vector<16xf32>
      %sub3A_231 = arith.subf %add3A_228, %sub3A_230 : vector<16xf32>
      %add3A_232 = arith.constant 1.000000e+00 : f32
      %add3A_233 = vector.broadcast %add3A_232 : f32 to vector<16xf32>
      %add3A_234 = arith.addf %add3A_228, %add3A_233 : vector<16xf32>
      %div3A_235 = arith.divf %sub3A_231, %add3A_234 : vector<16xf32>
      %mul3A_236 = arith.mulf %div3A_235, %div3A_235 : vector<16xf32>
      %mul3A_237 = arith.constant 2.000000e+00 : f32
      %mul3A_238 = vector.broadcast %mul3A_237 : f32 to vector<16xf32>
      %mul3A_239 = arith.mulf %mul3A_238, %div3A_235 : vector<16xf32>
      %mul3A_240 = arith.constant 0.111111112 : f32
      %mul3A_241 = vector.broadcast %mul3A_240 : f32 to vector<16xf32>
      %mul3A_242 = arith.mulf %mul3A_236, %mul3A_241 : vector<16xf32>
      %add3A_243 = arith.constant 0.142857149 : f32
      %add3A_244 = vector.broadcast %add3A_243 : f32 to vector<16xf32>
      %add3A_245 = arith.addf %add3A_244, %mul3A_242 : vector<16xf32>
      %mul3A_246 = arith.mulf %mul3A_236, %add3A_245 : vector<16xf32>
      %add3A_247 = arith.constant 2.000000e-01 : f32
      %add3A_248 = vector.broadcast %add3A_247 : f32 to vector<16xf32>
      %add3A_249 = arith.addf %add3A_248, %mul3A_246 : vector<16xf32>
      %mul3A_250 = arith.mulf %mul3A_236, %add3A_249 : vector<16xf32>
      %add3A_251 = arith.constant 0.333333343 : f32
      %add3A_252 = vector.broadcast %add3A_251 : f32 to vector<16xf32>
      %add3A_253 = arith.addf %add3A_252, %mul3A_250 : vector<16xf32>
      %mul3A_254 = arith.mulf %mul3A_236, %add3A_253 : vector<16xf32>
      %add3A_255 = arith.constant 1.000000e+00 : f32
      %add3A_256 = vector.broadcast %add3A_255 : f32 to vector<16xf32>
      %add3A_257 = arith.addf %add3A_256, %mul3A_254 : vector<16xf32>
      %mul3A_258 = arith.mulf %mul3A_239, %add3A_257 : vector<16xf32>
      %min3A_259 = arith.constant 0.000000e+00 : f32
      %min3A_260 = vector.broadcast %min3A_259 : f32 to vector<16xf32>
      %min3A_261 = arith.minimumf %mul3A_220, %min3A_260 : vector<16xf32>
      %sub3A_262 = arith.subf %mul3A_258, %min3A_261 : vector<16xf32>
      %add3A_263 = arith.addf %add3A_209, %sub3A_262 : vector<16xf32>
      %scan3A_264 = arith.constant 3 : i32
      %scan3A_265 = arith.addi %scan3A_108, %scan3A_264 : i32
      %mul3A_266 = arith.constant 16 : i32
      %mul3A_267 = arith.muli %scan3A_265, %mul3A_266 : i32
      %add3A_268 = arith.constant 512 : i32
      %add3A_269 = arith.addi %add3A_268, %mul3A_267 : i32
      %get3A_270 = arith.index_cast %add3A_269 : i32 to index
      %get3A_271 = tpu.vector_load %arg18[%get3A_270] {strides = array<i32>} : memref<3072xf32, #tpu.memory_space<vmem>>, vector<16xf32>,
      %mul3A_272 = arith.constant -1.000000e+00 : f32
      %mul3A_273 = vector.broadcast %mul3A_272 : f32 to vector<16xf32>
      %mul3A_274 = arith.mulf %get3A_271, %mul3A_273 : vector<16xf32>
      %abs3A_275 = math.absf %mul3A_274 : vector<16xf32>
      %neg3A_276 = arith.constant 0.000000e+00 : f32
      %neg3A_277 = vector.broadcast %neg3A_276 : f32 to vector<16xf32>
      %neg3A_278 = arith.subf %neg3A_277, %abs3A_275 : vector<16xf32>
      %exp3A_279 = math.exp %neg3A_278 : vector<16xf32>
      %add3A_280 = arith.constant 1.000000e+00 : f32
      %add3A_281 = vector.broadcast %add3A_280 : f32 to vector<16xf32>
      %add3A_282 = arith.addf %add3A_281, %exp3A_279 : vector<16xf32>
      %sub3A_283 = arith.constant 1.000000e+00 : f32
      %sub3A_284 = vector.broadcast %sub3A_283 : f32 to vector<16xf32>
      %sub3A_285 = arith.subf %add3A_282, %sub3A_284 : vector<16xf32>
      %add3A_286 = arith.constant 1.000000e+00 : f32
      %add3A_287 = vector.broadcast %add3A_286 : f32 to vector<16xf32>
      %add3A_288 = arith.addf %add3A_282, %add3A_287 : vector<16xf32>
      %div3A_289 = arith.divf %sub3A_285, %add3A_288 : vector<16xf32>
      %mul3A_290 = arith.mulf %div3A_289, %div3A_289 : vector<16xf32>
      %mul3A_291 = arith.constant 2.000000e+00 : f32
      %mul3A_292 = vector.broadcast %mul3A_291 : f32 to vector<16xf32>
      %mul3A_293 = arith.mulf %mul3A_292, %div3A_289 : vector<16xf32>
      %mul3A_294 = arith.constant 0.111111112 : f32
      %mul3A_295 = vector.broadcast %mul3A_294 : f32 to vector<16xf32>
      %mul3A_296 = arith.mulf %mul3A_290, %mul3A_295 : vector<16xf32>
      %add3A_297 = arith.constant 0.142857149 : f32
      %add3A_298 = vector.broadcast %add3A_297 : f32 to vector<16xf32>
      %add3A_299 = arith.addf %add3A_298, %mul3A_296 : vector<16xf32>
      %mul3A_300 = arith.mulf %mul3A_290, %add3A_299 : vector<16xf32>
      %add3A_301 = arith.constant 2.000000e-01 : f32
      %add3A_302 = vector.broadcast %add3A_301 : f32 to vector<16xf32>
      %add3A_303 = arith.addf %add3A_302, %mul3A_300 : vector<16xf32>
      %mul3A_304 = arith.mulf %mul3A_290, %add3A_303 : vector<16xf32>
      %add3A_305 = arith.constant 0.333333343 : f32
      %add3A_306 = vector.broadcast %add3A_305 : f32 to vector<16xf32>
      %add3A_307 = arith.addf %add3A_306, %mul3A_304 : vector<16xf32>
      %mul3A_308 = arith.mulf %mul3A_290, %add3A_307 : vector<16xf32>
      %add3A_309 = arith.constant 1.000000e+00 : f32
      %add3A_310 = vector.broadcast %add3A_309 : f32 to vector<16xf32>
      %add3A_311 = arith.addf %add3A_310, %mul3A_308 : vector<16xf32>
      %mul3A_312 = arith.mulf %mul3A_293, %add3A_311 : vector<16xf32>
      %min3A_313 = arith.constant 0.000000e+00 : f32
      %min3A_314 = vector.broadcast %min3A_313 : f32 to vector<16xf32>
      %min3A_315 = arith.minimumf %mul3A_274, %min3A_314 : vector<16xf32>
      %sub3A_316 = arith.subf %mul3A_312, %min3A_315 : vector<16xf32>
      %add3A_317 = arith.addf %add3A_263, %sub3A_316 : vector<16xf32>
      scf.yield %add3A_317 : vector<16xf32>
    }
    %scan3A_105 = arith.constant 160 : i32
    %add3A_106 = arith.addf %scan3A_96, %scan3A_104 : vector<16xf32>
    %swap3A = arith.constant 0 : index
    %swap3A_107 = tpu.vector_load %arg18[%swap3A] {strides = array<i32>} : memref<3072xf32, #tpu.memory_space<vmem>>, vector<16xf32>,
    tpu.vector_store %arg18[%swap3A], %add3A_106 {strides = array<i32>} : memref<3072xf32, #tpu.memory_space<vmem>>, vector<16xf32>,
    "tpu.region"() ({
      %run_scoped3A = tpu.sem_alloc : memref<!tpu.dma_semaphore, #tpu.memory_space<semaphore_mem>>
      %dma_start3A_108 = arith.constant 0 : i32
      %dma_start3A_109 = tpu.memref_slice %arg18[%dma_start3A_108] : memref<3072xf32, #tpu.memory_space<vmem>> -> memref<16xf32, #tpu.memory_space<vmem>>
      %dma_start3A_110 = arith.constant 0 : i32
      %dma_start3A_111 = tpu.memref_slice %arg9[%add3A, %dma_start3A_110] : memref<32x16xf32, #tpu.memory_space<hbm>> -> memref<1x16xf32, #tpu.memory_space<hbm>>
      %dma_start3A_112 = tpu.memref_squeeze %dma_start3A_111 : memref<1x16xf32, #tpu.memory_space<hbm>> -> memref<16xf32, #tpu.memory_space<hbm>>
      %dma_start3A_113 = arith.constant 0 : i32
      %dma_start3A_114 = tpu.memref_slice %arg9[%add3A, %dma_start3A_113] : memref<32x16xf32, #tpu.memory_space<hbm>> -> memref<1x16xf32, #tpu.memory_space<hbm>>
      %dma_start3A_115 = tpu.memref_squeeze %dma_start3A_114 : memref<1x16xf32, #tpu.memory_space<hbm>> -> memref<16xf32, #tpu.memory_space<hbm>>
      %dma_start3A_116 = arith.constant 0 : i32
      %dma_start3A_117 = tpu.memref_slice %arg18[%dma_start3A_116] : memref<3072xf32, #tpu.memory_space<vmem>> -> memref<16xf32, #tpu.memory_space<vmem>>
      tpu.enqueue_dma source(%dma_start3A_117 : memref<16xf32, #tpu.memory_space<vmem>>) target(%dma_start3A_115 : memref<16xf32, #tpu.memory_space<hbm>>) target_semaphore(%run_scoped3A : memref<!tpu.dma_semaphore, #tpu.memory_space<semaphore_mem>>)
      %dma_wait3A = arith.constant 0 : i32
      %dma_wait3A_118 = tpu.memref_slice %arg18[%dma_wait3A] : memref<3072xf32, #tpu.memory_space<vmem>> -> memref<16xf32, #tpu.memory_space<vmem>>
      %dma_wait3A_119 = arith.constant 0 : i32
      %dma_wait3A_120 = tpu.memref_slice %arg9[%add3A, %dma_wait3A_119] : memref<32x16xf32, #tpu.memory_space<hbm>> -> memref<1x16xf32, #tpu.memory_space<hbm>>
      %dma_wait3A_121 = tpu.memref_squeeze %dma_wait3A_120 : memref<1x16xf32, #tpu.memory_space<hbm>> -> memref<16xf32, #tpu.memory_space<hbm>>
      %dma_wait3A_122 = arith.constant 0 : i32
      %dma_wait3A_123 = tpu.memref_slice %arg9[%add3A, %dma_wait3A_122] : memref<32x16xf32, #tpu.memory_space<hbm>> -> memref<1x16xf32, #tpu.memory_space<hbm>>
      %dma_wait3A_124 = tpu.memref_squeeze %dma_wait3A_123 : memref<1x16xf32, #tpu.memory_space<hbm>> -> memref<16xf32, #tpu.memory_space<hbm>>
      %dma_wait3A_125 = arith.constant 0 : i32
      %dma_wait3A_126 = tpu.memref_slice %arg18[%dma_wait3A_125] : memref<3072xf32, #tpu.memory_space<vmem>> -> memref<16xf32, #tpu.memory_space<vmem>>
      tpu.wait_dma2 semaphore(%run_scoped3A : memref<!tpu.dma_semaphore, #tpu.memory_space<semaphore_mem>>) src(%dma_wait3A_126 : memref<16xf32, #tpu.memory_space<vmem>>) dst(%dma_wait3A_124 : memref<16xf32, #tpu.memory_space<hbm>>)
      tpu.yield
    }) : () -> ()
    return
  }
}

</mosaic_0001>

<sc_bundles>
// kernel: kernel.3.cloned.1.call-start
scs
__scs_entry_jumppad:
0x0: {  	(pc) =	sbr.rel $0x88, $3  }
0x1: {  	(tag) =	ssettag $0x0;
	lr =	simm.s32 $0x1  }
0x2: {  	[smem:$0x3F9A] =	sst lr;
	_ =	strace $0xD0000000  }
0x3: {  	_ = 	snop  }
0x4: {  	_ = 	snop  }
0x5: {  	_ = 	snop  }
0x6: {  	_ = 	snop  }
0x7: {  	_ = 	snop  }
__scs_overlays_trampoline_lowered:
0x8: {  	[smem:$0x3FA9] =	sst s0  }
0x9: {  	[smem:$0x3FAA] =	sst s1  }
0xa: {  	[smem:$0x3FAB] =	sst s2  }
0xb: {  	[smem:$0x3FAC] =	sst s3  }
0xc: {  	[smem:$0x3FAD] =	sst s4  }
0xd: {  	[smem:$0x3FAE] =	sst s5  }
0xe: {  	[smem:$0x3FAF] =	sst s6  }
0xf: {  	[smem:$0x3FB0] =	sst s7  }
0x10: {  	[smem:$0x3FB1] =	sst s8  }
0x11: {  	[smem:$0x3FB2] =	sst s9;
	s0 =	simm.s32 @!p0 $0x0  }
0x12: {  	s1 =	sld [smem:$0x3F98];
	s0 =	simm.s32 @p0 $0x1  }
0x13: {  	[smem:$0x3FB3] =	sst s0;
	s0 =	simm.s32 @!p1 $0x0  }
0x14: {  	s2 =	sld [smem:$0x3F97];
	s0 =	simm.s32 @p1 $0x1  }
0x15: {  	[smem:$0x3FB4] =	sst s0;
	s0 =	simm.s32 @!p2 $0x0  }
0x16: {  	s3 =	sld [smem:$0x3FDB];
	s0 =	simm.s32 @p2 $0x1  }
0x17: {  	s4 =	simm.s32 $0x1BF5;
	[smem:$0x3FB6] =	sst s0  }
0x18: {  	s0 =	sld [smem:$0x3F99];
	_ =	swait.ge [sflag:s4], $0x0  }
0x19: {  	s7 =	sld [smem:$0x3F9A]  }
0x1a: {  	s8 =	sadd.s32 $0xFFFFE003, lr  }
0x1b: {  	s9 =	sadd.s32 $0xFFFFFEF7, lr;
	s5 =	simm.s32 $0xFFFFFFFF;
	p2 =	slt.u32 s8, $0xFFFFF086  }
0x1c: {  	p1 =	slt.u32 s9, $0xF7A;
	s5 =	simm.s32 @!p2 $0x0  }
0x1d: {  	s5 =	simm.s32 @p1 $0x1;
	p0 =	seq.s32 s7, s2  }
0x1e: {  	s7 =	smul.u32 @!p0 $0xF7A, s2;
	p2 =	seq.s32 @!p0 s5, $0x0  }
0x1f: {  	s9 =	smul.u32 $0xF7A, s1;
	s8 =	simm.s32 @!p0 $0x1BF5;
	p2 =	por !p2, p0  }
0x20: {  	[sflag:s8] =	ssyncset.s32 @!p0 $0xFFFFF086;
	s6 =	sadd.s32 @!p0 s3, s7;
	s7 =	simm.s32 @!p0 $0x108  }
0x21: {  	s3 =	sadd.s32 s3, s9;
	s6 =	sadd.s32 @!p0 $0x88, s6;
	s7 =	simm.s32 @p2 $0x1082  }
0x22: {  	[simem:s7], [sflag:s8] =	dma.local @!p0 [hbm:s6], $0xF7A  }
0x23: {  	s9 =	sor.u32 $0xD0000000, s2;
	s6 =	simm.s32 $0x108;
	_ =	swait.ge @!p0 [sflag:s8], $0x0  }
0x24: {  	s3 =	sadd.s32 $0x88, s3;
	s6 =	simm.s32 @!p1 $0x1082;
	[sflag:s4] =	ssyncset.s32 $0xFFFFF086  }
0x25: {  	[simem:s6], [sflag:s4] =	dma.local [hbm:s3], $0xF7A  }
0x26: {  	[smem:$0x3F9A] =	sst s1;
	(tag) =	ssettag s2;
	_ =	strace s9  }
0x27: {  	s1 =	sld [smem:$0x3FAA]  }
0x28: {  	s2 =	sld [smem:$0x3FAB]  }
0x29: {  	s4 =	sld [smem:$0x3FAD]  }
0x2a: {  	p0 =	seq.s32 s5, $0x0;
	s5 =	sld [smem:$0x3FAE]  }
0x2b: {  	s6 =	sld [smem:$0x3FAF]  }
0x2c: {  	s7 =	sld [smem:$0x3FB0]  }
0x2d: {  	s3 =	simm.s32 $0x108;
	s8 =	sld [smem:$0x3FB1]  }
0x2e: {  	s3 =	simm.s32 @!p0 $0x1082;
	s9 =	sld [smem:$0x3FB2]  }
0x2f: {  	lr =	sadd.s32 s0, s3;
	s0 =	sld [smem:$0x3FA9]  }
0x30: {  	s3 =	sld [smem:$0x3FAC]  }
0x31: {  	[smem:$0x3FB5] =	sst s10  }
0x32: {  	s10 =	sld [smem:$0x3FB3];
	_ =	sdelay $0x3  }
0x33: {  	p0 =	seq.s32 s10, $0x1;
	s10 =	sld [smem:$0x3FB5];
	_ =	sdelay $0x3  }
0x34: {  	[smem:$0x3FB5] =	sst s10  }
0x35: {  	s10 =	sld [smem:$0x3FB4];
	_ =	sdelay $0x3  }
0x36: {  	p1 =	seq.s32 s10, $0x1;
	s10 =	sld [smem:$0x3FB5];
	_ =	sdelay $0x3  }
0x37: {  	[smem:$0x3FB5] =	sst s10  }
0x38: {  	s10 =	sld [smem:$0x3FB6]  }
0x39: {  	_ = 	snop;
	(pc) =	sbr.ind lr, $3  }
0x3a: {  	_ = 	snop  }
0x3b: {  	_ = 	snop  }
0x3c: {  	p2 =	seq.s32 s10, $0x1;
	s10 =	sld [smem:$0x3FB5]  }
0x3d: {  	_ =	shalt  }
0x3e: {  	_ =	shalt  }
0x3f: {  	_ =	shalt  }
0x40: {  	_ =	shalt  }
0x41: {  	_ =	shalt  }
0x42: {  	_ =	shalt  }
0x43: {  	_ =	shalt  }
0x44: {  	_ =	shalt  }
0x45: {  	_ =	shalt  }
0x46: {  	_ =	shalt  }
0x47: {  	_ =	shalt  }
0x48: {  	_ =	shalt  }
0x49: {  	_ =	shalt  }
0x4a: {  	_ =	shalt  }
0x4b: {  	_ =	shalt  }
0x4c: {  	_ =	shalt  }
0x4d: {  	_ =	shalt  }
0x4e: {  	_ =	shalt  }
0x4f: {  	_ =	shalt  }
0x50: {  	_ =	shalt  }
0x51: {  	_ =	shalt  }
0x52: {  	_ =	shalt  }
0x53: {  	_ =	shalt  }
0x54: {  	_ =	shalt  }
0x55: {  	_ =	shalt  }
0x56: {  	_ =	shalt  }
0x57: {  	_ =	shalt  }
0x58: {  	_ =	shalt  }
0x59: {  	_ =	shalt  }
0x5a: {  	_ =	shalt  }
0x5b: {  	_ =	shalt  }
0x5c: {  	_ =	shalt  }
0x5d: {  	_ =	shalt  }
0x5e: {  	_ =	shalt  }
0x5f: {  	_ =	shalt  }
0x60: {  	_ =	shalt  }
0x61: {  	_ =	shalt  }
0x62: {  	_ =	shalt  }
0x63: {  	_ =	shalt  }
0x64: {  	_ =	shalt  }
0x65: {  	_ =	shalt  }
0x66: {  	_ =	shalt  }
0x67: {  	_ =	shalt  }
0x68: {  	_ =	shalt  }
0x69: {  	_ =	shalt  }
0x6a: {  	_ =	shalt  }
0x6b: {  	_ =	shalt  }
0x6c: {  	_ =	shalt  }
0x6d: {  	_ =	shalt  }
0x6e: {  	_ =	shalt  }
0x6f: {  	_ =	shalt  }
0x70: {  	_ =	shalt  }
0x71: {  	_ =	shalt  }
0x72: {  	_ =	shalt  }
0x73: {  	_ =	shalt  }
0x74: {  	_ =	shalt  }
0x75: {  	_ =	shalt  }
0x76: {  	_ =	shalt  }
0x77: {  	_ =	shalt  }
0x78: {  	_ =	shalt  }
0x79: {  	_ =	shalt  }
0x7a: {  	_ =	shalt  }
0x7b: {  	_ =	shalt  }
0x7c: {  	_ =	shalt  }
0x7d: {  	_ =	shalt  }
0x7e: {  	_ =	shalt  }
0x7f: {  	_ =	shalt  }
0x80: {  	_ =	shalt  }
0x81: {  	_ =	shalt  }
0x82: {  	_ =	shalt  }
0x83: {  	_ =	shalt  }
0x84: {  	_ =	shalt  }
0x85: {  	_ =	shalt  }
0x86: {  	_ =	shalt  }
0x87: {  	_ =	shalt  }
.Lfunc_end0:
.L_simem_size_0:
called_computation_lowered:
.L_overlay_start_0:
0x88: {  	s2 =	sld [smem:$0x3FD9]  }
0x89: {  	s3 =	sld [smem:$0x3FFE];
	_ =	sdelay $0x1  }
0x8a: {  	s1 =	srdreg.scid  }
0x8b: {  	s0 =	sand.u32 $0x1, s1  }
0x8c: {  	s17 =	sshll.u32 s0, $0xA;
	s2 =	sadd.s32 s3, s2  }
0x8d: {  	s2 =	sadd.s32 s2, s17  }
0x8e: {  	[smem:$0x3FC1] =	sst s2  }
0x8f: {  	_ = 	snop  }
0x90: {  	s2 =	sld [smem:$0x3FC9]  }
0x91: {  	s18 =	sld [smem:$0x3FC8]  }
0x92: {  	s4 =	sld [smem:$0x3FC7]  }
0x93: {  	s5 =	sld [smem:$0x3FC6]  }
0x94: {  	s6 =	sld [smem:$0x3FD0];
	(tm) =	ssettm $0x1  }
0x95: {  	s7 =	sld [smem:$0x3FFB];
	_ =	sdelay $0x3  }
0x96: {  	_ =	strace s7  }
0x97: {  	s7 =	sld [smem:$0x3FFC];
	_ =	sdelay $0x3  }
0x98: {  	_ =	strace s7  }
0x99: {  	s7 =	sld [smem:$0x3FFD];
	_ =	sdelay $0x3  }
0x9a: {  	_ =	strace s7  }
0x9b: {  	_ =	strace $0x8FFFFFFF  }
0x9c: {  	s19 =	sld [smem:$0x3FDB];
	_ =	sdelay $0x1  }
0x9d: {  	s8 =	simm.s32 $_scs_section_size  }
0x9e: {  	s9 =	simm.s32 $_size__tile_overlayer_lowered;
	s10 =	simm.s32 $_tile_overlayer_lowered  }
0x9f: {  	s22 =	simm.s32 $0x1BFF;
	s21 =	sshll.u32 s10, $0x1;
	s7 =	sadd.s32 s8, s19  }
0xa0: {  	s11 =	simm.s32 $0x0;
	s20 =	sshll.u32 s9, $0x1;
	s9 =	sadd.s32 s21, s7  }
0xa1: {  	[timem:s11], [sflag:s22] =	dma.local [hbm:s9], s20  }
0xa2: {  	_ =	swait.ge [sflag:s22], s20  }
0xa3: {  	s8 =	ssub.s32 $0x0, s20;
	[sflag:s22] =	ssyncset.done $0x0  }
0xa4: {  	[sflag:s22] =	ssyncadd.s32 s8;
	_ =	sdelay $0x1  }
0xa5: {  	s23 =	simm.s32 $0x1B8B  }
0xa6: {  	_ =	swait.ge [sflag:s23], $0x1  }
0xa7: {  	[sflag:s23] =	ssyncset.done $0x0  }
0xa8: {  	s25 =	simm.s32 $0x1B8E;
	s24 =	sld [smem:$0x3FFE];
	[sflag:s23] =	ssyncadd.s32 $0xFFFFFFFF  }
0xa9: {  	s26 =	simm.s32 $execute0_lowered;
	[smem:$0x3FD2] =	sst s25  }
0xaa: {  	s9 =	sshll.u32 s26, $0x1;
	_ =	strace $0x80000046;
	[dreg:$0x1] =	wrdreg $0xFFFFFFFF  }
0xab: {  	s28 =	simm.s32 $_size_execute0_lowered;
	s7 =	sadd.s32 s7, s9;
	[dreg:$0x0] =	wrdreg $0x0  }
0xac: {  	s9 =	sshll.u32 s28, $0x1;
	[dreg:$0x2] =	wrdreg s7  }
0xad: {  	[dreg:$0x3] =	wrdreg s9  }
0xae: {  	[dreg:$0x4] =	wrdreg $0xC0  }
0xaf: {  	_ =	task [dreg:s11], $0x5FFFF  }
0xb0: {  	[dreg:$0x1] =	wrdreg $0xFFFFFFFF  }
0xb1: {  	[dreg:$0x0] =	wrdreg $0x60  }
0xb2: {  	[dreg:$0x2] =	wrdreg s2  }
0xb3: {  	[dreg:$0x3] =	wrdreg s18  }
0xb4: {  	[dreg:$0x4] =	wrdreg s4  }
0xb5: {  	[dreg:$0x5] =	wrdreg s5  }
0xb6: {  	[dreg:$0x6] =	wrdreg s6  }
0xb7: {  	[dreg:$0x7] =	wrdreg s24  }
0xb8: {  	[dreg:$0x8] =	wrdreg $0x9  }
0xb9: {  	_ =	task.clear_ibuf [dreg:s11], $0x9FFFF;
	_ =	strace $0x90000046  }
0xba: {  	s29 =	simm.s32 $0x9;
	_ =	strace $0x80000048  }
0xbb: {  	_ =	swait.ge [sflag:s29], $0x1  }
0xbc: {  	[sflag:s29] =	ssyncadd.s32 $0xFFFFFFFF  }
0xbd: {  	_ =	strace $0x90000048  }
0xbe: {  	_ =	sfence  }
0xbf: {  	s30 =	sld [smem:$0x0];
	_ =	sdelay $0x2  }
0xc0: {  	s31 =	sshll.u32 s1, $0xD;
	s1 =	sshrl.u32 s1, $0x2  }
0xc1: {  	s3 =	sand.u32 $0x4000, s31;
	s1 =	sadd.s32 s1, s30  }
0xc2: {  	s0 =	sor.u32 s3, s0;
	s1 =	sshll.u32 s1, $0x11  }
0xc3: {  	s0 =	sor.u32 s1, s0  }
0xc4: {  	s0 =	sadd.s32 $0x8F2B, s0  }
0xc5: {  	[sflag:s0] =	ssyncadd.remote.s32 $0x1  }
0xc6: {  	_ =	sfence.sel $0xFFFF  }
0xc7: {  	[dreg:$0x0] =	wrdreg $0xFFFFFFFF;
	(pc) =	sbr.abs _section_cstart, $3  }
0xc8: {  	[dreg:$0x1] =	wrdreg $0xFFFFFFFF  }
0xc9: {  	_ =	task.clear_ibuf [dreg:s11], $0x2FFFF;
	_ =	strace $0x9FFFFFFF  }
0xca: {  	(tm) =	ssettm $0x7FFFFFFF  }
0xcb: {  	_ =	shalt  }
tec
execute0_lowered:
.L_overlay_start_1:
0x0: {  	(tag) =	ssettag $0x1  }
0x1: {  	v0 =	vimm.s32 $0x76543210;
	v1 =	vimm.s32 $0xFEDCBA98  }
0x2: {  	v2 =	vimm.s32 $0xBA98FEDC;
	v3 =	vimm.s32 $0x32107654;
	v4 =	vimm.s32 $0xDCFE98BA  }
0x3: {  	v5 =	vimm.s32 $0x54761032;
	vm0 =	vcmask $0x2F20;
	v1 =	vunpack.c.l.s4.s8 v1  }
0x4: {  	s0 =	rddreg [dreg:$0x0];
	v0 =	vunpack.c.l.s4.s8 v0;
	v2 =	vunpack.c.l.s4.s8 v2;
	v3 =	vunpack.c.l.s4.s8 v3  }
0x5: {  	s1 =	rddreg [dreg:$0x1];
	vm1 =	vcmask $0xF00;
	vm2 =	vcmask $0x1710;
	v1 =	vunpack.c.0.s8.s32 v1  }
0x6: {  	s3 =	rddreg [dreg:$0x2];
	v0 =	vunpack.c.0.s8.s32 v0;
	v2 =	vunpack.c.0.s8.s32 v2;
	v3 =	vunpack.c.0.s8.s32 v3  }
0x7: {  	s9 =	rddreg [dreg:$0x3];
	vm3 =	vcmask $0x700;
	v4 =	vunpack.c.l.s4.s8 v4;
	v1 =	vand.u32 $0xF, v1  }
0x8: {  	s6 =	rddreg [dreg:$0x5];
	s2 =	simm.s32 $0x0;
	v0 =	vcombine.low v1, v0;
	v1 =	vcombine.low v3, v2;
	v2 =	vunpack.c.l.s4.s8 v5  }
0x9: {  	s4 =	srdreg.scid;
	s5 =	stileid.u32;
	s14 =	simm.s32 $0xC00;
	v63 =	vimm.s32 $0x67452301;
	vm0 =	vmor vm1, vm0;
	vm1 =	vmor vm3, vm2  }
0xa: {  	s17 =	simm.s32 $0x80;
	s30 =	simm.s32 $0xD80;
	s31 =	simm.s32 $0xF800;
	vm2 =	vcmask $0x2720;
	v3 =	vunpack.c.0.s8.s32 v4;
	v2 =	vunpack.c.0.s8.s32 v2  }
0xb: {  	vm4 =	vcmask $0x300;
	s15 =	simm.s32 $0x1;
	s16 =	simm.s32 $0x2;
	s18 =	simm.s32 $0x3;
	vm3 =	vcmask $0xB08;
	vm1 =	vmor vm1, vm2  }
0xc: {  	s19 =	simm.s32 $0x19800;
	s20 =	simm.s32 $0x0;
	[smem:$0x7FF] =	sst s2;
	vm3 =	vmor vm4, vm3;
	v2 =	vcombine.low v2, v3;
	v3 =	vimm.s32 $0xEFCDAB89  }
0xd: {  	s7 =	sand.u32 $0x1, s4;
	s5 =	sshll.u32 s5, $0x1;
	s4 =	sadd.s32 $0x24BC00, s6;
	vm4 =	vcmask $0x1310;
	v4 =	vunpack.c.l.s4.s8 v63;
	v3 =	vunpack.c.l.s4.s8 v3  }
0xe: {  	_ =	strace $0x80000047;
	s8 =	sor.u32 s7, s5;
	s7 =	ssub.s32 $0x2, s7;
	vm2 =	vcmask $0x3730;
	vm3 =	vmor vm3, vm4;
	vm4 =	vcmask $0x1B18  }
0xf: {  	s5 =	sadd.s32 $0x188600, s6;
	s10 =	sshll.u32 s8, $0x1;
	s11 =	sshrl.u32 s7, $0x1;
	vm1 =	vmor vm1, vm2;
	v4 =	vunpack.c.0.s8.s32 v4;
	v3 =	vunpack.c.0.s8.s32 v3  }
0x10: {  	s12 =	sshll.u32 s8, $0x6;
	s13 =	smul.u32 $0x140, s8;
	s10 =	sadd.s32 s10, s6;
	vm2 =	vmor vm3, vm4;
	vm3 =	vcmask $0x2320;
	vm4 =	vcmask $0x2B28  }
0x11: {  	s11 =	ssub.s32 s7, s11;
	s6 =	sadd.s32 s0, s12;
	s7 =	sadd.s32 s1, s12;
	vm3 =	vmor vm2, vm3;
	v46 =	vand.u32 $0xF, v1;
	v3 =	vcombine.low v4, v3  }
0x12: {  	s0 =	simm.s32 $0x11800;
	s1 =	simm.s32 $0x13800;
	s12 =	simm.s32 $0x17800;
	vm3 =	vmor vm3, vm4;
	vm4 =	vcmask $0x3330;
	[tilespmem:$0x1FFD0] =	vst v46;
	v38 =	vand.u32 $0xF, v2  }
0x13: {  	s8 =	sadd.s32 s3, s13;
	s9 =	sadd.s32 s9, s13;
	s10 =	sadd.s32 $0x1C00, s10;
	vm3 =	vmor vm3, vm4;
	vm4 =	vcmask $0x3B38;
	[tilespmem:$0x1FFE0] =	vst v38;
	v39 =	vand.u32 $0xF, v3  }
0x14: {  	s11 =	smax.u32 s11, $0x1;
	s13 =	simm.s32 $0x4;
	vm2 =	vmmov $0xff;
	s3 =	simm.s32 $0x15800;
	vm3 =	vmor vm3, vm4;
	[tilespmem:$0x1FFF0] =	vst v39  }
.LBB2_1:
0x15: {  	s21 =	rddreg [dreg:$0x4];
	s22 =	simm.s32 $0x1A400  }
0x16: {  	[tilespmem:s22], [sflag:$0x4] =	stream.linear.gather [hbm4b:s21+s2], $0x10, $0x38;
	[tilespmem:$0x1A410] =	vst v63  }
0x17: {  	_ =	swait.ge [sflag:s13], $0x10  }
0x18: {  	[sflag:s13] =	ssyncset.done $0x0  }
0x19: {  	[sflag:s13] =	ssyncadd.s32 $0xFFFFFFF0  }
0x1a: {  	v4 =	vld [tilespmem:$0x1A400];
	_ =	sdelay $0x4  }
0x1b: {  	v4 =	vxor.u32 $0x80000000, v4  }
0x1c: {  	(xrf0) =	vmax.scan.msk.u32 $0xffff, v4;
	_ =	sdelay $0x5  }
0x1d: {  	v4, _, _ =	vpop (xrf0)  }
0x1e: {  	(v2sf) =	vpush v4, $0xF;
	_ =	sdelay $0xd  }
0x1f: {  	[tilespmem:s2], [sflag:$0x4] =	stream.linear.gather [hbm4b:s6+s2], $0x200, $0x38;
	[tilespmem:$0x1A410] =	vst v63  }
0x20: {  	s25 =	spop (v2sf)  }
0x21: {  	_ =	swait.ge [sflag:s13], $0x200  }
0x22: {  	[sflag:s13] =	ssyncset.done $0x0  }
0x23: {  	[sflag:s13] =	ssyncadd.s32 $0xFFFFFE00  }
0x24: {  	[tilespmem:s14], [sflag:$0x4] =	stream.linear.gather [hbm4b:s7+s2], $0x200, $0x38;
	[tilespmem:$0x1A410] =	vst v63  }
0x25: {  	_ =	swait.ge [sflag:s13], $0x200  }
0x26: {  	[sflag:s13] =	ssyncset.done $0x0  }
0x27: {  	s26 =	simm.s32 $0x200;
	[sflag:s13] =	ssyncadd.s32 $0xFFFFFE00  }
0x28: {  	[tilespmem:s26], [sflag:$0x4] =	stream.linear.gather [hbm4b:s8+s2], $0xA00, $0x38;
	[tilespmem:$0x1A410] =	vst v63  }
0x29: {  	_ =	swait.ge [sflag:s13], $0xA00  }
0x2a: {  	[sflag:s13] =	ssyncset.done $0x0  }
0x2b: {  	s29 =	simm.s32 $0xE00;
	[sflag:s13] =	ssyncadd.s32 $0xFFFFF600  }
0x2c: {  	[tilespmem:s29], [sflag:$0x4] =	stream.linear.gather [hbm4b:s9+s2], $0xA00, $0x38;
	[tilespmem:$0x1A410] =	vst v63  }
0x2d: {  	_ =	swait.ge [sflag:s13], $0xA00  }
0x2e: {  	s22 =	simm.s32 $0x1800;
	[sflag:s13] =	ssyncset.done $0x0  }
0x2f: {  	s21 =	smov.u32 s5;
	p0 =	seq.s32 s25, $0x80000001;
	[sflag:s13] =	ssyncadd.s32 $0xFFFFF600  }
0x30: {  	[tilespmem:s22], [sflag:$0x1] =	stream.indirect.gather [hbm4b:s4+s17], $0x40, s2, s17, $0xb8;
	[tilespmem:$0x1A410] =	vst v63  }
0x31: {  	s23 =	simm.s32 $0x5800;
	s21 =	smov.u32 @p0 s4  }
0x32: {  	[tilespmem:s23], [sflag:$0x1] =	stream.indirect.gather [hbm4b:s21+s17], $0x40, s14, s17, $0xb8;
	[tilespmem:$0x1A410] =	vst v63  }
0x33: {  	s24 =	simm.s32 $0x3800  }
0x34: {  	[tilespmem:s24], [sflag:$0x1] =	stream.indirect.gather [hbm4b:s4+s17], $0x40, s17, s17, $0xb8;
	[tilespmem:$0x1A410] =	vst v63  }
0x35: {  	s25 =	simm.s32 $0xC80;
	s23 =	simm.s32 $0x7800  }
0x36: {  	[tilespmem:s23], [sflag:$0x1] =	stream.indirect.gather [hbm4b:s21+s17], $0x40, s25, s17, $0xb8;
	[tilespmem:$0x1A410] =	vst v63  }
0x37: {  	s26 =	simm.s32 $0x100;
	s29 =	simm.s32 $0x9800  }
0x38: {  	[tilespmem:s29], [sflag:$0x2] =	stream.indirect.gather [hbm4b:s4+s17], $0x40, s26, s17, $0xb8;
	[tilespmem:$0x1A410] =	vst v63  }
0x39: {  	s24 =	simm.s32 $0xD00;
	s25 =	simm.s32 $0xD800  }
0x3a: {  	[tilespmem:s25], [sflag:$0x2] =	stream.indirect.gather [hbm4b:s21+s17], $0x40, s24, s17, $0xb8;
	[tilespmem:$0x1A410] =	vst v63  }
0x3b: {  	s26 =	simm.s32 $0x180;
	s29 =	simm.s32 $0xB800  }
0x3c: {  	[tilespmem:s29], [sflag:$0x2] =	stream.indirect.gather [hbm4b:s4+s17], $0x40, s26, s17, $0xb8;
	[tilespmem:$0x1A410] =	vst v63  }
0x3d: {  	s28 =	simm.s32 $0x19800  }
0x3e: {  	[tilespmem:s31], [sflag:$0x2] =	stream.indirect.gather [hbm4b:s21+s17], $0x40, s30, s17, $0xb8;
	[tilespmem:$0x1A410] =	vst v63  }
0x3f: {  	s22 =	simm.s32 $0x19A00;
	s24 =	simm.s32 $0x0;
	s21 =	simm.s32 $0x19900  }
.LBB2_2:
0x40: {  	s25 =	smul.u32 $0x300, s24;
	_ =	sdelay $0x1  }
0x41: {  	s23 =	sadd.s32 $0x200, s25  }
0x42: {  	[tilespmem:s0], [sflag:$0x3] =	stream.indirect.gather [hbm4b:s4+s17], $0x40, s23, s17, $0xb8;
	[tilespmem:$0x1A410] =	vst v63  }
0x43: {  	s29 =	sadd.s32 $0xE00, s25  }
0x44: {  	[tilespmem:s3], [sflag:$0x3] =	stream.indirect.gather [hbm4b:s5+s17], $0x40, s29, s17, $0xb8;
	[tilespmem:$0x1A410] =	vst v63  }
0x45: {  	s26 =	sadd.s32 $0x280, s25  }
0x46: {  	[tilespmem:s1], [sflag:$0x3] =	stream.indirect.gather [hbm4b:s4+s17], $0x40, s26, s17, $0xb8;
	[tilespmem:$0x1A410] =	vst v63  }
0x47: {  	s29 =	sadd.s32 $0xE80, s25  }
0x48: {  	[tilespmem:s12], [sflag:$0x3] =	stream.indirect.gather [hbm4b:s5+s17], $0x40, s29, s17, $0xb8;
	[tilespmem:$0x1A410] =	vst v63  }
0x49: {  	_ =	swait.ge [sflag:s15], $0x2000  }
0x4a: {  	[sflag:s15] =	ssyncset.done $0x0  }
0x4b: {  	[sflag:s15] =	ssyncadd.s32 $0xFFFFE000  }
0x4c: {  	_ =	swait.ge [sflag:s15], $0x2000  }
0x4d: {  	[sflag:s15] =	ssyncset.done $0x0  }
0x4e: {  	[sflag:s15] =	ssyncadd.s32 $0xFFFFE000  }
0x4f: {  	_ =	swait.ge [sflag:s15], $0x2000  }
0x50: {  	[sflag:s15] =	ssyncset.done $0x0  }
0x51: {  	[sflag:s15] =	ssyncadd.s32 $0xFFFFE000  }
0x52: {  	_ =	swait.ge [sflag:s15], $0x2000  }
0x53: {  	[sflag:s15] =	ssyncset.done $0x0  }
0x54: {  	s23 =	smov.u32 s28;
	s26 =	simm.s32 $0x0;
	[sflag:s15] =	ssyncadd.s32 $0xFFFFE000  }
.LBB2_3:
0x55: {  	s29 =	sshra.s32 s26, $0x2  }
0x56: {  	v4 =	vld [tilespmem:s29+$0x1800]  }
0x57: {  	v5 =	vld [tilespmem:s29+$0x5800]  }
0x58: {  	v10 =	vld [tilespmem:s29+$0x1810]  }
0x59: {  	v14 =	vld [tilespmem:s29+$0x5810]  }
0x5a: {  	v20 =	vld [tilespmem:s29+$0x1820]  }
0x5b: {  	v24 =	vld [tilespmem:s29+$0x5820]  }
0x5c: {  	v25 =	vld [tilespmem:s29+$0x1830]  }
0x5d: {  	v26 =	vld [tilespmem:s29+$0x5830]  }
0x5e: {  	v13 =	vld [tilespmem:s29+$0x1840]  }
0x5f: {  	v15 =	vld [tilespmem:s29+$0x5840]  }
0x60: {  	v22 =	vld [tilespmem:s29+$0x1850]  }
0x61: {  	v23 =	vld [tilespmem:s29+$0x5850]  }
0x62: {  	v27 =	vld [tilespmem:s29+$0x1860]  }
0x63: {  	v28 =	vld [tilespmem:s29+$0x5860]  }
0x64: {  	v29 =	vld [tilespmem:s29+$0x1870]  }
0x65: {  	v30 =	vld [tilespmem:s29+$0x5870]  }
0x66: {  	v31 =	vld [tilespmem:s29+$0x1880]  }
0x67: {  	v32 =	vld [tilespmem:s29+$0x5880]  }
0x68: {  	v33 =	vld [tilespmem:s29+$0x1890]  }
0x69: {  	v34 =	vld [tilespmem:s29+$0x5890]  }
0x6a: {  	v35 =	vld [tilespmem:s29+$0x18A0]  }
0x6b: {  	v36 =	vld [tilespmem:s29+$0x58A0]  }
0x6c: {  	v37 =	vld [tilespmem:s29+$0x18B0]  }
0x6d: {  	v38 =	vld [tilespmem:s29+$0x58B0]  }
0x6e: {  	v21 =	vld [tilespmem:s29+$0x18C0]  }
0x6f: {  	v39 =	vld [tilespmem:s29+$0x58C0]  }
0x70: {  	v40 =	vld [tilespmem:s29+$0x18D0]  }
0x71: {  	v41 =	vld [tilespmem:s29+$0x58D0]  }
0x72: {  	v42 =	vld [tilespmem:s29+$0x18E0]  }
0x73: {  	v43 =	vld [tilespmem:s29+$0x58E0]  }
0x74: {  	v44 =	vld [tilespmem:s29+$0x18F0]  }
0x75: {  	v45 =	vld [tilespmem:s29+$0x58F0]  }
0x76: {  	v46 =	vld [tilespmem:s29+$0x1900]  }
0x77: {  	v47 =	vld [tilespmem:s29+$0x5900]  }
0x78: {  	v48 =	vld [tilespmem:s29+$0x1910]  }
0x79: {  	v49 =	vld [tilespmem:s29+$0x5910]  }
0x7a: {  	v50 =	vld [tilespmem:s29+$0x1920]  }
0x7b: {  	v51 =	vld [tilespmem:s29+$0x5920]  }
0x7c: {  	v52 =	vld [tilespmem:s29+$0x1930]  }
0x7d: {  	v53 =	vld [tilespmem:s29+$0x5930]  }
0x7e: {  	v54 =	vld [tilespmem:s29+$0x1940]  }
0x7f: {  	v55 =	vld [tilespmem:s29+$0x5940]  }
0x80: {  	v56 =	vld [tilespmem:s29+$0x1950]  }
0x81: {  	v57 =	vld [tilespmem:s29+$0x5950]  }
0x82: {  	v58 =	vld [tilespmem:s29+$0x1960]  }
0x83: {  	v59 =	vld [tilespmem:s29+$0x5960]  }
0x84: {  	v60 =	vld [tilespmem:s29+$0x1970]  }
0x85: {  	v61 =	vld [tilespmem:s29+$0x5970]  }
0x86: {  	v62 =	vld [tilespmem:s29+$0x1980]  }
0x87: {  	v63 =	vld [tilespmem:s29+$0x5980]  }
0x88: {  	v1 =	vld [tilespmem:s29+$0x1990]  }
0x89: {  	v12 =	vld [tilespmem:s29+$0x5990]  }
0x8a: {  	v2 =	vld [tilespmem:s29+$0x19C0]  }
0x8b: {  	v6 =	vld [tilespmem:s29+$0x19D0]  }
0x8c: {  	v3 =	vld [tilespmem:s29+$0x59D0]  }
0x8d: {  	v11 =	vld [tilespmem:s29+$0x19E0]  }
0x8e: {  	v7 =	vld [tilespmem:s29+$0x59E0]  }
0x8f: {  	v8 =	vld [tilespmem:s29+$0x19F0]  }
0x90: {  	v16 =	vld [tilespmem:s29+$0x59F0]  }
0x91: {  	v19 =	vld [tilespmem:s29+$0x1A00]  }
0x92: {  	v17 =	vld [tilespmem:s29+$0x5A00]  }
0x93: {  	v18 =	vld [tilespmem:s29+$0x1A10]  }
0x94: {  	v9 =	vld [tilespmem:s29+$0x1A40]  }
0x95: {  	[tilespmem:$0x1FEC0] =	vst v1;
	v1 =	vld [tilespmem:s29+$0x19A0]  }
0x96: {  	[tilespmem:$0x1FF20] =	vst v19;
	v19 =	vld [tilespmem:s29+$0x5A10]  }
0x97: {  	[tilespmem:$0x1FF30] =	vst v17;
	v17 =	vld [tilespmem:s29+$0x1A20]  }
0x98: {  	[tilespmem:$0x1FF40] =	vst v18;
	v18 =	vld [tilespmem:s29+$0x5A20]  }
0x99: {  	[tilespmem:$0x1FEF0] =	vst v8;
	v8 =	vld [tilespmem:s29+$0x5A40]  }
0x9a: {  	v5 =	vmul.f32 v5, v4;
	v4 =	vld [tilespmem:s29+$0x5A70]  }
0x9b: {  	v15 =	vmul.f32 v15, v13;
	v13 =	vld [tilespmem:s29+$0x1A80]  }
0x9c: {  	v39 =	vmul.f32 v39, v21;
	v21 =	vld [tilespmem:s29+$0x5A80]  }
0x9d: {  	v10 =	vmul.f32 v14, v10;
	v14 =	vld [tilespmem:s29+$0x1A90]  }
0x9e: {  	v23 =	vmul.f32 v23, v22;
	v22 =	vld [tilespmem:s29+$0x5A90]  }
0x9f: {  	v24 =	vmul.f32 v24, v20;
	v20 =	vld [tilespmem:s29+$0x5AB0]  }
0xa0: {  	v33 =	vmul.f32 v34, v33;
	v34 =	vld [tilespmem:s29+$0x1AE0]  }
0xa1: {  	v31 =	vmul.f32 v32, v31;
	v32 =	vld [tilespmem:s29+$0x1AF0]  }
0xa2: {  	v3 =	vmul.f32 v3, v6;
	v6 =	vld [tilespmem:s29+$0x5B30]  }
0xa3: {  	v7 =	vmul.f32 v7, v11;
	v11 =	vld [tilespmem:s29+$0x5B40];
	v5 =	vadd.f32 $0.0e+00, v5;
	v31 =	vadd.f32 $0.0e+00, v31  }
0xa4: {  	v60 =	vmul.f32 v61, v60;
	v61 =	vmul.f32 v53, v52;
	v52 =	vld [tilespmem:$0x1FF30]  }
0xa5: {  	v5 =	vadd.f32 v10, v5;
	v10 =	vmul.f32 v41, v40;
	v31 =	vadd.f32 v33, v31;
	v33 =	vld [tilespmem:s29+$0x1AC0]  }
0xa6: {  	v40 =	vmul.f32 v43, v42;
	v41 =	vmul.f32 v36, v35;
	v35 =	vld [tilespmem:s29+$0x5AE0]  }
0xa7: {  	v42 =	vmul.f32 v45, v44;
	v44 =	vmul.f32 v38, v37;
	v37 =	vld [tilespmem:s29+$0x5B10]  }
0xa8: {  	[tilespmem:$0x1FED0] =	vst v1;
	v1 =	vld [tilespmem:s29+$0x59A0]  }
0xa9: {  	[tilespmem:$0x1FF50] =	vst v19;
	v19 =	vld [tilespmem:s29+$0x1A30]  }
0xaa: {  	[tilespmem:$0x1FF80] =	vst v17;
	v17 =	vld [tilespmem:s29+$0x5A30]  }
0xab: {  	[tilespmem:$0x1FF90] =	vst v18;
	v18 =	vld [tilespmem:s29+$0x1A60]  }
0xac: {  	v8 =	vmul.f32 v8, v9;
	v9 =	vld [tilespmem:s29+$0x1B60]  }
0xad: {  	v13 =	vmul.f32 v21, v13;
	v21 =	vld [tilespmem:s29+$0x5B90];
	v43 =	vadd.f32 v41, v31  }
0xae: {  	v31 =	vld [tilespmem:s29+$0x5AD0]  }
0xaf: {  	v38 =	vadd.f32 v44, v43;
	v43 =	vmul.f32 v47, v46;
	v46 =	vld [tilespmem:$0x1FFD0]  }
0xb0: {  	v44 =	vld [tilespmem:$0x1FEC0]  }
0xb1: {  	[tilespmem:$0x1FEE0] =	vst v1;
	v1 =	vld [tilespmem:s29+$0x19B0]  }
0xb2: {  	[tilespmem:$0x1FF60] =	vst v18;
	v18 =	vld [tilespmem:s29+$0x5A60]  }
0xb3: {  	[tilespmem:$0x1FFB0] =	vst v19;
	v19 =	vld [tilespmem:s29+$0x1A50]  }
0xb4: {  	[tilespmem:$0x1FFC0] =	vst v17;
	v17 =	vld [tilespmem:s29+$0x5A50]  }
0xb5: {  	v36 =	vadd.f32 $0.0e+00, v43;
	v43 =	vld [tilespmem:s29+$0x5B70]  }
0xb6: {  	[tilespmem:$0x1FF00] =	vst v1;
	v1 =	vld [tilespmem:s29+$0x59B0]  }
0xb7: {  	v62 =	vmul.f32 v63, v62;
	[tilespmem:$0x1FF70] =	vst v18;
	v18 =	vld [tilespmem:s29+$0x1A70]  }
0xb8: {  	v25 =	vmul.f32 v26, v25;
	v47 =	vld [tilespmem:$0x1FEE0]  }
0xb9: {  	v26 =	vadd.f32 $0.0e+00, v62;
	v8 =	vadd.f32 $0.0e+00, v8;
	v62 =	vld [tilespmem:$0x1FFB0];
	v17 =	vmul.f32 v17, v19  }
0xba: {  	v15 =	vadd.f32 $0.0e+00, v15;
	v19 =	vld [tilespmem:s29+$0x1B70]  }
0xbb: {  	v8 =	vadd.f32 v17, v8;
	v17 =	vld [tilespmem:s29+$0x1B90];
	[tilespmem:$0x1FF10] =	vst v1  }
0xbc: {  	v27 =	vmul.f32 v28, v27;
	v1 =	vld [tilespmem:s29+$0x59C0];
	[tilespmem:$0x1FFA0] =	vst v18;
	v18 =	vadd.f32 $0.0e+00, v39;
	v39 =	vadd.f32 v23, v15  }
0xbd: {  	v15 =	vld [tilespmem:s29+$0x1AA0]  }
0xbe: {  	v29 =	vmul.f32 v30, v29;
	v23 =	vld [tilespmem:s29+$0x5AA0];
	v18 =	vadd.f32 v10, v18;
	v27 =	vadd.f32 v27, v39  }
0xbf: {  	v10 =	vld [tilespmem:s29+$0x1AB0]  }
0xc0: {  	v28 =	vadd.f32 v40, v18;
	v18 =	vadd.f32 v29, v27;
	v29 =	vld [tilespmem:s29+$0x1AD0]  }
0xc1: {  	v1 =	vmul.f32 v1, v2;
	v2 =	vld [tilespmem:s29+$0x5B20]  }
0xc2: {  	v45 =	vadd.f32 v42, v28;
	v28 =	vld [tilespmem:s29+$0x5AC0];
	v42 =	vmul.f32 v55, v54  }
0xc3: {  	v5 =	vadd.f32 v24, v5;
	v54 =	vmul.f32 v57, v56;
	v56 =	vmul.f32 v49, v48;
	v48 =	vld [tilespmem:$0x1FEF0]  }
0xc4: {  	v40 =	vperm.xlane v18, v0;
	v49 =	vld [tilespmem:$0x1FF00]  }
0xc5: {  	v5 =	vadd.f32 v25, v5;
	v57 =	vmul.f32 v59, v58;
	v59 =	vmul.f32 v51, v50;
	v50 =	vld [tilespmem:$0x1FF10]  }
0xc6: {  	v51 =	vld [tilespmem:$0x1FF20]  }
0xc7: {  	v41 =	vperm.xlane v38, v0;
	v25 =	vsel vm2, v5, v40;
	v40 =	vld [tilespmem:s29+$0x1B10]  }
0xc8: {  	v30 =	vadd.f32 $0.0e+00, v42;
	v42 =	vld [tilespmem:s29+$0x1B20]  }
0xc9: {  	v39 =	vperm.xlane v45, v0;
	v24 =	vsel vm2, v41, v45;
	v45 =	vld [tilespmem:$0x1FED0]  }
0xca: {  	v41 =	vld [tilespmem:s29+$0x1B50]  }
0xcb: {  	v5 =	vperm.xlane v5, v0;
	v27 =	vsel vm2, v38, v39;
	v38 =	vld [tilespmem:s29+$0x5AF0]  }
0xcc: {  	v39 =	vld [tilespmem:s29+$0x5B00]  }
0xcd: {  	v1 =	vadd.f32 $0.0e+00, v1;
	v36 =	vadd.f32 v56, v36;
	v5 =	vsel vm2, v5, v18;
	v18 =	vld [tilespmem:s29+$0x1B40]  }
0xce: {  	v14 =	vmul.f32 v22, v14;
	v13 =	vadd.f32 $0.0e+00, v13;
	v30 =	vadd.f32 v54, v30;
	v54 =	vld [tilespmem:$0x1FF40]  }
0xcf: {  	v1 =	vadd.f32 v3, v1;
	v36 =	vadd.f32 v59, v36;
	v59 =	vld [tilespmem:$0x1FF80]  }
0xd0: {  	v13 =	vadd.f32 v14, v13;
	v12 =	vmul.f32 v12, v44;
	v55 =	vadd.f32 v24, v27;
	v27 =	vld [tilespmem:s29+$0x1B00]  }
0xd1: {  	v15 =	vmul.f32 v23, v15;
	v1 =	vadd.f32 v7, v1;
	v7 =	vmul.f32 v16, v48;
	v16 =	vld [tilespmem:s29+$0x5B50]  }
0xd2: {  	v12 =	vadd.f32 v12, v26;
	v48 =	vmul.f32 v31, v29;
	v31 =	vld [tilespmem:s29+$0x1BF0]  }
0xd3: {  	v13 =	vadd.f32 v15, v13;
	v10 =	vmul.f32 v20, v10;
	v30 =	vadd.f32 v57, v30;
	v57 =	vld [tilespmem:$0x1FF60]  }
0xd4: {  	v5 =	vadd.f32 v5, v25;
	v36 =	vadd.f32 v61, v36;
	v61 =	vld [tilespmem:$0x1FFA0];
	v58 =	vperm.xlane v55, v46  }
0xd5: {  	v26 =	vmul.f32 v47, v45;
	v1 =	vadd.f32 v7, v1;
	v7 =	vmul.f32 v52, v51;
	v45 =	vld [tilespmem:s29+$0x1B80]  }
0xd6: {  	v52 =	vmul.f32 v35, v34;
	v34 =	vld [tilespmem:s29+$0x5BF0];
	v24 =	vsel vm0, v5, v58;
	v5 =	vperm.xlane v5, v46  }
0xd7: {  	v10 =	vadd.f32 v10, v13;
	v33 =	vmul.f32 v28, v33;
	v25 =	vadd.f32 v60, v30;
	v60 =	vld [tilespmem:$0x1FF90]  }
0xd8: {  	v2 =	vmul.f32 v2, v42;
	v3 =	vperm.xlane v36, v0;
	v5 =	vsel vm0, v5, v55;
	v55 =	vld [tilespmem:$0x1FF50]  }
0xd9: {  	v12 =	vadd.f32 v26, v12;
	v53 =	vperm.xlane v1, v0;
	v58 =	vld [tilespmem:$0x1FF70];
	v11 =	vmul.f32 v11, v18  }
0xda: {  	v30 =	vld [tilespmem:s29+$0x1B30];
	v63 =	vperm.xlane v25, v0;
	v3 =	vsel vm2, v3, v25;
	v25 =	vmul.f32 v50, v49  }
0xdb: {  	v26 =	vld [tilespmem:s29+$0x5B60];
	v7 =	vadd.f32 $0.0e+00, v7;
	v16 =	vmul.f32 v16, v41;
	v4 =	vmul.f32 v4, v61  }
0xdc: {  	v11 =	vadd.f32 $0.0e+00, v11;
	v36 =	vsel vm2, v36, v63;
	v12 =	vadd.f32 v25, v12;
	v63 =	vld [tilespmem:$0x1FFC0]  }
0xdd: {  	v3 =	vadd.f32 v3, v36;
	v25 =	vmul.f32 v60, v59;
	v60 =	vld [tilespmem:s29+$0x5BD0];
	v36 =	vmul.f32 v55, v54  }
0xde: {  	v56 =	vperm.xlane v12, v0;
	v44 =	vmul.f32 v58, v57;
	v12 =	vsel vm2, v12, v53;
	v53 =	vld [tilespmem:s29+$0x1BC0]  }
0xdf: {  	v41 =	vmul.f32 v34, v31;
	v59 =	vmul.f32 v37, v40;
	v55 =	vld [tilespmem:s29+$0x5BC0];
	v7 =	vadd.f32 v36, v7  }
0xe0: {  	v11 =	vadd.f32 v16, v11;
	v6 =	vmul.f32 v6, v30;
	v8 =	vadd.f32 v44, v8;
	v36 =	vld [tilespmem:s29+$0x5B80]  }
0xe1: {  	v57 =	vld [tilespmem:s29+$0x1BD0];
	v9 =	vmul.f32 v26, v9;
	v7 =	vadd.f32 v25, v7;
	v25 =	vmul.f32 v63, v62  }
0xe2: {  	v61 =	vld [tilespmem:s29+$0x1BE0];
	v1 =	vsel vm2, v56, v1;
	v54 =	vmul.f32 v39, v27;
	v4 =	vadd.f32 v4, v8  }
0xe3: {  	v44 =	vld [tilespmem:s29+$0x5BA0];
	v56 =	vmul.f32 v38, v32;
	v1 =	vadd.f32 v1, v12;
	v7 =	vadd.f32 v25, v7  }
0xe4: {  	v8 =	vadd.f32 $0.0e+00, v33;
	v47 =	vperm.xlane v4, v0;
	v63 =	vld [tilespmem:s29+$0x5BE0];
	v15 =	vmul.f32 v55, v53  }
0xe5: {  	v12 =	vld [tilespmem:s29+$0x1BA0];
	v58 =	vadd.f32 $0.0e+00, v54;
	v62 =	vmul.f32 v36, v45;
	v50 =	vperm.xlane v7, v0  }
0xe6: {  	v51 =	vld [tilespmem:s29+$0x5BB0];
	v35 =	vmul.f32 v60, v57;
	v8 =	vadd.f32 v48, v8;
	v15 =	vadd.f32 $0.0e+00, v15  }
0xe7: {  	v49 =	vld [tilespmem:s29+$0x1BB0];
	v7 =	vsel vm2, v7, v47;
	v32 =	vadd.f32 $0.0e+00, v62;
	v4 =	vsel vm2, v50, v4  }
0xe8: {  	v33 =	vmul.f32 v21, v17;
	v4 =	vadd.f32 v4, v7;
	v7 =	vadd.f32 v59, v58  }
0xe9: {  	v8 =	vadd.f32 v52, v8;
	v36 =	vadd.f32 v35, v15;
	v13 =	vmul.f32 v63, v61  }
0xea: {  	v12 =	vmul.f32 v44, v12;
	v2 =	vadd.f32 v2, v7;
	v7 =	vadd.f32 v33, v32  }
0xeb: {  	v37 =	vmul.f32 v43, v19;
	v9 =	vadd.f32 v9, v11;
	v13 =	vadd.f32 v13, v36  }
0xec: {  	v40 =	vmul.f32 v51, v49;
	v8 =	vadd.f32 v56, v8;
	v7 =	vadd.f32 v12, v7  }
0xed: {  	v43 =	vperm.xlane v10, v0;
	v9 =	vadd.f32 v37, v9;
	v44 =	vadd.f32 v41, v13  }
0xee: {  	v42 =	vperm.xlane v8, v0;
	v2 =	vadd.f32 v6, v2;
	v7 =	vadd.f32 v40, v7  }
0xef: {  	v47 =	vperm.xlane v9, v0;
	v8 =	vsel vm2, v43, v8;
	v14 =	vperm.xlane v44, v0  }
0xf0: {  	v6 =	vsel vm2, v10, v42;
	v45 =	vperm.xlane v2, v0;
	v48 =	vperm.xlane v7, v0  }
0xf1: {  	v52 =	vperm.xlane v3, v46;
	v6 =	vadd.f32 v8, v6;
	v2 =	vsel vm2, v2, v47  }
0xf2: {  	v49 =	vsel vm2, v45, v9;
	v7 =	vsel vm2, v7, v14;
	v51 =	vsel vm2, v48, v44  }
0xf3: {  	v50 =	vperm.xlane v1, v46;
	v2 =	vadd.f32 v49, v2;
	v7 =	vadd.f32 v51, v7  }
0xf4: {  	v38 =	vld [tilespmem:$0x1FFE0];
	v1 =	vsel vm0, v52, v1;
	v53 =	vperm.xlane v4, v46;
	v54 =	vperm.xlane v6, v46  }
0xf5: {  	v3 =	vsel vm0, v3, v50;
	v55 =	vperm.xlane v2, v46;
	v56 =	vperm.xlane v7, v46  }
0xf6: {  	v5 =	vadd.f32 v5, v24;
	v1 =	vadd.f32 v1, v3;
	v57 =	vsel vm0, v53, v6  }
0xf7: {  	v3 =	vsel vm0, v4, v54;
	v58 =	vsel vm0, v55, v7;
	v2 =	vsel vm0, v2, v56  }
0xf8: {  	v3 =	vadd.f32 v57, v3;
	v2 =	vadd.f32 v58, v2  }
0xf9: {  	v59 =	vperm.xlane v5, v38;
	v60 =	vperm.xlane v1, v38  }
0xfa: {  	v39 =	vld [tilespmem:$0x1FFF0];
	v61 =	vperm.xlane v3, v38;
	v62 =	vperm.xlane v2, v38  }
0xfb: {  	v1 =	vsel vm1, v59, v1  }
0xfc: {  	v5 =	vsel vm1, v5, v60;
	v2 =	vsel vm1, v61, v2;
	v3 =	vsel vm1, v3, v62  }
0xfd: {  	v1 =	vadd.f32 v1, v5;
	v2 =	vadd.f32 v2, v3;
	_ =	sdelay $0x1  }
0xfe: {  	p0 =	sne.s32 s26, $0xF000;
	v3 =	vperm.xlane v1, v39;
	v63 =	vperm.xlane v2, v39  }
.Ltmp0:
0xff: {  	_ = 	snop;
	(pc) =	sbr.rel @p0 .LBB2_3-.Ltmp0, $3  }
0x100: {  	v2 =	vsel vm3, v3, v2;
	v1 =	vsel vm3, v1, v63  }
0x101: {  	v1 =	vadd.f32 v2, v1;
	_ =	sdelay $0x1  }
0x102: {  	s26 =	sadd.s32 $0x1000, s26;
	[tilespmem:s23+$0x0] =	vst v1;
	s23 =	sadd.s32 $0x10, s23  }
0x103: {  	p0 =	seq.s32 s24, $0x3  }
0x104: {  	s23 =	sadd.s32 @!p0 $0x300, s25;
	s26 =	simm.s32 @!p0 $0x80;
	s29 =	simm.s32 @!p0 $0x1800  }
0x105: {  	[tilespmem:s29], [sflag:$0x1] =	stream.indirect.gather @!p0 [hbm4b:s4+s26], $0x40, s23, s26, $0xb8;
	[tilespmem:$0x1A410] =	vst v63  }
0x106: {  	s23 =	sadd.s32 @!p0 $0xF00, s25;
	s29 =	simm.s32 @!p0 $0x5800  }
0x107: {  	[tilespmem:s29], [sflag:$0x1] =	stream.indirect.gather @!p0 [hbm4b:s5+s26], $0x40, s23, s26, $0xb8;
	[tilespmem:$0x1A410] =	vst v63  }
0x108: {  	s23 =	sadd.s32 @!p0 $0x380, s25;
	s29 =	simm.s32 @!p0 $0x3800  }
0x109: {  	[tilespmem:s29], [sflag:$0x1] =	stream.indirect.gather @!p0 [hbm4b:s4+s26], $0x40, s23, s26, $0xb8;
	[tilespmem:$0x1A410] =	vst v63  }
0x10a: {  	s23 =	sadd.s32 @!p0 $0xF80, s25;
	s29 =	simm.s32 @!p0 $0x7800  }
0x10b: {  	[tilespmem:s29], [sflag:$0x1] =	stream.indirect.gather @!p0 [hbm4b:s5+s26], $0x40, s23, s26, $0xb8;
	[tilespmem:$0x1A410] =	vst v63  }
0x10c: {  	_ =	swait.ge [sflag:s16], $0x2000  }
0x10d: {  	[sflag:s16] =	ssyncset.done $0x0  }
0x10e: {  	[sflag:s16] =	ssyncadd.s32 $0xFFFFE000  }
0x10f: {  	_ =	swait.ge [sflag:s16], $0x2000  }
0x110: {  	[sflag:s16] =	ssyncset.done $0x0  }
0x111: {  	[sflag:s16] =	ssyncadd.s32 $0xFFFFE000  }
0x112: {  	_ =	swait.ge [sflag:s16], $0x2000  }
0x113: {  	[sflag:s16] =	ssyncset.done $0x0  }
0x114: {  	[sflag:s16] =	ssyncadd.s32 $0xFFFFE000  }
0x115: {  	_ =	swait.ge [sflag:s16], $0x2000  }
0x116: {  	[sflag:s16] =	ssyncset.done $0x0  }
0x117: {  	s26 =	simm.s32 $0x0;
	s23 =	smov.u32 s21;
	[sflag:s16] =	ssyncadd.s32 $0xFFFFE000  }
.LBB2_5:
0x118: {  	s29 =	sshra.s32 s26, $0x2  }
0x119: {  	v2 =	vld [tilespmem:s29+$0x9800]  }
0x11a: {  	v3 =	vld [tilespmem:s29+$0xD800]  }
0x11b: {  	v4 =	vld [tilespmem:s29+$0x9810]  }
0x11c: {  	v5 =	vld [tilespmem:s29+$0xD810]  }
0x11d: {  	v6 =	vld [tilespmem:s29+$0x9820]  }
0x11e: {  	v10 =	vld [tilespmem:s29+$0xD820]  }
0x11f: {  	v24 =	vld [tilespmem:s29+$0x9830]  }
0x120: {  	v25 =	vld [tilespmem:s29+$0xD830]  }
0x121: {  	v13 =	vld [tilespmem:s29+$0x9840]  }
0x122: {  	v14 =	vld [tilespmem:s29+$0xD840]  }
0x123: {  	v15 =	vld [tilespmem:s29+$0x9850]  }
0x124: {  	v20 =	vld [tilespmem:s29+$0xD850]  }
0x125: {  	v23 =	vld [tilespmem:s29+$0x9860]  }
0x126: {  	v26 =	vld [tilespmem:s29+$0xD860]  }
0x127: {  	v27 =	vld [tilespmem:s29+$0x9870]  }
0x128: {  	v28 =	vld [tilespmem:s29+$0xD870]  }
0x129: {  	v22 =	vld [tilespmem:s29+$0x9880]  }
0x12a: {  	v29 =	vld [tilespmem:s29+$0xD880]  }
0x12b: {  	v30 =	vld [tilespmem:s29+$0x9890]  }
0x12c: {  	v31 =	vld [tilespmem:s29+$0xD890]  }
0x12d: {  	v32 =	vld [tilespmem:s29+$0x98A0]  }
0x12e: {  	v33 =	vld [tilespmem:s29+$0xD8A0]  }
0x12f: {  	v34 =	vld [tilespmem:s29+$0x98B0]  }
0x130: {  	v35 =	vld [tilespmem:s29+$0xD8B0]  }
0x131: {  	v21 =	vld [tilespmem:s29+$0x98C0]  }
0x132: {  	v36 =	vld [tilespmem:s29+$0xD8C0]  }
0x133: {  	v37 =	vld [tilespmem:s29+$0x98D0]  }
0x134: {  	v38 =	vld [tilespmem:s29+$0xD8D0]  }
0x135: {  	v39 =	vld [tilespmem:s29+$0x98E0]  }
0x136: {  	v40 =	vld [tilespmem:s29+$0xD8E0]  }
0x137: {  	v41 =	vld [tilespmem:s29+$0x98F0]  }
0x138: {  	v42 =	vld [tilespmem:s29+$0xD8F0]  }
0x139: {  	v43 =	vld [tilespmem:s29+$0x9900]  }
0x13a: {  	v44 =	vld [tilespmem:s29+$0xD900]  }
0x13b: {  	v45 =	vld [tilespmem:s29+$0x9910]  }
0x13c: {  	v46 =	vld [tilespmem:s29+$0xD910]  }
0x13d: {  	v47 =	vld [tilespmem:s29+$0x9920]  }
0x13e: {  	v48 =	vld [tilespmem:s29+$0xD920]  }
0x13f: {  	v49 =	vld [tilespmem:s29+$0x9930]  }
0x140: {  	v50 =	vld [tilespmem:s29+$0xD930]  }
0x141: {  	v51 =	vld [tilespmem:s29+$0x9940]  }
0x142: {  	v52 =	vld [tilespmem:s29+$0xD940]  }
0x143: {  	v53 =	vld [tilespmem:s29+$0x9950]  }
0x144: {  	v54 =	vld [tilespmem:s29+$0xD950]  }
0x145: {  	v55 =	vld [tilespmem:s29+$0x9960]  }
0x146: {  	v56 =	vld [tilespmem:s29+$0xD960]  }
0x147: {  	v57 =	vld [tilespmem:s29+$0x9970]  }
0x148: {  	v58 =	vld [tilespmem:s29+$0xD970]  }
0x149: {  	v59 =	vld [tilespmem:s29+$0x9980]  }
0x14a: {  	v60 =	vld [tilespmem:s29+$0xD980]  }
0x14b: {  	v1 =	vld [tilespmem:s29+$0x9990]  }
0x14c: {  	v62 =	vld [tilespmem:s29+$0xD990]  }
0x14d: {  	v19 =	vld [tilespmem:s29+$0x99C0]  }
0x14e: {  	v8 =	vld [tilespmem:s29+$0x99D0]  }
0x14f: {  	v7 =	vld [tilespmem:s29+$0xD9D0]  }
0x150: {  	v16 =	vld [tilespmem:s29+$0x99E0]  }
0x151: {  	v9 =	vld [tilespmem:s29+$0xD9E0]  }
0x152: {  	v11 =	vld [tilespmem:s29+$0x99F0]  }
0x153: {  	v17 =	vld [tilespmem:s29+$0xD9F0]  }
0x154: {  	v61 =	vld [tilespmem:s29+$0x9A00]  }
0x155: {  	v63 =	vld [tilespmem:s29+$0xDA00]  }
0x156: {  	v12 =	vld [tilespmem:s29+$0x9A10]  }
0x157: {  	v18 =	vld [tilespmem:s29+$0xDA10]  }
0x158: {  	[tilespmem:$0x1FDB0] =	vst v1;
	v1 =	vld [tilespmem:s29+$0x99A0]  }
0x159: {  	[tilespmem:$0x1FE10] =	vst v61;
	v61 =	vld [tilespmem:s29+$0x9A20]  }
0x15a: {  	[tilespmem:$0x1FE20] =	vst v63;
	v63 =	vld [tilespmem:s29+$0xDA20]  }
0x15b: {  	[tilespmem:$0x1FE30] =	vst v12;
	v12 =	vld [tilespmem:s29+$0x9A30]  }
0x15c: {  	[tilespmem:$0x1FE40] =	vst v18;
	v18 =	vld [tilespmem:s29+$0xDA30]  }
0x15d: {  	[tilespmem:$0x1FDE0] =	vst v11;
	v11 =	vld [tilespmem:s29+$0xDA40]  }
0x15e: {  	v3 =	vmul.f32 v3, v2;
	v2 =	vld [tilespmem:s29+$0xDA70]  }
0x15f: {  	v14 =	vmul.f32 v14, v13;
	v13 =	vld [tilespmem:s29+$0x9A80]  }
0x160: {  	v4 =	vmul.f32 v5, v4;
	v5 =	vmul.f32 v36, v21;
	v21 =	vld [tilespmem:s29+$0xDA80]  }
0x161: {  	v26 =	vmul.f32 v26, v23;
	v23 =	vld [tilespmem:s29+$0xDAA0]  }
0x162: {  	v6 =	vmul.f32 v10, v6;
	v10 =	vld [tilespmem:s29+$0x9AB0]  }
0x163: {  	v27 =	vmul.f32 v28, v27;
	v28 =	vld [tilespmem:s29+$0xDAD0]  }
0x164: {  	v30 =	vmul.f32 v31, v30;
	v31 =	vld [tilespmem:s29+$0x9AE0]  }
0x165: {  	v39 =	vmul.f32 v40, v39;
	v40 =	vmul.f32 v33, v32;
	v32 =	vld [tilespmem:s29+$0xDAE0]  }
0x166: {  	v7 =	vmul.f32 v7, v8;
	v8 =	vld [tilespmem:s29+$0xDB30]  }
0x167: {  	v9 =	vmul.f32 v9, v16;
	v16 =	vld [tilespmem:s29+$0xDB40]  }
0x168: {  	v36 =	vadd.f32 $0.0e+00, v14;
	v14 =	vld [tilespmem:s29+$0x9A90]  }
0x169: {  	[tilespmem:$0x1FDC0] =	vst v1;
	v1 =	vld [tilespmem:s29+$0xD9A0]  }
0x16a: {  	[tilespmem:$0x1FEA0] =	vst v12;
	v12 =	vld [tilespmem:s29+$0x9A40]  }
0x16b: {  	v3 =	vadd.f32 $0.0e+00, v3;
	[tilespmem:$0x1FE80] =	vst v63;
	v63 =	vld [tilespmem:s29+$0x9A50]  }
0x16c: {  	[tilespmem:$0x1FEB0] =	vst v18;
	v18 =	vld [tilespmem:s29+$0xDA50]  }
0x16d: {  	v3 =	vadd.f32 v4, v3;
	[tilespmem:$0x1FE70] =	vst v61;
	v61 =	vld [tilespmem:s29+$0x9A60]  }
0x16e: {  	v13 =	vmul.f32 v21, v13;
	v21 =	vld [tilespmem:s29+$0xDB90]  }
0x16f: {  	v3 =	vadd.f32 v6, v3;
	v6 =	vld [tilespmem:s29+$0xDAC0]  }
0x170: {  	v43 =	vmul.f32 v44, v43;
	v44 =	vld [tilespmem:$0x1FDC0]  }
0x171: {  	v60 =	vmul.f32 v60, v59;
	v59 =	vld [tilespmem:$0x1FE70]  }
0x172: {  	[tilespmem:$0x1FDD0] =	vst v1;
	v1 =	vld [tilespmem:s29+$0x99B0]  }
0x173: {  	v38 =	vmul.f32 v38, v37;
	v37 =	vmul.f32 v25, v24;
	[tilespmem:$0x1FE50] =	vst v61;
	v61 =	vld [tilespmem:s29+$0xDA60]  }
0x174: {  	v24 =	vadd.f32 $0.0e+00, v60;
	v60 =	vld [tilespmem:$0x1FE80]  }
0x175: {  	v3 =	vadd.f32 v37, v3;
	v37 =	vld [tilespmem:s29+$0x9B10]  }
0x176: {  	v11 =	vmul.f32 v11, v12;
	v12 =	vld [tilespmem:s29+$0x9B60]  }
0x177: {  	[tilespmem:$0x1FDF0] =	vst v1;
	v1 =	vld [tilespmem:s29+$0xD9B0]  }
0x178: {  	v18 =	vmul.f32 v18, v63;
	v11 =	vadd.f32 $0.0e+00, v11;
	[tilespmem:$0x1FE60] =	vst v61;
	v61 =	vld [tilespmem:s29+$0x9A70]  }
0x179: {  	v63 =	vld [tilespmem:$0x1FEB0]  }
0x17a: {  	v11 =	vadd.f32 v18, v11;
	v18 =	vld [tilespmem:s29+$0x9B90]  }
0x17b: {  	v57 =	vmul.f32 v58, v57;
	v58 =	vmul.f32 v50, v49;
	v49 =	vld [tilespmem:$0x1FDF0]  }
0x17c: {  	v15 =	vmul.f32 v20, v15;
	[tilespmem:$0x1FE00] =	vst v1;
	v1 =	vld [tilespmem:s29+$0xD9C0]  }
0x17d: {  	[tilespmem:$0x1FE90] =	vst v61;
	v61 =	vmul.f32 v29, v22;
	v22 =	vld [tilespmem:s29+$0xDA90]  }
0x17e: {  	v29 =	vadd.f32 v15, v36;
	v15 =	vld [tilespmem:s29+$0x9AA0]  }
0x17f: {  	v36 =	vmul.f32 v35, v34;
	v35 =	vld [tilespmem:s29+$0xDAF0]  }
0x180: {  	v34 =	vld [tilespmem:s29+$0xDB10]  }
0x181: {  	v50 =	vld [tilespmem:$0x1FE00];
	v20 =	vadd.f32 $0.0e+00, v61;
	v61 =	vmul.f32 v42, v41;
	v42 =	vmul.f32 v52, v51  }
0x182: {  	v51 =	vmul.f32 v54, v53;
	v53 =	vmul.f32 v46, v45;
	v46 =	vld [tilespmem:$0x1FFD0]  }
0x183: {  	v5 =	vadd.f32 $0.0e+00, v5;
	v45 =	vld [tilespmem:$0x1FDD0]  }
0x184: {  	v26 =	vadd.f32 v26, v29;
	v54 =	vmul.f32 v56, v55;
	v56 =	vmul.f32 v48, v47;
	v47 =	vld [tilespmem:$0x1FDE0]  }
0x185: {  	v30 =	vadd.f32 v30, v20;
	v20 =	vld [tilespmem:s29+$0xDAB0]  }
0x186: {  	v4 =	vadd.f32 v38, v5;
	v38 =	vadd.f32 v27, v26;
	v26 =	vld [tilespmem:s29+$0x9AD0]  }
0x187: {  	v27 =	vadd.f32 $0.0e+00, v42;
	v42 =	vld [tilespmem:$0x1FDB0]  }
0x188: {  	v4 =	vadd.f32 v39, v4;
	v1 =	vmul.f32 v1, v19;
	v19 =	vld [tilespmem:s29+$0xDB20]  }
0x189: {  	v33 =	vadd.f32 v40, v30;
	v30 =	vld [tilespmem:s29+$0x9AC0]  }
0x18a: {  	v4 =	vadd.f32 v61, v4;
	v41 =	vperm.xlane v38, v0;
	v27 =	vadd.f32 v51, v27;
	v51 =	vld [tilespmem:$0x1FE10]  }
0x18b: {  	v39 =	vadd.f32 v36, v33;
	v36 =	vld [tilespmem:s29+$0xDB00]  }
0x18c: {  	v40 =	vperm.xlane v4, v0;
	v5 =	vsel vm2, v3, v41;
	v41 =	vld [tilespmem:s29+$0x9B40]  }
0x18d: {  	v1 =	vadd.f32 $0.0e+00, v1;
	v3 =	vperm.xlane v3, v0;
	v27 =	vadd.f32 v54, v27;
	v54 =	vld [tilespmem:$0x1FE30]  }
0x18e: {  	v33 =	vadd.f32 $0.0e+00, v43;
	v25 =	vsel vm2, v39, v40;
	v40 =	vld [tilespmem:s29+$0x9B20]  }
0x18f: {  	v1 =	vadd.f32 v7, v1;
	v3 =	vsel vm2, v3, v38;
	v38 =	vmul.f32 v45, v44;
	v45 =	vld [tilespmem:s29+$0x9B80]  }
0x190: {  	v29 =	vperm.xlane v39, v0;
	v39 =	vmul.f32 v62, v42;
	v62 =	vld [tilespmem:$0x1FEA0]  }
0x191: {  	v33 =	vadd.f32 v53, v33;
	v1 =	vadd.f32 v9, v1;
	v9 =	vld [tilespmem:s29+$0xDB50]  }
0x192: {  	v4 =	vsel vm2, v29, v4;
	v29 =	vld [tilespmem:s29+$0x9AF0]  }
0x193: {  	v33 =	vadd.f32 v56, v33;
	v24 =	vadd.f32 v39, v24;
	v39 =	vld [tilespmem:s29+$0x9B50]  }
0x194: {  	v13 =	vadd.f32 $0.0e+00, v13;
	v14 =	vmul.f32 v22, v14;
	v52 =	vadd.f32 v4, v25;
	v25 =	vld [tilespmem:s29+$0x9B00]  }
0x195: {  	v15 =	vmul.f32 v23, v15;
	v3 =	vadd.f32 v3, v5;
	v33 =	vadd.f32 v58, v33;
	v58 =	vld [tilespmem:$0x1FE60]  }
0x196: {  	v48 =	vadd.f32 v38, v24;
	v24 =	vmul.f32 v50, v49;
	v50 =	vld [tilespmem:s29+$0x9BC0];
	v55 =	vperm.xlane v52, v46  }
0x197: {  	v13 =	vadd.f32 v14, v13;
	v7 =	vmul.f32 v17, v47;
	v38 =	vmul.f32 v60, v59;
	v59 =	vld [tilespmem:s29+$0x9BE0]  }
0x198: {  	v49 =	vmul.f32 v32, v31;
	v32 =	vld [tilespmem:s29+$0x9BF0];
	v4 =	vsel vm0, v3, v55;
	v3 =	vperm.xlane v3, v46  }
0x199: {  	v26 =	vmul.f32 v28, v26;
	v6 =	vmul.f32 v6, v30;
	v17 =	vadd.f32 v24, v48;
	v24 =	vld [tilespmem:s29+$0x9B70]  }
0x19a: {  	v13 =	vadd.f32 v15, v13;
	v1 =	vadd.f32 v7, v1;
	v5 =	vsel vm0, v3, v52;
	v52 =	vld [tilespmem:$0x1FE20]  }
0x19b: {  	v10 =	vmul.f32 v20, v10;
	v6 =	vadd.f32 $0.0e+00, v6;
	v48 =	vld [tilespmem:s29+$0xDBB0];
	v3 =	vadd.f32 v57, v27  }
0x19c: {  	v18 =	vmul.f32 v21, v18;
	v53 =	vperm.xlane v1, v0;
	v55 =	vld [tilespmem:$0x1FE40]  }
0x19d: {  	v10 =	vadd.f32 v10, v13;
	v6 =	vadd.f32 v26, v6;
	v57 =	vld [tilespmem:$0x1FE50];
	v61 =	vperm.xlane v3, v0  }
0x19e: {  	v56 =	vperm.xlane v17, v0;
	v17 =	vsel vm2, v17, v53;
	v53 =	vmul.f32 v35, v29;
	v35 =	vld [tilespmem:s29+$0xDBF0]  }
0x19f: {  	v43 =	vperm.xlane v33, v0;
	v33 =	vsel vm2, v33, v61;
	v61 =	vld [tilespmem:$0x1FE90];
	v7 =	vmul.f32 v52, v51  }
0x1a0: {  	v60 =	vmul.f32 v19, v40;
	v6 =	vadd.f32 v49, v6;
	v9 =	vmul.f32 v9, v39;
	v27 =	vld [tilespmem:s29+$0x9B30]  }
0x1a1: {  	v3 =	vsel vm2, v43, v3;
	v42 =	vmul.f32 v55, v54;
	v54 =	vld [tilespmem:s29+$0x9BD0];
	v7 =	vadd.f32 $0.0e+00, v7  }
0x1a2: {  	v1 =	vsel vm2, v56, v1;
	v3 =	vadd.f32 v3, v33;
	v33 =	vld [tilespmem:s29+$0xDB60];
	v44 =	vmul.f32 v58, v57  }
0x1a3: {  	v56 =	vmul.f32 v34, v37;
	v6 =	vadd.f32 v53, v6;
	v52 =	vld [tilespmem:s29+$0xDBC0];
	v7 =	vadd.f32 v42, v7  }
0x1a4: {  	v1 =	vadd.f32 v1, v17;
	v11 =	vadd.f32 v44, v11;
	v42 =	vld [tilespmem:s29+$0xDB80];
	v2 =	vmul.f32 v2, v61  }
0x1a5: {  	v57 =	vld [tilespmem:s29+$0xDBD0];
	v58 =	vmul.f32 v16, v41;
	v7 =	vadd.f32 v38, v7;
	v38 =	vmul.f32 v63, v62  }
0x1a6: {  	v17 =	vld [tilespmem:s29+$0xDBA0];
	v40 =	vmul.f32 v35, v32;
	v51 =	vmul.f32 v36, v25;
	v2 =	vadd.f32 v2, v11  }
0x1a7: {  	v8 =	vmul.f32 v8, v27;
	v13 =	vadd.f32 $0.0e+00, v58;
	v62 =	vld [tilespmem:s29+$0xDBE0];
	v7 =	vadd.f32 v38, v7  }
0x1a8: {  	v55 =	vadd.f32 $0.0e+00, v51;
	v15 =	vmul.f32 v52, v50;
	v11 =	vld [tilespmem:s29+$0x9BA0];
	v38 =	vperm.xlane v2, v0  }
0x1a9: {  	v43 =	vld [tilespmem:s29+$0xDB70];
	v9 =	vadd.f32 v9, v13;
	v61 =	vmul.f32 v42, v45;
	v47 =	vperm.xlane v7, v0  }
0x1aa: {  	v44 =	vld [tilespmem:s29+$0x9BB0];
	v36 =	vmul.f32 v57, v54;
	v12 =	vmul.f32 v33, v12;
	v15 =	vadd.f32 $0.0e+00, v15  }
0x1ab: {  	v7 =	vsel vm2, v7, v38;
	v34 =	vadd.f32 $0.0e+00, v61;
	v2 =	vsel vm2, v47, v2  }
0x1ac: {  	v13 =	vadd.f32 v36, v15;
	v37 =	vmul.f32 v62, v59;
	v2 =	vadd.f32 v2, v7  }
0x1ad: {  	v11 =	vmul.f32 v17, v11;
	v7 =	vadd.f32 v56, v55;
	v14 =	vadd.f32 v18, v34  }
0x1ae: {  	v9 =	vadd.f32 v12, v9;
	v38 =	vmul.f32 v43, v24;
	v13 =	vadd.f32 v37, v13  }
0x1af: {  	v39 =	vmul.f32 v48, v44;
	v7 =	vadd.f32 v60, v7;
	v11 =	vadd.f32 v11, v14  }
0x1b0: {  	v42 =	vperm.xlane v10, v0;
	v9 =	vadd.f32 v38, v9;
	v13 =	vadd.f32 v40, v13  }
0x1b1: {  	v41 =	vperm.xlane v6, v0;
	v7 =	vadd.f32 v8, v7;
	v11 =	vadd.f32 v39, v11  }
0x1b2: {  	v6 =	vsel vm2, v42, v6;
	v44 =	vperm.xlane v9, v0;
	v15 =	vperm.xlane v13, v0  }
0x1b3: {  	v8 =	vsel vm2, v10, v41;
	v43 =	vperm.xlane v7, v0;
	v45 =	vperm.xlane v11, v0  }
0x1b4: {  	v49 =	vperm.xlane v1, v46;
	v6 =	vadd.f32 v6, v8;
	v7 =	vsel vm2, v7, v44  }
0x1b5: {  	v48 =	vsel vm2, v11, v15;
	v47 =	vsel vm2, v43, v9;
	v50 =	vsel vm2, v45, v13  }
0x1b6: {  	v51 =	vperm.xlane v3, v46;
	v7 =	vadd.f32 v47, v7;
	v52 =	vadd.f32 v50, v48  }
0x1b7: {  	v30 =	vld [tilespmem:$0x1FFE0];
	v3 =	vsel vm0, v3, v49;
	v53 =	vperm.xlane v2, v46;
	v54 =	vperm.xlane v6, v46  }
0x1b8: {  	v1 =	vsel vm0, v51, v1;
	v55 =	vperm.xlane v7, v46;
	v56 =	vperm.xlane v52, v46  }
0x1b9: {  	v4 =	vadd.f32 v5, v4;
	v1 =	vadd.f32 v1, v3;
	v3 =	vsel vm0, v53, v6  }
0x1ba: {  	v2 =	vsel vm0, v2, v54;
	v57 =	vsel vm0, v7, v56;
	v58 =	vsel vm0, v55, v52  }
0x1bb: {  	v2 =	vadd.f32 v3, v2;
	v3 =	vadd.f32 v58, v57  }
0x1bc: {  	v59 =	vperm.xlane v4, v30;
	v60 =	vperm.xlane v1, v30  }
0x1bd: {  	v63 =	vld [tilespmem:$0x1FFF0];
	v61 =	vperm.xlane v2, v30;
	v62 =	vperm.xlane v3, v30  }
0x1be: {  	v1 =	vsel vm1, v59, v1  }
0x1bf: {  	v4 =	vsel vm1, v4, v60;
	v3 =	vsel vm1, v61, v3;
	v2 =	vsel vm1, v2, v62  }
0x1c0: {  	v1 =	vadd.f32 v1, v4;
	v2 =	vadd.f32 v3, v2;
	_ =	sdelay $0x1  }
0x1c1: {  	p1 =	sne.s32 s26, $0xF000;
	v3 =	vperm.xlane v1, v63;
	v63 =	vperm.xlane v2, v63  }
.Ltmp1:
0x1c2: {  	_ = 	snop;
	(pc) =	sbr.rel @p1 .LBB2_5-.Ltmp1, $3  }
0x1c3: {  	v2 =	vsel vm3, v3, v2;
	v1 =	vsel vm3, v1, v63  }
0x1c4: {  	v1 =	vadd.f32 v2, v1;
	_ =	sdelay $0x1  }
0x1c5: {  	s26 =	sadd.s32 $0x1000, s26;
	[tilespmem:s23+$0x0] =	vst v1;
	s23 =	sadd.s32 $0x10, s23  }
0x1c6: {  	s23 =	sadd.s32 @!p0 $0x400, s25;
	s26 =	simm.s32 @!p0 $0x80;
	s29 =	simm.s32 @!p0 $0x9800  }
0x1c7: {  	[tilespmem:s29], [sflag:$0x2] =	stream.indirect.gather @!p0 [hbm4b:s4+s26], $0x40, s23, s26, $0xb8;
	[tilespmem:$0x1A410] =	vst v63  }
0x1c8: {  	s23 =	sadd.s32 @!p0 $0x1000, s25;
	s29 =	simm.s32 @!p0 $0xD800  }
0x1c9: {  	[tilespmem:s29], [sflag:$0x2] =	stream.indirect.gather @!p0 [hbm4b:s5+s26], $0x40, s23, s26, $0xb8;
	[tilespmem:$0x1A410] =	vst v63  }
0x1ca: {  	s23 =	sadd.s32 @!p0 $0x480, s25;
	s29 =	simm.s32 @!p0 $0xB800  }
0x1cb: {  	[tilespmem:s29], [sflag:$0x2] =	stream.indirect.gather @!p0 [hbm4b:s4+s26], $0x40, s23, s26, $0xb8;
	[tilespmem:$0x1A410] =	vst v63  }
0x1cc: {  	s23 =	sadd.s32 @!p0 $0x1080, s25;
	s25 =	simm.s32 @!p0 $0xF800  }
0x1cd: {  	[tilespmem:s25], [sflag:$0x2] =	stream.indirect.gather @!p0 [hbm4b:s5+s26], $0x40, s23, s26, $0xb8;
	[tilespmem:$0x1A410] =	vst v63  }
0x1ce: {  	_ =	swait.ge [sflag:s18], $0x2000  }
0x1cf: {  	[sflag:s18] =	ssyncset.done $0x0  }
0x1d0: {  	[sflag:s18] =	ssyncadd.s32 $0xFFFFE000  }
0x1d1: {  	_ =	swait.ge [sflag:s18], $0x2000  }
0x1d2: {  	[sflag:s18] =	ssyncset.done $0x0  }
0x1d3: {  	[sflag:s18] =	ssyncadd.s32 $0xFFFFE000  }
0x1d4: {  	_ =	swait.ge [sflag:s18], $0x2000  }
0x1d5: {  	[sflag:s18] =	ssyncset.done $0x0  }
0x1d6: {  	[sflag:s18] =	ssyncadd.s32 $0xFFFFE000  }
0x1d7: {  	_ =	swait.ge [sflag:s18], $0x2000  }
0x1d8: {  	[sflag:s18] =	ssyncset.done $0x0  }
0x1d9: {  	s25 =	simm.s32 $0x0;
	s23 =	smov.u32 s22;
	[sflag:s18] =	ssyncadd.s32 $0xFFFFE000  }
.LBB2_7:
0x1da: {  	s26 =	sshra.s32 s25, $0x2  }
0x1db: {  	v2 =	vld [tilespmem:s26+$0x11800]  }
0x1dc: {  	v3 =	vld [tilespmem:s26+$0x15800]  }
0x1dd: {  	v4 =	vld [tilespmem:s26+$0x11810]  }
0x1de: {  	v5 =	vld [tilespmem:s26+$0x15810]  }
0x1df: {  	v6 =	vld [tilespmem:s26+$0x11820]  }
0x1e0: {  	v10 =	vld [tilespmem:s26+$0x15820]  }
0x1e1: {  	v24 =	vld [tilespmem:s26+$0x11830]  }
0x1e2: {  	v25 =	vld [tilespmem:s26+$0x15830]  }
0x1e3: {  	v13 =	vld [tilespmem:s26+$0x11840]  }
0x1e4: {  	v14 =	vld [tilespmem:s26+$0x15840]  }
0x1e5: {  	v15 =	vld [tilespmem:s26+$0x11850]  }
0x1e6: {  	v20 =	vld [tilespmem:s26+$0x15850]  }
0x1e7: {  	v23 =	vld [tilespmem:s26+$0x11860]  }
0x1e8: {  	v26 =	vld [tilespmem:s26+$0x15860]  }
0x1e9: {  	v27 =	vld [tilespmem:s26+$0x11870]  }
0x1ea: {  	v28 =	vld [tilespmem:s26+$0x15870]  }
0x1eb: {  	v22 =	vld [tilespmem:s26+$0x11880]  }
0x1ec: {  	v29 =	vld [tilespmem:s26+$0x15880]  }
0x1ed: {  	v30 =	vld [tilespmem:s26+$0x11890]  }
0x1ee: {  	v31 =	vld [tilespmem:s26+$0x15890]  }
0x1ef: {  	v32 =	vld [tilespmem:s26+$0x118A0]  }
0x1f0: {  	v33 =	vld [tilespmem:s26+$0x158A0]  }
0x1f1: {  	v34 =	vld [tilespmem:s26+$0x118B0]  }
0x1f2: {  	v35 =	vld [tilespmem:s26+$0x158B0]  }
0x1f3: {  	v21 =	vld [tilespmem:s26+$0x118C0]  }
0x1f4: {  	v36 =	vld [tilespmem:s26+$0x158C0]  }
0x1f5: {  	v37 =	vld [tilespmem:s26+$0x118D0]  }
0x1f6: {  	v38 =	vld [tilespmem:s26+$0x158D0]  }
0x1f7: {  	v39 =	vld [tilespmem:s26+$0x118E0]  }
0x1f8: {  	v40 =	vld [tilespmem:s26+$0x158E0]  }
0x1f9: {  	v41 =	vld [tilespmem:s26+$0x118F0]  }
0x1fa: {  	v42 =	vld [tilespmem:s26+$0x158F0]  }
0x1fb: {  	v43 =	vld [tilespmem:s26+$0x11900]  }
0x1fc: {  	v44 =	vld [tilespmem:s26+$0x15900]  }
0x1fd: {  	v45 =	vld [tilespmem:s26+$0x11910]  }
0x1fe: {  	v46 =	vld [tilespmem:s26+$0x15910]  }
0x1ff: {  	v47 =	vld [tilespmem:s26+$0x11920]  }
0x200: {  	v48 =	vld [tilespmem:s26+$0x15920]  }
0x201: {  	v49 =	vld [tilespmem:s26+$0x11930]  }
0x202: {  	v50 =	vld [tilespmem:s26+$0x15930]  }
0x203: {  	v51 =	vld [tilespmem:s26+$0x11940]  }
0x204: {  	v52 =	vld [tilespmem:s26+$0x15940]  }
0x205: {  	v53 =	vld [tilespmem:s26+$0x11950]  }
0x206: {  	v54 =	vld [tilespmem:s26+$0x15950]  }
0x207: {  	v55 =	vld [tilespmem:s26+$0x11960]  }
0x208: {  	v56 =	vld [tilespmem:s26+$0x15960]  }
0x209: {  	v57 =	vld [tilespmem:s26+$0x11970]  }
0x20a: {  	v58 =	vld [tilespmem:s26+$0x15970]  }
0x20b: {  	v59 =	vld [tilespmem:s26+$0x11980]  }
0x20c: {  	v60 =	vld [tilespmem:s26+$0x15980]  }
0x20d: {  	v1 =	vld [tilespmem:s26+$0x11990]  }
0x20e: {  	v62 =	vld [tilespmem:s26+$0x15990]  }
0x20f: {  	v19 =	vld [tilespmem:s26+$0x119C0]  }
0x210: {  	v8 =	vld [tilespmem:s26+$0x119D0]  }
0x211: {  	v7 =	vld [tilespmem:s26+$0x159D0]  }
0x212: {  	v16 =	vld [tilespmem:s26+$0x119E0]  }
0x213: {  	v9 =	vld [tilespmem:s26+$0x159E0]  }
0x214: {  	v11 =	vld [tilespmem:s26+$0x119F0]  }
0x215: {  	v17 =	vld [tilespmem:s26+$0x159F0]  }
0x216: {  	v61 =	vld [tilespmem:s26+$0x11A00]  }
0x217: {  	v63 =	vld [tilespmem:s26+$0x15A00]  }
0x218: {  	v12 =	vld [tilespmem:s26+$0x11A10]  }
0x219: {  	v18 =	vld [tilespmem:s26+$0x15A10]  }
0x21a: {  	[tilespmem:$0x1FCA0] =	vst v1;
	v1 =	vld [tilespmem:s26+$0x119A0]  }
0x21b: {  	[tilespmem:$0x1FD00] =	vst v61;
	v61 =	vld [tilespmem:s26+$0x11A20]  }
0x21c: {  	[tilespmem:$0x1FD10] =	vst v63;
	v63 =	vld [tilespmem:s26+$0x15A20]  }
0x21d: {  	[tilespmem:$0x1FD20] =	vst v12;
	v12 =	vld [tilespmem:s26+$0x11A30]  }
0x21e: {  	[tilespmem:$0x1FD30] =	vst v18;
	v18 =	vld [tilespmem:s26+$0x15A30]  }
0x21f: {  	[tilespmem:$0x1FCD0] =	vst v11;
	v11 =	vld [tilespmem:s26+$0x15A40]  }
0x220: {  	v3 =	vmul.f32 v3, v2;
	v2 =	vld [tilespmem:s26+$0x15A70]  }
0x221: {  	v14 =	vmul.f32 v14, v13;
	v13 =	vld [tilespmem:s26+$0x11A80]  }
0x222: {  	v4 =	vmul.f32 v5, v4;
	v5 =	vmul.f32 v36, v21;
	v21 =	vld [tilespmem:s26+$0x15A80]  }
0x223: {  	v26 =	vmul.f32 v26, v23;
	v23 =	vld [tilespmem:s26+$0x15AA0]  }
0x224: {  	v6 =	vmul.f32 v10, v6;
	v10 =	vld [tilespmem:s26+$0x11AB0]  }
0x225: {  	v27 =	vmul.f32 v28, v27;
	v28 =	vld [tilespmem:s26+$0x15AD0]  }
0x226: {  	v30 =	vmul.f32 v31, v30;
	v31 =	vld [tilespmem:s26+$0x11AE0]  }
0x227: {  	v39 =	vmul.f32 v40, v39;
	v40 =	vmul.f32 v33, v32;
	v32 =	vld [tilespmem:s26+$0x15AE0]  }
0x228: {  	v7 =	vmul.f32 v7, v8;
	v8 =	vld [tilespmem:s26+$0x15B30]  }
0x229: {  	v9 =	vmul.f32 v9, v16;
	v16 =	vld [tilespmem:s26+$0x15B40]  }
0x22a: {  	v36 =	vadd.f32 $0.0e+00, v14;
	v14 =	vld [tilespmem:s26+$0x11A90]  }
0x22b: {  	[tilespmem:$0x1FCB0] =	vst v1;
	v1 =	vld [tilespmem:s26+$0x159A0]  }
0x22c: {  	[tilespmem:$0x1FD90] =	vst v12;
	v12 =	vld [tilespmem:s26+$0x11A40]  }
0x22d: {  	v3 =	vadd.f32 $0.0e+00, v3;
	[tilespmem:$0x1FD70] =	vst v63;
	v63 =	vld [tilespmem:s26+$0x11A50]  }
0x22e: {  	[tilespmem:$0x1FDA0] =	vst v18;
	v18 =	vld [tilespmem:s26+$0x15A50]  }
0x22f: {  	v3 =	vadd.f32 v4, v3;
	[tilespmem:$0x1FD60] =	vst v61;
	v61 =	vld [tilespmem:s26+$0x11A60]  }
0x230: {  	v13 =	vmul.f32 v21, v13;
	v21 =	vld [tilespmem:s26+$0x15B90]  }
0x231: {  	v3 =	vadd.f32 v6, v3;
	v6 =	vld [tilespmem:s26+$0x15AC0]  }
0x232: {  	v43 =	vmul.f32 v44, v43;
	v44 =	vld [tilespmem:$0x1FCB0]  }
0x233: {  	v60 =	vmul.f32 v60, v59;
	v59 =	vld [tilespmem:$0x1FD60]  }
0x234: {  	[tilespmem:$0x1FCC0] =	vst v1;
	v1 =	vld [tilespmem:s26+$0x119B0]  }
0x235: {  	v38 =	vmul.f32 v38, v37;
	v37 =	vmul.f32 v25, v24;
	[tilespmem:$0x1FD40] =	vst v61;
	v61 =	vld [tilespmem:s26+$0x15A60]  }
0x236: {  	v24 =	vadd.f32 $0.0e+00, v60;
	v60 =	vld [tilespmem:$0x1FD70]  }
0x237: {  	v3 =	vadd.f32 v37, v3;
	v37 =	vld [tilespmem:s26+$0x11B10]  }
0x238: {  	v11 =	vmul.f32 v11, v12;
	v12 =	vld [tilespmem:s26+$0x11B60]  }
0x239: {  	[tilespmem:$0x1FCE0] =	vst v1;
	v1 =	vld [tilespmem:s26+$0x159B0]  }
0x23a: {  	v18 =	vmul.f32 v18, v63;
	v11 =	vadd.f32 $0.0e+00, v11;
	[tilespmem:$0x1FD50] =	vst v61;
	v61 =	vld [tilespmem:s26+$0x11A70]  }
0x23b: {  	v63 =	vld [tilespmem:$0x1FDA0]  }
0x23c: {  	v11 =	vadd.f32 v18, v11;
	v18 =	vld [tilespmem:s26+$0x11B90]  }
0x23d: {  	v57 =	vmul.f32 v58, v57;
	v58 =	vmul.f32 v50, v49;
	v49 =	vld [tilespmem:$0x1FCE0]  }
0x23e: {  	v15 =	vmul.f32 v20, v15;
	[tilespmem:$0x1FCF0] =	vst v1;
	v1 =	vld [tilespmem:s26+$0x159C0]  }
0x23f: {  	[tilespmem:$0x1FD80] =	vst v61;
	v61 =	vmul.f32 v29, v22;
	v22 =	vld [tilespmem:s26+$0x15A90]  }
0x240: {  	v29 =	vadd.f32 v15, v36;
	v15 =	vld [tilespmem:s26+$0x11AA0]  }
0x241: {  	v36 =	vmul.f32 v35, v34;
	v35 =	vld [tilespmem:s26+$0x15AF0]  }
0x242: {  	v34 =	vld [tilespmem:s26+$0x15B10]  }
0x243: {  	v50 =	vld [tilespmem:$0x1FCF0];
	v20 =	vadd.f32 $0.0e+00, v61;
	v61 =	vmul.f32 v42, v41;
	v42 =	vmul.f32 v52, v51  }
0x244: {  	v51 =	vmul.f32 v54, v53;
	v53 =	vmul.f32 v46, v45;
	v46 =	vld [tilespmem:$0x1FFD0]  }
0x245: {  	v5 =	vadd.f32 $0.0e+00, v5;
	v45 =	vld [tilespmem:$0x1FCC0]  }
0x246: {  	v26 =	vadd.f32 v26, v29;
	v54 =	vmul.f32 v56, v55;
	v56 =	vmul.f32 v48, v47;
	v47 =	vld [tilespmem:$0x1FCD0]  }
0x247: {  	v30 =	vadd.f32 v30, v20;
	v20 =	vld [tilespmem:s26+$0x15AB0]  }
0x248: {  	v4 =	vadd.f32 v38, v5;
	v38 =	vadd.f32 v27, v26;
	v26 =	vld [tilespmem:s26+$0x11AD0]  }
0x249: {  	v27 =	vadd.f32 $0.0e+00, v42;
	v42 =	vld [tilespmem:$0x1FCA0]  }
0x24a: {  	v1 =	vmul.f32 v1, v19;
	v19 =	vld [tilespmem:s26+$0x15B20]  }
0x24b: {  	v4 =	vadd.f32 v39, v4;
	v33 =	vadd.f32 v40, v30;
	v30 =	vld [tilespmem:s26+$0x11AC0]  }
0x24c: {  	v41 =	vperm.xlane v38, v0;
	v27 =	vadd.f32 v51, v27;
	v51 =	vld [tilespmem:$0x1FD00]  }
0x24d: {  	v4 =	vadd.f32 v61, v4;
	v39 =	vadd.f32 v36, v33;
	v36 =	vld [tilespmem:s26+$0x15B00]  }
0x24e: {  	v1 =	vadd.f32 $0.0e+00, v1;
	v5 =	vsel vm2, v3, v41;
	v41 =	vld [tilespmem:s26+$0x11B40]  }
0x24f: {  	v40 =	vperm.xlane v4, v0;
	v27 =	vadd.f32 v54, v27;
	v54 =	vld [tilespmem:$0x1FD20]  }
0x250: {  	v3 =	vperm.xlane v3, v0;
	v1 =	vadd.f32 v7, v1;
	v7 =	vmul.f32 v17, v47;
	v47 =	vld [tilespmem:s26+$0x11BB0]  }
0x251: {  	v25 =	vsel vm2, v39, v40;
	v40 =	vld [tilespmem:s26+$0x11B20]  }
0x252: {  	v3 =	vsel vm2, v3, v38;
	v38 =	vmul.f32 v45, v44;
	v45 =	vld [tilespmem:s26+$0x11B80]  }
0x253: {  	v33 =	vadd.f32 $0.0e+00, v43;
	v29 =	vperm.xlane v39, v0;
	v39 =	vmul.f32 v62, v42;
	v62 =	vld [tilespmem:$0x1FD90]  }
0x254: {  	v13 =	vadd.f32 $0.0e+00, v13;
	v14 =	vmul.f32 v22, v14;
	v1 =	vadd.f32 v9, v1;
	v9 =	vld [tilespmem:s26+$0x15B50]  }
0x255: {  	v33 =	vadd.f32 v53, v33;
	v6 =	vmul.f32 v6, v30;
	v30 =	vld [tilespmem:s26+$0x11BF0];
	v4 =	vsel vm2, v29, v4  }
0x256: {  	v13 =	vadd.f32 v14, v13;
	v29 =	vld [tilespmem:s26+$0x11AF0];
	v52 =	vadd.f32 v4, v25  }
0x257: {  	v15 =	vmul.f32 v23, v15;
	v33 =	vadd.f32 v56, v33;
	v24 =	vadd.f32 v39, v24;
	v39 =	vld [tilespmem:s26+$0x11B50]  }
0x258: {  	v3 =	vadd.f32 v3, v5;
	v25 =	vld [tilespmem:s26+$0x11B00];
	v1 =	vadd.f32 v7, v1;
	v55 =	vperm.xlane v52, v46  }
0x259: {  	v33 =	vadd.f32 v58, v33;
	v48 =	vadd.f32 v38, v24;
	v24 =	vmul.f32 v50, v49;
	v58 =	vld [tilespmem:$0x1FD50]  }
0x25a: {  	v38 =	vmul.f32 v60, v59;
	v60 =	vld [tilespmem:s26+$0x11BE0];
	v4 =	vsel vm0, v3, v55;
	v3 =	vperm.xlane v3, v46  }
0x25b: {  	v26 =	vmul.f32 v28, v26;
	v17 =	vadd.f32 v24, v48;
	v24 =	vld [tilespmem:s26+$0x11B70]  }
0x25c: {  	v13 =	vadd.f32 v15, v13;
	v53 =	vperm.xlane v1, v0;
	v5 =	vsel vm0, v3, v52;
	v52 =	vld [tilespmem:$0x1FD10]  }
0x25d: {  	v10 =	vmul.f32 v20, v10;
	v6 =	vadd.f32 $0.0e+00, v6;
	v55 =	vld [tilespmem:$0x1FD30];
	v3 =	vadd.f32 v57, v27  }
0x25e: {  	v59 =	vmul.f32 v16, v41;
	v56 =	vperm.xlane v17, v0;
	v17 =	vsel vm2, v17, v53;
	v53 =	vld [tilespmem:s26+$0x15BC0]  }
0x25f: {  	v10 =	vadd.f32 v10, v13;
	v50 =	vmul.f32 v32, v31;
	v57 =	vld [tilespmem:$0x1FD40];
	v61 =	vperm.xlane v3, v0  }
0x260: {  	v6 =	vadd.f32 v26, v6;
	v43 =	vperm.xlane v33, v0;
	v13 =	vadd.f32 $0.0e+00, v59;
	v27 =	vld [tilespmem:s26+$0x11B30]  }
0x261: {  	v9 =	vmul.f32 v9, v39;
	v33 =	vsel vm2, v33, v61;
	v61 =	vld [tilespmem:$0x1FD80];
	v7 =	vmul.f32 v52, v51  }
0x262: {  	v6 =	vadd.f32 v50, v6;
	v3 =	vsel vm2, v43, v3;
	v43 =	vld [tilespmem:s26+$0x15B70]  }
0x263: {  	v9 =	vadd.f32 v9, v13;
	v42 =	vmul.f32 v55, v54;
	v55 =	vld [tilespmem:s26+$0x11BD0];
	v7 =	vadd.f32 $0.0e+00, v7  }
0x264: {  	v1 =	vsel vm2, v56, v1;
	v3 =	vadd.f32 v3, v33;
	v33 =	vld [tilespmem:s26+$0x15B60];
	v44 =	vmul.f32 v58, v57  }
0x265: {  	v18 =	vmul.f32 v21, v18;
	v1 =	vadd.f32 v1, v17;
	v51 =	vld [tilespmem:s26+$0x11BC0];
	v7 =	vadd.f32 v42, v7  }
0x266: {  	v54 =	vmul.f32 v35, v29;
	v11 =	vadd.f32 v44, v11;
	v42 =	vld [tilespmem:s26+$0x15B80];
	v2 =	vmul.f32 v2, v61  }
0x267: {  	v52 =	vmul.f32 v36, v25;
	v58 =	vld [tilespmem:s26+$0x15BD0];
	v7 =	vadd.f32 v38, v7;
	v38 =	vmul.f32 v63, v62  }
0x268: {  	v17 =	vld [tilespmem:s26+$0x15BA0];
	v57 =	vmul.f32 v34, v37;
	v8 =	vmul.f32 v8, v27;
	v2 =	vadd.f32 v2, v11  }
0x269: {  	v36 =	vmul.f32 v43, v24;
	v61 =	vmul.f32 v19, v40;
	v63 =	vld [tilespmem:s26+$0x15BE0];
	v7 =	vadd.f32 v38, v7  }
0x26a: {  	v6 =	vadd.f32 v54, v6;
	v15 =	vmul.f32 v53, v51;
	v11 =	vld [tilespmem:s26+$0x11BA0];
	v44 =	vperm.xlane v2, v0  }
0x26b: {  	v32 =	vld [tilespmem:s26+$0x15BF0];
	v56 =	vadd.f32 $0.0e+00, v52;
	v62 =	vmul.f32 v42, v45;
	v48 =	vperm.xlane v7, v0  }
0x26c: {  	v49 =	vld [tilespmem:s26+$0x15BB0];
	v34 =	vmul.f32 v58, v55;
	v12 =	vmul.f32 v33, v12;
	v15 =	vadd.f32 $0.0e+00, v15  }
0x26d: {  	v7 =	vsel vm2, v7, v44;
	v31 =	vadd.f32 $0.0e+00, v62;
	v2 =	vsel vm2, v48, v2  }
0x26e: {  	v13 =	vadd.f32 v34, v15;
	v35 =	vmul.f32 v63, v60;
	v2 =	vadd.f32 v2, v7  }
0x26f: {  	v11 =	vmul.f32 v17, v11;
	v7 =	vadd.f32 v57, v56;
	v14 =	vadd.f32 v18, v31  }
0x270: {  	v40 =	vmul.f32 v32, v30;
	v9 =	vadd.f32 v12, v9;
	v13 =	vadd.f32 v35, v13  }
0x271: {  	v37 =	vmul.f32 v49, v47;
	v7 =	vadd.f32 v61, v7;
	v11 =	vadd.f32 v11, v14  }
0x272: {  	v9 =	vadd.f32 v36, v9;
	v42 =	vperm.xlane v10, v0;
	v13 =	vadd.f32 v40, v13  }
0x273: {  	v41 =	vperm.xlane v6, v0;
	v7 =	vadd.f32 v8, v7;
	v11 =	vadd.f32 v37, v11  }
0x274: {  	v44 =	vperm.xlane v9, v0;
	v6 =	vsel vm2, v42, v6;
	v15 =	vperm.xlane v13, v0  }
0x275: {  	v8 =	vsel vm2, v10, v41;
	v43 =	vperm.xlane v7, v0;
	v45 =	vperm.xlane v11, v0  }
0x276: {  	v49 =	vperm.xlane v1, v46;
	v6 =	vadd.f32 v6, v8;
	v7 =	vsel vm2, v7, v44  }
0x277: {  	v48 =	vsel vm2, v11, v15;
	v47 =	vsel vm2, v43, v9;
	v50 =	vsel vm2, v45, v13  }
0x278: {  	v51 =	vperm.xlane v3, v46;
	v7 =	vadd.f32 v47, v7;
	v52 =	vadd.f32 v50, v48  }
0x279: {  	v3 =	vsel vm0, v3, v49;
	v38 =	vld [tilespmem:$0x1FFE0];
	v53 =	vperm.xlane v2, v46;
	v54 =	vperm.xlane v6, v46  }
0x27a: {  	v1 =	vsel vm0, v51, v1;
	v55 =	vperm.xlane v7, v46;
	v56 =	vperm.xlane v52, v46  }
0x27b: {  	v4 =	vadd.f32 v5, v4;
	v1 =	vadd.f32 v1, v3;
	v3 =	vsel vm0, v53, v6  }
0x27c: {  	v2 =	vsel vm0, v2, v54;
	v57 =	vsel vm0, v7, v56;
	v58 =	vsel vm0, v55, v52  }
0x27d: {  	v2 =	vadd.f32 v3, v2;
	v3 =	vadd.f32 v58, v57  }
0x27e: {  	v59 =	vperm.xlane v4, v38;
	v60 =	vperm.xlane v1, v38  }
0x27f: {  	v29 =	vld [tilespmem:$0x1FFF0];
	v61 =	vperm.xlane v2, v38;
	v62 =	vperm.xlane v3, v38  }
0x280: {  	v4 =	vsel vm1, v4, v60  }
0x281: {  	v1 =	vsel vm1, v59, v1;
	v3 =	vsel vm1, v61, v3;
	v2 =	vsel vm1, v2, v62  }
0x282: {  	v1 =	vadd.f32 v1, v4;
	v2 =	vadd.f32 v3, v2;
	_ =	sdelay $0x1  }
0x283: {  	p0 =	sne.s32 s25, $0xF000;
	v3 =	vperm.xlane v1, v29;
	v63 =	vperm.xlane v2, v29  }
.Ltmp2:
0x284: {  	_ = 	snop;
	(pc) =	sbr.rel @p0 .LBB2_7-.Ltmp2, $3  }
0x285: {  	v2 =	vsel vm3, v3, v2;
	v1 =	vsel vm3, v1, v63  }
0x286: {  	v1 =	vadd.f32 v2, v1;
	_ =	sdelay $0x1  }
0x287: {  	s25 =	sadd.s32 $0x1000, s25;
	[tilespmem:s23+$0x0] =	vst v1;
	s23 =	sadd.s32 $0x10, s23  }
0x288: {  	s24 =	sadd.s32 $0x1, s24  }
0x289: {  	p0 =	sne.s32 s24, $0x4  }
.Ltmp3:
0x28a: {  	_ = 	snop;
	(pc) =	sbr.rel @p0 .LBB2_2-.Ltmp3, $2  }
0x28b: {  	_ =	sdelay $0x2  }
0x28c: {  	s28 =	sadd.s32 $0x300, s28;
	s21 =	sadd.s32 $0x300, s21;
	s22 =	sadd.s32 $0x300, s22  }
0x28d: {  	s21 =	simm.s32 $0x19820  }
0x28e: {  	v2 =	vld [tilespmem:s21+$0x10]  }
0x28f: {  	v3 =	vld [tilespmem:s21+$0x0]  }
0x290: {  	v6 =	vld [tilespmem:s21+$0xFFFFFFF0]  }
0x291: {  	v10 =	vld [tilespmem:s21+$0xFFFFFFE0];
	_ =	sdelay $0x1  }
0x292: {  	v1 =	vand.u32 $0x7FFFFFFF, v2  }
0x293: {  	v4 =	vand.u32 $0x7FFFFFFF, v3;
	v1 =	vsub.f32 $0.0e+00, v1  }
0x294: {  	v5 =	vand.u32 $0x7FFFFFFF, v6;
	v4 =	vsub.f32 $0.0e+00, v4  }
0x295: {  	v7 =	vand.u32 $0x7FFFFFFF, v10;
	v5 =	vsub.f32 $0.0e+00, v5;
	v1 =	vmul.f32 $1.442695020e+00, v1  }
0x296: {  	v7 =	vsub.f32 $0.0e+00, v7;
	v4 =	vmul.f32 $1.442695020e+00, v4  }
0x297: {  	v5 =	vmul.f32 $1.442695020e+00, v5;
	(erf) = vpow2.f32 v1  }
0x298: {  	v1 =	vmul.f32 $1.442695020e+00, v7;
	(erf) = vpow2.f32 v4  }
0x299: {  	(erf) = vpow2.f32 v5  }
0x29a: {  	(erf) = vpow2.f32 v1;
	_ =	sdelay $0x5  }
0x29b: {  	v1 =	vpop (erf)  }
0x29c: {  	v4 =	vpop (erf)  }
0x29d: {  	s28 =	simm.s32 $0x19860;
	v5 =	vpop (erf)  }
0x29e: {  	v8 =	vld [tilespmem:s28+$0xFFFFFFF0];
	v9 =	vadd.f32 $1.000000000e+00, v4;
	v4 =	vpop (erf)  }
0x29f: {  	v7 =	vld [tilespmem:s28+$0x10];
	v4 =	vadd.f32 $1.000000000e+00, v4  }
0x2a0: {  	v11 =	vadd.f32 $1.000000000e+00, v9  }
0x2a1: {  	v12 =	vld [tilespmem:s28+$0x0];
	v13 =	vadd.f32 $1.000000000e+00, v5;
	v5 =	vadd.f32 $1.000000000e+00, v4  }
0x2a2: {  	(erf) = vrcp.f32 v11  }
0x2a3: {  	v16 =	vand.u32 $0x7FFFFFFF, v8;
	v11 =	vld [tilespmem:s28+$0xFFFFFFE0];
	(erf) = vrcp.f32 v5  }
0x2a4: {  	v15 =	vadd.f32 $1.000000000e+00, v1;
	v1 =	vand.u32 $0x7FFFFFFF, v7;
	v14 =	vadd.f32 $1.000000000e+00, v13  }
0x2a5: {  	v16 =	vsub.f32 $0.0e+00, v16;
	v1 =	vsub.f32 $0.0e+00, v1  }
0x2a6: {  	v5 =	vand.u32 $0x7FFFFFFF, v12;
	(erf) = vrcp.f32 v14;
	v14 =	vadd.f32 $1.000000000e+00, v15  }
0x2a7: {  	v16 =	vmul.f32 $1.442695020e+00, v16;
	v5 =	vsub.f32 $0.0e+00, v5  }
0x2a8: {  	v1 =	vmul.f32 $1.442695020e+00, v1;
	(erf) = vrcp.f32 v14;
	v14 =	vand.u32 $0x7FFFFFFF, v11  }
0x2a9: {  	v5 =	vmul.f32 $1.442695020e+00, v5;
	v14 =	vsub.f32 $0.0e+00, v14  }
0x2aa: {  	(erf) = vpow2.f32 v1  }
0x2ab: {  	s29 =	simm.s32 $0x198A0;
	v18 =	vadd.f32 $-1.000000000e+00, v4;
	(erf) = vpow2.f32 v5;
	v14 =	vmul.f32 $1.442695020e+00, v14;
	v17 =	vpop (erf)  }
0x2ac: {  	v1 =	vld [tilespmem:s29+$0x0];
	(erf) = vpow2.f32 v16;
	v16 =	vpop (erf)  }
0x2ad: {  	v5 =	vld [tilespmem:s29+$0x10];
	v16 =	vmul.f32 v16, v18  }
0x2ae: {  	v2 =	vmin.f32 v2, $0.0e+00;
	v9 =	vadd.f32 $-1.000000000e+00, v9;
	v13 =	vadd.f32 $-1.000000000e+00, v13  }
0x2af: {  	v3 =	vmin.f32 v3, $0.0e+00;
	(erf) = vpow2.f32 v14;
	v14 =	vpop (erf);
	v18 =	vmul.f32 v16, v16  }
0x2b0: {  	v31 =	vmin.f32 v10, $0.0e+00;
	v17 =	vmul.f32 v17, v9;
	v19 =	vmul.f32 v14, v13  }
0x2b1: {  	v9 =	vadd.f32 $-1.000000000e+00, v15;
	v21 =	vand.u32 $0x7FFFFFFF, v1;
	v15 =	vmul.f32 $1.111111120e-01, v18  }
0x2b2: {  	v21 =	vsub.f32 $0.0e+00, v21;
	v14 =	vand.u32 $0x7FFFFFFF, v5;
	v20 =	vmul.f32 v19, v19  }
0x2b3: {  	v24 =	vmul.f32 v17, v17;
	v13 =	vpop (erf);
	v22 =	vsub.f32 $0.0e+00, v14;
	v14 =	vadd.f32 $1.428571490e-01, v15  }
0x2b4: {  	v17 =	vadd.f32 v17, v17;
	v23 =	vmul.f32 v13, v9;
	v15 =	vmul.f32 $1.111111120e-01, v20  }
0x2b5: {  	v29 =	vmul.f32 $1.111111120e-01, v24;
	v16 =	vadd.f32 v16, v16;
	v27 =	vmul.f32 v14, v18  }
0x2b6: {  	v10 =	vld [tilespmem:s29+$0xFFFFFFE0];
	v9 =	vpop (erf);
	v19 =	vadd.f32 v19, v19;
	v25 =	vmul.f32 v23, v23;
	v28 =	vadd.f32 $1.428571490e-01, v15  }
0x2b7: {  	v6 =	vmin.f32 v6, $0.0e+00;
	v13 =	vadd.f32 $1.000000000e+00, v9;
	v9 =	vpop (erf);
	v27 =	vadd.f32 $2.000000030e-01, v27  }
0x2b8: {  	v29 =	vadd.f32 $1.428571490e-01, v29;
	v26 =	vpop (erf);
	v58 =	vmul.f32 $1.111111120e-01, v25;
	v28 =	vmul.f32 v28, v20  }
0x2b9: {  	v23 =	vadd.f32 v23, v23;
	v15 =	vadd.f32 $1.000000000e+00, v26;
	v27 =	vmul.f32 v27, v18  }
0x2ba: {  	v29 =	vmul.f32 v29, v24;
	v26 =	vadd.f32 $1.428571490e-01, v58;
	v28 =	vadd.f32 $2.000000030e-01, v28  }
0x2bb: {  	v61 =	vand.u32 $0x7FFFFFFF, v10;
	v33 =	vadd.f32 $1.000000000e+00, v13;
	v27 =	vadd.f32 $3.333333430e-01, v27  }
0x2bc: {  	v30 =	vpop (erf);
	v29 =	vadd.f32 $2.000000030e-01, v29;
	v26 =	vmul.f32 v26, v25;
	v28 =	vmul.f32 v28, v20  }
0x2bd: {  	v14 =	vadd.f32 $1.000000000e+00, v9;
	v30 =	vadd.f32 $1.000000000e+00, v30;
	v18 =	vmul.f32 v27, v18  }
0x2be: {  	v60 =	vmul.f32 v29, v24;
	v26 =	vadd.f32 $2.000000030e-01, v26;
	v59 =	vadd.f32 $3.333333430e-01, v28  }
0x2bf: {  	v4 =	vimm.f32 $0.0e+00;
	v32 =	vadd.f32 $1.000000000e+00, v14;
	v18 =	vadd.f32 $1.000000000e+00, v18  }
0x2c0: {  	v9 =	vld [tilespmem:s29+$0xFFFFFFF0];
	v62 =	vadd.f32 $3.333333430e-01, v60;
	v26 =	vmul.f32 v26, v25;
	v20 =	vmul.f32 v59, v20  }
0x2c1: {  	v36 =	vadd.f32 $1.000000000e+00, v30;
	(erf) = vrcp.f32 v32;
	v16 =	vmul.f32 v18, v16  }
0x2c2: {  	v63 =	vadd.f32 $3.333333430e-01, v26;
	v18 =	vadd.f32 $1.000000000e+00, v20;
	v20 =	vmul.f32 v62, v24  }
0x2c3: {  	v35 =	vadd.f32 $1.000000000e+00, v15;
	(erf) = vrcp.f32 v36;
	v16 =	vsub.f32 v16, v31  }
0x2c4: {  	v18 =	vmul.f32 v18, v19;
	v19 =	vadd.f32 $1.000000000e+00, v20;
	v20 =	vmul.f32 v63, v25  }
0x2c5: {  	v34 =	vand.u32 $0x7FFFFFFF, v9;
	(erf) = vrcp.f32 v35;
	v16 =	vadd.f32 v16, v4  }
0x2c6: {  	v6 =	vsub.f32 v18, v6;
	v17 =	vmul.f32 v19, v17;
	v18 =	vadd.f32 $1.000000000e+00, v20  }
0x2c7: {  	v22 =	vmul.f32 $1.442695020e+00, v22;
	(erf) = vrcp.f32 v33;
	v20 =	vsub.f32 $0.0e+00, v34  }
0x2c8: {  	v6 =	vadd.f32 v6, v16;
	v3 =	vsub.f32 v17, v3;
	v18 =	vmul.f32 v18, v23  }
0x2c9: {  	v21 =	vmul.f32 $1.442695020e+00, v21;
	(erf) = vpow2.f32 v22;
	v19 =	vsub.f32 $0.0e+00, v61  }
0x2ca: {  	v20 =	vmul.f32 $1.442695020e+00, v20;
	v17 =	vadd.f32 v3, v6;
	v18 =	vsub.f32 v18, v2  }
0x2cb: {  	s23 =	simm.s32 $0x8;
	s24 =	simm.s32 $0x198E0;
	s21 =	simm.s32 $0x4;
	v16 =	vpop (erf);
	(erf) = vpow2.f32 v21;
	v21 =	vadd.f32 $-1.000000000e+00, v30  }
.LBB2_10:
0x2cc: {  	v2 =	vld [tilespmem:s24+$0x10];
	v3 =	vmul.f32 $1.442695020e+00, v19;
	(erf) = vpow2.f32 v20;
	v6 =	vpop (erf);
	v17 =	vadd.f32 v18, v17;
	s22 =	simm.s32 $0x19A30  }
0x2cd: {  	v15 =	vadd.f32 $-1.000000000e+00, v15;
	v18 =	vld [tilespmem:s24+$0x0];
	v6 =	vmul.f32 v6, v21;
	v21 =	vmin.f32 v7, $0.0e+00;
	v7 =	vmovc v5  }
0x2ce: {  	v19 =	vmin.f32 v12, $0.0e+00;
	(erf) = vpow2.f32 v3;
	v3 =	vadd.f32 $-1.000000000e+00, v14;
	v5 =	vpop (erf)  }
0x2cf: {  	v23 =	vmin.f32 v8, $0.0e+00;
	v12 =	vmovc v1;
	v8 =	vmovc v9;
	v20 =	vmul.f32 v6, v6;
	v22 =	vmul.f32 v5, v15  }
0x2d0: {  	v24 =	vmin.f32 v11, $0.0e+00;
	v15 =	vadd.f32 $-1.000000000e+00, v13;
	v3 =	vmul.f32 v16, v3;
	v9 =	vpop (erf)  }
0x2d1: {  	v11 =	vmovc v10;
	v13 =	vand.u32 $0x7FFFFFFF, v2;
	v14 =	vmul.f32 $1.111111120e-01, v20;
	v16 =	vmul.f32 v22, v22;
	v5 =	vmovc v2  }
0x2d2: {  	v26 =	vmul.f32 v9, v15;
	v2 =	vand.u32 $0x7FFFFFFF, v18;
	v25 =	vsub.f32 $0.0e+00, v13;
	v1 =	vmovc v18  }
0x2d3: {  	v18 =	vmul.f32 v3, v3;
	v9 =	vld [tilespmem:s24+$0xFFFFFFF0];
	v10 =	vpop (erf);
	v14 =	vadd.f32 $1.428571490e-01, v14;
	v15 =	vmul.f32 $1.111111120e-01, v16  }
0x2d4: {  	v2 =	vsub.f32 $0.0e+00, v2;
	v27 =	vmul.f32 v26, v26;
	v13 =	vadd.f32 $1.000000000e+00, v10;
	v10 =	vpop (erf)  }
0x2d5: {  	v31 =	vmul.f32 $1.111111120e-01, v18;
	v28 =	vpop (erf);
	v29 =	vmul.f32 v14, v20;
	v30 =	vadd.f32 $1.428571490e-01, v15  }
0x2d6: {  	v14 =	vadd.f32 $1.000000000e+00, v10;
	v15 =	vadd.f32 $1.000000000e+00, v28;
	v28 =	vmul.f32 $1.111111120e-01, v27  }
0x2d7: {  	v31 =	vadd.f32 $1.428571490e-01, v31;
	v10 =	vld [tilespmem:s24+$0xFFFFFFE0];
	v32 =	vpop (erf);
	v29 =	vadd.f32 $2.000000030e-01, v29;
	v30 =	vmul.f32 v30, v16  }
0x2d8: {  	v33 =	vand.u32 $0x7FFFFFFF, v9;
	v32 =	vadd.f32 $1.000000000e+00, v32;
	v28 =	vadd.f32 $1.428571490e-01, v28  }
0x2d9: {  	v31 =	vmul.f32 v31, v18;
	v29 =	vmul.f32 v29, v20;
	v30 =	vadd.f32 $2.000000030e-01, v30  }
0x2da: {  	v35 =	vadd.f32 $1.000000000e+00, v13;
	v34 =	vadd.f32 $1.000000000e+00, v14;
	v28 =	vmul.f32 v28, v27  }
0x2db: {  	v31 =	vadd.f32 $2.000000030e-01, v31;
	v29 =	vadd.f32 $3.333333430e-01, v29;
	v30 =	vmul.f32 v30, v16  }
0x2dc: {  	v37 =	vadd.f32 $1.000000000e+00, v15;
	v36 =	vand.u32 $0x7FFFFFFF, v10;
	v28 =	vadd.f32 $2.000000030e-01, v28  }
0x2dd: {  	v20 =	vmul.f32 v29, v20;
	v29 =	vadd.f32 $3.333333430e-01, v30;
	v30 =	vmul.f32 v31, v18  }
0x2de: {  	v6 =	vadd.f32 v6, v6;
	v31 =	vadd.f32 $1.000000000e+00, v32;
	v28 =	vmul.f32 v28, v27  }
0x2df: {  	v20 =	vadd.f32 $1.000000000e+00, v20;
	v16 =	vmul.f32 v29, v16;
	v29 =	vadd.f32 $3.333333430e-01, v30  }
0x2e0: {  	v22 =	vadd.f32 v22, v22;
	(erf) = vrcp.f32 v34;
	v28 =	vadd.f32 $3.333333430e-01, v28  }
0x2e1: {  	v6 =	vmul.f32 v20, v6;
	v16 =	vadd.f32 $1.000000000e+00, v16;
	v18 =	vmul.f32 v29, v18  }
0x2e2: {  	v3 =	vadd.f32 v3, v3;
	(erf) = vrcp.f32 v31;
	v20 =	vmul.f32 v28, v27  }
0x2e3: {  	v6 =	vsub.f32 v6, v24;
	v16 =	vmul.f32 v16, v22;
	v18 =	vadd.f32 $1.000000000e+00, v18  }
0x2e4: {  	s23 =	sadd.s32 $0x4, s23;
	v22 =	vadd.f32 v26, v26;
	(erf) = vrcp.f32 v37;
	v20 =	vadd.f32 $1.000000000e+00, v20  }
0x2e5: {  	p0 =	slt.u32 s23, $0x1C;
	v6 =	vadd.f32 v6, v17;
	v16 =	vsub.f32 v16, v23;
	v3 =	vmul.f32 v18, v3  }
.Ltmp4:
0x2e6: {  	v17 =	vsub.f32 $0.0e+00, v33;
	v18 =	vmul.f32 $1.442695020e+00, v25;
	(erf) = vrcp.f32 v35;
	(pc) =	sbr.rel @p0 .LBB2_10-.Ltmp4, $4  }
0x2e7: {  	v22 =	vmul.f32 v20, v22;
	v6 =	vadd.f32 v16, v6;
	v3 =	vsub.f32 v3, v19  }
0x2e8: {  	v2 =	vmul.f32 $1.442695020e+00, v2;
	v19 =	vsub.f32 $0.0e+00, v36;
	v20 =	vmul.f32 $1.442695020e+00, v17  }
0x2e9: {  	(erf) = vpow2.f32 v18;
	v16 =	vpop (erf);
	v17 =	vadd.f32 v3, v6;
	v18 =	vsub.f32 v22, v21  }
0x2ea: {  	s24 =	sadd.s32 $0x40, s24;
	v21 =	vadd.f32 $-1.000000000e+00, v32;
	(erf) = vpow2.f32 v2  }
0x2eb: {  	v2 =	vmul.f32 $1.442695020e+00, v19  }
0x2ec: {  	v3 =	vpop (erf)  }
0x2ed: {  	(erf) = vpow2.f32 v20;
	v14 =	vadd.f32 $-1.000000000e+00, v14;
	v3 =	vmul.f32 v3, v21  }
0x2ee: {  	v6 =	vadd.f32 $-1.000000000e+00, v15;
	(erf) = vpow2.f32 v2  }
0x2ef: {  	v14 =	vmul.f32 v16, v14;
	v15 =	vmul.f32 v3, v3;
	v2 =	vpop (erf)  }
0x2f0: {  	v2 =	vmul.f32 v2, v6  }
0x2f1: {  	v21 =	vmul.f32 v14, v14;
	v6 =	vadd.f32 $-1.000000000e+00, v13;
	v13 =	vmul.f32 $1.111111120e-01, v15  }
0x2f2: {  	v16 =	vpop (erf);
	v19 =	vmul.f32 v2, v2  }
0x2f3: {  	v24 =	vmul.f32 $1.111111120e-01, v21;
	v6 =	vmul.f32 v16, v6;
	v13 =	vadd.f32 $1.428571490e-01, v13  }
0x2f4: {  	v17 =	vadd.f32 v18, v17;
	v3 =	vadd.f32 v3, v3;
	v16 =	vpop (erf);
	v20 =	vmul.f32 $1.111111120e-01, v19  }
0x2f5: {  	v22 =	vpop (erf);
	v24 =	vadd.f32 $1.428571490e-01, v24;
	v18 =	vmul.f32 v6, v6;
	v13 =	vmul.f32 v13, v15  }
0x2f6: {  	v22 =	vadd.f32 $1.000000000e+00, v22;
	v20 =	vadd.f32 $1.428571490e-01, v20  }
0x2f7: {  	v16 =	vadd.f32 $1.000000000e+00, v16;
	v23 =	vpop (erf);
	v25 =	vmul.f32 $1.111111120e-01, v18;
	v13 =	vadd.f32 $2.000000030e-01, v13  }
0x2f8: {  	v23 =	vadd.f32 $1.000000000e+00, v23;
	v26 =	vpop (erf);
	v27 =	vadd.f32 $1.000000000e+00, v22;
	v20 =	vmul.f32 v20, v19  }
0x2f9: {  	v26 =	vadd.f32 $1.000000000e+00, v26;
	v25 =	vadd.f32 $1.428571490e-01, v25;
	v13 =	vmul.f32 v13, v15  }
0x2fa: {  	v24 =	vmul.f32 v24, v21;
	v57 =	vadd.f32 $1.000000000e+00, v23;
	v20 =	vadd.f32 $2.000000030e-01, v20  }
0x2fb: {  	v28 =	vadd.f32 $1.000000000e+00, v26;
	v25 =	vmul.f32 v25, v18;
	v13 =	vadd.f32 $3.333333430e-01, v13  }
0x2fc: {  	v24 =	vadd.f32 $2.000000030e-01, v24;
	(erf) = vrcp.f32 v27;
	v20 =	vmul.f32 v20, v19  }
0x2fd: {  	(erf) = vrcp.f32 v28;
	v25 =	vadd.f32 $2.000000030e-01, v25;
	v13 =	vmul.f32 v13, v15  }
0x2fe: {  	v24 =	vmul.f32 v24, v21;
	v15 =	vadd.f32 $1.000000000e+00, v16;
	v20 =	vadd.f32 $3.333333430e-01, v20  }
0x2ff: {  	(erf) = vrcp.f32 v57;
	v25 =	vmul.f32 v25, v18;
	v13 =	vadd.f32 $1.000000000e+00, v13  }
0x300: {  	v12 =	vmin.f32 v12, $0.0e+00;
	(erf) = vrcp.f32 v15;
	v19 =	vmul.f32 v20, v19  }
0x301: {  	v11 =	vmin.f32 v11, $0.0e+00;
	v20 =	vadd.f32 $3.333333430e-01, v24;
	v3 =	vmul.f32 v13, v3  }
0x302: {  	v8 =	vmin.f32 v8, $0.0e+00;
	v15 =	vadd.f32 $3.333333430e-01, v25;
	v13 =	vadd.f32 $1.000000000e+00, v19  }
0x303: {  	v2 =	vadd.f32 v2, v2;
	v19 =	vmul.f32 v20, v21;
	v3 =	vsub.f32 v3, v11  }
0x304: {  	v14 =	vadd.f32 v14, v14;
	v15 =	vmul.f32 v15, v18;
	v20 =	vadd.f32 $-1.000000000e+00, v26  }
0x305: {  	v18 =	vpop (erf);
	v2 =	vmul.f32 v13, v2;
	v11 =	vadd.f32 $1.000000000e+00, v19;
	v3 =	vadd.f32 v3, v17  }
0x306: {  	v7 =	vmin.f32 v7, $0.0e+00;
	v6 =	vadd.f32 v6, v6;
	v15 =	vadd.f32 $1.000000000e+00, v15;
	v13 =	vpop (erf)  }
0x307: {  	v2 =	vsub.f32 v2, v8;
	v11 =	vmul.f32 v11, v14;
	v19 =	vmul.f32 v13, v20  }
0x308: {  	v14 =	vadd.f32 $-1.000000000e+00, v16;
	v6 =	vmul.f32 v15, v6;
	v13 =	vadd.f32 $-1.000000000e+00, v23;
	v17 =	vpop (erf)  }
0x309: {  	v2 =	vadd.f32 v2, v3;
	v3 =	vpop (erf);
	v11 =	vsub.f32 v11, v12;
	v12 =	vld [tilespmem:s22+$0xFFFFFFF0];
	v8 =	vmul.f32 v19, v19  }
0x30a: {  	v17 =	vmul.f32 v17, v13;
	v13 =	vadd.f32 $-1.000000000e+00, v22;
	v3 =	vmul.f32 v3, v14;
	v14 =	vld [tilespmem:s22+$0xFFFFFFE0]  }
0x30b: {  	v6 =	vsub.f32 v6, v7;
	v2 =	vadd.f32 v11, v2;
	v16 =	vmul.f32 $1.111111120e-01, v8  }
0x30c: {  	v20 =	vmul.f32 v17, v17;
	v18 =	vmul.f32 v18, v13;
	v13 =	vld [tilespmem:s22+$0x0]  }
0x30d: {  	v11 =	vld [tilespmem:s22+$0xFFFFFFD0];
	v22 =	vmul.f32 v3, v3;
	v2 =	vadd.f32 v6, v2;
	v15 =	vadd.f32 $1.428571490e-01, v16  }
0x30e: {  	v16 =	vmul.f32 $1.111111120e-01, v20;
	v21 =	vmul.f32 v18, v18;
	v59 =	vand.u32 $0x7FFFFFFF, v12  }
0x30f: {  	v23 =	vmul.f32 $1.111111120e-01, v22;
	v60 =	vand.u32 $0x7FFFFFFF, v14;
	v25 =	vsub.f32 $0.0e+00, v59  }
0x310: {  	v15 =	vmul.f32 v15, v8;
	v16 =	vadd.f32 $1.428571490e-01, v16;
	v7 =	vmul.f32 $1.111111120e-01, v21  }
0x311: {  	v26 =	vsub.f32 $0.0e+00, v60;
	v23 =	vadd.f32 $1.428571490e-01, v23;
	v58 =	vand.u32 $0x7FFFFFFF, v13  }
0x312: {  	v61 =	vand.u32 $0x7FFFFFFF, v11;
	v15 =	vadd.f32 $2.000000030e-01, v15;
	v24 =	vsub.f32 $0.0e+00, v58  }
0x313: {  	v25 =	vmul.f32 $1.442695020e+00, v25;
	v16 =	vmul.f32 v16, v20;
	v7 =	vadd.f32 $1.428571490e-01, v7  }
0x314: {  	v27 =	vsub.f32 $0.0e+00, v61;
	v15 =	vmul.f32 v15, v8;
	v24 =	vmul.f32 $1.442695020e+00, v24  }
0x315: {  	v62 =	vmul.f32 $1.442695020e+00, v26;
	v7 =	vmul.f32 v7, v21;
	v16 =	vadd.f32 $2.000000030e-01, v16  }
0x316: {  	v23 =	vmul.f32 v23, v22;
	(erf) = vpow2.f32 v24;
	v15 =	vadd.f32 $3.333333430e-01, v15  }
0x317: {  	v16 =	vmul.f32 v16, v20;
	v7 =	vadd.f32 $2.000000030e-01, v7;
	(erf) = vpow2.f32 v25  }
0x318: {  	v63 =	vmul.f32 $1.442695020e+00, v27;
	v6 =	vadd.f32 $2.000000030e-01, v23;
	(erf) = vpow2.f32 v62  }
0x319: {  	v8 =	vmul.f32 v15, v8;
	v15 =	vadd.f32 $3.333333430e-01, v16;
	v7 =	vmul.f32 v7, v21  }
0x31a: {  	v6 =	vmul.f32 v6, v22;
	v16 =	vadd.f32 v19, v19;
	(erf) = vpow2.f32 v63  }
0x31b: {  	v8 =	vadd.f32 $1.000000000e+00, v8;
	v15 =	vmul.f32 v15, v20;
	v7 =	vadd.f32 $3.333333430e-01, v7  }
0x31c: {  	v17 =	vadd.f32 v17, v17;
	v6 =	vadd.f32 $3.333333430e-01, v6  }
0x31d: {  	v8 =	vmul.f32 v8, v16;
	v15 =	vadd.f32 $1.000000000e+00, v15;
	v7 =	vmul.f32 v7, v21  }
0x31e: {  	v10 =	vmin.f32 v10, $0.0e+00;
	v6 =	vmul.f32 v6, v22;
	v16 =	vadd.f32 v18, v18  }
0x31f: {  	v8 =	vsub.f32 v8, v10;
	v10 =	vmul.f32 v15, v17;
	v7 =	vadd.f32 $1.000000000e+00, v7  }
0x320: {  	v9 =	vmin.f32 v9, $0.0e+00;
	v3 =	vadd.f32 v3, v3;
	v6 =	vadd.f32 $1.000000000e+00, v6;
	v19 =	vpop (erf)  }
0x321: {  	v15 =	vpop (erf);
	v2 =	vadd.f32 v8, v2;
	v8 =	vsub.f32 v10, v9;
	v7 =	vmul.f32 v7, v16  }
0x322: {  	v1 =	vmin.f32 v1, $0.0e+00;
	v3 =	vmul.f32 v6, v3;
	v17 =	vpop (erf)  }
0x323: {  	v5 =	vmin.f32 v5, $0.0e+00;
	v9 =	vpop (erf);
	v2 =	vadd.f32 v8, v2;
	v8 =	vsub.f32 v7, v1  }
0x324: {  	v3 =	vsub.f32 v3, v5;
	v18 =	vadd.f32 $1.000000000e+00, v9  }
0x325: {  	s29 =	simm.s32 $0x19A70;
	v16 =	vadd.f32 $1.000000000e+00, v17;
	v2 =	vadd.f32 v8, v2  }
0x326: {  	v15 =	vadd.f32 $1.000000000e+00, v15;
	v1 =	vld [tilespmem:s29+$0x0];
	v6 =	vadd.f32 $1.000000000e+00, v18  }
0x327: {  	v7 =	vld [tilespmem:s29+$0xFFFFFFF0];
	v5 =	vadd.f32 v3, v2;
	v3 =	vadd.f32 $1.000000000e+00, v16  }
0x328: {  	(erf) = vrcp.f32 v6  }
0x329: {  	v10 =	vadd.f32 $1.000000000e+00, v19;
	v17 =	vadd.f32 $1.000000000e+00, v15;
	v8 =	vld [tilespmem:s29+$0xFFFFFFE0];
	(erf) = vrcp.f32 v3;
	_ =	sdelay $0x1  }
0x32a: {  	v9 =	vld [tilespmem:s29+$0xFFFFFFD0];
	v2 =	vand.u32 $0x7FFFFFFF, v1;
	v3 =	vadd.f32 $1.000000000e+00, v10;
	(erf) = vrcp.f32 v17  }
0x32b: {  	v6 =	vand.u32 $0x7FFFFFFF, v7;
	v2 =	vsub.f32 $0.0e+00, v2  }
0x32c: {  	v6 =	vsub.f32 $0.0e+00, v6;
	(erf) = vrcp.f32 v3  }
0x32d: {  	v19 =	vand.u32 $0x7FFFFFFF, v8;
	v2 =	vmul.f32 $1.442695020e+00, v2  }
0x32e: {  	v3 =	vsub.f32 $0.0e+00, v19;
	v6 =	vmul.f32 $1.442695020e+00, v6  }
0x32f: {  	v17 =	vadd.f32 $-1.000000000e+00, v18;
	v19 =	vand.u32 $0x7FFFFFFF, v9;
	(erf) = vpow2.f32 v2  }
0x330: {  	s22 =	simm.s32 $0x19AB0;
	v19 =	vsub.f32 $0.0e+00, v19;
	v20 =	vmul.f32 $1.442695020e+00, v3;
	v18 =	vpop (erf);
	(erf) = vpow2.f32 v6  }
.LBB2_12:
0x331: {  	v2 =	vld [tilespmem:s22+$0x0];
	v3 =	vmul.f32 v18, v17;
	v6 =	vadd.f32 $-1.000000000e+00, v16;
	v17 =	vxor.u32 $0x80000000, v13;
	v16 =	vpop (erf)  }
0x332: {  	v15 =	vadd.f32 $-1.000000000e+00, v15;
	v13 =	vmovc v1;
	v18 =	vld [tilespmem:s22+$0xFFFFFFF0];
	v19 =	vmul.f32 $1.442695020e+00, v19;
	(erf) = vpow2.f32 v20  }
0x333: {  	v22 =	vxor.u32 $0x80000000, v12;
	v20 =	vld [tilespmem:s22+$0xFFFFFFE0];
	v21 =	vmul.f32 v3, v3;
	v6 =	vmul.f32 v16, v6;
	v1 =	vpop (erf)  }
0x334: {  	v12 =	vmovc v7;
	(erf) = vpow2.f32 v19;
	v19 =	vmul.f32 v1, v15;
	v15 =	vadd.f32 $-1.000000000e+00, v10  }
0x335: {  	v23 =	vxor.u32 $0x80000000, v14;
	v16 =	vmul.f32 $1.111111120e-01, v21;
	v24 =	vmul.f32 v6, v6;
	v10 =	vpop (erf)  }
0x336: {  	v26 =	vxor.u32 $0x80000000, v11;
	v14 =	vmovc v8;
	v25 =	vand.u32 $0x7FFFFFFF, v2;
	v27 =	vmul.f32 v10, v15;
	v1 =	vmovc v2  }
0x337: {  	v11 =	vmovc v9;
	v28 =	vmul.f32 v19, v19;
	v2 =	vadd.f32 $1.428571490e-01, v16;
	v32 =	vmul.f32 $1.111111120e-01, v24;
	v7 =	vmovc v18  }
0x338: {  	v18 =	vand.u32 $0x7FFFFFFF, v20;
	v29 =	vand.u32 $0x7FFFFFFF, v7;
	v9 =	vpop (erf);
	v30 =	vmul.f32 v27, v27  }
0x339: {  	v31 =	vmul.f32 $1.111111120e-01, v28;
	v10 =	vpop (erf);
	v2 =	vmul.f32 v2, v21;
	v16 =	vadd.f32 $1.428571490e-01, v32  }
0x33a: {  	v8 =	vmovc v20;
	v15 =	vadd.f32 $1.000000000e+00, v10;
	v10 =	vadd.f32 $1.000000000e+00, v9;
	v9 =	vmul.f32 $1.111111120e-01, v30  }
0x33b: {  	v31 =	vadd.f32 $1.428571490e-01, v31;
	v20 =	vpop (erf);
	v2 =	vadd.f32 $2.000000030e-01, v2;
	v32 =	vmul.f32 v16, v24  }
0x33c: {  	v16 =	vadd.f32 $1.000000000e+00, v20;
	v20 =	vmin.f32 v22, $0.0e+00;
	v9 =	vadd.f32 $1.428571490e-01, v9  }
0x33d: {  	v31 =	vmul.f32 v31, v28;
	v22 =	vpop (erf);
	v2 =	vmul.f32 v2, v21;
	v32 =	vadd.f32 $2.000000030e-01, v32  }
0x33e: {  	v33 =	vadd.f32 $1.000000000e+00, v15;
	v22 =	vadd.f32 $1.000000000e+00, v22;
	v9 =	vmul.f32 v9, v30  }
0x33f: {  	v31 =	vadd.f32 $2.000000030e-01, v31;
	v2 =	vadd.f32 $3.333333430e-01, v2;
	v32 =	vmul.f32 v32, v24  }
0x340: {  	v23 =	vmin.f32 v23, $0.0e+00;
	v34 =	vadd.f32 $1.000000000e+00, v16;
	v9 =	vadd.f32 $2.000000030e-01, v9  }
0x341: {  	v31 =	vmul.f32 v31, v28;
	v2 =	vmul.f32 v2, v21;
	v21 =	vadd.f32 $3.333333430e-01, v32  }
0x342: {  	v3 =	vadd.f32 v3, v3;
	v32 =	vadd.f32 $1.000000000e+00, v22;
	v9 =	vmul.f32 v9, v30  }
0x343: {  	v2 =	vadd.f32 $1.000000000e+00, v2;
	v21 =	vmul.f32 v21, v24;
	v24 =	vadd.f32 $3.333333430e-01, v31  }
0x344: {  	v26 =	vmin.f32 v26, $0.0e+00;
	v6 =	vadd.f32 v6, v6;
	v9 =	vadd.f32 $3.333333430e-01, v9  }
0x345: {  	v2 =	vmul.f32 v2, v3;
	v3 =	vadd.f32 $1.000000000e+00, v21;
	v21 =	vmul.f32 v24, v28  }
0x346: {  	v19 =	vadd.f32 v19, v19;
	(erf) = vrcp.f32 v32;
	v9 =	vmul.f32 v9, v30  }
0x347: {  	v2 =	vsub.f32 v2, v26;
	v3 =	vmul.f32 v3, v6;
	v6 =	vadd.f32 $1.000000000e+00, v21  }
0x348: {  	v21 =	vadd.f32 v27, v27;
	(erf) = vrcp.f32 v34;
	v24 =	vadd.f32 $1.000000000e+00, v9  }
0x349: {  	v9 =	vld [tilespmem:s22+$0xFFFFFFD0];
	v2 =	vadd.f32 v2, v4;
	v3 =	vsub.f32 v3, v23;
	v4 =	vmul.f32 v6, v19  }
0x34a: {  	s21 =	sadd.s32 $0x4, s21;
	v6 =	vsub.f32 $0.0e+00, v25;
	v19 =	vadd.f32 $1.000000000e+00, v10;
	(erf) = vrcp.f32 v33  }
0x34b: {  	p0 =	slt.u32 s21, $0x9C;
	v2 =	vadd.f32 v3, v2;
	v3 =	vsub.f32 v4, v20;
	v4 =	vmul.f32 v24, v21  }
.Ltmp5:
0x34c: {  	v17 =	vmin.f32 v17, $0.0e+00;
	v20 =	vsub.f32 $0.0e+00, v29;
	(erf) = vrcp.f32 v19;
	(pc) =	sbr.rel @p0 .LBB2_12-.Ltmp5, $4  }
0x34d: {  	v6 =	vmul.f32 $1.442695020e+00, v6;
	v2 =	vadd.f32 v3, v2;
	v3 =	vsub.f32 v4, v17  }
0x34e: {  	v21 =	vsub.f32 $0.0e+00, v18;
	v23 =	vmul.f32 $1.442695020e+00, v20;
	v19 =	vand.u32 $0x7FFFFFFF, v9  }
0x34f: {  	v17 =	vadd.f32 $-1.000000000e+00, v22;
	(erf) = vpow2.f32 v6;
	v18 =	vpop (erf);
	v4 =	vadd.f32 v3, v2  }
0x350: {  	s22 =	sadd.s32 $0x40, s22;
	v20 =	vmul.f32 $1.442695020e+00, v21;
	v19 =	vsub.f32 $0.0e+00, v19;
	(erf) = vpow2.f32 v23  }
0x351: {  	_ = 	snop  }
0x352: {  	v2 =	vmul.f32 $1.442695020e+00, v19  }
0x353: {  	(erf) = vpow2.f32 v20  }
0x354: {  	(erf) = vpow2.f32 v2;
	_ =	sdelay $0x1  }
0x355: {  	v3 =	vmul.f32 v18, v17  }
0x356: {  	v6 =	vpop (erf);
	v15 =	vadd.f32 $-1.000000000e+00, v15;
	v2 =	vadd.f32 $-1.000000000e+00, v16  }
0x357: {  	v10 =	vadd.f32 $-1.000000000e+00, v10;
	v13 =	vxor.u32 $0x80000000, v13;
	v50 =	vmul.f32 v3, v3;
	v51 =	vpop (erf)  }
0x358: {  	v12 =	vxor.u32 $0x80000000, v12;
	v14 =	vxor.u32 $0x80000000, v14;
	v54 =	vpop (erf);
	v2 =	vmul.f32 v6, v2  }
0x359: {  	v11 =	vxor.u32 $0x80000000, v11;
	v12 =	vmin.f32 v12, $0.0e+00;
	v52 =	vmul.f32 $1.111111120e-01, v50;
	v55 =	vpop (erf)  }
0x35a: {  	v14 =	vmin.f32 v14, $0.0e+00;
	v6 =	vmul.f32 v51, v15;
	v53 =	vmul.f32 v2, v2;
	v21 =	vpop (erf)  }
0x35b: {  	v11 =	vmin.f32 v11, $0.0e+00;
	v3 =	vadd.f32 v3, v3;
	v10 =	vmul.f32 v54, v10;
	v23 =	vpop (erf)  }
0x35c: {  	v17 =	vadd.f32 $1.428571490e-01, v52;
	v57 =	vmul.f32 v6, v6;
	v56 =	vmul.f32 $1.111111120e-01, v53;
	v25 =	vpop (erf)  }
0x35d: {  	v22 =	vmul.f32 v10, v10;
	v18 =	vadd.f32 $1.000000000e+00, v55;
	v25 =	vadd.f32 $1.000000000e+00, v25  }
0x35e: {  	v17 =	vmul.f32 v17, v50;
	v21 =	vadd.f32 $1.000000000e+00, v21;
	v19 =	vadd.f32 $1.428571490e-01, v56  }
0x35f: {  	v24 =	vmul.f32 $1.111111120e-01, v57;
	v23 =	vadd.f32 $1.000000000e+00, v23;
	v27 =	vadd.f32 $1.000000000e+00, v25  }
0x360: {  	v26 =	vmul.f32 $1.111111120e-01, v22;
	v17 =	vadd.f32 $2.000000030e-01, v17;
	v19 =	vmul.f32 v19, v53  }
0x361: {  	v24 =	vadd.f32 $1.428571490e-01, v24;
	v28 =	vadd.f32 $1.000000000e+00, v23;
	(erf) = vrcp.f32 v27  }
0x362: {  	v58 =	vadd.f32 $1.000000000e+00, v21;
	v17 =	vmul.f32 v17, v50;
	v19 =	vadd.f32 $2.000000030e-01, v19  }
0x363: {  	v26 =	vadd.f32 $1.428571490e-01, v26;
	v24 =	vmul.f32 v24, v57;
	(erf) = vrcp.f32 v28  }
0x364: {  	v59 =	vadd.f32 $1.000000000e+00, v18;
	v19 =	vmul.f32 v19, v53;
	(erf) = vrcp.f32 v58  }
0x365: {  	v2 =	vadd.f32 v2, v2;
	v26 =	vmul.f32 v26, v22;
	v17 =	vadd.f32 $3.333333430e-01, v17  }
0x366: {  	v24 =	vadd.f32 $2.000000030e-01, v24;
	v60 =	vadd.f32 $3.333333430e-01, v19;
	(erf) = vrcp.f32 v59  }
0x367: {  	v6 =	vadd.f32 v6, v6;
	v21 =	vadd.f32 $-1.000000000e+00, v21;
	v16 =	vmul.f32 v17, v50  }
0x368: {  	v26 =	vadd.f32 $2.000000030e-01, v26;
	v61 =	vmul.f32 v24, v57;
	v15 =	vmul.f32 v60, v53  }
0x369: {  	v13 =	vmin.f32 v13, $0.0e+00;
	v29 =	vadd.f32 $-1.000000000e+00, v25;
	v16 =	vadd.f32 $1.000000000e+00, v16  }
0x36a: {  	v62 =	vmul.f32 v26, v22;
	v63 =	vadd.f32 $3.333333430e-01, v61;
	v15 =	vadd.f32 $1.000000000e+00, v15;
	v31 =	vpop (erf)  }
0x36b: {  	v32 =	vadd.f32 $-1.000000000e+00, v23;
	v3 =	vmul.f32 v16, v3;
	v17 =	vmul.f32 v31, v29  }
0x36c: {  	v28 =	vadd.f32 $3.333333430e-01, v62;
	v30 =	vmul.f32 v63, v57;
	v2 =	vmul.f32 v15, v2;
	v33 =	vpop (erf)  }
0x36d: {  	v10 =	vadd.f32 v10, v10;
	v15 =	vmul.f32 v33, v32;
	v35 =	vpop (erf);
	v34 =	vmul.f32 v17, v17  }
0x36e: {  	v18 =	vadd.f32 $-1.000000000e+00, v18;
	v19 =	vmul.f32 v28, v22;
	v20 =	vmul.f32 v35, v21  }
0x36f: {  	v3 =	vsub.f32 v3, v11;
	v38 =	vpop (erf);
	v37 =	vmul.f32 v15, v15;
	v36 =	vmul.f32 $1.111111120e-01, v34  }
0x370: {  	v16 =	vadd.f32 $1.000000000e+00, v30;
	v19 =	vadd.f32 $1.000000000e+00, v19;
	v39 =	vmul.f32 v38, v18  }
0x371: {  	v42 =	vmul.f32 v20, v20;
	v41 =	vmul.f32 $1.111111120e-01, v37;
	v40 =	vadd.f32 $1.428571490e-01, v36  }
0x372: {  	v3 =	vadd.f32 v3, v4;
	v2 =	vsub.f32 v2, v14;
	v43 =	vmul.f32 v39, v39  }
0x373: {  	v46 =	vmul.f32 $1.111111120e-01, v42;
	v45 =	vadd.f32 $1.428571490e-01, v41;
	v44 =	vmul.f32 v40, v34  }
0x374: {  	v6 =	vmul.f32 v16, v6;
	v2 =	vadd.f32 v2, v3;
	v47 =	vmul.f32 $1.111111120e-01, v43  }
0x375: {  	v50 =	vadd.f32 $1.428571490e-01, v46;
	v49 =	vmul.f32 v45, v37;
	v48 =	vadd.f32 $2.000000030e-01, v44  }
0x376: {  	v10 =	vmul.f32 v19, v10;
	v3 =	vsub.f32 v6, v12;
	v6 =	vadd.f32 $1.428571490e-01, v47  }
0x377: {  	v18 =	vmul.f32 v50, v42;
	v16 =	vadd.f32 $2.000000030e-01, v49;
	v12 =	vmul.f32 v48, v34  }
0x378: {  	v57 =	vadd.f32 v17, v17;
	v2 =	vadd.f32 v3, v2;
	v6 =	vmul.f32 v6, v43  }
0x379: {  	v53 =	vadd.f32 $2.000000030e-01, v18;
	v52 =	vmul.f32 v16, v37;
	v51 =	vadd.f32 $3.333333430e-01, v12  }
0x37a: {  	v8 =	vxor.u32 $0x80000000, v8;
	v3 =	vsub.f32 v10, v13;
	v6 =	vadd.f32 $2.000000030e-01, v6  }
0x37b: {  	v56 =	vmul.f32 v53, v42;
	v55 =	vadd.f32 $3.333333430e-01, v52;
	v54 =	vmul.f32 v51, v34  }
0x37c: {  	v2 =	vadd.f32 v3, v2;
	v3 =	vxor.u32 $0x80000000, v7;
	v6 =	vmul.f32 v6, v43  }
0x37d: {  	v11 =	vadd.f32 $3.333333430e-01, v56;
	v10 =	vmul.f32 v55, v37;
	v7 =	vadd.f32 $1.000000000e+00, v54  }
0x37e: {  	v9 =	vxor.u32 $0x80000000, v9;
	v58 =	vadd.f32 v15, v15;
	v6 =	vadd.f32 $3.333333430e-01, v6  }
0x37f: {  	v11 =	vmul.f32 v11, v42;
	v10 =	vadd.f32 $1.000000000e+00, v10;
	v7 =	vmul.f32 v7, v57  }
0x380: {  	v9 =	vmin.f32 v9, $0.0e+00;
	v59 =	vadd.f32 v20, v20;
	v6 =	vmul.f32 v6, v43  }
0x381: {  	v61 =	vadd.f32 $1.000000000e+00, v11;
	v60 =	vmul.f32 v10, v58;
	v7 =	vsub.f32 v7, v9  }
0x382: {  	v8 =	vmin.f32 v8, $0.0e+00;
	v4 =	vadd.f32 v39, v39;
	v6 =	vadd.f32 $1.000000000e+00, v6  }
0x383: {  	v63 =	vmul.f32 v61, v59;
	v62 =	vsub.f32 v60, v8;
	v2 =	vadd.f32 v7, v2  }
0x384: {  	v1 =	vxor.u32 $0x80000000, v1;
	v3 =	vmin.f32 v3, $0.0e+00  }
0x385: {  	v4 =	vmul.f32 v6, v4;
	v3 =	vsub.f32 v63, v3;
	v2 =	vadd.f32 v62, v2  }
0x386: {  	v1 =	vmin.f32 v1, $0.0e+00  }
0x387: {  	v1 =	vsub.f32 v4, v1;
	v2 =	vadd.f32 v3, v2;
	_ =	sdelay $0x1  }
0x388: {  	v1 =	vadd.f32 v1, v2;
	_ =	sdelay $0x1  }
0x389: {  	s20 =	sadd.s32 $0x1, s20;
	v1 =	vadd.f32 v1, v5  }
0x38a: {  	p0 =	sne.s32 s20, s11  }
.Ltmp6:
0x38b: {  	[tilespmem:$0x19800] =	vst v1;
	(pc) =	sbr.rel @p0 .LBB2_1-.Ltmp6, $4  }
0x38c: {  	[hbm4b:s10+s2] =	stream.linear.scatter [tilespmem:s19], [sflag:$0x4], $0x10, $0x38;
	[tilespmem:$0x1A410] =	vst v63  }
0x38d: {  	_ =	swait.ge [sflag:s13], $0x10  }
0x38e: {  	[sflag:s13] =	ssyncset.done $0x0  }
0x38f: {  	[sflag:s13] =	ssyncadd.s32 $0xFFFFFFF0  }
0x390: {  	_ =	sfence.sel $0x180000  }
0x391: {  	[bflag:$0x0] =	sbarrier.arrive $0xFFFF  }
0x392: {  	_ =	strace $0x90000047  }
0x393: {  	s0 =	stileid.u32;
	[bflag:$0x2] =	sbarrier.arrive $0xFFFF  }
0x394: {  	p0 =	sne.s32 s0, $0x0;
	s0 =	rddreg [dreg:$0x6]  }
0x395: {  	s0 =	sadd.s32 @!p0 $0x100000, s0  }
0x396: {  	[sflag:s0] =	ssyncadd.tile.s32 @!p0 $0x1;
	_ =	shalt  }
.Lfunc_end2:
_tile_overlayer_lowered:
.L_overlay_start_2:
0x397: {  	(tag) =	ssettag $0x2  }
0x398: {  	s0 =	rddreg [dreg:$0x0];
	s2 =	stileid.u32  }
0x399: {  	s1 =	rddreg [dreg:$0x1];
	p0 =	sne.s32 s2, $0x0  }
0x39a: {  	s3 =	rddreg [dreg:$0x2];
	[bflag:$0x3] =	sbarrier.arrive $0xFFFF;
	s2 =	simm.s32 @!p0 $0x1C04  }
0x39b: {  	[timem:s3], [sflag:s2] =	dma.local @!p0 [hbm:s0], s1  }
0x39c: {  	s0 =	simm.s32 @!p0 $0x4  }
0x39d: {  	_ =	swait.ge @!p0 [sflag:s0], s1  }
0x39e: {  	s1 =	ssub.s32 @!p0 $0x0, s1;
	[sflag:s0] =	ssyncset.done @!p0 $0x0  }
0x39f: {  	[sflag:s0] =	ssyncadd.s32 @!p0 s1  }
0x3a0: {  	[bflag:$0x3] =	sbarrier.arrive $0xFFFF  }
0x3a1: {  	_ =	shalt  }

</sc_bundles>
